<compile_context>
chip_gen: v7x
topology: tpu7x:2x2x1
jax: 0.10.2.dev20260603
libtpu: 0.0.44.dev20260713+nightly
codegen_flags: <defaults>
</compile_context>

<pallas_src>
import functools

import jax
import jax.numpy as jnp
from jax import lax
from jax.experimental import pallas as pl
from jax.experimental.pallas import tpu as pltpu
from jax.experimental.pallas import tpu_sc as plsc

N = 8 * 512 * 512
NW = 32
PER_W = N // NW
CH = 16384
NCH = PER_W // CH
B = 2048
BF = float(B)


ROWS = 32


def _sc_stats(pred3, targ3):
    mesh = plsc.VectorSubcoreMesh(core_axis_name="c", subcore_axis_name="s")

    @functools.partial(
        pl.kernel,
        out_type=(
            jax.ShapeDtypeStruct((NW * B // 128, 128), jnp.float32),
            jax.ShapeDtypeStruct((NW, 16), jnp.float32),
        ),
        mesh=mesh,
        compiler_params=pltpu.CompilerParams(needs_layout_passes=False,
                                             use_tc_tiling_on_sc=True),
        scratch_types=[
            pltpu.VMEM((2, ROWS, 512), jnp.float32),
            pltpu.VMEM((2, ROWS, 512), jnp.int32),
            pltpu.VMEM((16 * B,), jnp.float32),
            pltpu.VMEM((B // 128, 128), jnp.float32),
            pltpu.VMEM((16,), jnp.float32),
            pltpu.SemaphoreType.DMA,
            pltpu.SemaphoreType.DMA,
            pltpu.SemaphoreType.DMA,
            pltpu.SemaphoreType.DMA,
        ],
    )
    def k(pred_hbm, targ_hbm, hist_out, scal_out, p_v, t_v, hist_v, fold_v,
          scal_v, sp0, sp1, st0, st1):
        cid = lax.axis_index("c")
        sid = lax.axis_index("s")
        wid = sid * 2 + cid
        img = wid // 4
        row0 = (wid % 4) * 128

        zero16 = jnp.zeros((16,), jnp.float32)
        ones16 = jnp.ones((16,), jnp.float32)
        lane_base = lax.iota(jnp.int32, 16) * B

        @plsc.parallel_loop(0, B, unroll=8)
        def _(i):
            hist_v[pl.ds(i * 16, 16)] = zero16

        psem = (sp0, sp1)
        tsem = (st0, st1)

        def start(j, buf):
            r = row0 + j * ROWS
            cp = pltpu.async_copy(pred_hbm.at[img, pl.ds(r, ROWS), :],
                                  p_v.at[buf], psem[buf])
            ct = pltpu.async_copy(targ_hbm.at[img, pl.ds(r, ROWS), :],
                                  t_v.at[buf], tsem[buf])
            return cp, ct

        pending = start(0, 0)
        accs = (zero16,) * 8
        for j in range(NCH):
            buf = j % 2
            pending[0].wait()
            pending[1].wait()
            if j + 1 < NCH:
                pending = start(j + 1, 1 - buf)

            def body(i, acc8):
                row = i >> 5
                colbase = (i & 31) * 16
                out = []
                for u in range(8):
                    p = p_v[buf, row, pl.ds(colbase + u * 16, 16)]
                    t = t_v[buf, row, pl.ds(colbase + u * 16, 16)]
                    tf = t.astype(jnp.float32)
                    out.append(acc8[u] + p * tf)
                    kf = jnp.minimum(p * BF, BF - 1.0)
                    idx = lane_base + kf.astype(jnp.int32)
                    plsc.addupdate_scatter(hist_v, [idx], ones16,
                                           mask=(t == 0))
                return tuple(out)

            accs = plsc.parallel_loop(0, ROWS * 32, 8, carry=accs)(body)

        sumq = (((accs[0] + accs[1]) + (accs[2] + accs[3]))
                + ((accs[4] + accs[5]) + (accs[6] + accs[7])))

        @plsc.parallel_loop(0, B // 16, unroll=2)
        def _(jj):
            acc = hist_v[pl.ds(jj * 16, 16)]
            for l in range(1, 16):
                acc = acc + hist_v[pl.ds(l * B + jj * 16, 16)]
            fold_v[jj >> 3, pl.ds((jj & 7) * 16, 16)] = acc

        scal_v[pl.ds(0, 16)] = sumq
        pltpu.sync_copy(fold_v, hist_out.at[pl.ds(wid * (B // 128), B // 128), :])
        pltpu.sync_copy(scal_v, scal_out.at[wid])

    return k(pred3, targ3)


def _tc_finish_body(h_ref, s_ref, o_ref):
    h3 = h_ref[...].reshape(NW, B // 128, 128)
    c2 = jnp.sum(h3, axis=0)
    sumq = jnp.sum(s_ref[...])

    r = B // 128
    ri = lax.broadcasted_iota(jnp.int32, (r, 128), 0).astype(jnp.float32)
    ci = lax.broadcasted_iota(jnp.int32, (r, 128), 1).astype(jnp.float32)
    ehat = 1.0 + ((ri * 128.0 + ci) + 0.5) / BF

    u = (lax.broadcasted_iota(jnp.int32, (128, 128), 0)
         <= lax.broadcasted_iota(jnp.int32, (128, 128), 1)).astype(jnp.float32)
    rowcs = lax.dot(c2, u, precision=lax.Precision.HIGHEST)
    rtot = jnp.sum(c2, axis=1, keepdims=True)
    strict = (lax.broadcasted_iota(jnp.int32, (r, r), 1)
              < lax.broadcasted_iota(jnp.int32, (r, r), 0)).astype(jnp.float32)
    offs = lax.dot(strict, rtot, precision=lax.Precision.HIGHEST)
    pfx = rowcs + offs

    nf = float(N)
    n0 = jnp.sum(rtot)
    g = nf - n0
    e1 = g - sumq
    e0m = jnp.max(jnp.where(c2 > 0.0, ehat, 0.0))
    rem = nf - pfx
    denom = jnp.maximum(rem * (rem + c2), 1.0)
    contrib = jnp.sum(g * ehat * c2 / denom)
    loss = contrib + e1 / nf + jnp.where(g == 0.0, e0m, 0.0)
    o_ref[...] = jnp.reshape(loss, (1, 1))


def _tc_finish(hist2d, scal):
    return pl.pallas_call(
        _tc_finish_body,
        out_shape=jax.ShapeDtypeStruct((1, 1), jnp.float32),
    )(hist2d, scal)


def kernel(pred, target):
    hist, scal = _sc_stats(pred, target)
    out = _tc_finish(hist, scal)
    return out.reshape(())

# --- scband reference (transcript-rebuilt; emitter-appended) ---
"""Pipeline reference for scband-lovasz-loss-16329465659717 (READ-ONLY COPY).

The authoritative reference and input builder live on the scoring server;
editing this copy changes nothing except your own understanding.
"""

import jax, jax.numpy as jnp
import numpy as np


def setup_inputs(seed: int = 0) -> dict:
    key = jax.random.key(seed)
    k1, k2 = jax.random.split(key)
    pred = jax.random.uniform(k1, (8, 512, 512), dtype=jnp.float32)
    target = jax.random.randint(k2, (8, 512, 512), 0, 2).astype(jnp.int32)
    return {"pred": pred, "target": target}


def reference(pred, target):
    # pred_clamped = torch.clamp(pred, 0.0, 1.0)
    pred_clamped = jnp.clip(pred, 0.0, 1.0)
    probas = pred_clamped.reshape(-1)
    labels = target.reshape(-1)
    # lovasz_softmax_flat
    signs = 2.0 * labels.astype(jnp.float32) - 1.0
    errors = 1.0 - probas * signs
    # descending sort; perm is non-differentiable (int indices), matching torch perm.data
    perm = jnp.argsort(-errors)
    errors_sorted = errors[perm]
    gt_sorted = labels[perm]
    gts = gt_sorted.sum().astype(jnp.float32)
    intersection = gts - jnp.cumsum(gt_sorted.astype(jnp.float32), axis=0)
    union = gts + jnp.cumsum((1 - gt_sorted).astype(jnp.float32), axis=0)
    jaccard = 1.0 - intersection / (union + 1e-10)
    # jaccard[1:] = jaccard[1:] - jaccard[:-1]
    jaccard = jnp.concatenate([jaccard[:1], jaccard[1:] - jaccard[:-1]], axis=0)
    loss = jnp.dot(jax.nn.relu(errors_sorted), jaccard)
    return loss

if __name__ == "__main__":
    import jax
    _d = setup_inputs()
    print(jax.jit(kernel)(*tuple(_d.values())))

</pallas_src>

<mosaic_0001>
#map = affine_map<(d0, d1) -> (0, 0, 0)>
#map1 = affine_map<(d0, d1) -> (0, 0)>
module attributes {stable_mosaic.version = 14 : i64} {
  func.func @k(%arg0: i32, %arg1: i32, %arg2: memref<8x512x512xf32, #tpu.memory_space<hbm>>, %arg3: memref<8x512x512xi32, #tpu.memory_space<hbm>>, %arg4: memref<512x128xf32, #tpu.memory_space<hbm>>, %arg5: memref<32x16xf32, #tpu.memory_space<hbm>>, %arg6: memref<2x32x512xf32, #tpu.memory_space<vmem>>, %arg7: memref<2x32x512xi32, #tpu.memory_space<vmem>>, %arg8: memref<32768xf32, #tpu.memory_space<vmem>>, %arg9: memref<16x128xf32, #tpu.memory_space<vmem>>, %arg10: memref<16xf32, #tpu.memory_space<vmem>>, %arg11: memref<!tpu.dma_semaphore, #tpu.memory_space<semaphore_mem>>, %arg12: memref<!tpu.dma_semaphore, #tpu.memory_space<semaphore_mem>>, %arg13: memref<!tpu.dma_semaphore, #tpu.memory_space<semaphore_mem>>, %arg14: memref<!tpu.dma_semaphore, #tpu.memory_space<semaphore_mem>>) attributes {dimension_semantics = [#tpu.dimension_semantics<core_parallel>, #tpu.dimension_semantics<subcore_parallel>], iteration_bounds = array<i64: 2, 16>, scalar_prefetch = 0 : i64, scratch_operands = 9 : i64, tpu.core_type = #tpu.core_type<sc_vector_subcore>, window_params = [{transform_indices = #map}, {transform_indices = #map}, {transform_indices = #map1}, {transform_indices = #map1}]} {
    %mul3A = arith.constant 2 : i32
    %mul3A_0 = arith.muli %arg1, %mul3A : i32
    %add3A = arith.addi %mul3A_0, %arg0 : i32
    %jit3A = arith.constant 4 : i32
    %div3A = arith.divsi %add3A, %jit3A : i32
    %sign3A = arith.constant 0 : i32
    %sign3A_1 = arith.cmpi sgt, %add3A, %sign3A : i32
    %sign3A_2 = arith.extui %sign3A_1 : i1 to i32
    %sign3A_3 = arith.constant 0 : i32
    %sign3A_4 = arith.cmpi slt, %add3A, %sign3A_3 : i32
    %sign3A_5 = arith.extui %sign3A_4 : i1 to i32
    %sign3A_6 = arith.subi %sign3A_2, %sign3A_5 : i32
    %sign3A_7 = arith.constant 0 : i32
    %sign3A_8 = arith.cmpi sgt, %jit3A, %sign3A_7 : i32
    %sign3A_9 = arith.extui %sign3A_8 : i1 to i32
    %sign3A_10 = arith.constant 0 : i32
    %sign3A_11 = arith.cmpi slt, %jit3A, %sign3A_10 : i32
    %sign3A_12 = arith.extui %sign3A_11 : i1 to i32
    %sign3A_13 = arith.subi %sign3A_9, %sign3A_12 : i32
    %ne3A = arith.cmpi ne, %sign3A_6, %sign3A_13 : i32
    %rem3A = arith.remsi %add3A, %jit3A : i32
    %ne3A_14 = arith.constant 0 : i32
    %ne3A_15 = arith.cmpi ne, %rem3A, %ne3A_14 : i32
    %and3A = arith.andi %ne3A, %ne3A_15 : i1
    %sub3A = arith.constant 1 : i32
    %sub3A_16 = arith.subi %div3A, %sub3A : i32
    %select_n3A = arith.select %and3A, %sub3A_16, %div3A : i32
    %jit3A_17 = arith.constant 4 : i32
    %eq3A = arith.constant 0 : i32
    %eq3A_18 = arith.cmpi eq, %jit3A_17, %eq3A : i32
    %jit3A_19 = arith.constant 1 : i32
    %select_n3A_20 = arith.select %eq3A_18, %jit3A_19, %jit3A_17 : i32
    %rem3A_21 = arith.remsi %add3A, %select_n3A_20 : i32
    %ne3A_22 = arith.constant 0 : i32
    %ne3A_23 = arith.cmpi ne, %rem3A_21, %ne3A_22 : i32
    %lt3A = arith.constant 0 : i32
    %lt3A_24 = arith.cmpi slt, %rem3A_21, %lt3A : i32
    %lt3A_25 = arith.constant 0 : i32
    %lt3A_26 = arith.cmpi slt, %select_n3A_20, %lt3A_25 : i32
    %ne3A_27 = arith.xori %lt3A_24, %lt3A_26 : i1
    %and3A_28 = arith.andi %ne3A_27, %ne3A_23 : i1
    %add3A_29 = arith.addi %rem3A_21, %select_n3A_20 : i32
    %select_n3A_30 = arith.select %and3A_28, %add3A_29, %rem3A_21 : i32
    %mul3A_31 = arith.constant 128 : i32
    %mul3A_32 = arith.muli %select_n3A_30, %mul3A_31 : i32
    %broadcast_in_dim3A = arith.constant 0.000000e+00 : f32
    %broadcast_in_dim3A_33 = vector.broadcast %broadcast_in_dim3A : f32 to vector<16xf32>
    %broadcast_in_dim3A_34 = arith.constant 1.000000e+00 : f32
    %broadcast_in_dim3A_35 = vector.broadcast %broadcast_in_dim3A_34 : f32 to vector<16xf32>
    %iota3A = tpu.iota {dimensions = array<i32: 0>} : vector<16xi32>
    %mul3A_36 = arith.constant 2048 : i32
    %mul3A_37 = vector.broadcast %mul3A_36 : i32 to vector<16xi32>
    %mul3A_38 = arith.muli %iota3A, %mul3A_37 : vector<16xi32>
    %parallel_loop3A = arith.constant 0 : i32
    %parallel_loop3A_39 = arith.constant 2048 : i32
    %parallel_loop3A_40 = arith.constant 1 : i32
    scf.for %parallel_loop3A_316 = %parallel_loop3A to %parallel_loop3A_39 step %parallel_loop3A_40  : i32 {
      %parallel_loop3A_317 = arith.constant 16 : i32
      %parallel_loop3A_318 = arith.muli %parallel_loop3A_316, %parallel_loop3A_317 : i32
      %parallel_loop3A_319 = arith.index_cast %parallel_loop3A_318 : i32 to index
      %parallel_loop3A_320 = tpu.vector_load %arg8[%parallel_loop3A_319] {strides = array<i32>} : memref<32768xf32, #tpu.memory_space<vmem>>, vector<16xf32>,
      tpu.vector_store %arg8[%parallel_loop3A_319], %broadcast_in_dim3A_33 {strides = array<i32>} : memref<32768xf32, #tpu.memory_space<vmem>>, vector<16xf32>,
    } {sc.loop_unroll_factor = 8 : i64, sc.parallel_access}
    %add3A_41 = arith.constant 0 : i32
    %add3A_42 = arith.addi %mul3A_32, %add3A_41 : i32
    %dma_start3A = arith.constant 0 : i32
    %dma_start3A_43 = arith.constant 0 : i32
    %dma_start3A_44 = arith.constant 0 : i32
    %dma_start3A_45 = tpu.memref_slice %arg6[%dma_start3A, %dma_start3A_43, %dma_start3A_44] : memref<2x32x512xf32, #tpu.memory_space<vmem>> -> memref<1x32x512xf32, #tpu.memory_space<vmem>>
    %dma_start3A_46 = tpu.memref_squeeze %dma_start3A_45 : memref<1x32x512xf32, #tpu.memory_space<vmem>> -> memref<32x512xf32, #tpu.memory_space<vmem>>
    %dma_start3A_47 = arith.constant 0 : i32
    %dma_start3A_48 = tpu.memref_slice %arg2[%select_n3A, %add3A_42, %dma_start3A_47] : memref<8x512x512xf32, #tpu.memory_space<hbm>> -> memref<1x32x512xf32, #tpu.memory_space<hbm>>
    %dma_start3A_49 = tpu.memref_squeeze %dma_start3A_48 : memref<1x32x512xf32, #tpu.memory_space<hbm>> -> memref<32x512xf32, #tpu.memory_space<hbm>>
    %dma_start3A_50 = arith.constant 0 : i32
    %dma_start3A_51 = arith.constant 0 : i32
    %dma_start3A_52 = tpu.memref_slice %arg6[%dma_start3A, %dma_start3A_50, %dma_start3A_51] : memref<2x32x512xf32, #tpu.memory_space<vmem>> -> memref<1x32x512xf32, #tpu.memory_space<vmem>>
    %dma_start3A_53 = tpu.memref_squeeze %dma_start3A_52 : memref<1x32x512xf32, #tpu.memory_space<vmem>> -> memref<32x512xf32, #tpu.memory_space<vmem>>
    %dma_start3A_54 = arith.constant 0 : i32
    %dma_start3A_55 = tpu.memref_slice %arg2[%select_n3A, %add3A_42, %dma_start3A_54] : memref<8x512x512xf32, #tpu.memory_space<hbm>> -> memref<1x32x512xf32, #tpu.memory_space<hbm>>
    %dma_start3A_56 = tpu.memref_squeeze %dma_start3A_55 : memref<1x32x512xf32, #tpu.memory_space<hbm>> -> memref<32x512xf32, #tpu.memory_space<hbm>>
    tpu.enqueue_dma source(%dma_start3A_56 : memref<32x512xf32, #tpu.memory_space<hbm>>) target(%dma_start3A_53 : memref<32x512xf32, #tpu.memory_space<vmem>>) target_semaphore(%arg11 : memref<!tpu.dma_semaphore, #tpu.memory_space<semaphore_mem>>)
    %dma_start3A_57 = arith.constant 0 : i32
    %dma_start3A_58 = arith.constant 0 : i32
    %dma_start3A_59 = arith.constant 0 : i32
    %dma_start3A_60 = tpu.memref_slice %arg7[%dma_start3A_57, %dma_start3A_58, %dma_start3A_59] : memref<2x32x512xi32, #tpu.memory_space<vmem>> -> memref<1x32x512xi32, #tpu.memory_space<vmem>>
    %dma_start3A_61 = tpu.memref_squeeze %dma_start3A_60 : memref<1x32x512xi32, #tpu.memory_space<vmem>> -> memref<32x512xi32, #tpu.memory_space<vmem>>
    %dma_start3A_62 = arith.constant 0 : i32
    %dma_start3A_63 = tpu.memref_slice %arg3[%select_n3A, %add3A_42, %dma_start3A_62] : memref<8x512x512xi32, #tpu.memory_space<hbm>> -> memref<1x32x512xi32, #tpu.memory_space<hbm>>
    %dma_start3A_64 = tpu.memref_squeeze %dma_start3A_63 : memref<1x32x512xi32, #tpu.memory_space<hbm>> -> memref<32x512xi32, #tpu.memory_space<hbm>>
    %dma_start3A_65 = arith.constant 0 : i32
    %dma_start3A_66 = arith.constant 0 : i32
    %dma_start3A_67 = tpu.memref_slice %arg7[%dma_start3A_57, %dma_start3A_65, %dma_start3A_66] : memref<2x32x512xi32, #tpu.memory_space<vmem>> -> memref<1x32x512xi32, #tpu.memory_space<vmem>>
    %dma_start3A_68 = tpu.memref_squeeze %dma_start3A_67 : memref<1x32x512xi32, #tpu.memory_space<vmem>> -> memref<32x512xi32, #tpu.memory_space<vmem>>
    %dma_start3A_69 = arith.constant 0 : i32
    %dma_start3A_70 = tpu.memref_slice %arg3[%select_n3A, %add3A_42, %dma_start3A_69] : memref<8x512x512xi32, #tpu.memory_space<hbm>> -> memref<1x32x512xi32, #tpu.memory_space<hbm>>
    %dma_start3A_71 = tpu.memref_squeeze %dma_start3A_70 : memref<1x32x512xi32, #tpu.memory_space<hbm>> -> memref<32x512xi32, #tpu.memory_space<hbm>>
    tpu.enqueue_dma source(%dma_start3A_71 : memref<32x512xi32, #tpu.memory_space<hbm>>) target(%dma_start3A_68 : memref<32x512xi32, #tpu.memory_space<vmem>>) target_semaphore(%arg13 : memref<!tpu.dma_semaphore, #tpu.memory_space<semaphore_mem>>)
    %dma_wait3A = arith.constant 0 : i32
    %dma_wait3A_72 = arith.constant 0 : i32
    %dma_wait3A_73 = arith.constant 0 : i32
    %dma_wait3A_74 = tpu.memref_slice %arg6[%dma_wait3A, %dma_wait3A_72, %dma_wait3A_73] : memref<2x32x512xf32, #tpu.memory_space<vmem>> -> memref<1x32x512xf32, #tpu.memory_space<vmem>>
    %dma_wait3A_75 = tpu.memref_squeeze %dma_wait3A_74 : memref<1x32x512xf32, #tpu.memory_space<vmem>> -> memref<32x512xf32, #tpu.memory_space<vmem>>
    %dma_wait3A_76 = arith.constant 0 : i32
    %dma_wait3A_77 = tpu.memref_slice %arg2[%select_n3A, %add3A_42, %dma_wait3A_76] : memref<8x512x512xf32, #tpu.memory_space<hbm>> -> memref<1x32x512xf32, #tpu.memory_space<hbm>>
    %dma_wait3A_78 = tpu.memref_squeeze %dma_wait3A_77 : memref<1x32x512xf32, #tpu.memory_space<hbm>> -> memref<32x512xf32, #tpu.memory_space<hbm>>
    %dma_wait3A_79 = arith.constant 0 : i32
    %dma_wait3A_80 = arith.constant 0 : i32
    %dma_wait3A_81 = tpu.memref_slice %arg6[%dma_wait3A, %dma_wait3A_79, %dma_wait3A_80] : memref<2x32x512xf32, #tpu.memory_space<vmem>> -> memref<1x32x512xf32, #tpu.memory_space<vmem>>
    %dma_wait3A_82 = tpu.memref_squeeze %dma_wait3A_81 : memref<1x32x512xf32, #tpu.memory_space<vmem>> -> memref<32x512xf32, #tpu.memory_space<vmem>>
    %dma_wait3A_83 = arith.constant 0 : i32
    %dma_wait3A_84 = tpu.memref_slice %arg2[%select_n3A, %add3A_42, %dma_wait3A_83] : memref<8x512x512xf32, #tpu.memory_space<hbm>> -> memref<1x32x512xf32, #tpu.memory_space<hbm>>
    %dma_wait3A_85 = tpu.memref_squeeze %dma_wait3A_84 : memref<1x32x512xf32, #tpu.memory_space<hbm>> -> memref<32x512xf32, #tpu.memory_space<hbm>>
    tpu.wait_dma2 semaphore(%arg11 : memref<!tpu.dma_semaphore, #tpu.memory_space<semaphore_mem>>) src(%dma_wait3A_85 : memref<32x512xf32, #tpu.memory_space<hbm>>) dst(%dma_wait3A_82 : memref<32x512xf32, #tpu.memory_space<vmem>>)
    %dma_wait3A_86 = arith.constant 0 : i32
    %dma_wait3A_87 = arith.constant 0 : i32
    %dma_wait3A_88 = arith.constant 0 : i32
    %dma_wait3A_89 = tpu.memref_slice %arg7[%dma_wait3A_86, %dma_wait3A_87, %dma_wait3A_88] : memref<2x32x512xi32, #tpu.memory_space<vmem>> -> memref<1x32x512xi32, #tpu.memory_space<vmem>>
    %dma_wait3A_90 = tpu.memref_squeeze %dma_wait3A_89 : memref<1x32x512xi32, #tpu.memory_space<vmem>> -> memref<32x512xi32, #tpu.memory_space<vmem>>
    %dma_wait3A_91 = arith.constant 0 : i32
    %dma_wait3A_92 = tpu.memref_slice %arg3[%select_n3A, %add3A_42, %dma_wait3A_91] : memref<8x512x512xi32, #tpu.memory_space<hbm>> -> memref<1x32x512xi32, #tpu.memory_space<hbm>>
    %dma_wait3A_93 = tpu.memref_squeeze %dma_wait3A_92 : memref<1x32x512xi32, #tpu.memory_space<hbm>> -> memref<32x512xi32, #tpu.memory_space<hbm>>
    %dma_wait3A_94 = arith.constant 0 : i32
    %dma_wait3A_95 = arith.constant 0 : i32
    %dma_wait3A_96 = tpu.memref_slice %arg7[%dma_wait3A_86, %dma_wait3A_94, %dma_wait3A_95] : memref<2x32x512xi32, #tpu.memory_space<vmem>> -> memref<1x32x512xi32, #tpu.memory_space<vmem>>
    %dma_wait3A_97 = tpu.memref_squeeze %dma_wait3A_96 : memref<1x32x512xi32, #tpu.memory_space<vmem>> -> memref<32x512xi32, #tpu.memory_space<vmem>>
    %dma_wait3A_98 = arith.constant 0 : i32
    %dma_wait3A_99 = tpu.memref_slice %arg3[%select_n3A, %add3A_42, %dma_wait3A_98] : memref<8x512x512xi32, #tpu.memory_space<hbm>> -> memref<1x32x512xi32, #tpu.memory_space<hbm>>
    %dma_wait3A_100 = tpu.memref_squeeze %dma_wait3A_99 : memref<1x32x512xi32, #tpu.memory_space<hbm>> -> memref<32x512xi32, #tpu.memory_space<hbm>>
    tpu.wait_dma2 semaphore(%arg13 : memref<!tpu.dma_semaphore, #tpu.memory_space<semaphore_mem>>) src(%dma_wait3A_100 : memref<32x512xi32, #tpu.memory_space<hbm>>) dst(%dma_wait3A_97 : memref<32x512xi32, #tpu.memory_space<vmem>>)
    %add3A_101 = arith.constant 32 : i32
    %add3A_102 = arith.addi %mul3A_32, %add3A_101 : i32
    %dma_start3A_103 = arith.constant 1 : i32
    %dma_start3A_104 = arith.constant 0 : i32
    %dma_start3A_105 = arith.constant 0 : i32
    %dma_start3A_106 = tpu.memref_slice %arg6[%dma_start3A_103, %dma_start3A_104, %dma_start3A_105] : memref<2x32x512xf32, #tpu.memory_space<vmem>> -> memref<1x32x512xf32, #tpu.memory_space<vmem>>
    %dma_start3A_107 = tpu.memref_squeeze %dma_start3A_106 : memref<1x32x512xf32, #tpu.memory_space<vmem>> -> memref<32x512xf32, #tpu.memory_space<vmem>>
    %dma_start3A_108 = arith.constant 0 : i32
    %dma_start3A_109 = tpu.memref_slice %arg2[%select_n3A, %add3A_102, %dma_start3A_108] : memref<8x512x512xf32, #tpu.memory_space<hbm>> -> memref<1x32x512xf32, #tpu.memory_space<hbm>>
    %dma_start3A_110 = tpu.memref_squeeze %dma_start3A_109 : memref<1x32x512xf32, #tpu.memory_space<hbm>> -> memref<32x512xf32, #tpu.memory_space<hbm>>
    %dma_start3A_111 = arith.constant 0 : i32
    %dma_start3A_112 = arith.constant 0 : i32
    %dma_start3A_113 = tpu.memref_slice %arg6[%dma_start3A_103, %dma_start3A_111, %dma_start3A_112] : memref<2x32x512xf32, #tpu.memory_space<vmem>> -> memref<1x32x512xf32, #tpu.memory_space<vmem>>
    %dma_start3A_114 = tpu.memref_squeeze %dma_start3A_113 : memref<1x32x512xf32, #tpu.memory_space<vmem>> -> memref<32x512xf32, #tpu.memory_space<vmem>>
    %dma_start3A_115 = arith.constant 0 : i32
    %dma_start3A_116 = tpu.memref_slice %arg2[%select_n3A, %add3A_102, %dma_start3A_115] : memref<8x512x512xf32, #tpu.memory_space<hbm>> -> memref<1x32x512xf32, #tpu.memory_space<hbm>>
    %dma_start3A_117 = tpu.memref_squeeze %dma_start3A_116 : memref<1x32x512xf32, #tpu.memory_space<hbm>> -> memref<32x512xf32, #tpu.memory_space<hbm>>
    tpu.enqueue_dma source(%dma_start3A_117 : memref<32x512xf32, #tpu.memory_space<hbm>>) target(%dma_start3A_114 : memref<32x512xf32, #tpu.memory_space<vmem>>) target_semaphore(%arg12 : memref<!tpu.dma_semaphore, #tpu.memory_space<semaphore_mem>>)
    %dma_start3A_118 = arith.constant 1 : i32
    %dma_start3A_119 = arith.constant 0 : i32
    %dma_start3A_120 = arith.constant 0 : i32
    %dma_start3A_121 = tpu.memref_slice %arg7[%dma_start3A_118, %dma_start3A_119, %dma_start3A_120] : memref<2x32x512xi32, #tpu.memory_space<vmem>> -> memref<1x32x512xi32, #tpu.memory_space<vmem>>
    %dma_start3A_122 = tpu.memref_squeeze %dma_start3A_121 : memref<1x32x512xi32, #tpu.memory_space<vmem>> -> memref<32x512xi32, #tpu.memory_space<vmem>>
    %dma_start3A_123 = arith.constant 0 : i32
    %dma_start3A_124 = tpu.memref_slice %arg3[%select_n3A, %add3A_102, %dma_start3A_123] : memref<8x512x512xi32, #tpu.memory_space<hbm>> -> memref<1x32x512xi32, #tpu.memory_space<hbm>>
    %dma_start3A_125 = tpu.memref_squeeze %dma_start3A_124 : memref<1x32x512xi32, #tpu.memory_space<hbm>> -> memref<32x512xi32, #tpu.memory_space<hbm>>
    %dma_start3A_126 = arith.constant 0 : i32
    %dma_start3A_127 = arith.constant 0 : i32
    %dma_start3A_128 = tpu.memref_slice %arg7[%dma_start3A_118, %dma_start3A_126, %dma_start3A_127] : memref<2x32x512xi32, #tpu.memory_space<vmem>> -> memref<1x32x512xi32, #tpu.memory_space<vmem>>
    %dma_start3A_129 = tpu.memref_squeeze %dma_start3A_128 : memref<1x32x512xi32, #tpu.memory_space<vmem>> -> memref<32x512xi32, #tpu.memory_space<vmem>>
    %dma_start3A_130 = arith.constant 0 : i32
    %dma_start3A_131 = tpu.memref_slice %arg3[%select_n3A, %add3A_102, %dma_start3A_130] : memref<8x512x512xi32, #tpu.memory_space<hbm>> -> memref<1x32x512xi32, #tpu.memory_space<hbm>>
    %dma_start3A_132 = tpu.memref_squeeze %dma_start3A_131 : memref<1x32x512xi32, #tpu.memory_space<hbm>> -> memref<32x512xi32, #tpu.memory_space<hbm>>
    tpu.enqueue_dma source(%dma_start3A_132 : memref<32x512xi32, #tpu.memory_space<hbm>>) target(%dma_start3A_129 : memref<32x512xi32, #tpu.memory_space<vmem>>) target_semaphore(%arg14 : memref<!tpu.dma_semaphore, #tpu.memory_space<semaphore_mem>>)
    %parallel_loop3A_133 = arith.constant 0 : i32
    %parallel_loop3A_134 = arith.constant 1024 : i32
    %parallel_loop3A_135 = arith.constant 8 : i32
    %parallel_loop3A_136:8 = scf.for %parallel_loop3A_316 = %parallel_loop3A_133 to %parallel_loop3A_134 step %parallel_loop3A_135 iter_args(%parallel_loop3A_317 = %broadcast_in_dim3A_33, %parallel_loop3A_318 = %broadcast_in_dim3A_33, %parallel_loop3A_319 = %broadcast_in_dim3A_33, %parallel_loop3A_320 = %broadcast_in_dim3A_33, %parallel_loop3A_321 = %broadcast_in_dim3A_33, %parallel_loop3A_322 = %broadcast_in_dim3A_33, %parallel_loop3A_323 = %broadcast_in_dim3A_33, %parallel_loop3A_324 = %broadcast_in_dim3A_33) -> (vector<16xf32>, vector<16xf32>, vector<16xf32>, vector<16xf32>, vector<16xf32>, vector<16xf32>, vector<16xf32>, vector<16xf32>)  : i32 {
      %parallel_loop3A_325 = arith.constant 5 : i32
      %parallel_loop3A_326 = arith.shrsi %parallel_loop3A_316, %parallel_loop3A_325 : i32
      %parallel_loop3A_327 = arith.constant 31 : i32
      %parallel_loop3A_328 = arith.andi %parallel_loop3A_316, %parallel_loop3A_327 : i32
      %parallel_loop3A_329 = arith.constant 16 : i32
      %parallel_loop3A_330 = arith.muli %parallel_loop3A_328, %parallel_loop3A_329 : i32
      %parallel_loop3A_331 = arith.constant 0 : i32
      %parallel_loop3A_332 = arith.addi %parallel_loop3A_330, %parallel_loop3A_331 : i32
      %parallel_loop3A_333 = arith.constant 0 : i32
      %parallel_loop3A_334 = arith.index_cast %parallel_loop3A_333 : i32 to index
      %parallel_loop3A_335 = arith.index_cast %parallel_loop3A_326 : i32 to index
      %parallel_loop3A_336 = arith.index_cast %parallel_loop3A_332 : i32 to index
      %parallel_loop3A_337 = tpu.vector_load %arg6[%parallel_loop3A_334, %parallel_loop3A_335, %parallel_loop3A_336] {strides = array<i32>} : memref<2x32x512xf32, #tpu.memory_space<vmem>>, vector<16xf32>,
      %parallel_loop3A_338 = arith.constant 0 : i32
      %parallel_loop3A_339 = arith.addi %parallel_loop3A_330, %parallel_loop3A_338 : i32
      %parallel_loop3A_340 = arith.constant 0 : i32
      %parallel_loop3A_341 = arith.index_cast %parallel_loop3A_340 : i32 to index
      %parallel_loop3A_342 = arith.index_cast %parallel_loop3A_326 : i32 to index
      %parallel_loop3A_343 = arith.index_cast %parallel_loop3A_339 : i32 to index
      %parallel_loop3A_344 = tpu.vector_load %arg7[%parallel_loop3A_341, %parallel_loop3A_342, %parallel_loop3A_343] {strides = array<i32>} : memref<2x32x512xi32, #tpu.memory_space<vmem>>, vector<16xi32>,
      %parallel_loop3A_345 = arith.sitofp %parallel_loop3A_344 : vector<16xi32> to vector<16xf32>
      %parallel_loop3A_346 = arith.mulf %parallel_loop3A_337, %parallel_loop3A_345 : vector<16xf32>
      %parallel_loop3A_347 = arith.addf %parallel_loop3A_317, %parallel_loop3A_346 : vector<16xf32>
      %parallel_loop3A_348 = arith.constant 2.048000e+03 : f32
      %parallel_loop3A_349 = vector.broadcast %parallel_loop3A_348 : f32 to vector<16xf32>
      %parallel_loop3A_350 = arith.mulf %parallel_loop3A_337, %parallel_loop3A_349 : vector<16xf32>
      %parallel_loop3A_351 = arith.constant 2.047000e+03 : f32
      %parallel_loop3A_352 = vector.broadcast %parallel_loop3A_351 : f32 to vector<16xf32>
      %parallel_loop3A_353 = arith.minimumf %parallel_loop3A_350, %parallel_loop3A_352 : vector<16xf32>
      %parallel_loop3A_354 = arith.fptosi %parallel_loop3A_353 : vector<16xf32> to vector<16xi32>
      %parallel_loop3A_355 = arith.addi %mul3A_38, %parallel_loop3A_354 : vector<16xi32>
      %parallel_loop3A_356 = arith.constant 0 : i32
      %parallel_loop3A_357 = vector.broadcast %parallel_loop3A_356 : i32 to vector<16xi32>
      %parallel_loop3A_358 = arith.cmpi eq, %parallel_loop3A_344, %parallel_loop3A_357 : vector<16xi32>
      tpu.vector_store_idx %arg8[%parallel_loop3A_355], %broadcast_in_dim3A_35 masked %parallel_loop3A_358 {add = true} : memref<32768xf32, #tpu.memory_space<vmem>>[vector<16xi32>], vector<16xf32>, vector<16xi1>
      %parallel_loop3A_359 = arith.constant 16 : i32
      %parallel_loop3A_360 = arith.addi %parallel_loop3A_330, %parallel_loop3A_359 : i32
      %parallel_loop3A_361 = arith.constant 0 : i32
      %parallel_loop3A_362 = arith.index_cast %parallel_loop3A_361 : i32 to index
      %parallel_loop3A_363 = arith.index_cast %parallel_loop3A_326 : i32 to index
      %parallel_loop3A_364 = arith.index_cast %parallel_loop3A_360 : i32 to index
      %parallel_loop3A_365 = tpu.vector_load %arg6[%parallel_loop3A_362, %parallel_loop3A_363, %parallel_loop3A_364] {strides = array<i32>} : memref<2x32x512xf32, #tpu.memory_space<vmem>>, vector<16xf32>,
      %parallel_loop3A_366 = arith.constant 16 : i32
      %parallel_loop3A_367 = arith.addi %parallel_loop3A_330, %parallel_loop3A_366 : i32
      %parallel_loop3A_368 = arith.constant 0 : i32
      %parallel_loop3A_369 = arith.index_cast %parallel_loop3A_368 : i32 to index
      %parallel_loop3A_370 = arith.index_cast %parallel_loop3A_326 : i32 to index
      %parallel_loop3A_371 = arith.index_cast %parallel_loop3A_367 : i32 to index
      %parallel_loop3A_372 = tpu.vector_load %arg7[%parallel_loop3A_369, %parallel_loop3A_370, %parallel_loop3A_371] {strides = array<i32>} : memref<2x32x512xi32, #tpu.memory_space<vmem>>, vector<16xi32>,
      %parallel_loop3A_373 = arith.sitofp %parallel_loop3A_372 : vector<16xi32> to vector<16xf32>
      %parallel_loop3A_374 = arith.mulf %parallel_loop3A_365, %parallel_loop3A_373 : vector<16xf32>
      %parallel_loop3A_375 = arith.addf %parallel_loop3A_318, %parallel_loop3A_374 : vector<16xf32>
      %parallel_loop3A_376 = arith.constant 2.048000e+03 : f32
      %parallel_loop3A_377 = vector.broadcast %parallel_loop3A_376 : f32 to vector<16xf32>
      %parallel_loop3A_378 = arith.mulf %parallel_loop3A_365, %parallel_loop3A_377 : vector<16xf32>
      %parallel_loop3A_379 = arith.constant 2.047000e+03 : f32
      %parallel_loop3A_380 = vector.broadcast %parallel_loop3A_379 : f32 to vector<16xf32>
      %parallel_loop3A_381 = arith.minimumf %parallel_loop3A_378, %parallel_loop3A_380 : vector<16xf32>
      %parallel_loop3A_382 = arith.fptosi %parallel_loop3A_381 : vector<16xf32> to vector<16xi32>
      %parallel_loop3A_383 = arith.addi %mul3A_38, %parallel_loop3A_382 : vector<16xi32>
      %parallel_loop3A_384 = arith.constant 0 : i32
      %parallel_loop3A_385 = vector.broadcast %parallel_loop3A_384 : i32 to vector<16xi32>
      %parallel_loop3A_386 = arith.cmpi eq, %parallel_loop3A_372, %parallel_loop3A_385 : vector<16xi32>
      tpu.vector_store_idx %arg8[%parallel_loop3A_383], %broadcast_in_dim3A_35 masked %parallel_loop3A_386 {add = true} : memref<32768xf32, #tpu.memory_space<vmem>>[vector<16xi32>], vector<16xf32>, vector<16xi1>
      %parallel_loop3A_387 = arith.constant 32 : i32
      %parallel_loop3A_388 = arith.addi %parallel_loop3A_330, %parallel_loop3A_387 : i32
      %parallel_loop3A_389 = arith.constant 0 : i32
      %parallel_loop3A_390 = arith.index_cast %parallel_loop3A_389 : i32 to index
      %parallel_loop3A_391 = arith.index_cast %parallel_loop3A_326 : i32 to index
      %parallel_loop3A_392 = arith.index_cast %parallel_loop3A_388 : i32 to index
      %parallel_loop3A_393 = tpu.vector_load %arg6[%parallel_loop3A_390, %parallel_loop3A_391, %parallel_loop3A_392] {strides = array<i32>} : memref<2x32x512xf32, #tpu.memory_space<vmem>>, vector<16xf32>,
      %parallel_loop3A_394 = arith.constant 32 : i32
      %parallel_loop3A_395 = arith.addi %parallel_loop3A_330, %parallel_loop3A_394 : i32
      %parallel_loop3A_396 = arith.constant 0 : i32
      %parallel_loop3A_397 = arith.index_cast %parallel_loop3A_396 : i32 to index
      %parallel_loop3A_398 = arith.index_cast %parallel_loop3A_326 : i32 to index
      %parallel_loop3A_399 = arith.index_cast %parallel_loop3A_395 : i32 to index
      %parallel_loop3A_400 = tpu.vector_load %arg7[%parallel_loop3A_397, %parallel_loop3A_398, %parallel_loop3A_399] {strides = array<i32>} : memref<2x32x512xi32, #tpu.memory_space<vmem>>, vector<16xi32>,
      %parallel_loop3A_401 = arith.sitofp %parallel_loop3A_400 : vector<16xi32> to vector<16xf32>
      %parallel_loop3A_402 = arith.mulf %parallel_loop3A_393, %parallel_loop3A_401 : vector<16xf32>
      %parallel_loop3A_403 = arith.addf %parallel_loop3A_319, %parallel_loop3A_402 : vector<16xf32>
      %parallel_loop3A_404 = arith.constant 2.048000e+03 : f32
      %parallel_loop3A_405 = vector.broadcast %parallel_loop3A_404 : f32 to vector<16xf32>
      %parallel_loop3A_406 = arith.mulf %parallel_loop3A_393, %parallel_loop3A_405 : vector<16xf32>
      %parallel_loop3A_407 = arith.constant 2.047000e+03 : f32
      %parallel_loop3A_408 = vector.broadcast %parallel_loop3A_407 : f32 to vector<16xf32>
      %parallel_loop3A_409 = arith.minimumf %parallel_loop3A_406, %parallel_loop3A_408 : vector<16xf32>
      %parallel_loop3A_410 = arith.fptosi %parallel_loop3A_409 : vector<16xf32> to vector<16xi32>
      %parallel_loop3A_411 = arith.addi %mul3A_38, %parallel_loop3A_410 : vector<16xi32>
      %parallel_loop3A_412 = arith.constant 0 : i32
      %parallel_loop3A_413 = vector.broadcast %parallel_loop3A_412 : i32 to vector<16xi32>
      %parallel_loop3A_414 = arith.cmpi eq, %parallel_loop3A_400, %parallel_loop3A_413 : vector<16xi32>
      tpu.vector_store_idx %arg8[%parallel_loop3A_411], %broadcast_in_dim3A_35 masked %parallel_loop3A_414 {add = true} : memref<32768xf32, #tpu.memory_space<vmem>>[vector<16xi32>], vector<16xf32>, vector<16xi1>
      %parallel_loop3A_415 = arith.constant 48 : i32
      %parallel_loop3A_416 = arith.addi %parallel_loop3A_330, %parallel_loop3A_415 : i32
      %parallel_loop3A_417 = arith.constant 0 : i32
      %parallel_loop3A_418 = arith.index_cast %parallel_loop3A_417 : i32 to index
      %parallel_loop3A_419 = arith.index_cast %parallel_loop3A_326 : i32 to index
      %parallel_loop3A_420 = arith.index_cast %parallel_loop3A_416 : i32 to index
      %parallel_loop3A_421 = tpu.vector_load %arg6[%parallel_loop3A_418, %parallel_loop3A_419, %parallel_loop3A_420] {strides = array<i32>} : memref<2x32x512xf32, #tpu.memory_space<vmem>>, vector<16xf32>,
      %parallel_loop3A_422 = arith.constant 48 : i32
      %parallel_loop3A_423 = arith.addi %parallel_loop3A_330, %parallel_loop3A_422 : i32
      %parallel_loop3A_424 = arith.constant 0 : i32
      %parallel_loop3A_425 = arith.index_cast %parallel_loop3A_424 : i32 to index
      %parallel_loop3A_426 = arith.index_cast %parallel_loop3A_326 : i32 to index
      %parallel_loop3A_427 = arith.index_cast %parallel_loop3A_423 : i32 to index
      %parallel_loop3A_428 = tpu.vector_load %arg7[%parallel_loop3A_425, %parallel_loop3A_426, %parallel_loop3A_427] {strides = array<i32>} : memref<2x32x512xi32, #tpu.memory_space<vmem>>, vector<16xi32>,
      %parallel_loop3A_429 = arith.sitofp %parallel_loop3A_428 : vector<16xi32> to vector<16xf32>
      %parallel_loop3A_430 = arith.mulf %parallel_loop3A_421, %parallel_loop3A_429 : vector<16xf32>
      %parallel_loop3A_431 = arith.addf %parallel_loop3A_320, %parallel_loop3A_430 : vector<16xf32>
      %parallel_loop3A_432 = arith.constant 2.048000e+03 : f32
      %parallel_loop3A_433 = vector.broadcast %parallel_loop3A_432 : f32 to vector<16xf32>
      %parallel_loop3A_434 = arith.mulf %parallel_loop3A_421, %parallel_loop3A_433 : vector<16xf32>
      %parallel_loop3A_435 = arith.constant 2.047000e+03 : f32
      %parallel_loop3A_436 = vector.broadcast %parallel_loop3A_435 : f32 to vector<16xf32>
      %parallel_loop3A_437 = arith.minimumf %parallel_loop3A_434, %parallel_loop3A_436 : vector<16xf32>
      %parallel_loop3A_438 = arith.fptosi %parallel_loop3A_437 : vector<16xf32> to vector<16xi32>
      %parallel_loop3A_439 = arith.addi %mul3A_38, %parallel_loop3A_438 : vector<16xi32>
      %parallel_loop3A_440 = arith.constant 0 : i32
      %parallel_loop3A_441 = vector.broadcast %parallel_loop3A_440 : i32 to vector<16xi32>
      %parallel_loop3A_442 = arith.cmpi eq, %parallel_loop3A_428, %parallel_loop3A_441 : vector<16xi32>
      tpu.vector_store_idx %arg8[%parallel_loop3A_439], %broadcast_in_dim3A_35 masked %parallel_loop3A_442 {add = true} : memref<32768xf32, #tpu.memory_space<vmem>>[vector<16xi32>], vector<16xf32>, vector<16xi1>
      %parallel_loop3A_443 = arith.constant 64 : i32
      %parallel_loop3A_444 = arith.addi %parallel_loop3A_330, %parallel_loop3A_443 : i32
      %parallel_loop3A_445 = arith.constant 0 : i32
      %parallel_loop3A_446 = arith.index_cast %parallel_loop3A_445 : i32 to index
      %parallel_loop3A_447 = arith.index_cast %parallel_loop3A_326 : i32 to index
      %parallel_loop3A_448 = arith.index_cast %parallel_loop3A_444 : i32 to index
      %parallel_loop3A_449 = tpu.vector_load %arg6[%parallel_loop3A_446, %parallel_loop3A_447, %parallel_loop3A_448] {strides = array<i32>} : memref<2x32x512xf32, #tpu.memory_space<vmem>>, vector<16xf32>,
      %parallel_loop3A_450 = arith.constant 64 : i32
      %parallel_loop3A_451 = arith.addi %parallel_loop3A_330, %parallel_loop3A_450 : i32
      %parallel_loop3A_452 = arith.constant 0 : i32
      %parallel_loop3A_453 = arith.index_cast %parallel_loop3A_452 : i32 to index
      %parallel_loop3A_454 = arith.index_cast %parallel_loop3A_326 : i32 to index
      %parallel_loop3A_455 = arith.index_cast %parallel_loop3A_451 : i32 to index
      %parallel_loop3A_456 = tpu.vector_load %arg7[%parallel_loop3A_453, %parallel_loop3A_454, %parallel_loop3A_455] {strides = array<i32>} : memref<2x32x512xi32, #tpu.memory_space<vmem>>, vector<16xi32>,
      %parallel_loop3A_457 = arith.sitofp %parallel_loop3A_456 : vector<16xi32> to vector<16xf32>
      %parallel_loop3A_458 = arith.mulf %parallel_loop3A_449, %parallel_loop3A_457 : vector<16xf32>
      %parallel_loop3A_459 = arith.addf %parallel_loop3A_321, %parallel_loop3A_458 : vector<16xf32>
      %parallel_loop3A_460 = arith.constant 2.048000e+03 : f32
      %parallel_loop3A_461 = vector.broadcast %parallel_loop3A_460 : f32 to vector<16xf32>
      %parallel_loop3A_462 = arith.mulf %parallel_loop3A_449, %parallel_loop3A_461 : vector<16xf32>
      %parallel_loop3A_463 = arith.constant 2.047000e+03 : f32
      %parallel_loop3A_464 = vector.broadcast %parallel_loop3A_463 : f32 to vector<16xf32>
      %parallel_loop3A_465 = arith.minimumf %parallel_loop3A_462, %parallel_loop3A_464 : vector<16xf32>
      %parallel_loop3A_466 = arith.fptosi %parallel_loop3A_465 : vector<16xf32> to vector<16xi32>
      %parallel_loop3A_467 = arith.addi %mul3A_38, %parallel_loop3A_466 : vector<16xi32>
      %parallel_loop3A_468 = arith.constant 0 : i32
      %parallel_loop3A_469 = vector.broadcast %parallel_loop3A_468 : i32 to vector<16xi32>
      %parallel_loop3A_470 = arith.cmpi eq, %parallel_loop3A_456, %parallel_loop3A_469 : vector<16xi32>
      tpu.vector_store_idx %arg8[%parallel_loop3A_467], %broadcast_in_dim3A_35 masked %parallel_loop3A_470 {add = true} : memref<32768xf32, #tpu.memory_space<vmem>>[vector<16xi32>], vector<16xf32>, vector<16xi1>
      %parallel_loop3A_471 = arith.constant 80 : i32
      %parallel_loop3A_472 = arith.addi %parallel_loop3A_330, %parallel_loop3A_471 : i32
      %parallel_loop3A_473 = arith.constant 0 : i32
      %parallel_loop3A_474 = arith.index_cast %parallel_loop3A_473 : i32 to index
      %parallel_loop3A_475 = arith.index_cast %parallel_loop3A_326 : i32 to index
      %parallel_loop3A_476 = arith.index_cast %parallel_loop3A_472 : i32 to index
      %parallel_loop3A_477 = tpu.vector_load %arg6[%parallel_loop3A_474, %parallel_loop3A_475, %parallel_loop3A_476] {strides = array<i32>} : memref<2x32x512xf32, #tpu.memory_space<vmem>>, vector<16xf32>,
      %parallel_loop3A_478 = arith.constant 80 : i32
      %parallel_loop3A_479 = arith.addi %parallel_loop3A_330, %parallel_loop3A_478 : i32
      %parallel_loop3A_480 = arith.constant 0 : i32
      %parallel_loop3A_481 = arith.index_cast %parallel_loop3A_480 : i32 to index
      %parallel_loop3A_482 = arith.index_cast %parallel_loop3A_326 : i32 to index
      %parallel_loop3A_483 = arith.index_cast %parallel_loop3A_479 : i32 to index
      %parallel_loop3A_484 = tpu.vector_load %arg7[%parallel_loop3A_481, %parallel_loop3A_482, %parallel_loop3A_483] {strides = array<i32>} : memref<2x32x512xi32, #tpu.memory_space<vmem>>, vector<16xi32>,
      %parallel_loop3A_485 = arith.sitofp %parallel_loop3A_484 : vector<16xi32> to vector<16xf32>
      %parallel_loop3A_486 = arith.mulf %parallel_loop3A_477, %parallel_loop3A_485 : vector<16xf32>
      %parallel_loop3A_487 = arith.addf %parallel_loop3A_322, %parallel_loop3A_486 : vector<16xf32>
      %parallel_loop3A_488 = arith.constant 2.048000e+03 : f32
      %parallel_loop3A_489 = vector.broadcast %parallel_loop3A_488 : f32 to vector<16xf32>
      %parallel_loop3A_490 = arith.mulf %parallel_loop3A_477, %parallel_loop3A_489 : vector<16xf32>
      %parallel_loop3A_491 = arith.constant 2.047000e+03 : f32
      %parallel_loop3A_492 = vector.broadcast %parallel_loop3A_491 : f32 to vector<16xf32>
      %parallel_loop3A_493 = arith.minimumf %parallel_loop3A_490, %parallel_loop3A_492 : vector<16xf32>
      %parallel_loop3A_494 = arith.fptosi %parallel_loop3A_493 : vector<16xf32> to vector<16xi32>
      %parallel_loop3A_495 = arith.addi %mul3A_38, %parallel_loop3A_494 : vector<16xi32>
      %parallel_loop3A_496 = arith.constant 0 : i32
      %parallel_loop3A_497 = vector.broadcast %parallel_loop3A_496 : i32 to vector<16xi32>
      %parallel_loop3A_498 = arith.cmpi eq, %parallel_loop3A_484, %parallel_loop3A_497 : vector<16xi32>
      tpu.vector_store_idx %arg8[%parallel_loop3A_495], %broadcast_in_dim3A_35 masked %parallel_loop3A_498 {add = true} : memref<32768xf32, #tpu.memory_space<vmem>>[vector<16xi32>], vector<16xf32>, vector<16xi1>
      %parallel_loop3A_499 = arith.constant 96 : i32
      %parallel_loop3A_500 = arith.addi %parallel_loop3A_330, %parallel_loop3A_499 : i32
      %parallel_loop3A_501 = arith.constant 0 : i32
      %parallel_loop3A_502 = arith.index_cast %parallel_loop3A_501 : i32 to index
      %parallel_loop3A_503 = arith.index_cast %parallel_loop3A_326 : i32 to index
      %parallel_loop3A_504 = arith.index_cast %parallel_loop3A_500 : i32 to index
      %parallel_loop3A_505 = tpu.vector_load %arg6[%parallel_loop3A_502, %parallel_loop3A_503, %parallel_loop3A_504] {strides = array<i32>} : memref<2x32x512xf32, #tpu.memory_space<vmem>>, vector<16xf32>,
      %parallel_loop3A_506 = arith.constant 96 : i32
      %parallel_loop3A_507 = arith.addi %parallel_loop3A_330, %parallel_loop3A_506 : i32
      %parallel_loop3A_508 = arith.constant 0 : i32
      %parallel_loop3A_509 = arith.index_cast %parallel_loop3A_508 : i32 to index
      %parallel_loop3A_510 = arith.index_cast %parallel_loop3A_326 : i32 to index
      %parallel_loop3A_511 = arith.index_cast %parallel_loop3A_507 : i32 to index
      %parallel_loop3A_512 = tpu.vector_load %arg7[%parallel_loop3A_509, %parallel_loop3A_510, %parallel_loop3A_511] {strides = array<i32>} : memref<2x32x512xi32, #tpu.memory_space<vmem>>, vector<16xi32>,
      %parallel_loop3A_513 = arith.sitofp %parallel_loop3A_512 : vector<16xi32> to vector<16xf32>
      %parallel_loop3A_514 = arith.mulf %parallel_loop3A_505, %parallel_loop3A_513 : vector<16xf32>
      %parallel_loop3A_515 = arith.addf %parallel_loop3A_323, %parallel_loop3A_514 : vector<16xf32>
      %parallel_loop3A_516 = arith.constant 2.048000e+03 : f32
      %parallel_loop3A_517 = vector.broadcast %parallel_loop3A_516 : f32 to vector<16xf32>
      %parallel_loop3A_518 = arith.mulf %parallel_loop3A_505, %parallel_loop3A_517 : vector<16xf32>
      %parallel_loop3A_519 = arith.constant 2.047000e+03 : f32
      %parallel_loop3A_520 = vector.broadcast %parallel_loop3A_519 : f32 to vector<16xf32>
      %parallel_loop3A_521 = arith.minimumf %parallel_loop3A_518, %parallel_loop3A_520 : vector<16xf32>
      %parallel_loop3A_522 = arith.fptosi %parallel_loop3A_521 : vector<16xf32> to vector<16xi32>
      %parallel_loop3A_523 = arith.addi %mul3A_38, %parallel_loop3A_522 : vector<16xi32>
      %parallel_loop3A_524 = arith.constant 0 : i32
      %parallel_loop3A_525 = vector.broadcast %parallel_loop3A_524 : i32 to vector<16xi32>
      %parallel_loop3A_526 = arith.cmpi eq, %parallel_loop3A_512, %parallel_loop3A_525 : vector<16xi32>
      tpu.vector_store_idx %arg8[%parallel_loop3A_523], %broadcast_in_dim3A_35 masked %parallel_loop3A_526 {add = true} : memref<32768xf32, #tpu.memory_space<vmem>>[vector<16xi32>], vector<16xf32>, vector<16xi1>
      %parallel_loop3A_527 = arith.constant 112 : i32
      %parallel_loop3A_528 = arith.addi %parallel_loop3A_330, %parallel_loop3A_527 : i32
      %parallel_loop3A_529 = arith.constant 0 : i32
      %parallel_loop3A_530 = arith.index_cast %parallel_loop3A_529 : i32 to index
      %parallel_loop3A_531 = arith.index_cast %parallel_loop3A_326 : i32 to index
      %parallel_loop3A_532 = arith.index_cast %parallel_loop3A_528 : i32 to index
      %parallel_loop3A_533 = tpu.vector_load %arg6[%parallel_loop3A_530, %parallel_loop3A_531, %parallel_loop3A_532] {strides = array<i32>} : memref<2x32x512xf32, #tpu.memory_space<vmem>>, vector<16xf32>,
      %parallel_loop3A_534 = arith.constant 112 : i32
      %parallel_loop3A_535 = arith.addi %parallel_loop3A_330, %parallel_loop3A_534 : i32
      %parallel_loop3A_536 = arith.constant 0 : i32
      %parallel_loop3A_537 = arith.index_cast %parallel_loop3A_536 : i32 to index
      %parallel_loop3A_538 = arith.index_cast %parallel_loop3A_326 : i32 to index
      %parallel_loop3A_539 = arith.index_cast %parallel_loop3A_535 : i32 to index
      %parallel_loop3A_540 = tpu.vector_load %arg7[%parallel_loop3A_537, %parallel_loop3A_538, %parallel_loop3A_539] {strides = array<i32>} : memref<2x32x512xi32, #tpu.memory_space<vmem>>, vector<16xi32>,
      %parallel_loop3A_541 = arith.sitofp %parallel_loop3A_540 : vector<16xi32> to vector<16xf32>
      %parallel_loop3A_542 = arith.mulf %parallel_loop3A_533, %parallel_loop3A_541 : vector<16xf32>
      %parallel_loop3A_543 = arith.addf %parallel_loop3A_324, %parallel_loop3A_542 : vector<16xf32>
      %parallel_loop3A_544 = arith.constant 2.048000e+03 : f32
      %parallel_loop3A_545 = vector.broadcast %parallel_loop3A_544 : f32 to vector<16xf32>
      %parallel_loop3A_546 = arith.mulf %parallel_loop3A_533, %parallel_loop3A_545 : vector<16xf32>
      %parallel_loop3A_547 = arith.constant 2.047000e+03 : f32
      %parallel_loop3A_548 = vector.broadcast %parallel_loop3A_547 : f32 to vector<16xf32>
      %parallel_loop3A_549 = arith.minimumf %parallel_loop3A_546, %parallel_loop3A_548 : vector<16xf32>
      %parallel_loop3A_550 = arith.fptosi %parallel_loop3A_549 : vector<16xf32> to vector<16xi32>
      %parallel_loop3A_551 = arith.addi %mul3A_38, %parallel_loop3A_550 : vector<16xi32>
      %parallel_loop3A_552 = arith.constant 0 : i32
      %parallel_loop3A_553 = vector.broadcast %parallel_loop3A_552 : i32 to vector<16xi32>
      %parallel_loop3A_554 = arith.cmpi eq, %parallel_loop3A_540, %parallel_loop3A_553 : vector<16xi32>
      tpu.vector_store_idx %arg8[%parallel_loop3A_551], %broadcast_in_dim3A_35 masked %parallel_loop3A_554 {add = true} : memref<32768xf32, #tpu.memory_space<vmem>>[vector<16xi32>], vector<16xf32>, vector<16xi1>
      scf.yield %parallel_loop3A_347, %parallel_loop3A_375, %parallel_loop3A_403, %parallel_loop3A_431, %parallel_loop3A_459, %parallel_loop3A_487, %parallel_loop3A_515, %parallel_loop3A_543 : vector<16xf32>, vector<16xf32>, vector<16xf32>, vector<16xf32>, vector<16xf32>, vector<16xf32>, vector<16xf32>, vector<16xf32>
    } {sc.loop_unroll_factor = 1 : i64, sc.parallel_access}
    %dma_wait3A_137 = arith.constant 1 : i32
    %dma_wait3A_138 = arith.constant 0 : i32
    %dma_wait3A_139 = arith.constant 0 : i32
    %dma_wait3A_140 = tpu.memref_slice %arg6[%dma_wait3A_137, %dma_wait3A_138, %dma_wait3A_139] : memref<2x32x512xf32, #tpu.memory_space<vmem>> -> memref<1x32x512xf32, #tpu.memory_space<vmem>>
    %dma_wait3A_141 = tpu.memref_squeeze %dma_wait3A_140 : memref<1x32x512xf32, #tpu.memory_space<vmem>> -> memref<32x512xf32, #tpu.memory_space<vmem>>
    %dma_wait3A_142 = arith.constant 0 : i32
    %dma_wait3A_143 = tpu.memref_slice %arg2[%select_n3A, %add3A_102, %dma_wait3A_142] : memref<8x512x512xf32, #tpu.memory_space<hbm>> -> memref<1x32x512xf32, #tpu.memory_space<hbm>>
    %dma_wait3A_144 = tpu.memref_squeeze %dma_wait3A_143 : memref<1x32x512xf32, #tpu.memory_space<hbm>> -> memref<32x512xf32, #tpu.memory_space<hbm>>
    %dma_wait3A_145 = arith.constant 0 : i32
    %dma_wait3A_146 = arith.constant 0 : i32
    %dma_wait3A_147 = tpu.memref_slice %arg6[%dma_wait3A_137, %dma_wait3A_145, %dma_wait3A_146] : memref<2x32x512xf32, #tpu.memory_space<vmem>> -> memref<1x32x512xf32, #tpu.memory_space<vmem>>
    %dma_wait3A_148 = tpu.memref_squeeze %dma_wait3A_147 : memref<1x32x512xf32, #tpu.memory_space<vmem>> -> memref<32x512xf32, #tpu.memory_space<vmem>>
    %dma_wait3A_149 = arith.constant 0 : i32
    %dma_wait3A_150 = tpu.memref_slice %arg2[%select_n3A, %add3A_102, %dma_wait3A_149] : memref<8x512x512xf32, #tpu.memory_space<hbm>> -> memref<1x32x512xf32, #tpu.memory_space<hbm>>
    %dma_wait3A_151 = tpu.memref_squeeze %dma_wait3A_150 : memref<1x32x512xf32, #tpu.memory_space<hbm>> -> memref<32x512xf32, #tpu.memory_space<hbm>>
    tpu.wait_dma2 semaphore(%arg12 : memref<!tpu.dma_semaphore, #tpu.memory_space<semaphore_mem>>) src(%dma_wait3A_151 : memref<32x512xf32, #tpu.memory_space<hbm>>) dst(%dma_wait3A_148 : memref<32x512xf32, #tpu.memory_space<vmem>>)
    %dma_wait3A_152 = arith.constant 1 : i32
    %dma_wait3A_153 = arith.constant 0 : i32
    %dma_wait3A_154 = arith.constant 0 : i32
    %dma_wait3A_155 = tpu.memref_slice %arg7[%dma_wait3A_152, %dma_wait3A_153, %dma_wait3A_154] : memref<2x32x512xi32, #tpu.memory_space<vmem>> -> memref<1x32x512xi32, #tpu.memory_space<vmem>>
    %dma_wait3A_156 = tpu.memref_squeeze %dma_wait3A_155 : memref<1x32x512xi32, #tpu.memory_space<vmem>> -> memref<32x512xi32, #tpu.memory_space<vmem>>
    %dma_wait3A_157 = arith.constant 0 : i32
    %dma_wait3A_158 = tpu.memref_slice %arg3[%select_n3A, %add3A_102, %dma_wait3A_157] : memref<8x512x512xi32, #tpu.memory_space<hbm>> -> memref<1x32x512xi32, #tpu.memory_space<hbm>>
    %dma_wait3A_159 = tpu.memref_squeeze %dma_wait3A_158 : memref<1x32x512xi32, #tpu.memory_space<hbm>> -> memref<32x512xi32, #tpu.memory_space<hbm>>
    %dma_wait3A_160 = arith.constant 0 : i32
    %dma_wait3A_161 = arith.constant 0 : i32
    %dma_wait3A_162 = tpu.memref_slice %arg7[%dma_wait3A_152, %dma_wait3A_160, %dma_wait3A_161] : memref<2x32x512xi32, #tpu.memory_space<vmem>> -> memref<1x32x512xi32, #tpu.memory_space<vmem>>
    %dma_wait3A_163 = tpu.memref_squeeze %dma_wait3A_162 : memref<1x32x512xi32, #tpu.memory_space<vmem>> -> memref<32x512xi32, #tpu.memory_space<vmem>>
    %dma_wait3A_164 = arith.constant 0 : i32
    %dma_wait3A_165 = tpu.memref_slice %arg3[%select_n3A, %add3A_102, %dma_wait3A_164] : memref<8x512x512xi32, #tpu.memory_space<hbm>> -> memref<1x32x512xi32, #tpu.memory_space<hbm>>
    %dma_wait3A_166 = tpu.memref_squeeze %dma_wait3A_165 : memref<1x32x512xi32, #tpu.memory_space<hbm>> -> memref<32x512xi32, #tpu.memory_space<hbm>>
    tpu.wait_dma2 semaphore(%arg14 : memref<!tpu.dma_semaphore, #tpu.memory_space<semaphore_mem>>) src(%dma_wait3A_166 : memref<32x512xi32, #tpu.memory_space<hbm>>) dst(%dma_wait3A_163 : memref<32x512xi32, #tpu.memory_space<vmem>>)
    %add3A_167 = arith.constant 64 : i32
    %add3A_168 = arith.addi %mul3A_32, %add3A_167 : i32
    %dma_start3A_169 = arith.constant 0 : i32
    %dma_start3A_170 = arith.constant 0 : i32
    %dma_start3A_171 = arith.constant 0 : i32
    %dma_start3A_172 = tpu.memref_slice %arg6[%dma_start3A_169, %dma_start3A_170, %dma_start3A_171] : memref<2x32x512xf32, #tpu.memory_space<vmem>> -> memref<1x32x512xf32, #tpu.memory_space<vmem>>
    %dma_start3A_173 = tpu.memref_squeeze %dma_start3A_172 : memref<1x32x512xf32, #tpu.memory_space<vmem>> -> memref<32x512xf32, #tpu.memory_space<vmem>>
    %dma_start3A_174 = arith.constant 0 : i32
    %dma_start3A_175 = tpu.memref_slice %arg2[%select_n3A, %add3A_168, %dma_start3A_174] : memref<8x512x512xf32, #tpu.memory_space<hbm>> -> memref<1x32x512xf32, #tpu.memory_space<hbm>>
    %dma_start3A_176 = tpu.memref_squeeze %dma_start3A_175 : memref<1x32x512xf32, #tpu.memory_space<hbm>> -> memref<32x512xf32, #tpu.memory_space<hbm>>
    %dma_start3A_177 = arith.constant 0 : i32
    %dma_start3A_178 = arith.constant 0 : i32
    %dma_start3A_179 = tpu.memref_slice %arg6[%dma_start3A_169, %dma_start3A_177, %dma_start3A_178] : memref<2x32x512xf32, #tpu.memory_space<vmem>> -> memref<1x32x512xf32, #tpu.memory_space<vmem>>
    %dma_start3A_180 = tpu.memref_squeeze %dma_start3A_179 : memref<1x32x512xf32, #tpu.memory_space<vmem>> -> memref<32x512xf32, #tpu.memory_space<vmem>>
    %dma_start3A_181 = arith.constant 0 : i32
    %dma_start3A_182 = tpu.memref_slice %arg2[%select_n3A, %add3A_168, %dma_start3A_181] : memref<8x512x512xf32, #tpu.memory_space<hbm>> -> memref<1x32x512xf32, #tpu.memory_space<hbm>>
    %dma_start3A_183 = tpu.memref_squeeze %dma_start3A_182 : memref<1x32x512xf32, #tpu.memory_space<hbm>> -> memref<32x512xf32, #tpu.memory_space<hbm>>
    tpu.enqueue_dma source(%dma_start3A_183 : memref<32x512xf32, #tpu.memory_space<hbm>>) target(%dma_start3A_180 : memref<32x512xf32, #tpu.memory_space<vmem>>) target_semaphore(%arg11 : memref<!tpu.dma_semaphore, #tpu.memory_space<semaphore_mem>>)
    %dma_start3A_184 = arith.constant 0 : i32
    %dma_start3A_185 = arith.constant 0 : i32
    %dma_start3A_186 = arith.constant 0 : i32
    %dma_start3A_187 = tpu.memref_slice %arg7[%dma_start3A_184, %dma_start3A_185, %dma_start3A_186] : memref<2x32x512xi32, #tpu.memory_space<vmem>> -> memref<1x32x512xi32, #tpu.memory_space<vmem>>
    %dma_start3A_188 = tpu.memref_squeeze %dma_start3A_187 : memref<1x32x512xi32, #tpu.memory_space<vmem>> -> memref<32x512xi32, #tpu.memory_space<vmem>>
    %dma_start3A_189 = arith.constant 0 : i32
    %dma_start3A_190 = tpu.memref_slice %arg3[%select_n3A, %add3A_168, %dma_start3A_189] : memref<8x512x512xi32, #tpu.memory_space<hbm>> -> memref<1x32x512xi32, #tpu.memory_space<hbm>>
    %dma_start3A_191 = tpu.memref_squeeze %dma_start3A_190 : memref<1x32x512xi32, #tpu.memory_space<hbm>> -> memref<32x512xi32, #tpu.memory_space<hbm>>
    %dma_start3A_192 = arith.constant 0 : i32
    %dma_start3A_193 = arith.constant 0 : i32
    %dma_start3A_194 = tpu.memref_slice %arg7[%dma_start3A_184, %dma_start3A_192, %dma_start3A_193] : memref<2x32x512xi32, #tpu.memory_space<vmem>> -> memref<1x32x512xi32, #tpu.memory_space<vmem>>
    %dma_start3A_195 = tpu.memref_squeeze %dma_start3A_194 : memref<1x32x512xi32, #tpu.memory_space<vmem>> -> memref<32x512xi32, #tpu.memory_space<vmem>>
    %dma_start3A_196 = arith.constant 0 : i32
    %dma_start3A_197 = tpu.memref_slice %arg3[%select_n3A, %add3A_168, %dma_start3A_196] : memref<8x512x512xi32, #tpu.memory_space<hbm>> -> memref<1x32x512xi32, #tpu.memory_space<hbm>>
    %dma_start3A_198 = tpu.memref_squeeze %dma_start3A_197 : memref<1x32x512xi32, #tpu.memory_space<hbm>> -> memref<32x512xi32, #tpu.memory_space<hbm>>
    tpu.enqueue_dma source(%dma_start3A_198 : memref<32x512xi32, #tpu.memory_space<hbm>>) target(%dma_start3A_195 : memref<32x512xi32, #tpu.memory_space<vmem>>) target_semaphore(%arg13 : memref<!tpu.dma_semaphore, #tpu.memory_space<semaphore_mem>>)
    %parallel_loop3A_199 = arith.constant 0 : i32
    %parallel_loop3A_200 = arith.constant 1024 : i32
    %parallel_loop3A_201 = arith.constant 8 : i32
    %parallel_loop3A_202:8 = scf.for %parallel_loop3A_316 = %parallel_loop3A_199 to %parallel_loop3A_200 step %parallel_loop3A_201 iter_args(%parallel_loop3A_317 = %parallel_loop3A_136#0, %parallel_loop3A_318 = %parallel_loop3A_136#1, %parallel_loop3A_319 = %parallel_loop3A_136#2, %parallel_loop3A_320 = %parallel_loop3A_136#3, %parallel_loop3A_321 = %parallel_loop3A_136#4, %parallel_loop3A_322 = %parallel_loop3A_136#5, %parallel_loop3A_323 = %parallel_loop3A_136#6, %parallel_loop3A_324 = %parallel_loop3A_136#7) -> (vector<16xf32>, vector<16xf32>, vector<16xf32>, vector<16xf32>, vector<16xf32>, vector<16xf32>, vector<16xf32>, vector<16xf32>)  : i32 {
      %parallel_loop3A_325 = arith.constant 5 : i32
      %parallel_loop3A_326 = arith.shrsi %parallel_loop3A_316, %parallel_loop3A_325 : i32
      %parallel_loop3A_327 = arith.constant 31 : i32
      %parallel_loop3A_328 = arith.andi %parallel_loop3A_316, %parallel_loop3A_327 : i32
      %parallel_loop3A_329 = arith.constant 16 : i32
      %parallel_loop3A_330 = arith.muli %parallel_loop3A_328, %parallel_loop3A_329 : i32
      %parallel_loop3A_331 = arith.constant 0 : i32
      %parallel_loop3A_332 = arith.addi %parallel_loop3A_330, %parallel_loop3A_331 : i32
      %parallel_loop3A_333 = arith.constant 1 : i32
      %parallel_loop3A_334 = arith.index_cast %parallel_loop3A_333 : i32 to index
      %parallel_loop3A_335 = arith.index_cast %parallel_loop3A_326 : i32 to index
      %parallel_loop3A_336 = arith.index_cast %parallel_loop3A_332 : i32 to index
      %parallel_loop3A_337 = tpu.vector_load %arg6[%parallel_loop3A_334, %parallel_loop3A_335, %parallel_loop3A_336] {strides = array<i32>} : memref<2x32x512xf32, #tpu.memory_space<vmem>>, vector<16xf32>,
      %parallel_loop3A_338 = arith.constant 0 : i32
      %parallel_loop3A_339 = arith.addi %parallel_loop3A_330, %parallel_loop3A_338 : i32
      %parallel_loop3A_340 = arith.constant 1 : i32
      %parallel_loop3A_341 = arith.index_cast %parallel_loop3A_340 : i32 to index
      %parallel_loop3A_342 = arith.index_cast %parallel_loop3A_326 : i32 to index
      %parallel_loop3A_343 = arith.index_cast %parallel_loop3A_339 : i32 to index
      %parallel_loop3A_344 = tpu.vector_load %arg7[%parallel_loop3A_341, %parallel_loop3A_342, %parallel_loop3A_343] {strides = array<i32>} : memref<2x32x512xi32, #tpu.memory_space<vmem>>, vector<16xi32>,
      %parallel_loop3A_345 = arith.sitofp %parallel_loop3A_344 : vector<16xi32> to vector<16xf32>
      %parallel_loop3A_346 = arith.mulf %parallel_loop3A_337, %parallel_loop3A_345 : vector<16xf32>
      %parallel_loop3A_347 = arith.addf %parallel_loop3A_317, %parallel_loop3A_346 : vector<16xf32>
      %parallel_loop3A_348 = arith.constant 2.048000e+03 : f32
      %parallel_loop3A_349 = vector.broadcast %parallel_loop3A_348 : f32 to vector<16xf32>
      %parallel_loop3A_350 = arith.mulf %parallel_loop3A_337, %parallel_loop3A_349 : vector<16xf32>
      %parallel_loop3A_351 = arith.constant 2.047000e+03 : f32
      %parallel_loop3A_352 = vector.broadcast %parallel_loop3A_351 : f32 to vector<16xf32>
      %parallel_loop3A_353 = arith.minimumf %parallel_loop3A_350, %parallel_loop3A_352 : vector<16xf32>
      %parallel_loop3A_354 = arith.fptosi %parallel_loop3A_353 : vector<16xf32> to vector<16xi32>
      %parallel_loop3A_355 = arith.addi %mul3A_38, %parallel_loop3A_354 : vector<16xi32>
      %parallel_loop3A_356 = arith.constant 0 : i32
      %parallel_loop3A_357 = vector.broadcast %parallel_loop3A_356 : i32 to vector<16xi32>
      %parallel_loop3A_358 = arith.cmpi eq, %parallel_loop3A_344, %parallel_loop3A_357 : vector<16xi32>
      tpu.vector_store_idx %arg8[%parallel_loop3A_355], %broadcast_in_dim3A_35 masked %parallel_loop3A_358 {add = true} : memref<32768xf32, #tpu.memory_space<vmem>>[vector<16xi32>], vector<16xf32>, vector<16xi1>
      %parallel_loop3A_359 = arith.constant 16 : i32
      %parallel_loop3A_360 = arith.addi %parallel_loop3A_330, %parallel_loop3A_359 : i32
      %parallel_loop3A_361 = arith.constant 1 : i32
      %parallel_loop3A_362 = arith.index_cast %parallel_loop3A_361 : i32 to index
      %parallel_loop3A_363 = arith.index_cast %parallel_loop3A_326 : i32 to index
      %parallel_loop3A_364 = arith.index_cast %parallel_loop3A_360 : i32 to index
      %parallel_loop3A_365 = tpu.vector_load %arg6[%parallel_loop3A_362, %parallel_loop3A_363, %parallel_loop3A_364] {strides = array<i32>} : memref<2x32x512xf32, #tpu.memory_space<vmem>>, vector<16xf32>,
      %parallel_loop3A_366 = arith.constant 16 : i32
      %parallel_loop3A_367 = arith.addi %parallel_loop3A_330, %parallel_loop3A_366 : i32
      %parallel_loop3A_368 = arith.constant 1 : i32
      %parallel_loop3A_369 = arith.index_cast %parallel_loop3A_368 : i32 to index
      %parallel_loop3A_370 = arith.index_cast %parallel_loop3A_326 : i32 to index
      %parallel_loop3A_371 = arith.index_cast %parallel_loop3A_367 : i32 to index
      %parallel_loop3A_372 = tpu.vector_load %arg7[%parallel_loop3A_369, %parallel_loop3A_370, %parallel_loop3A_371] {strides = array<i32>} : memref<2x32x512xi32, #tpu.memory_space<vmem>>, vector<16xi32>,
      %parallel_loop3A_373 = arith.sitofp %parallel_loop3A_372 : vector<16xi32> to vector<16xf32>
      %parallel_loop3A_374 = arith.mulf %parallel_loop3A_365, %parallel_loop3A_373 : vector<16xf32>
      %parallel_loop3A_375 = arith.addf %parallel_loop3A_318, %parallel_loop3A_374 : vector<16xf32>
      %parallel_loop3A_376 = arith.constant 2.048000e+03 : f32
      %parallel_loop3A_377 = vector.broadcast %parallel_loop3A_376 : f32 to vector<16xf32>
      %parallel_loop3A_378 = arith.mulf %parallel_loop3A_365, %parallel_loop3A_377 : vector<16xf32>
      %parallel_loop3A_379 = arith.constant 2.047000e+03 : f32
      %parallel_loop3A_380 = vector.broadcast %parallel_loop3A_379 : f32 to vector<16xf32>
      %parallel_loop3A_381 = arith.minimumf %parallel_loop3A_378, %parallel_loop3A_380 : vector<16xf32>
      %parallel_loop3A_382 = arith.fptosi %parallel_loop3A_381 : vector<16xf32> to vector<16xi32>
      %parallel_loop3A_383 = arith.addi %mul3A_38, %parallel_loop3A_382 : vector<16xi32>
      %parallel_loop3A_384 = arith.constant 0 : i32
      %parallel_loop3A_385 = vector.broadcast %parallel_loop3A_384 : i32 to vector<16xi32>
      %parallel_loop3A_386 = arith.cmpi eq, %parallel_loop3A_372, %parallel_loop3A_385 : vector<16xi32>
      tpu.vector_store_idx %arg8[%parallel_loop3A_383], %broadcast_in_dim3A_35 masked %parallel_loop3A_386 {add = true} : memref<32768xf32, #tpu.memory_space<vmem>>[vector<16xi32>], vector<16xf32>, vector<16xi1>
      %parallel_loop3A_387 = arith.constant 32 : i32
      %parallel_loop3A_388 = arith.addi %parallel_loop3A_330, %parallel_loop3A_387 : i32
      %parallel_loop3A_389 = arith.constant 1 : i32
      %parallel_loop3A_390 = arith.index_cast %parallel_loop3A_389 : i32 to index
      %parallel_loop3A_391 = arith.index_cast %parallel_loop3A_326 : i32 to index
      %parallel_loop3A_392 = arith.index_cast %parallel_loop3A_388 : i32 to index
      %parallel_loop3A_393 = tpu.vector_load %arg6[%parallel_loop3A_390, %parallel_loop3A_391, %parallel_loop3A_392] {strides = array<i32>} : memref<2x32x512xf32, #tpu.memory_space<vmem>>, vector<16xf32>,
      %parallel_loop3A_394 = arith.constant 32 : i32
      %parallel_loop3A_395 = arith.addi %parallel_loop3A_330, %parallel_loop3A_394 : i32
      %parallel_loop3A_396 = arith.constant 1 : i32
      %parallel_loop3A_397 = arith.index_cast %parallel_loop3A_396 : i32 to index
      %parallel_loop3A_398 = arith.index_cast %parallel_loop3A_326 : i32 to index
      %parallel_loop3A_399 = arith.index_cast %parallel_loop3A_395 : i32 to index
      %parallel_loop3A_400 = tpu.vector_load %arg7[%parallel_loop3A_397, %parallel_loop3A_398, %parallel_loop3A_399] {strides = array<i32>} : memref<2x32x512xi32, #tpu.memory_space<vmem>>, vector<16xi32>,
      %parallel_loop3A_401 = arith.sitofp %parallel_loop3A_400 : vector<16xi32> to vector<16xf32>
      %parallel_loop3A_402 = arith.mulf %parallel_loop3A_393, %parallel_loop3A_401 : vector<16xf32>
      %parallel_loop3A_403 = arith.addf %parallel_loop3A_319, %parallel_loop3A_402 : vector<16xf32>
      %parallel_loop3A_404 = arith.constant 2.048000e+03 : f32
      %parallel_loop3A_405 = vector.broadcast %parallel_loop3A_404 : f32 to vector<16xf32>
      %parallel_loop3A_406 = arith.mulf %parallel_loop3A_393, %parallel_loop3A_405 : vector<16xf32>
      %parallel_loop3A_407 = arith.constant 2.047000e+03 : f32
      %parallel_loop3A_408 = vector.broadcast %parallel_loop3A_407 : f32 to vector<16xf32>
      %parallel_loop3A_409 = arith.minimumf %parallel_loop3A_406, %parallel_loop3A_408 : vector<16xf32>
      %parallel_loop3A_410 = arith.fptosi %parallel_loop3A_409 : vector<16xf32> to vector<16xi32>
      %parallel_loop3A_411 = arith.addi %mul3A_38, %parallel_loop3A_410 : vector<16xi32>
      %parallel_loop3A_412 = arith.constant 0 : i32
      %parallel_loop3A_413 = vector.broadcast %parallel_loop3A_412 : i32 to vector<16xi32>
      %parallel_loop3A_414 = arith.cmpi eq, %parallel_loop3A_400, %parallel_loop3A_413 : vector<16xi32>
      tpu.vector_store_idx %arg8[%parallel_loop3A_411], %broadcast_in_dim3A_35 masked %parallel_loop3A_414 {add = true} : memref<32768xf32, #tpu.memory_space<vmem>>[vector<16xi32>], vector<16xf32>, vector<16xi1>
      %parallel_loop3A_415 = arith.constant 48 : i32
      %parallel_loop3A_416 = arith.addi %parallel_loop3A_330, %parallel_loop3A_415 : i32
      %parallel_loop3A_417 = arith.constant 1 : i32
      %parallel_loop3A_418 = arith.index_cast %parallel_loop3A_417 : i32 to index
      %parallel_loop3A_419 = arith.index_cast %parallel_loop3A_326 : i32 to index
      %parallel_loop3A_420 = arith.index_cast %parallel_loop3A_416 : i32 to index
      %parallel_loop3A_421 = tpu.vector_load %arg6[%parallel_loop3A_418, %parallel_loop3A_419, %parallel_loop3A_420] {strides = array<i32>} : memref<2x32x512xf32, #tpu.memory_space<vmem>>, vector<16xf32>,
      %parallel_loop3A_422 = arith.constant 48 : i32
      %parallel_loop3A_423 = arith.addi %parallel_loop3A_330, %parallel_loop3A_422 : i32
      %parallel_loop3A_424 = arith.constant 1 : i32
      %parallel_loop3A_425 = arith.index_cast %parallel_loop3A_424 : i32 to index
      %parallel_loop3A_426 = arith.index_cast %parallel_loop3A_326 : i32 to index
      %parallel_loop3A_427 = arith.index_cast %parallel_loop3A_423 : i32 to index
      %parallel_loop3A_428 = tpu.vector_load %arg7[%parallel_loop3A_425, %parallel_loop3A_426, %parallel_loop3A_427] {strides = array<i32>} : memref<2x32x512xi32, #tpu.memory_space<vmem>>, vector<16xi32>,
      %parallel_loop3A_429 = arith.sitofp %parallel_loop3A_428 : vector<16xi32> to vector<16xf32>
      %parallel_loop3A_430 = arith.mulf %parallel_loop3A_421, %parallel_loop3A_429 : vector<16xf32>
      %parallel_loop3A_431 = arith.addf %parallel_loop3A_320, %parallel_loop3A_430 : vector<16xf32>
      %parallel_loop3A_432 = arith.constant 2.048000e+03 : f32
      %parallel_loop3A_433 = vector.broadcast %parallel_loop3A_432 : f32 to vector<16xf32>
      %parallel_loop3A_434 = arith.mulf %parallel_loop3A_421, %parallel_loop3A_433 : vector<16xf32>
      %parallel_loop3A_435 = arith.constant 2.047000e+03 : f32
      %parallel_loop3A_436 = vector.broadcast %parallel_loop3A_435 : f32 to vector<16xf32>
      %parallel_loop3A_437 = arith.minimumf %parallel_loop3A_434, %parallel_loop3A_436 : vector<16xf32>
      %parallel_loop3A_438 = arith.fptosi %parallel_loop3A_437 : vector<16xf32> to vector<16xi32>
      %parallel_loop3A_439 = arith.addi %mul3A_38, %parallel_loop3A_438 : vector<16xi32>
      %parallel_loop3A_440 = arith.constant 0 : i32
      %parallel_loop3A_441 = vector.broadcast %parallel_loop3A_440 : i32 to vector<16xi32>
      %parallel_loop3A_442 = arith.cmpi eq, %parallel_loop3A_428, %parallel_loop3A_441 : vector<16xi32>
      tpu.vector_store_idx %arg8[%parallel_loop3A_439], %broadcast_in_dim3A_35 masked %parallel_loop3A_442 {add = true} : memref<32768xf32, #tpu.memory_space<vmem>>[vector<16xi32>], vector<16xf32>, vector<16xi1>
      %parallel_loop3A_443 = arith.constant 64 : i32
      %parallel_loop3A_444 = arith.addi %parallel_loop3A_330, %parallel_loop3A_443 : i32
      %parallel_loop3A_445 = arith.constant 1 : i32
      %parallel_loop3A_446 = arith.index_cast %parallel_loop3A_445 : i32 to index
      %parallel_loop3A_447 = arith.index_cast %parallel_loop3A_326 : i32 to index
      %parallel_loop3A_448 = arith.index_cast %parallel_loop3A_444 : i32 to index
      %parallel_loop3A_449 = tpu.vector_load %arg6[%parallel_loop3A_446, %parallel_loop3A_447, %parallel_loop3A_448] {strides = array<i32>} : memref<2x32x512xf32, #tpu.memory_space<vmem>>, vector<16xf32>,
      %parallel_loop3A_450 = arith.constant 64 : i32
      %parallel_loop3A_451 = arith.addi %parallel_loop3A_330, %parallel_loop3A_450 : i32
      %parallel_loop3A_452 = arith.constant 1 : i32
      %parallel_loop3A_453 = arith.index_cast %parallel_loop3A_452 : i32 to index
      %parallel_loop3A_454 = arith.index_cast %parallel_loop3A_326 : i32 to index
      %parallel_loop3A_455 = arith.index_cast %parallel_loop3A_451 : i32 to index
      %parallel_loop3A_456 = tpu.vector_load %arg7[%parallel_loop3A_453, %parallel_loop3A_454, %parallel_loop3A_455] {strides = array<i32>} : memref<2x32x512xi32, #tpu.memory_space<vmem>>, vector<16xi32>,
      %parallel_loop3A_457 = arith.sitofp %parallel_loop3A_456 : vector<16xi32> to vector<16xf32>
      %parallel_loop3A_458 = arith.mulf %parallel_loop3A_449, %parallel_loop3A_457 : vector<16xf32>
      %parallel_loop3A_459 = arith.addf %parallel_loop3A_321, %parallel_loop3A_458 : vector<16xf32>
      %parallel_loop3A_460 = arith.constant 2.048000e+03 : f32
      %parallel_loop3A_461 = vector.broadcast %parallel_loop3A_460 : f32 to vector<16xf32>
      %parallel_loop3A_462 = arith.mulf %parallel_loop3A_449, %parallel_loop3A_461 : vector<16xf32>
      %parallel_loop3A_463 = arith.constant 2.047000e+03 : f32
      %parallel_loop3A_464 = vector.broadcast %parallel_loop3A_463 : f32 to vector<16xf32>
      %parallel_loop3A_465 = arith.minimumf %parallel_loop3A_462, %parallel_loop3A_464 : vector<16xf32>
      %parallel_loop3A_466 = arith.fptosi %parallel_loop3A_465 : vector<16xf32> to vector<16xi32>
      %parallel_loop3A_467 = arith.addi %mul3A_38, %parallel_loop3A_466 : vector<16xi32>
      %parallel_loop3A_468 = arith.constant 0 : i32
      %parallel_loop3A_469 = vector.broadcast %parallel_loop3A_468 : i32 to vector<16xi32>
      %parallel_loop3A_470 = arith.cmpi eq, %parallel_loop3A_456, %parallel_loop3A_469 : vector<16xi32>
      tpu.vector_store_idx %arg8[%parallel_loop3A_467], %broadcast_in_dim3A_35 masked %parallel_loop3A_470 {add = true} : memref<32768xf32, #tpu.memory_space<vmem>>[vector<16xi32>], vector<16xf32>, vector<16xi1>
      %parallel_loop3A_471 = arith.constant 80 : i32
      %parallel_loop3A_472 = arith.addi %parallel_loop3A_330, %parallel_loop3A_471 : i32
      %parallel_loop3A_473 = arith.constant 1 : i32
      %parallel_loop3A_474 = arith.index_cast %parallel_loop3A_473 : i32 to index
      %parallel_loop3A_475 = arith.index_cast %parallel_loop3A_326 : i32 to index
      %parallel_loop3A_476 = arith.index_cast %parallel_loop3A_472 : i32 to index
      %parallel_loop3A_477 = tpu.vector_load %arg6[%parallel_loop3A_474, %parallel_loop3A_475, %parallel_loop3A_476] {strides = array<i32>} : memref<2x32x512xf32, #tpu.memory_space<vmem>>, vector<16xf32>,
      %parallel_loop3A_478 = arith.constant 80 : i32
      %parallel_loop3A_479 = arith.addi %parallel_loop3A_330, %parallel_loop3A_478 : i32
      %parallel_loop3A_480 = arith.constant 1 : i32
      %parallel_loop3A_481 = arith.index_cast %parallel_loop3A_480 : i32 to index
      %parallel_loop3A_482 = arith.index_cast %parallel_loop3A_326 : i32 to index
      %parallel_loop3A_483 = arith.index_cast %parallel_loop3A_479 : i32 to index
      %parallel_loop3A_484 = tpu.vector_load %arg7[%parallel_loop3A_481, %parallel_loop3A_482, %parallel_loop3A_483] {strides = array<i32>} : memref<2x32x512xi32, #tpu.memory_space<vmem>>, vector<16xi32>,
      %parallel_loop3A_485 = arith.sitofp %parallel_loop3A_484 : vector<16xi32> to vector<16xf32>
      %parallel_loop3A_486 = arith.mulf %parallel_loop3A_477, %parallel_loop3A_485 : vector<16xf32>
      %parallel_loop3A_487 = arith.addf %parallel_loop3A_322, %parallel_loop3A_486 : vector<16xf32>
      %parallel_loop3A_488 = arith.constant 2.048000e+03 : f32
      %parallel_loop3A_489 = vector.broadcast %parallel_loop3A_488 : f32 to vector<16xf32>
      %parallel_loop3A_490 = arith.mulf %parallel_loop3A_477, %parallel_loop3A_489 : vector<16xf32>
      %parallel_loop3A_491 = arith.constant 2.047000e+03 : f32
      %parallel_loop3A_492 = vector.broadcast %parallel_loop3A_491 : f32 to vector<16xf32>
      %parallel_loop3A_493 = arith.minimumf %parallel_loop3A_490, %parallel_loop3A_492 : vector<16xf32>
      %parallel_loop3A_494 = arith.fptosi %parallel_loop3A_493 : vector<16xf32> to vector<16xi32>
      %parallel_loop3A_495 = arith.addi %mul3A_38, %parallel_loop3A_494 : vector<16xi32>
      %parallel_loop3A_496 = arith.constant 0 : i32
      %parallel_loop3A_497 = vector.broadcast %parallel_loop3A_496 : i32 to vector<16xi32>
      %parallel_loop3A_498 = arith.cmpi eq, %parallel_loop3A_484, %parallel_loop3A_497 : vector<16xi32>
      tpu.vector_store_idx %arg8[%parallel_loop3A_495], %broadcast_in_dim3A_35 masked %parallel_loop3A_498 {add = true} : memref<32768xf32, #tpu.memory_space<vmem>>[vector<16xi32>], vector<16xf32>, vector<16xi1>
      %parallel_loop3A_499 = arith.constant 96 : i32
      %parallel_loop3A_500 = arith.addi %parallel_loop3A_330, %parallel_loop3A_499 : i32
      %parallel_loop3A_501 = arith.constant 1 : i32
      %parallel_loop3A_502 = arith.index_cast %parallel_loop3A_501 : i32 to index
      %parallel_loop3A_503 = arith.index_cast %parallel_loop3A_326 : i32 to index
      %parallel_loop3A_504 = arith.index_cast %parallel_loop3A_500 : i32 to index
      %parallel_loop3A_505 = tpu.vector_load %arg6[%parallel_loop3A_502, %parallel_loop3A_503, %parallel_loop3A_504] {strides = array<i32>} : memref<2x32x512xf32, #tpu.memory_space<vmem>>, vector<16xf32>,
      %parallel_loop3A_506 = arith.constant 96 : i32
      %parallel_loop3A_507 = arith.addi %parallel_loop3A_330, %parallel_loop3A_506 : i32
      %parallel_loop3A_508 = arith.constant 1 : i32
      %parallel_loop3A_509 = arith.index_cast %parallel_loop3A_508 : i32 to index
      %parallel_loop3A_510 = arith.index_cast %parallel_loop3A_326 : i32 to index
      %parallel_loop3A_511 = arith.index_cast %parallel_loop3A_507 : i32 to index
      %parallel_loop3A_512 = tpu.vector_load %arg7[%parallel_loop3A_509, %parallel_loop3A_510, %parallel_loop3A_511] {strides = array<i32>} : memref<2x32x512xi32, #tpu.memory_space<vmem>>, vector<16xi32>,
      %parallel_loop3A_513 = arith.sitofp %parallel_loop3A_512 : vector<16xi32> to vector<16xf32>
      %parallel_loop3A_514 = arith.mulf %parallel_loop3A_505, %parallel_loop3A_513 : vector<16xf32>
      %parallel_loop3A_515 = arith.addf %parallel_loop3A_323, %parallel_loop3A_514 : vector<16xf32>
      %parallel_loop3A_516 = arith.constant 2.048000e+03 : f32
      %parallel_loop3A_517 = vector.broadcast %parallel_loop3A_516 : f32 to vector<16xf32>
      %parallel_loop3A_518 = arith.mulf %parallel_loop3A_505, %parallel_loop3A_517 : vector<16xf32>
      %parallel_loop3A_519 = arith.constant 2.047000e+03 : f32
      %parallel_loop3A_520 = vector.broadcast %parallel_loop3A_519 : f32 to vector<16xf32>
      %parallel_loop3A_521 = arith.minimumf %parallel_loop3A_518, %parallel_loop3A_520 : vector<16xf32>
      %parallel_loop3A_522 = arith.fptosi %parallel_loop3A_521 : vector<16xf32> to vector<16xi32>
      %parallel_loop3A_523 = arith.addi %mul3A_38, %parallel_loop3A_522 : vector<16xi32>
      %parallel_loop3A_524 = arith.constant 0 : i32
      %parallel_loop3A_525 = vector.broadcast %parallel_loop3A_524 : i32 to vector<16xi32>
      %parallel_loop3A_526 = arith.cmpi eq, %parallel_loop3A_512, %parallel_loop3A_525 : vector<16xi32>
      tpu.vector_store_idx %arg8[%parallel_loop3A_523], %broadcast_in_dim3A_35 masked %parallel_loop3A_526 {add = true} : memref<32768xf32, #tpu.memory_space<vmem>>[vector<16xi32>], vector<16xf32>, vector<16xi1>
      %parallel_loop3A_527 = arith.constant 112 : i32
      %parallel_loop3A_528 = arith.addi %parallel_loop3A_330, %parallel_loop3A_527 : i32
      %parallel_loop3A_529 = arith.constant 1 : i32
      %parallel_loop3A_530 = arith.index_cast %parallel_loop3A_529 : i32 to index
      %parallel_loop3A_531 = arith.index_cast %parallel_loop3A_326 : i32 to index
      %parallel_loop3A_532 = arith.index_cast %parallel_loop3A_528 : i32 to index
      %parallel_loop3A_533 = tpu.vector_load %arg6[%parallel_loop3A_530, %parallel_loop3A_531, %parallel_loop3A_532] {strides = array<i32>} : memref<2x32x512xf32, #tpu.memory_space<vmem>>, vector<16xf32>,
      %parallel_loop3A_534 = arith.constant 112 : i32
      %parallel_loop3A_535 = arith.addi %parallel_loop3A_330, %parallel_loop3A_534 : i32
      %parallel_loop3A_536 = arith.constant 1 : i32
      %parallel_loop3A_537 = arith.index_cast %parallel_loop3A_536 : i32 to index
      %parallel_loop3A_538 = arith.index_cast %parallel_loop3A_326 : i32 to index
      %parallel_loop3A_539 = arith.index_cast %parallel_loop3A_535 : i32 to index
      %parallel_loop3A_540 = tpu.vector_load %arg7[%parallel_loop3A_537, %parallel_loop3A_538, %parallel_loop3A_539] {strides = array<i32>} : memref<2x32x512xi32, #tpu.memory_space<vmem>>, vector<16xi32>,
      %parallel_loop3A_541 = arith.sitofp %parallel_loop3A_540 : vector<16xi32> to vector<16xf32>
      %parallel_loop3A_542 = arith.mulf %parallel_loop3A_533, %parallel_loop3A_541 : vector<16xf32>
      %parallel_loop3A_543 = arith.addf %parallel_loop3A_324, %parallel_loop3A_542 : vector<16xf32>
      %parallel_loop3A_544 = arith.constant 2.048000e+03 : f32
      %parallel_loop3A_545 = vector.broadcast %parallel_loop3A_544 : f32 to vector<16xf32>
      %parallel_loop3A_546 = arith.mulf %parallel_loop3A_533, %parallel_loop3A_545 : vector<16xf32>
      %parallel_loop3A_547 = arith.constant 2.047000e+03 : f32
      %parallel_loop3A_548 = vector.broadcast %parallel_loop3A_547 : f32 to vector<16xf32>
      %parallel_loop3A_549 = arith.minimumf %parallel_loop3A_546, %parallel_loop3A_548 : vector<16xf32>
      %parallel_loop3A_550 = arith.fptosi %parallel_loop3A_549 : vector<16xf32> to vector<16xi32>
      %parallel_loop3A_551 = arith.addi %mul3A_38, %parallel_loop3A_550 : vector<16xi32>
      %parallel_loop3A_552 = arith.constant 0 : i32
      %parallel_loop3A_553 = vector.broadcast %parallel_loop3A_552 : i32 to vector<16xi32>
      %parallel_loop3A_554 = arith.cmpi eq, %parallel_loop3A_540, %parallel_loop3A_553 : vector<16xi32>
      tpu.vector_store_idx %arg8[%parallel_loop3A_551], %broadcast_in_dim3A_35 masked %parallel_loop3A_554 {add = true} : memref<32768xf32, #tpu.memory_space<vmem>>[vector<16xi32>], vector<16xf32>, vector<16xi1>
      scf.yield %parallel_loop3A_347, %parallel_loop3A_375, %parallel_loop3A_403, %parallel_loop3A_431, %parallel_loop3A_459, %parallel_loop3A_487, %parallel_loop3A_515, %parallel_loop3A_543 : vector<16xf32>, vector<16xf32>, vector<16xf32>, vector<16xf32>, vector<16xf32>, vector<16xf32>, vector<16xf32>, vector<16xf32>
    } {sc.loop_unroll_factor = 1 : i64, sc.parallel_access}
    %dma_wait3A_203 = arith.constant 0 : i32
    %dma_wait3A_204 = arith.constant 0 : i32
    %dma_wait3A_205 = arith.constant 0 : i32
    %dma_wait3A_206 = tpu.memref_slice %arg6[%dma_wait3A_203, %dma_wait3A_204, %dma_wait3A_205] : memref<2x32x512xf32, #tpu.memory_space<vmem>> -> memref<1x32x512xf32, #tpu.memory_space<vmem>>
    %dma_wait3A_207 = tpu.memref_squeeze %dma_wait3A_206 : memref<1x32x512xf32, #tpu.memory_space<vmem>> -> memref<32x512xf32, #tpu.memory_space<vmem>>
    %dma_wait3A_208 = arith.constant 0 : i32
    %dma_wait3A_209 = tpu.memref_slice %arg2[%select_n3A, %add3A_168, %dma_wait3A_208] : memref<8x512x512xf32, #tpu.memory_space<hbm>> -> memref<1x32x512xf32, #tpu.memory_space<hbm>>
    %dma_wait3A_210 = tpu.memref_squeeze %dma_wait3A_209 : memref<1x32x512xf32, #tpu.memory_space<hbm>> -> memref<32x512xf32, #tpu.memory_space<hbm>>
    %dma_wait3A_211 = arith.constant 0 : i32
    %dma_wait3A_212 = arith.constant 0 : i32
    %dma_wait3A_213 = tpu.memref_slice %arg6[%dma_wait3A_203, %dma_wait3A_211, %dma_wait3A_212] : memref<2x32x512xf32, #tpu.memory_space<vmem>> -> memref<1x32x512xf32, #tpu.memory_space<vmem>>
    %dma_wait3A_214 = tpu.memref_squeeze %dma_wait3A_213 : memref<1x32x512xf32, #tpu.memory_space<vmem>> -> memref<32x512xf32, #tpu.memory_space<vmem>>
    %dma_wait3A_215 = arith.constant 0 : i32
    %dma_wait3A_216 = tpu.memref_slice %arg2[%select_n3A, %add3A_168, %dma_wait3A_215] : memref<8x512x512xf32, #tpu.memory_space<hbm>> -> memref<1x32x512xf32, #tpu.memory_space<hbm>>
    %dma_wait3A_217 = tpu.memref_squeeze %dma_wait3A_216 : memref<1x32x512xf32, #tpu.memory_space<hbm>> -> memref<32x512xf32, #tpu.memory_space<hbm>>
    tpu.wait_dma2 semaphore(%arg11 : memref<!tpu.dma_semaphore, #tpu.memory_space<semaphore_mem>>) src(%dma_wait3A_217 : memref<32x512xf32, #tpu.memory_space<hbm>>) dst(%dma_wait3A_214 : memref<32x512xf32, #tpu.memory_space<vmem>>)
    %dma_wait3A_218 = arith.constant 0 : i32
    %dma_wait3A_219 = arith.constant 0 : i32
    %dma_wait3A_220 = arith.constant 0 : i32
    %dma_wait3A_221 = tpu.memref_slice %arg7[%dma_wait3A_218, %dma_wait3A_219, %dma_wait3A_220] : memref<2x32x512xi32, #tpu.memory_space<vmem>> -> memref<1x32x512xi32, #tpu.memory_space<vmem>>
    %dma_wait3A_222 = tpu.memref_squeeze %dma_wait3A_221 : memref<1x32x512xi32, #tpu.memory_space<vmem>> -> memref<32x512xi32, #tpu.memory_space<vmem>>
    %dma_wait3A_223 = arith.constant 0 : i32
    %dma_wait3A_224 = tpu.memref_slice %arg3[%select_n3A, %add3A_168, %dma_wait3A_223] : memref<8x512x512xi32, #tpu.memory_space<hbm>> -> memref<1x32x512xi32, #tpu.memory_space<hbm>>
    %dma_wait3A_225 = tpu.memref_squeeze %dma_wait3A_224 : memref<1x32x512xi32, #tpu.memory_space<hbm>> -> memref<32x512xi32, #tpu.memory_space<hbm>>
    %dma_wait3A_226 = arith.constant 0 : i32
    %dma_wait3A_227 = arith.constant 0 : i32
    %dma_wait3A_228 = tpu.memref_slice %arg7[%dma_wait3A_218, %dma_wait3A_226, %dma_wait3A_227] : memref<2x32x512xi32, #tpu.memory_space<vmem>> -> memref<1x32x512xi32, #tpu.memory_space<vmem>>
    %dma_wait3A_229 = tpu.memref_squeeze %dma_wait3A_228 : memref<1x32x512xi32, #tpu.memory_space<vmem>> -> memref<32x512xi32, #tpu.memory_space<vmem>>
    %dma_wait3A_230 = arith.constant 0 : i32
    %dma_wait3A_231 = tpu.memref_slice %arg3[%select_n3A, %add3A_168, %dma_wait3A_230] : memref<8x512x512xi32, #tpu.memory_space<hbm>> -> memref<1x32x512xi32, #tpu.memory_space<hbm>>
    %dma_wait3A_232 = tpu.memref_squeeze %dma_wait3A_231 : memref<1x32x512xi32, #tpu.memory_space<hbm>> -> memref<32x512xi32, #tpu.memory_space<hbm>>
    tpu.wait_dma2 semaphore(%arg13 : memref<!tpu.dma_semaphore, #tpu.memory_space<semaphore_mem>>) src(%dma_wait3A_232 : memref<32x512xi32, #tpu.memory_space<hbm>>) dst(%dma_wait3A_229 : memref<32x512xi32, #tpu.memory_space<vmem>>)
    %add3A_233 = arith.constant 96 : i32
    %add3A_234 = arith.addi %mul3A_32, %add3A_233 : i32
    %dma_start3A_235 = arith.constant 1 : i32
    %dma_start3A_236 = arith.constant 0 : i32
    %dma_start3A_237 = arith.constant 0 : i32
    %dma_start3A_238 = tpu.memref_slice %arg6[%dma_start3A_235, %dma_start3A_236, %dma_start3A_237] : memref<2x32x512xf32, #tpu.memory_space<vmem>> -> memref<1x32x512xf32, #tpu.memory_space<vmem>>
    %dma_start3A_239 = tpu.memref_squeeze %dma_start3A_238 : memref<1x32x512xf32, #tpu.memory_space<vmem>> -> memref<32x512xf32, #tpu.memory_space<vmem>>
    %dma_start3A_240 = arith.constant 0 : i32
    %dma_start3A_241 = tpu.memref_slice %arg2[%select_n3A, %add3A_234, %dma_start3A_240] : memref<8x512x512xf32, #tpu.memory_space<hbm>> -> memref<1x32x512xf32, #tpu.memory_space<hbm>>
    %dma_start3A_242 = tpu.memref_squeeze %dma_start3A_241 : memref<1x32x512xf32, #tpu.memory_space<hbm>> -> memref<32x512xf32, #tpu.memory_space<hbm>>
    %dma_start3A_243 = arith.constant 0 : i32
    %dma_start3A_244 = arith.constant 0 : i32
    %dma_start3A_245 = tpu.memref_slice %arg6[%dma_start3A_235, %dma_start3A_243, %dma_start3A_244] : memref<2x32x512xf32, #tpu.memory_space<vmem>> -> memref<1x32x512xf32, #tpu.memory_space<vmem>>
    %dma_start3A_246 = tpu.memref_squeeze %dma_start3A_245 : memref<1x32x512xf32, #tpu.memory_space<vmem>> -> memref<32x512xf32, #tpu.memory_space<vmem>>
    %dma_start3A_247 = arith.constant 0 : i32
    %dma_start3A_248 = tpu.memref_slice %arg2[%select_n3A, %add3A_234, %dma_start3A_247] : memref<8x512x512xf32, #tpu.memory_space<hbm>> -> memref<1x32x512xf32, #tpu.memory_space<hbm>>
    %dma_start3A_249 = tpu.memref_squeeze %dma_start3A_248 : memref<1x32x512xf32, #tpu.memory_space<hbm>> -> memref<32x512xf32, #tpu.memory_space<hbm>>
    tpu.enqueue_dma source(%dma_start3A_249 : memref<32x512xf32, #tpu.memory_space<hbm>>) target(%dma_start3A_246 : memref<32x512xf32, #tpu.memory_space<vmem>>) target_semaphore(%arg12 : memref<!tpu.dma_semaphore, #tpu.memory_space<semaphore_mem>>)
    %dma_start3A_250 = arith.constant 1 : i32
    %dma_start3A_251 = arith.constant 0 : i32
    %dma_start3A_252 = arith.constant 0 : i32
    %dma_start3A_253 = tpu.memref_slice %arg7[%dma_start3A_250, %dma_start3A_251, %dma_start3A_252] : memref<2x32x512xi32, #tpu.memory_space<vmem>> -> memref<1x32x512xi32, #tpu.memory_space<vmem>>
    %dma_start3A_254 = tpu.memref_squeeze %dma_start3A_253 : memref<1x32x512xi32, #tpu.memory_space<vmem>> -> memref<32x512xi32, #tpu.memory_space<vmem>>
    %dma_start3A_255 = arith.constant 0 : i32
    %dma_start3A_256 = tpu.memref_slice %arg3[%select_n3A, %add3A_234, %dma_start3A_255] : memref<8x512x512xi32, #tpu.memory_space<hbm>> -> memref<1x32x512xi32, #tpu.memory_space<hbm>>
    %dma_start3A_257 = tpu.memref_squeeze %dma_start3A_256 : memref<1x32x512xi32, #tpu.memory_space<hbm>> -> memref<32x512xi32, #tpu.memory_space<hbm>>
    %dma_start3A_258 = arith.constant 0 : i32
    %dma_start3A_259 = arith.constant 0 : i32
    %dma_start3A_260 = tpu.memref_slice %arg7[%dma_start3A_250, %dma_start3A_258, %dma_start3A_259] : memref<2x32x512xi32, #tpu.memory_space<vmem>> -> memref<1x32x512xi32, #tpu.memory_space<vmem>>
    %dma_start3A_261 = tpu.memref_squeeze %dma_start3A_260 : memref<1x32x512xi32, #tpu.memory_space<vmem>> -> memref<32x512xi32, #tpu.memory_space<vmem>>
    %dma_start3A_262 = arith.constant 0 : i32
    %dma_start3A_263 = tpu.memref_slice %arg3[%select_n3A, %add3A_234, %dma_start3A_262] : memref<8x512x512xi32, #tpu.memory_space<hbm>> -> memref<1x32x512xi32, #tpu.memory_space<hbm>>
    %dma_start3A_264 = tpu.memref_squeeze %dma_start3A_263 : memref<1x32x512xi32, #tpu.memory_space<hbm>> -> memref<32x512xi32, #tpu.memory_space<hbm>>
    tpu.enqueue_dma source(%dma_start3A_264 : memref<32x512xi32, #tpu.memory_space<hbm>>) target(%dma_start3A_261 : memref<32x512xi32, #tpu.memory_space<vmem>>) target_semaphore(%arg14 : memref<!tpu.dma_semaphore, #tpu.memory_space<semaphore_mem>>)
    %parallel_loop3A_265 = arith.constant 0 : i32
    %parallel_loop3A_266 = arith.constant 1024 : i32
    %parallel_loop3A_267 = arith.constant 8 : i32
    %parallel_loop3A_268:8 = scf.for %parallel_loop3A_316 = %parallel_loop3A_265 to %parallel_loop3A_266 step %parallel_loop3A_267 iter_args(%parallel_loop3A_317 = %parallel_loop3A_202#0, %parallel_loop3A_318 = %parallel_loop3A_202#1, %parallel_loop3A_319 = %parallel_loop3A_202#2, %parallel_loop3A_320 = %parallel_loop3A_202#3, %parallel_loop3A_321 = %parallel_loop3A_202#4, %parallel_loop3A_322 = %parallel_loop3A_202#5, %parallel_loop3A_323 = %parallel_loop3A_202#6, %parallel_loop3A_324 = %parallel_loop3A_202#7) -> (vector<16xf32>, vector<16xf32>, vector<16xf32>, vector<16xf32>, vector<16xf32>, vector<16xf32>, vector<16xf32>, vector<16xf32>)  : i32 {
      %parallel_loop3A_325 = arith.constant 5 : i32
      %parallel_loop3A_326 = arith.shrsi %parallel_loop3A_316, %parallel_loop3A_325 : i32
      %parallel_loop3A_327 = arith.constant 31 : i32
      %parallel_loop3A_328 = arith.andi %parallel_loop3A_316, %parallel_loop3A_327 : i32
      %parallel_loop3A_329 = arith.constant 16 : i32
      %parallel_loop3A_330 = arith.muli %parallel_loop3A_328, %parallel_loop3A_329 : i32
      %parallel_loop3A_331 = arith.constant 0 : i32
      %parallel_loop3A_332 = arith.addi %parallel_loop3A_330, %parallel_loop3A_331 : i32
      %parallel_loop3A_333 = arith.constant 0 : i32
      %parallel_loop3A_334 = arith.index_cast %parallel_loop3A_333 : i32 to index
      %parallel_loop3A_335 = arith.index_cast %parallel_loop3A_326 : i32 to index
      %parallel_loop3A_336 = arith.index_cast %parallel_loop3A_332 : i32 to index
      %parallel_loop3A_337 = tpu.vector_load %arg6[%parallel_loop3A_334, %parallel_loop3A_335, %parallel_loop3A_336] {strides = array<i32>} : memref<2x32x512xf32, #tpu.memory_space<vmem>>, vector<16xf32>,
      %parallel_loop3A_338 = arith.constant 0 : i32
      %parallel_loop3A_339 = arith.addi %parallel_loop3A_330, %parallel_loop3A_338 : i32
      %parallel_loop3A_340 = arith.constant 0 : i32
      %parallel_loop3A_341 = arith.index_cast %parallel_loop3A_340 : i32 to index
      %parallel_loop3A_342 = arith.index_cast %parallel_loop3A_326 : i32 to index
      %parallel_loop3A_343 = arith.index_cast %parallel_loop3A_339 : i32 to index
      %parallel_loop3A_344 = tpu.vector_load %arg7[%parallel_loop3A_341, %parallel_loop3A_342, %parallel_loop3A_343] {strides = array<i32>} : memref<2x32x512xi32, #tpu.memory_space<vmem>>, vector<16xi32>,
      %parallel_loop3A_345 = arith.sitofp %parallel_loop3A_344 : vector<16xi32> to vector<16xf32>
      %parallel_loop3A_346 = arith.mulf %parallel_loop3A_337, %parallel_loop3A_345 : vector<16xf32>
      %parallel_loop3A_347 = arith.addf %parallel_loop3A_317, %parallel_loop3A_346 : vector<16xf32>
      %parallel_loop3A_348 = arith.constant 2.048000e+03 : f32
      %parallel_loop3A_349 = vector.broadcast %parallel_loop3A_348 : f32 to vector<16xf32>
      %parallel_loop3A_350 = arith.mulf %parallel_loop3A_337, %parallel_loop3A_349 : vector<16xf32>
      %parallel_loop3A_351 = arith.constant 2.047000e+03 : f32
      %parallel_loop3A_352 = vector.broadcast %parallel_loop3A_351 : f32 to vector<16xf32>
      %parallel_loop3A_353 = arith.minimumf %parallel_loop3A_350, %parallel_loop3A_352 : vector<16xf32>
      %parallel_loop3A_354 = arith.fptosi %parallel_loop3A_353 : vector<16xf32> to vector<16xi32>
      %parallel_loop3A_355 = arith.addi %mul3A_38, %parallel_loop3A_354 : vector<16xi32>
      %parallel_loop3A_356 = arith.constant 0 : i32
      %parallel_loop3A_357 = vector.broadcast %parallel_loop3A_356 : i32 to vector<16xi32>
      %parallel_loop3A_358 = arith.cmpi eq, %parallel_loop3A_344, %parallel_loop3A_357 : vector<16xi32>
      tpu.vector_store_idx %arg8[%parallel_loop3A_355], %broadcast_in_dim3A_35 masked %parallel_loop3A_358 {add = true} : memref<32768xf32, #tpu.memory_space<vmem>>[vector<16xi32>], vector<16xf32>, vector<16xi1>
      %parallel_loop3A_359 = arith.constant 16 : i32
      %parallel_loop3A_360 = arith.addi %parallel_loop3A_330, %parallel_loop3A_359 : i32
      %parallel_loop3A_361 = arith.constant 0 : i32
      %parallel_loop3A_362 = arith.index_cast %parallel_loop3A_361 : i32 to index
      %parallel_loop3A_363 = arith.index_cast %parallel_loop3A_326 : i32 to index
      %parallel_loop3A_364 = arith.index_cast %parallel_loop3A_360 : i32 to index
      %parallel_loop3A_365 = tpu.vector_load %arg6[%parallel_loop3A_362, %parallel_loop3A_363, %parallel_loop3A_364] {strides = array<i32>} : memref<2x32x512xf32, #tpu.memory_space<vmem>>, vector<16xf32>,
      %parallel_loop3A_366 = arith.constant 16 : i32
      %parallel_loop3A_367 = arith.addi %parallel_loop3A_330, %parallel_loop3A_366 : i32
      %parallel_loop3A_368 = arith.constant 0 : i32
      %parallel_loop3A_369 = arith.index_cast %parallel_loop3A_368 : i32 to index
      %parallel_loop3A_370 = arith.index_cast %parallel_loop3A_326 : i32 to index
      %parallel_loop3A_371 = arith.index_cast %parallel_loop3A_367 : i32 to index
      %parallel_loop3A_372 = tpu.vector_load %arg7[%parallel_loop3A_369, %parallel_loop3A_370, %parallel_loop3A_371] {strides = array<i32>} : memref<2x32x512xi32, #tpu.memory_space<vmem>>, vector<16xi32>,
      %parallel_loop3A_373 = arith.sitofp %parallel_loop3A_372 : vector<16xi32> to vector<16xf32>
      %parallel_loop3A_374 = arith.mulf %parallel_loop3A_365, %parallel_loop3A_373 : vector<16xf32>
      %parallel_loop3A_375 = arith.addf %parallel_loop3A_318, %parallel_loop3A_374 : vector<16xf32>
      %parallel_loop3A_376 = arith.constant 2.048000e+03 : f32
      %parallel_loop3A_377 = vector.broadcast %parallel_loop3A_376 : f32 to vector<16xf32>
      %parallel_loop3A_378 = arith.mulf %parallel_loop3A_365, %parallel_loop3A_377 : vector<16xf32>
      %parallel_loop3A_379 = arith.constant 2.047000e+03 : f32
      %parallel_loop3A_380 = vector.broadcast %parallel_loop3A_379 : f32 to vector<16xf32>
      %parallel_loop3A_381 = arith.minimumf %parallel_loop3A_378, %parallel_loop3A_380 : vector<16xf32>
      %parallel_loop3A_382 = arith.fptosi %parallel_loop3A_381 : vector<16xf32> to vector<16xi32>
      %parallel_loop3A_383 = arith.addi %mul3A_38, %parallel_loop3A_382 : vector<16xi32>
      %parallel_loop3A_384 = arith.constant 0 : i32
      %parallel_loop3A_385 = vector.broadcast %parallel_loop3A_384 : i32 to vector<16xi32>
      %parallel_loop3A_386 = arith.cmpi eq, %parallel_loop3A_372, %parallel_loop3A_385 : vector<16xi32>
      tpu.vector_store_idx %arg8[%parallel_loop3A_383], %broadcast_in_dim3A_35 masked %parallel_loop3A_386 {add = true} : memref<32768xf32, #tpu.memory_space<vmem>>[vector<16xi32>], vector<16xf32>, vector<16xi1>
      %parallel_loop3A_387 = arith.constant 32 : i32
      %parallel_loop3A_388 = arith.addi %parallel_loop3A_330, %parallel_loop3A_387 : i32
      %parallel_loop3A_389 = arith.constant 0 : i32
      %parallel_loop3A_390 = arith.index_cast %parallel_loop3A_389 : i32 to index
      %parallel_loop3A_391 = arith.index_cast %parallel_loop3A_326 : i32 to index
      %parallel_loop3A_392 = arith.index_cast %parallel_loop3A_388 : i32 to index
      %parallel_loop3A_393 = tpu.vector_load %arg6[%parallel_loop3A_390, %parallel_loop3A_391, %parallel_loop3A_392] {strides = array<i32>} : memref<2x32x512xf32, #tpu.memory_space<vmem>>, vector<16xf32>,
      %parallel_loop3A_394 = arith.constant 32 : i32
      %parallel_loop3A_395 = arith.addi %parallel_loop3A_330, %parallel_loop3A_394 : i32
      %parallel_loop3A_396 = arith.constant 0 : i32
      %parallel_loop3A_397 = arith.index_cast %parallel_loop3A_396 : i32 to index
      %parallel_loop3A_398 = arith.index_cast %parallel_loop3A_326 : i32 to index
      %parallel_loop3A_399 = arith.index_cast %parallel_loop3A_395 : i32 to index
      %parallel_loop3A_400 = tpu.vector_load %arg7[%parallel_loop3A_397, %parallel_loop3A_398, %parallel_loop3A_399] {strides = array<i32>} : memref<2x32x512xi32, #tpu.memory_space<vmem>>, vector<16xi32>,
      %parallel_loop3A_401 = arith.sitofp %parallel_loop3A_400 : vector<16xi32> to vector<16xf32>
      %parallel_loop3A_402 = arith.mulf %parallel_loop3A_393, %parallel_loop3A_401 : vector<16xf32>
      %parallel_loop3A_403 = arith.addf %parallel_loop3A_319, %parallel_loop3A_402 : vector<16xf32>
      %parallel_loop3A_404 = arith.constant 2.048000e+03 : f32
      %parallel_loop3A_405 = vector.broadcast %parallel_loop3A_404 : f32 to vector<16xf32>
      %parallel_loop3A_406 = arith.mulf %parallel_loop3A_393, %parallel_loop3A_405 : vector<16xf32>
      %parallel_loop3A_407 = arith.constant 2.047000e+03 : f32
      %parallel_loop3A_408 = vector.broadcast %parallel_loop3A_407 : f32 to vector<16xf32>
      %parallel_loop3A_409 = arith.minimumf %parallel_loop3A_406, %parallel_loop3A_408 : vector<16xf32>
      %parallel_loop3A_410 = arith.fptosi %parallel_loop3A_409 : vector<16xf32> to vector<16xi32>
      %parallel_loop3A_411 = arith.addi %mul3A_38, %parallel_loop3A_410 : vector<16xi32>
      %parallel_loop3A_412 = arith.constant 0 : i32
      %parallel_loop3A_413 = vector.broadcast %parallel_loop3A_412 : i32 to vector<16xi32>
      %parallel_loop3A_414 = arith.cmpi eq, %parallel_loop3A_400, %parallel_loop3A_413 : vector<16xi32>
      tpu.vector_store_idx %arg8[%parallel_loop3A_411], %broadcast_in_dim3A_35 masked %parallel_loop3A_414 {add = true} : memref<32768xf32, #tpu.memory_space<vmem>>[vector<16xi32>], vector<16xf32>, vector<16xi1>
      %parallel_loop3A_415 = arith.constant 48 : i32
      %parallel_loop3A_416 = arith.addi %parallel_loop3A_330, %parallel_loop3A_415 : i32
      %parallel_loop3A_417 = arith.constant 0 : i32
      %parallel_loop3A_418 = arith.index_cast %parallel_loop3A_417 : i32 to index
      %parallel_loop3A_419 = arith.index_cast %parallel_loop3A_326 : i32 to index
      %parallel_loop3A_420 = arith.index_cast %parallel_loop3A_416 : i32 to index
      %parallel_loop3A_421 = tpu.vector_load %arg6[%parallel_loop3A_418, %parallel_loop3A_419, %parallel_loop3A_420] {strides = array<i32>} : memref<2x32x512xf32, #tpu.memory_space<vmem>>, vector<16xf32>,
      %parallel_loop3A_422 = arith.constant 48 : i32
      %parallel_loop3A_423 = arith.addi %parallel_loop3A_330, %parallel_loop3A_422 : i32
      %parallel_loop3A_424 = arith.constant 0 : i32
      %parallel_loop3A_425 = arith.index_cast %parallel_loop3A_424 : i32 to index
      %parallel_loop3A_426 = arith.index_cast %parallel_loop3A_326 : i32 to index
      %parallel_loop3A_427 = arith.index_cast %parallel_loop3A_423 : i32 to index
      %parallel_loop3A_428 = tpu.vector_load %arg7[%parallel_loop3A_425, %parallel_loop3A_426, %parallel_loop3A_427] {strides = array<i32>} : memref<2x32x512xi32, #tpu.memory_space<vmem>>, vector<16xi32>,
      %parallel_loop3A_429 = arith.sitofp %parallel_loop3A_428 : vector<16xi32> to vector<16xf32>
      %parallel_loop3A_430 = arith.mulf %parallel_loop3A_421, %parallel_loop3A_429 : vector<16xf32>
      %parallel_loop3A_431 = arith.addf %parallel_loop3A_320, %parallel_loop3A_430 : vector<16xf32>
      %parallel_loop3A_432 = arith.constant 2.048000e+03 : f32
      %parallel_loop3A_433 = vector.broadcast %parallel_loop3A_432 : f32 to vector<16xf32>
      %parallel_loop3A_434 = arith.mulf %parallel_loop3A_421, %parallel_loop3A_433 : vector<16xf32>
      %parallel_loop3A_435 = arith.constant 2.047000e+03 : f32
      %parallel_loop3A_436 = vector.broadcast %parallel_loop3A_435 : f32 to vector<16xf32>
      %parallel_loop3A_437 = arith.minimumf %parallel_loop3A_434, %parallel_loop3A_436 : vector<16xf32>
      %parallel_loop3A_438 = arith.fptosi %parallel_loop3A_437 : vector<16xf32> to vector<16xi32>
      %parallel_loop3A_439 = arith.addi %mul3A_38, %parallel_loop3A_438 : vector<16xi32>
      %parallel_loop3A_440 = arith.constant 0 : i32
      %parallel_loop3A_441 = vector.broadcast %parallel_loop3A_440 : i32 to vector<16xi32>
      %parallel_loop3A_442 = arith.cmpi eq, %parallel_loop3A_428, %parallel_loop3A_441 : vector<16xi32>
      tpu.vector_store_idx %arg8[%parallel_loop3A_439], %broadcast_in_dim3A_35 masked %parallel_loop3A_442 {add = true} : memref<32768xf32, #tpu.memory_space<vmem>>[vector<16xi32>], vector<16xf32>, vector<16xi1>
      %parallel_loop3A_443 = arith.constant 64 : i32
      %parallel_loop3A_444 = arith.addi %parallel_loop3A_330, %parallel_loop3A_443 : i32
      %parallel_loop3A_445 = arith.constant 0 : i32
      %parallel_loop3A_446 = arith.index_cast %parallel_loop3A_445 : i32 to index
      %parallel_loop3A_447 = arith.index_cast %parallel_loop3A_326 : i32 to index
      %parallel_loop3A_448 = arith.index_cast %parallel_loop3A_444 : i32 to index
      %parallel_loop3A_449 = tpu.vector_load %arg6[%parallel_loop3A_446, %parallel_loop3A_447, %parallel_loop3A_448] {strides = array<i32>} : memref<2x32x512xf32, #tpu.memory_space<vmem>>, vector<16xf32>,
      %parallel_loop3A_450 = arith.constant 64 : i32
      %parallel_loop3A_451 = arith.addi %parallel_loop3A_330, %parallel_loop3A_450 : i32
      %parallel_loop3A_452 = arith.constant 0 : i32
      %parallel_loop3A_453 = arith.index_cast %parallel_loop3A_452 : i32 to index
      %parallel_loop3A_454 = arith.index_cast %parallel_loop3A_326 : i32 to index
      %parallel_loop3A_455 = arith.index_cast %parallel_loop3A_451 : i32 to index
      %parallel_loop3A_456 = tpu.vector_load %arg7[%parallel_loop3A_453, %parallel_loop3A_454, %parallel_loop3A_455] {strides = array<i32>} : memref<2x32x512xi32, #tpu.memory_space<vmem>>, vector<16xi32>,
      %parallel_loop3A_457 = arith.sitofp %parallel_loop3A_456 : vector<16xi32> to vector<16xf32>
      %parallel_loop3A_458 = arith.mulf %parallel_loop3A_449, %parallel_loop3A_457 : vector<16xf32>
      %parallel_loop3A_459 = arith.addf %parallel_loop3A_321, %parallel_loop3A_458 : vector<16xf32>
      %parallel_loop3A_460 = arith.constant 2.048000e+03 : f32
      %parallel_loop3A_461 = vector.broadcast %parallel_loop3A_460 : f32 to vector<16xf32>
      %parallel_loop3A_462 = arith.mulf %parallel_loop3A_449, %parallel_loop3A_461 : vector<16xf32>
      %parallel_loop3A_463 = arith.constant 2.047000e+03 : f32
      %parallel_loop3A_464 = vector.broadcast %parallel_loop3A_463 : f32 to vector<16xf32>
      %parallel_loop3A_465 = arith.minimumf %parallel_loop3A_462, %parallel_loop3A_464 : vector<16xf32>
      %parallel_loop3A_466 = arith.fptosi %parallel_loop3A_465 : vector<16xf32> to vector<16xi32>
      %parallel_loop3A_467 = arith.addi %mul3A_38, %parallel_loop3A_466 : vector<16xi32>
      %parallel_loop3A_468 = arith.constant 0 : i32
      %parallel_loop3A_469 = vector.broadcast %parallel_loop3A_468 : i32 to vector<16xi32>
      %parallel_loop3A_470 = arith.cmpi eq, %parallel_loop3A_456, %parallel_loop3A_469 : vector<16xi32>
      tpu.vector_store_idx %arg8[%parallel_loop3A_467], %broadcast_in_dim3A_35 masked %parallel_loop3A_470 {add = true} : memref<32768xf32, #tpu.memory_space<vmem>>[vector<16xi32>], vector<16xf32>, vector<16xi1>
      %parallel_loop3A_471 = arith.constant 80 : i32
      %parallel_loop3A_472 = arith.addi %parallel_loop3A_330, %parallel_loop3A_471 : i32
      %parallel_loop3A_473 = arith.constant 0 : i32
      %parallel_loop3A_474 = arith.index_cast %parallel_loop3A_473 : i32 to index
      %parallel_loop3A_475 = arith.index_cast %parallel_loop3A_326 : i32 to index
      %parallel_loop3A_476 = arith.index_cast %parallel_loop3A_472 : i32 to index
      %parallel_loop3A_477 = tpu.vector_load %arg6[%parallel_loop3A_474, %parallel_loop3A_475, %parallel_loop3A_476] {strides = array<i32>} : memref<2x32x512xf32, #tpu.memory_space<vmem>>, vector<16xf32>,
      %parallel_loop3A_478 = arith.constant 80 : i32
      %parallel_loop3A_479 = arith.addi %parallel_loop3A_330, %parallel_loop3A_478 : i32
      %parallel_loop3A_480 = arith.constant 0 : i32
      %parallel_loop3A_481 = arith.index_cast %parallel_loop3A_480 : i32 to index
      %parallel_loop3A_482 = arith.index_cast %parallel_loop3A_326 : i32 to index
      %parallel_loop3A_483 = arith.index_cast %parallel_loop3A_479 : i32 to index
      %parallel_loop3A_484 = tpu.vector_load %arg7[%parallel_loop3A_481, %parallel_loop3A_482, %parallel_loop3A_483] {strides = array<i32>} : memref<2x32x512xi32, #tpu.memory_space<vmem>>, vector<16xi32>,
      %parallel_loop3A_485 = arith.sitofp %parallel_loop3A_484 : vector<16xi32> to vector<16xf32>
      %parallel_loop3A_486 = arith.mulf %parallel_loop3A_477, %parallel_loop3A_485 : vector<16xf32>
      %parallel_loop3A_487 = arith.addf %parallel_loop3A_322, %parallel_loop3A_486 : vector<16xf32>
      %parallel_loop3A_488 = arith.constant 2.048000e+03 : f32
      %parallel_loop3A_489 = vector.broadcast %parallel_loop3A_488 : f32 to vector<16xf32>
      %parallel_loop3A_490 = arith.mulf %parallel_loop3A_477, %parallel_loop3A_489 : vector<16xf32>
      %parallel_loop3A_491 = arith.constant 2.047000e+03 : f32
      %parallel_loop3A_492 = vector.broadcast %parallel_loop3A_491 : f32 to vector<16xf32>
      %parallel_loop3A_493 = arith.minimumf %parallel_loop3A_490, %parallel_loop3A_492 : vector<16xf32>
      %parallel_loop3A_494 = arith.fptosi %parallel_loop3A_493 : vector<16xf32> to vector<16xi32>
      %parallel_loop3A_495 = arith.addi %mul3A_38, %parallel_loop3A_494 : vector<16xi32>
      %parallel_loop3A_496 = arith.constant 0 : i32
      %parallel_loop3A_497 = vector.broadcast %parallel_loop3A_496 : i32 to vector<16xi32>
      %parallel_loop3A_498 = arith.cmpi eq, %parallel_loop3A_484, %parallel_loop3A_497 : vector<16xi32>
      tpu.vector_store_idx %arg8[%parallel_loop3A_495], %broadcast_in_dim3A_35 masked %parallel_loop3A_498 {add = true} : memref<32768xf32, #tpu.memory_space<vmem>>[vector<16xi32>], vector<16xf32>, vector<16xi1>
      %parallel_loop3A_499 = arith.constant 96 : i32
      %parallel_loop3A_500 = arith.addi %parallel_loop3A_330, %parallel_loop3A_499 : i32
      %parallel_loop3A_501 = arith.constant 0 : i32
      %parallel_loop3A_502 = arith.index_cast %parallel_loop3A_501 : i32 to index
      %parallel_loop3A_503 = arith.index_cast %parallel_loop3A_326 : i32 to index
      %parallel_loop3A_504 = arith.index_cast %parallel_loop3A_500 : i32 to index
      %parallel_loop3A_505 = tpu.vector_load %arg6[%parallel_loop3A_502, %parallel_loop3A_503, %parallel_loop3A_504] {strides = array<i32>} : memref<2x32x512xf32, #tpu.memory_space<vmem>>, vector<16xf32>,
      %parallel_loop3A_506 = arith.constant 96 : i32
      %parallel_loop3A_507 = arith.addi %parallel_loop3A_330, %parallel_loop3A_506 : i32
      %parallel_loop3A_508 = arith.constant 0 : i32
      %parallel_loop3A_509 = arith.index_cast %parallel_loop3A_508 : i32 to index
      %parallel_loop3A_510 = arith.index_cast %parallel_loop3A_326 : i32 to index
      %parallel_loop3A_511 = arith.index_cast %parallel_loop3A_507 : i32 to index
      %parallel_loop3A_512 = tpu.vector_load %arg7[%parallel_loop3A_509, %parallel_loop3A_510, %parallel_loop3A_511] {strides = array<i32>} : memref<2x32x512xi32, #tpu.memory_space<vmem>>, vector<16xi32>,
      %parallel_loop3A_513 = arith.sitofp %parallel_loop3A_512 : vector<16xi32> to vector<16xf32>
      %parallel_loop3A_514 = arith.mulf %parallel_loop3A_505, %parallel_loop3A_513 : vector<16xf32>
      %parallel_loop3A_515 = arith.addf %parallel_loop3A_323, %parallel_loop3A_514 : vector<16xf32>
      %parallel_loop3A_516 = arith.constant 2.048000e+03 : f32
      %parallel_loop3A_517 = vector.broadcast %parallel_loop3A_516 : f32 to vector<16xf32>
      %parallel_loop3A_518 = arith.mulf %parallel_loop3A_505, %parallel_loop3A_517 : vector<16xf32>
      %parallel_loop3A_519 = arith.constant 2.047000e+03 : f32
      %parallel_loop3A_520 = vector.broadcast %parallel_loop3A_519 : f32 to vector<16xf32>
      %parallel_loop3A_521 = arith.minimumf %parallel_loop3A_518, %parallel_loop3A_520 : vector<16xf32>
      %parallel_loop3A_522 = arith.fptosi %parallel_loop3A_521 : vector<16xf32> to vector<16xi32>
      %parallel_loop3A_523 = arith.addi %mul3A_38, %parallel_loop3A_522 : vector<16xi32>
      %parallel_loop3A_524 = arith.constant 0 : i32
      %parallel_loop3A_525 = vector.broadcast %parallel_loop3A_524 : i32 to vector<16xi32>
      %parallel_loop3A_526 = arith.cmpi eq, %parallel_loop3A_512, %parallel_loop3A_525 : vector<16xi32>
      tpu.vector_store_idx %arg8[%parallel_loop3A_523], %broadcast_in_dim3A_35 masked %parallel_loop3A_526 {add = true} : memref<32768xf32, #tpu.memory_space<vmem>>[vector<16xi32>], vector<16xf32>, vector<16xi1>
      %parallel_loop3A_527 = arith.constant 112 : i32
      %parallel_loop3A_528 = arith.addi %parallel_loop3A_330, %parallel_loop3A_527 : i32
      %parallel_loop3A_529 = arith.constant 0 : i32
      %parallel_loop3A_530 = arith.index_cast %parallel_loop3A_529 : i32 to index
      %parallel_loop3A_531 = arith.index_cast %parallel_loop3A_326 : i32 to index
      %parallel_loop3A_532 = arith.index_cast %parallel_loop3A_528 : i32 to index
      %parallel_loop3A_533 = tpu.vector_load %arg6[%parallel_loop3A_530, %parallel_loop3A_531, %parallel_loop3A_532] {strides = array<i32>} : memref<2x32x512xf32, #tpu.memory_space<vmem>>, vector<16xf32>,
      %parallel_loop3A_534 = arith.constant 112 : i32
      %parallel_loop3A_535 = arith.addi %parallel_loop3A_330, %parallel_loop3A_534 : i32
      %parallel_loop3A_536 = arith.constant 0 : i32
      %parallel_loop3A_537 = arith.index_cast %parallel_loop3A_536 : i32 to index
      %parallel_loop3A_538 = arith.index_cast %parallel_loop3A_326 : i32 to index
      %parallel_loop3A_539 = arith.index_cast %parallel_loop3A_535 : i32 to index
      %parallel_loop3A_540 = tpu.vector_load %arg7[%parallel_loop3A_537, %parallel_loop3A_538, %parallel_loop3A_539] {strides = array<i32>} : memref<2x32x512xi32, #tpu.memory_space<vmem>>, vector<16xi32>,
      %parallel_loop3A_541 = arith.sitofp %parallel_loop3A_540 : vector<16xi32> to vector<16xf32>
      %parallel_loop3A_542 = arith.mulf %parallel_loop3A_533, %parallel_loop3A_541 : vector<16xf32>
      %parallel_loop3A_543 = arith.addf %parallel_loop3A_324, %parallel_loop3A_542 : vector<16xf32>
      %parallel_loop3A_544 = arith.constant 2.048000e+03 : f32
      %parallel_loop3A_545 = vector.broadcast %parallel_loop3A_544 : f32 to vector<16xf32>
      %parallel_loop3A_546 = arith.mulf %parallel_loop3A_533, %parallel_loop3A_545 : vector<16xf32>
      %parallel_loop3A_547 = arith.constant 2.047000e+03 : f32
      %parallel_loop3A_548 = vector.broadcast %parallel_loop3A_547 : f32 to vector<16xf32>
      %parallel_loop3A_549 = arith.minimumf %parallel_loop3A_546, %parallel_loop3A_548 : vector<16xf32>
      %parallel_loop3A_550 = arith.fptosi %parallel_loop3A_549 : vector<16xf32> to vector<16xi32>
      %parallel_loop3A_551 = arith.addi %mul3A_38, %parallel_loop3A_550 : vector<16xi32>
      %parallel_loop3A_552 = arith.constant 0 : i32
      %parallel_loop3A_553 = vector.broadcast %parallel_loop3A_552 : i32 to vector<16xi32>
      %parallel_loop3A_554 = arith.cmpi eq, %parallel_loop3A_540, %parallel_loop3A_553 : vector<16xi32>
      tpu.vector_store_idx %arg8[%parallel_loop3A_551], %broadcast_in_dim3A_35 masked %parallel_loop3A_554 {add = true} : memref<32768xf32, #tpu.memory_space<vmem>>[vector<16xi32>], vector<16xf32>, vector<16xi1>
      scf.yield %parallel_loop3A_347, %parallel_loop3A_375, %parallel_loop3A_403, %parallel_loop3A_431, %parallel_loop3A_459, %parallel_loop3A_487, %parallel_loop3A_515, %parallel_loop3A_543 : vector<16xf32>, vector<16xf32>, vector<16xf32>, vector<16xf32>, vector<16xf32>, vector<16xf32>, vector<16xf32>, vector<16xf32>
    } {sc.loop_unroll_factor = 1 : i64, sc.parallel_access}
    %dma_wait3A_269 = arith.constant 1 : i32
    %dma_wait3A_270 = arith.constant 0 : i32
    %dma_wait3A_271 = arith.constant 0 : i32
    %dma_wait3A_272 = tpu.memref_slice %arg6[%dma_wait3A_269, %dma_wait3A_270, %dma_wait3A_271] : memref<2x32x512xf32, #tpu.memory_space<vmem>> -> memref<1x32x512xf32, #tpu.memory_space<vmem>>
    %dma_wait3A_273 = tpu.memref_squeeze %dma_wait3A_272 : memref<1x32x512xf32, #tpu.memory_space<vmem>> -> memref<32x512xf32, #tpu.memory_space<vmem>>
    %dma_wait3A_274 = arith.constant 0 : i32
    %dma_wait3A_275 = tpu.memref_slice %arg2[%select_n3A, %add3A_234, %dma_wait3A_274] : memref<8x512x512xf32, #tpu.memory_space<hbm>> -> memref<1x32x512xf32, #tpu.memory_space<hbm>>
    %dma_wait3A_276 = tpu.memref_squeeze %dma_wait3A_275 : memref<1x32x512xf32, #tpu.memory_space<hbm>> -> memref<32x512xf32, #tpu.memory_space<hbm>>
    %dma_wait3A_277 = arith.constant 0 : i32
    %dma_wait3A_278 = arith.constant 0 : i32
    %dma_wait3A_279 = tpu.memref_slice %arg6[%dma_wait3A_269, %dma_wait3A_277, %dma_wait3A_278] : memref<2x32x512xf32, #tpu.memory_space<vmem>> -> memref<1x32x512xf32, #tpu.memory_space<vmem>>
    %dma_wait3A_280 = tpu.memref_squeeze %dma_wait3A_279 : memref<1x32x512xf32, #tpu.memory_space<vmem>> -> memref<32x512xf32, #tpu.memory_space<vmem>>
    %dma_wait3A_281 = arith.constant 0 : i32
    %dma_wait3A_282 = tpu.memref_slice %arg2[%select_n3A, %add3A_234, %dma_wait3A_281] : memref<8x512x512xf32, #tpu.memory_space<hbm>> -> memref<1x32x512xf32, #tpu.memory_space<hbm>>
    %dma_wait3A_283 = tpu.memref_squeeze %dma_wait3A_282 : memref<1x32x512xf32, #tpu.memory_space<hbm>> -> memref<32x512xf32, #tpu.memory_space<hbm>>
    tpu.wait_dma2 semaphore(%arg12 : memref<!tpu.dma_semaphore, #tpu.memory_space<semaphore_mem>>) src(%dma_wait3A_283 : memref<32x512xf32, #tpu.memory_space<hbm>>) dst(%dma_wait3A_280 : memref<32x512xf32, #tpu.memory_space<vmem>>)
    %dma_wait3A_284 = arith.constant 1 : i32
    %dma_wait3A_285 = arith.constant 0 : i32
    %dma_wait3A_286 = arith.constant 0 : i32
    %dma_wait3A_287 = tpu.memref_slice %arg7[%dma_wait3A_284, %dma_wait3A_285, %dma_wait3A_286] : memref<2x32x512xi32, #tpu.memory_space<vmem>> -> memref<1x32x512xi32, #tpu.memory_space<vmem>>
    %dma_wait3A_288 = tpu.memref_squeeze %dma_wait3A_287 : memref<1x32x512xi32, #tpu.memory_space<vmem>> -> memref<32x512xi32, #tpu.memory_space<vmem>>
    %dma_wait3A_289 = arith.constant 0 : i32
    %dma_wait3A_290 = tpu.memref_slice %arg3[%select_n3A, %add3A_234, %dma_wait3A_289] : memref<8x512x512xi32, #tpu.memory_space<hbm>> -> memref<1x32x512xi32, #tpu.memory_space<hbm>>
    %dma_wait3A_291 = tpu.memref_squeeze %dma_wait3A_290 : memref<1x32x512xi32, #tpu.memory_space<hbm>> -> memref<32x512xi32, #tpu.memory_space<hbm>>
    %dma_wait3A_292 = arith.constant 0 : i32
    %dma_wait3A_293 = arith.constant 0 : i32
    %dma_wait3A_294 = tpu.memref_slice %arg7[%dma_wait3A_284, %dma_wait3A_292, %dma_wait3A_293] : memref<2x32x512xi32, #tpu.memory_space<vmem>> -> memref<1x32x512xi32, #tpu.memory_space<vmem>>
    %dma_wait3A_295 = tpu.memref_squeeze %dma_wait3A_294 : memref<1x32x512xi32, #tpu.memory_space<vmem>> -> memref<32x512xi32, #tpu.memory_space<vmem>>
    %dma_wait3A_296 = arith.constant 0 : i32
    %dma_wait3A_297 = tpu.memref_slice %arg3[%select_n3A, %add3A_234, %dma_wait3A_296] : memref<8x512x512xi32, #tpu.memory_space<hbm>> -> memref<1x32x512xi32, #tpu.memory_space<hbm>>
    %dma_wait3A_298 = tpu.memref_squeeze %dma_wait3A_297 : memref<1x32x512xi32, #tpu.memory_space<hbm>> -> memref<32x512xi32, #tpu.memory_space<hbm>>
    tpu.wait_dma2 semaphore(%arg14 : memref<!tpu.dma_semaphore, #tpu.memory_space<semaphore_mem>>) src(%dma_wait3A_298 : memref<32x512xi32, #tpu.memory_space<hbm>>) dst(%dma_wait3A_295 : memref<32x512xi32, #tpu.memory_space<vmem>>)
    %parallel_loop3A_299 = arith.constant 0 : i32
    %parallel_loop3A_300 = arith.constant 1024 : i32
    %parallel_loop3A_301 = arith.constant 8 : i32
    %parallel_loop3A_302:8 = scf.for %parallel_loop3A_316 = %parallel_loop3A_299 to %parallel_loop3A_300 step %parallel_loop3A_301 iter_args(%parallel_loop3A_317 = %parallel_loop3A_268#0, %parallel_loop3A_318 = %parallel_loop3A_268#1, %parallel_loop3A_319 = %parallel_loop3A_268#2, %parallel_loop3A_320 = %parallel_loop3A_268#3, %parallel_loop3A_321 = %parallel_loop3A_268#4, %parallel_loop3A_322 = %parallel_loop3A_268#5, %parallel_loop3A_323 = %parallel_loop3A_268#6, %parallel_loop3A_324 = %parallel_loop3A_268#7) -> (vector<16xf32>, vector<16xf32>, vector<16xf32>, vector<16xf32>, vector<16xf32>, vector<16xf32>, vector<16xf32>, vector<16xf32>)  : i32 {
      %parallel_loop3A_325 = arith.constant 5 : i32
      %parallel_loop3A_326 = arith.shrsi %parallel_loop3A_316, %parallel_loop3A_325 : i32
      %parallel_loop3A_327 = arith.constant 31 : i32
      %parallel_loop3A_328 = arith.andi %parallel_loop3A_316, %parallel_loop3A_327 : i32
      %parallel_loop3A_329 = arith.constant 16 : i32
      %parallel_loop3A_330 = arith.muli %parallel_loop3A_328, %parallel_loop3A_329 : i32
      %parallel_loop3A_331 = arith.constant 0 : i32
      %parallel_loop3A_332 = arith.addi %parallel_loop3A_330, %parallel_loop3A_331 : i32
      %parallel_loop3A_333 = arith.constant 1 : i32
      %parallel_loop3A_334 = arith.index_cast %parallel_loop3A_333 : i32 to index
      %parallel_loop3A_335 = arith.index_cast %parallel_loop3A_326 : i32 to index
      %parallel_loop3A_336 = arith.index_cast %parallel_loop3A_332 : i32 to index
      %parallel_loop3A_337 = tpu.vector_load %arg6[%parallel_loop3A_334, %parallel_loop3A_335, %parallel_loop3A_336] {strides = array<i32>} : memref<2x32x512xf32, #tpu.memory_space<vmem>>, vector<16xf32>,
      %parallel_loop3A_338 = arith.constant 0 : i32
      %parallel_loop3A_339 = arith.addi %parallel_loop3A_330, %parallel_loop3A_338 : i32
      %parallel_loop3A_340 = arith.constant 1 : i32
      %parallel_loop3A_341 = arith.index_cast %parallel_loop3A_340 : i32 to index
      %parallel_loop3A_342 = arith.index_cast %parallel_loop3A_326 : i32 to index
      %parallel_loop3A_343 = arith.index_cast %parallel_loop3A_339 : i32 to index
      %parallel_loop3A_344 = tpu.vector_load %arg7[%parallel_loop3A_341, %parallel_loop3A_342, %parallel_loop3A_343] {strides = array<i32>} : memref<2x32x512xi32, #tpu.memory_space<vmem>>, vector<16xi32>,
      %parallel_loop3A_345 = arith.sitofp %parallel_loop3A_344 : vector<16xi32> to vector<16xf32>
      %parallel_loop3A_346 = arith.mulf %parallel_loop3A_337, %parallel_loop3A_345 : vector<16xf32>
      %parallel_loop3A_347 = arith.addf %parallel_loop3A_317, %parallel_loop3A_346 : vector<16xf32>
      %parallel_loop3A_348 = arith.constant 2.048000e+03 : f32
      %parallel_loop3A_349 = vector.broadcast %parallel_loop3A_348 : f32 to vector<16xf32>
      %parallel_loop3A_350 = arith.mulf %parallel_loop3A_337, %parallel_loop3A_349 : vector<16xf32>
      %parallel_loop3A_351 = arith.constant 2.047000e+03 : f32
      %parallel_loop3A_352 = vector.broadcast %parallel_loop3A_351 : f32 to vector<16xf32>
      %parallel_loop3A_353 = arith.minimumf %parallel_loop3A_350, %parallel_loop3A_352 : vector<16xf32>
      %parallel_loop3A_354 = arith.fptosi %parallel_loop3A_353 : vector<16xf32> to vector<16xi32>
      %parallel_loop3A_355 = arith.addi %mul3A_38, %parallel_loop3A_354 : vector<16xi32>
      %parallel_loop3A_356 = arith.constant 0 : i32
      %parallel_loop3A_357 = vector.broadcast %parallel_loop3A_356 : i32 to vector<16xi32>
      %parallel_loop3A_358 = arith.cmpi eq, %parallel_loop3A_344, %parallel_loop3A_357 : vector<16xi32>
      tpu.vector_store_idx %arg8[%parallel_loop3A_355], %broadcast_in_dim3A_35 masked %parallel_loop3A_358 {add = true} : memref<32768xf32, #tpu.memory_space<vmem>>[vector<16xi32>], vector<16xf32>, vector<16xi1>
      %parallel_loop3A_359 = arith.constant 16 : i32
      %parallel_loop3A_360 = arith.addi %parallel_loop3A_330, %parallel_loop3A_359 : i32
      %parallel_loop3A_361 = arith.constant 1 : i32
      %parallel_loop3A_362 = arith.index_cast %parallel_loop3A_361 : i32 to index
      %parallel_loop3A_363 = arith.index_cast %parallel_loop3A_326 : i32 to index
      %parallel_loop3A_364 = arith.index_cast %parallel_loop3A_360 : i32 to index
      %parallel_loop3A_365 = tpu.vector_load %arg6[%parallel_loop3A_362, %parallel_loop3A_363, %parallel_loop3A_364] {strides = array<i32>} : memref<2x32x512xf32, #tpu.memory_space<vmem>>, vector<16xf32>,
      %parallel_loop3A_366 = arith.constant 16 : i32
      %parallel_loop3A_367 = arith.addi %parallel_loop3A_330, %parallel_loop3A_366 : i32
      %parallel_loop3A_368 = arith.constant 1 : i32
      %parallel_loop3A_369 = arith.index_cast %parallel_loop3A_368 : i32 to index
      %parallel_loop3A_370 = arith.index_cast %parallel_loop3A_326 : i32 to index
      %parallel_loop3A_371 = arith.index_cast %parallel_loop3A_367 : i32 to index
      %parallel_loop3A_372 = tpu.vector_load %arg7[%parallel_loop3A_369, %parallel_loop3A_370, %parallel_loop3A_371] {strides = array<i32>} : memref<2x32x512xi32, #tpu.memory_space<vmem>>, vector<16xi32>,
      %parallel_loop3A_373 = arith.sitofp %parallel_loop3A_372 : vector<16xi32> to vector<16xf32>
      %parallel_loop3A_374 = arith.mulf %parallel_loop3A_365, %parallel_loop3A_373 : vector<16xf32>
      %parallel_loop3A_375 = arith.addf %parallel_loop3A_318, %parallel_loop3A_374 : vector<16xf32>
      %parallel_loop3A_376 = arith.constant 2.048000e+03 : f32
      %parallel_loop3A_377 = vector.broadcast %parallel_loop3A_376 : f32 to vector<16xf32>
      %parallel_loop3A_378 = arith.mulf %parallel_loop3A_365, %parallel_loop3A_377 : vector<16xf32>
      %parallel_loop3A_379 = arith.constant 2.047000e+03 : f32
      %parallel_loop3A_380 = vector.broadcast %parallel_loop3A_379 : f32 to vector<16xf32>
      %parallel_loop3A_381 = arith.minimumf %parallel_loop3A_378, %parallel_loop3A_380 : vector<16xf32>
      %parallel_loop3A_382 = arith.fptosi %parallel_loop3A_381 : vector<16xf32> to vector<16xi32>
      %parallel_loop3A_383 = arith.addi %mul3A_38, %parallel_loop3A_382 : vector<16xi32>
      %parallel_loop3A_384 = arith.constant 0 : i32
      %parallel_loop3A_385 = vector.broadcast %parallel_loop3A_384 : i32 to vector<16xi32>
      %parallel_loop3A_386 = arith.cmpi eq, %parallel_loop3A_372, %parallel_loop3A_385 : vector<16xi32>
      tpu.vector_store_idx %arg8[%parallel_loop3A_383], %broadcast_in_dim3A_35 masked %parallel_loop3A_386 {add = true} : memref<32768xf32, #tpu.memory_space<vmem>>[vector<16xi32>], vector<16xf32>, vector<16xi1>
      %parallel_loop3A_387 = arith.constant 32 : i32
      %parallel_loop3A_388 = arith.addi %parallel_loop3A_330, %parallel_loop3A_387 : i32
      %parallel_loop3A_389 = arith.constant 1 : i32
      %parallel_loop3A_390 = arith.index_cast %parallel_loop3A_389 : i32 to index
      %parallel_loop3A_391 = arith.index_cast %parallel_loop3A_326 : i32 to index
      %parallel_loop3A_392 = arith.index_cast %parallel_loop3A_388 : i32 to index
      %parallel_loop3A_393 = tpu.vector_load %arg6[%parallel_loop3A_390, %parallel_loop3A_391, %parallel_loop3A_392] {strides = array<i32>} : memref<2x32x512xf32, #tpu.memory_space<vmem>>, vector<16xf32>,
      %parallel_loop3A_394 = arith.constant 32 : i32
      %parallel_loop3A_395 = arith.addi %parallel_loop3A_330, %parallel_loop3A_394 : i32
      %parallel_loop3A_396 = arith.constant 1 : i32
      %parallel_loop3A_397 = arith.index_cast %parallel_loop3A_396 : i32 to index
      %parallel_loop3A_398 = arith.index_cast %parallel_loop3A_326 : i32 to index
      %parallel_loop3A_399 = arith.index_cast %parallel_loop3A_395 : i32 to index
      %parallel_loop3A_400 = tpu.vector_load %arg7[%parallel_loop3A_397, %parallel_loop3A_398, %parallel_loop3A_399] {strides = array<i32>} : memref<2x32x512xi32, #tpu.memory_space<vmem>>, vector<16xi32>,
      %parallel_loop3A_401 = arith.sitofp %parallel_loop3A_400 : vector<16xi32> to vector<16xf32>
      %parallel_loop3A_402 = arith.mulf %parallel_loop3A_393, %parallel_loop3A_401 : vector<16xf32>
      %parallel_loop3A_403 = arith.addf %parallel_loop3A_319, %parallel_loop3A_402 : vector<16xf32>
      %parallel_loop3A_404 = arith.constant 2.048000e+03 : f32
      %parallel_loop3A_405 = vector.broadcast %parallel_loop3A_404 : f32 to vector<16xf32>
      %parallel_loop3A_406 = arith.mulf %parallel_loop3A_393, %parallel_loop3A_405 : vector<16xf32>
      %parallel_loop3A_407 = arith.constant 2.047000e+03 : f32
      %parallel_loop3A_408 = vector.broadcast %parallel_loop3A_407 : f32 to vector<16xf32>
      %parallel_loop3A_409 = arith.minimumf %parallel_loop3A_406, %parallel_loop3A_408 : vector<16xf32>
      %parallel_loop3A_410 = arith.fptosi %parallel_loop3A_409 : vector<16xf32> to vector<16xi32>
      %parallel_loop3A_411 = arith.addi %mul3A_38, %parallel_loop3A_410 : vector<16xi32>
      %parallel_loop3A_412 = arith.constant 0 : i32
      %parallel_loop3A_413 = vector.broadcast %parallel_loop3A_412 : i32 to vector<16xi32>
      %parallel_loop3A_414 = arith.cmpi eq, %parallel_loop3A_400, %parallel_loop3A_413 : vector<16xi32>
      tpu.vector_store_idx %arg8[%parallel_loop3A_411], %broadcast_in_dim3A_35 masked %parallel_loop3A_414 {add = true} : memref<32768xf32, #tpu.memory_space<vmem>>[vector<16xi32>], vector<16xf32>, vector<16xi1>
      %parallel_loop3A_415 = arith.constant 48 : i32
      %parallel_loop3A_416 = arith.addi %parallel_loop3A_330, %parallel_loop3A_415 : i32
      %parallel_loop3A_417 = arith.constant 1 : i32
      %parallel_loop3A_418 = arith.index_cast %parallel_loop3A_417 : i32 to index
      %parallel_loop3A_419 = arith.index_cast %parallel_loop3A_326 : i32 to index
      %parallel_loop3A_420 = arith.index_cast %parallel_loop3A_416 : i32 to index
      %parallel_loop3A_421 = tpu.vector_load %arg6[%parallel_loop3A_418, %parallel_loop3A_419, %parallel_loop3A_420] {strides = array<i32>} : memref<2x32x512xf32, #tpu.memory_space<vmem>>, vector<16xf32>,
      %parallel_loop3A_422 = arith.constant 48 : i32
      %parallel_loop3A_423 = arith.addi %parallel_loop3A_330, %parallel_loop3A_422 : i32
      %parallel_loop3A_424 = arith.constant 1 : i32
      %parallel_loop3A_425 = arith.index_cast %parallel_loop3A_424 : i32 to index
      %parallel_loop3A_426 = arith.index_cast %parallel_loop3A_326 : i32 to index
      %parallel_loop3A_427 = arith.index_cast %parallel_loop3A_423 : i32 to index
      %parallel_loop3A_428 = tpu.vector_load %arg7[%parallel_loop3A_425, %parallel_loop3A_426, %parallel_loop3A_427] {strides = array<i32>} : memref<2x32x512xi32, #tpu.memory_space<vmem>>, vector<16xi32>,
      %parallel_loop3A_429 = arith.sitofp %parallel_loop3A_428 : vector<16xi32> to vector<16xf32>
      %parallel_loop3A_430 = arith.mulf %parallel_loop3A_421, %parallel_loop3A_429 : vector<16xf32>
      %parallel_loop3A_431 = arith.addf %parallel_loop3A_320, %parallel_loop3A_430 : vector<16xf32>
      %parallel_loop3A_432 = arith.constant 2.048000e+03 : f32
      %parallel_loop3A_433 = vector.broadcast %parallel_loop3A_432 : f32 to vector<16xf32>
      %parallel_loop3A_434 = arith.mulf %parallel_loop3A_421, %parallel_loop3A_433 : vector<16xf32>
      %parallel_loop3A_435 = arith.constant 2.047000e+03 : f32
      %parallel_loop3A_436 = vector.broadcast %parallel_loop3A_435 : f32 to vector<16xf32>
      %parallel_loop3A_437 = arith.minimumf %parallel_loop3A_434, %parallel_loop3A_436 : vector<16xf32>
      %parallel_loop3A_438 = arith.fptosi %parallel_loop3A_437 : vector<16xf32> to vector<16xi32>
      %parallel_loop3A_439 = arith.addi %mul3A_38, %parallel_loop3A_438 : vector<16xi32>
      %parallel_loop3A_440 = arith.constant 0 : i32
      %parallel_loop3A_441 = vector.broadcast %parallel_loop3A_440 : i32 to vector<16xi32>
      %parallel_loop3A_442 = arith.cmpi eq, %parallel_loop3A_428, %parallel_loop3A_441 : vector<16xi32>
      tpu.vector_store_idx %arg8[%parallel_loop3A_439], %broadcast_in_dim3A_35 masked %parallel_loop3A_442 {add = true} : memref<32768xf32, #tpu.memory_space<vmem>>[vector<16xi32>], vector<16xf32>, vector<16xi1>
      %parallel_loop3A_443 = arith.constant 64 : i32
      %parallel_loop3A_444 = arith.addi %parallel_loop3A_330, %parallel_loop3A_443 : i32
      %parallel_loop3A_445 = arith.constant 1 : i32
      %parallel_loop3A_446 = arith.index_cast %parallel_loop3A_445 : i32 to index
      %parallel_loop3A_447 = arith.index_cast %parallel_loop3A_326 : i32 to index
      %parallel_loop3A_448 = arith.index_cast %parallel_loop3A_444 : i32 to index
      %parallel_loop3A_449 = tpu.vector_load %arg6[%parallel_loop3A_446, %parallel_loop3A_447, %parallel_loop3A_448] {strides = array<i32>} : memref<2x32x512xf32, #tpu.memory_space<vmem>>, vector<16xf32>,
      %parallel_loop3A_450 = arith.constant 64 : i32
      %parallel_loop3A_451 = arith.addi %parallel_loop3A_330, %parallel_loop3A_450 : i32
      %parallel_loop3A_452 = arith.constant 1 : i32
      %parallel_loop3A_453 = arith.index_cast %parallel_loop3A_452 : i32 to index
      %parallel_loop3A_454 = arith.index_cast %parallel_loop3A_326 : i32 to index
      %parallel_loop3A_455 = arith.index_cast %parallel_loop3A_451 : i32 to index
      %parallel_loop3A_456 = tpu.vector_load %arg7[%parallel_loop3A_453, %parallel_loop3A_454, %parallel_loop3A_455] {strides = array<i32>} : memref<2x32x512xi32, #tpu.memory_space<vmem>>, vector<16xi32>,
      %parallel_loop3A_457 = arith.sitofp %parallel_loop3A_456 : vector<16xi32> to vector<16xf32>
      %parallel_loop3A_458 = arith.mulf %parallel_loop3A_449, %parallel_loop3A_457 : vector<16xf32>
      %parallel_loop3A_459 = arith.addf %parallel_loop3A_321, %parallel_loop3A_458 : vector<16xf32>
      %parallel_loop3A_460 = arith.constant 2.048000e+03 : f32
      %parallel_loop3A_461 = vector.broadcast %parallel_loop3A_460 : f32 to vector<16xf32>
      %parallel_loop3A_462 = arith.mulf %parallel_loop3A_449, %parallel_loop3A_461 : vector<16xf32>
      %parallel_loop3A_463 = arith.constant 2.047000e+03 : f32
      %parallel_loop3A_464 = vector.broadcast %parallel_loop3A_463 : f32 to vector<16xf32>
      %parallel_loop3A_465 = arith.minimumf %parallel_loop3A_462, %parallel_loop3A_464 : vector<16xf32>
      %parallel_loop3A_466 = arith.fptosi %parallel_loop3A_465 : vector<16xf32> to vector<16xi32>
      %parallel_loop3A_467 = arith.addi %mul3A_38, %parallel_loop3A_466 : vector<16xi32>
      %parallel_loop3A_468 = arith.constant 0 : i32
      %parallel_loop3A_469 = vector.broadcast %parallel_loop3A_468 : i32 to vector<16xi32>
      %parallel_loop3A_470 = arith.cmpi eq, %parallel_loop3A_456, %parallel_loop3A_469 : vector<16xi32>
      tpu.vector_store_idx %arg8[%parallel_loop3A_467], %broadcast_in_dim3A_35 masked %parallel_loop3A_470 {add = true} : memref<32768xf32, #tpu.memory_space<vmem>>[vector<16xi32>], vector<16xf32>, vector<16xi1>
      %parallel_loop3A_471 = arith.constant 80 : i32
      %parallel_loop3A_472 = arith.addi %parallel_loop3A_330, %parallel_loop3A_471 : i32
      %parallel_loop3A_473 = arith.constant 1 : i32
      %parallel_loop3A_474 = arith.index_cast %parallel_loop3A_473 : i32 to index
      %parallel_loop3A_475 = arith.index_cast %parallel_loop3A_326 : i32 to index
      %parallel_loop3A_476 = arith.index_cast %parallel_loop3A_472 : i32 to index
      %parallel_loop3A_477 = tpu.vector_load %arg6[%parallel_loop3A_474, %parallel_loop3A_475, %parallel_loop3A_476] {strides = array<i32>} : memref<2x32x512xf32, #tpu.memory_space<vmem>>, vector<16xf32>,
      %parallel_loop3A_478 = arith.constant 80 : i32
      %parallel_loop3A_479 = arith.addi %parallel_loop3A_330, %parallel_loop3A_478 : i32
      %parallel_loop3A_480 = arith.constant 1 : i32
      %parallel_loop3A_481 = arith.index_cast %parallel_loop3A_480 : i32 to index
      %parallel_loop3A_482 = arith.index_cast %parallel_loop3A_326 : i32 to index
      %parallel_loop3A_483 = arith.index_cast %parallel_loop3A_479 : i32 to index
      %parallel_loop3A_484 = tpu.vector_load %arg7[%parallel_loop3A_481, %parallel_loop3A_482, %parallel_loop3A_483] {strides = array<i32>} : memref<2x32x512xi32, #tpu.memory_space<vmem>>, vector<16xi32>,
      %parallel_loop3A_485 = arith.sitofp %parallel_loop3A_484 : vector<16xi32> to vector<16xf32>
      %parallel_loop3A_486 = arith.mulf %parallel_loop3A_477, %parallel_loop3A_485 : vector<16xf32>
      %parallel_loop3A_487 = arith.addf %parallel_loop3A_322, %parallel_loop3A_486 : vector<16xf32>
      %parallel_loop3A_488 = arith.constant 2.048000e+03 : f32
      %parallel_loop3A_489 = vector.broadcast %parallel_loop3A_488 : f32 to vector<16xf32>
      %parallel_loop3A_490 = arith.mulf %parallel_loop3A_477, %parallel_loop3A_489 : vector<16xf32>
      %parallel_loop3A_491 = arith.constant 2.047000e+03 : f32
      %parallel_loop3A_492 = vector.broadcast %parallel_loop3A_491 : f32 to vector<16xf32>
      %parallel_loop3A_493 = arith.minimumf %parallel_loop3A_490, %parallel_loop3A_492 : vector<16xf32>
      %parallel_loop3A_494 = arith.fptosi %parallel_loop3A_493 : vector<16xf32> to vector<16xi32>
      %parallel_loop3A_495 = arith.addi %mul3A_38, %parallel_loop3A_494 : vector<16xi32>
      %parallel_loop3A_496 = arith.constant 0 : i32
      %parallel_loop3A_497 = vector.broadcast %parallel_loop3A_496 : i32 to vector<16xi32>
      %parallel_loop3A_498 = arith.cmpi eq, %parallel_loop3A_484, %parallel_loop3A_497 : vector<16xi32>
      tpu.vector_store_idx %arg8[%parallel_loop3A_495], %broadcast_in_dim3A_35 masked %parallel_loop3A_498 {add = true} : memref<32768xf32, #tpu.memory_space<vmem>>[vector<16xi32>], vector<16xf32>, vector<16xi1>
      %parallel_loop3A_499 = arith.constant 96 : i32
      %parallel_loop3A_500 = arith.addi %parallel_loop3A_330, %parallel_loop3A_499 : i32
      %parallel_loop3A_501 = arith.constant 1 : i32
      %parallel_loop3A_502 = arith.index_cast %parallel_loop3A_501 : i32 to index
      %parallel_loop3A_503 = arith.index_cast %parallel_loop3A_326 : i32 to index
      %parallel_loop3A_504 = arith.index_cast %parallel_loop3A_500 : i32 to index
      %parallel_loop3A_505 = tpu.vector_load %arg6[%parallel_loop3A_502, %parallel_loop3A_503, %parallel_loop3A_504] {strides = array<i32>} : memref<2x32x512xf32, #tpu.memory_space<vmem>>, vector<16xf32>,
      %parallel_loop3A_506 = arith.constant 96 : i32
      %parallel_loop3A_507 = arith.addi %parallel_loop3A_330, %parallel_loop3A_506 : i32
      %parallel_loop3A_508 = arith.constant 1 : i32
      %parallel_loop3A_509 = arith.index_cast %parallel_loop3A_508 : i32 to index
      %parallel_loop3A_510 = arith.index_cast %parallel_loop3A_326 : i32 to index
      %parallel_loop3A_511 = arith.index_cast %parallel_loop3A_507 : i32 to index
      %parallel_loop3A_512 = tpu.vector_load %arg7[%parallel_loop3A_509, %parallel_loop3A_510, %parallel_loop3A_511] {strides = array<i32>} : memref<2x32x512xi32, #tpu.memory_space<vmem>>, vector<16xi32>,
      %parallel_loop3A_513 = arith.sitofp %parallel_loop3A_512 : vector<16xi32> to vector<16xf32>
      %parallel_loop3A_514 = arith.mulf %parallel_loop3A_505, %parallel_loop3A_513 : vector<16xf32>
      %parallel_loop3A_515 = arith.addf %parallel_loop3A_323, %parallel_loop3A_514 : vector<16xf32>
      %parallel_loop3A_516 = arith.constant 2.048000e+03 : f32
      %parallel_loop3A_517 = vector.broadcast %parallel_loop3A_516 : f32 to vector<16xf32>
      %parallel_loop3A_518 = arith.mulf %parallel_loop3A_505, %parallel_loop3A_517 : vector<16xf32>
      %parallel_loop3A_519 = arith.constant 2.047000e+03 : f32
      %parallel_loop3A_520 = vector.broadcast %parallel_loop3A_519 : f32 to vector<16xf32>
      %parallel_loop3A_521 = arith.minimumf %parallel_loop3A_518, %parallel_loop3A_520 : vector<16xf32>
      %parallel_loop3A_522 = arith.fptosi %parallel_loop3A_521 : vector<16xf32> to vector<16xi32>
      %parallel_loop3A_523 = arith.addi %mul3A_38, %parallel_loop3A_522 : vector<16xi32>
      %parallel_loop3A_524 = arith.constant 0 : i32
      %parallel_loop3A_525 = vector.broadcast %parallel_loop3A_524 : i32 to vector<16xi32>
      %parallel_loop3A_526 = arith.cmpi eq, %parallel_loop3A_512, %parallel_loop3A_525 : vector<16xi32>
      tpu.vector_store_idx %arg8[%parallel_loop3A_523], %broadcast_in_dim3A_35 masked %parallel_loop3A_526 {add = true} : memref<32768xf32, #tpu.memory_space<vmem>>[vector<16xi32>], vector<16xf32>, vector<16xi1>
      %parallel_loop3A_527 = arith.constant 112 : i32
      %parallel_loop3A_528 = arith.addi %parallel_loop3A_330, %parallel_loop3A_527 : i32
      %parallel_loop3A_529 = arith.constant 1 : i32
      %parallel_loop3A_530 = arith.index_cast %parallel_loop3A_529 : i32 to index
      %parallel_loop3A_531 = arith.index_cast %parallel_loop3A_326 : i32 to index
      %parallel_loop3A_532 = arith.index_cast %parallel_loop3A_528 : i32 to index
      %parallel_loop3A_533 = tpu.vector_load %arg6[%parallel_loop3A_530, %parallel_loop3A_531, %parallel_loop3A_532] {strides = array<i32>} : memref<2x32x512xf32, #tpu.memory_space<vmem>>, vector<16xf32>,
      %parallel_loop3A_534 = arith.constant 112 : i32
      %parallel_loop3A_535 = arith.addi %parallel_loop3A_330, %parallel_loop3A_534 : i32
      %parallel_loop3A_536 = arith.constant 1 : i32
      %parallel_loop3A_537 = arith.index_cast %parallel_loop3A_536 : i32 to index
      %parallel_loop3A_538 = arith.index_cast %parallel_loop3A_326 : i32 to index
      %parallel_loop3A_539 = arith.index_cast %parallel_loop3A_535 : i32 to index
      %parallel_loop3A_540 = tpu.vector_load %arg7[%parallel_loop3A_537, %parallel_loop3A_538, %parallel_loop3A_539] {strides = array<i32>} : memref<2x32x512xi32, #tpu.memory_space<vmem>>, vector<16xi32>,
      %parallel_loop3A_541 = arith.sitofp %parallel_loop3A_540 : vector<16xi32> to vector<16xf32>
      %parallel_loop3A_542 = arith.mulf %parallel_loop3A_533, %parallel_loop3A_541 : vector<16xf32>
      %parallel_loop3A_543 = arith.addf %parallel_loop3A_324, %parallel_loop3A_542 : vector<16xf32>
      %parallel_loop3A_544 = arith.constant 2.048000e+03 : f32
      %parallel_loop3A_545 = vector.broadcast %parallel_loop3A_544 : f32 to vector<16xf32>
      %parallel_loop3A_546 = arith.mulf %parallel_loop3A_533, %parallel_loop3A_545 : vector<16xf32>
      %parallel_loop3A_547 = arith.constant 2.047000e+03 : f32
      %parallel_loop3A_548 = vector.broadcast %parallel_loop3A_547 : f32 to vector<16xf32>
      %parallel_loop3A_549 = arith.minimumf %parallel_loop3A_546, %parallel_loop3A_548 : vector<16xf32>
      %parallel_loop3A_550 = arith.fptosi %parallel_loop3A_549 : vector<16xf32> to vector<16xi32>
      %parallel_loop3A_551 = arith.addi %mul3A_38, %parallel_loop3A_550 : vector<16xi32>
      %parallel_loop3A_552 = arith.constant 0 : i32
      %parallel_loop3A_553 = vector.broadcast %parallel_loop3A_552 : i32 to vector<16xi32>
      %parallel_loop3A_554 = arith.cmpi eq, %parallel_loop3A_540, %parallel_loop3A_553 : vector<16xi32>
      tpu.vector_store_idx %arg8[%parallel_loop3A_551], %broadcast_in_dim3A_35 masked %parallel_loop3A_554 {add = true} : memref<32768xf32, #tpu.memory_space<vmem>>[vector<16xi32>], vector<16xf32>, vector<16xi1>
      scf.yield %parallel_loop3A_347, %parallel_loop3A_375, %parallel_loop3A_403, %parallel_loop3A_431, %parallel_loop3A_459, %parallel_loop3A_487, %parallel_loop3A_515, %parallel_loop3A_543 : vector<16xf32>, vector<16xf32>, vector<16xf32>, vector<16xf32>, vector<16xf32>, vector<16xf32>, vector<16xf32>, vector<16xf32>
    } {sc.loop_unroll_factor = 1 : i64, sc.parallel_access}
    %add3A_303 = arith.addf %parallel_loop3A_302#0, %parallel_loop3A_302#1 : vector<16xf32>
    %add3A_304 = arith.addf %parallel_loop3A_302#2, %parallel_loop3A_302#3 : vector<16xf32>
    %add3A_305 = arith.addf %add3A_303, %add3A_304 : vector<16xf32>
    %add3A_306 = arith.addf %parallel_loop3A_302#4, %parallel_loop3A_302#5 : vector<16xf32>
    %add3A_307 = arith.addf %parallel_loop3A_302#6, %parallel_loop3A_302#7 : vector<16xf32>
    %add3A_308 = arith.addf %add3A_306, %add3A_307 : vector<16xf32>
    %add3A_309 = arith.addf %add3A_305, %add3A_308 : vector<16xf32>
    %parallel_loop3A_310 = arith.constant 0 : i32
    %parallel_loop3A_311 = arith.constant 128 : i32
    %parallel_loop3A_312 = arith.constant 1 : i32
    scf.for %parallel_loop3A_316 = %parallel_loop3A_310 to %parallel_loop3A_311 step %parallel_loop3A_312  : i32 {
      %parallel_loop3A_317 = arith.constant 16 : i32
      %parallel_loop3A_318 = arith.muli %parallel_loop3A_316, %parallel_loop3A_317 : i32
      %parallel_loop3A_319 = arith.index_cast %parallel_loop3A_318 : i32 to index
      %parallel_loop3A_320 = tpu.vector_load %arg8[%parallel_loop3A_319] {strides = array<i32>} : memref<32768xf32, #tpu.memory_space<vmem>>, vector<16xf32>,
      %parallel_loop3A_321 = arith.constant 16 : i32
      %parallel_loop3A_322 = arith.muli %parallel_loop3A_316, %parallel_loop3A_321 : i32
      %parallel_loop3A_323 = arith.constant 2048 : i32
      %parallel_loop3A_324 = arith.addi %parallel_loop3A_323, %parallel_loop3A_322 : i32
      %parallel_loop3A_325 = arith.index_cast %parallel_loop3A_324 : i32 to index
      %parallel_loop3A_326 = tpu.vector_load %arg8[%parallel_loop3A_325] {strides = array<i32>} : memref<32768xf32, #tpu.memory_space<vmem>>, vector<16xf32>,
      %parallel_loop3A_327 = arith.addf %parallel_loop3A_320, %parallel_loop3A_326 : vector<16xf32>
      %parallel_loop3A_328 = arith.constant 16 : i32
      %parallel_loop3A_329 = arith.muli %parallel_loop3A_316, %parallel_loop3A_328 : i32
      %parallel_loop3A_330 = arith.constant 4096 : i32
      %parallel_loop3A_331 = arith.addi %parallel_loop3A_330, %parallel_loop3A_329 : i32
      %parallel_loop3A_332 = arith.index_cast %parallel_loop3A_331 : i32 to index
      %parallel_loop3A_333 = tpu.vector_load %arg8[%parallel_loop3A_332] {strides = array<i32>} : memref<32768xf32, #tpu.memory_space<vmem>>, vector<16xf32>,
      %parallel_loop3A_334 = arith.addf %parallel_loop3A_327, %parallel_loop3A_333 : vector<16xf32>
      %parallel_loop3A_335 = arith.constant 16 : i32
      %parallel_loop3A_336 = arith.muli %parallel_loop3A_316, %parallel_loop3A_335 : i32
      %parallel_loop3A_337 = arith.constant 6144 : i32
      %parallel_loop3A_338 = arith.addi %parallel_loop3A_337, %parallel_loop3A_336 : i32
      %parallel_loop3A_339 = arith.index_cast %parallel_loop3A_338 : i32 to index
      %parallel_loop3A_340 = tpu.vector_load %arg8[%parallel_loop3A_339] {strides = array<i32>} : memref<32768xf32, #tpu.memory_space<vmem>>, vector<16xf32>,
      %parallel_loop3A_341 = arith.addf %parallel_loop3A_334, %parallel_loop3A_340 : vector<16xf32>
      %parallel_loop3A_342 = arith.constant 16 : i32
      %parallel_loop3A_343 = arith.muli %parallel_loop3A_316, %parallel_loop3A_342 : i32
      %parallel_loop3A_344 = arith.constant 8192 : i32
      %parallel_loop3A_345 = arith.addi %parallel_loop3A_344, %parallel_loop3A_343 : i32
      %parallel_loop3A_346 = arith.index_cast %parallel_loop3A_345 : i32 to index
      %parallel_loop3A_347 = tpu.vector_load %arg8[%parallel_loop3A_346] {strides = array<i32>} : memref<32768xf32, #tpu.memory_space<vmem>>, vector<16xf32>,
      %parallel_loop3A_348 = arith.addf %parallel_loop3A_341, %parallel_loop3A_347 : vector<16xf32>
      %parallel_loop3A_349 = arith.constant 16 : i32
      %parallel_loop3A_350 = arith.muli %parallel_loop3A_316, %parallel_loop3A_349 : i32
      %parallel_loop3A_351 = arith.constant 10240 : i32
      %parallel_loop3A_352 = arith.addi %parallel_loop3A_351, %parallel_loop3A_350 : i32
      %parallel_loop3A_353 = arith.index_cast %parallel_loop3A_352 : i32 to index
      %parallel_loop3A_354 = tpu.vector_load %arg8[%parallel_loop3A_353] {strides = array<i32>} : memref<32768xf32, #tpu.memory_space<vmem>>, vector<16xf32>,
      %parallel_loop3A_355 = arith.addf %parallel_loop3A_348, %parallel_loop3A_354 : vector<16xf32>
      %parallel_loop3A_356 = arith.constant 16 : i32
      %parallel_loop3A_357 = arith.muli %parallel_loop3A_316, %parallel_loop3A_356 : i32
      %parallel_loop3A_358 = arith.constant 12288 : i32
      %parallel_loop3A_359 = arith.addi %parallel_loop3A_358, %parallel_loop3A_357 : i32
      %parallel_loop3A_360 = arith.index_cast %parallel_loop3A_359 : i32 to index
      %parallel_loop3A_361 = tpu.vector_load %arg8[%parallel_loop3A_360] {strides = array<i32>} : memref<32768xf32, #tpu.memory_space<vmem>>, vector<16xf32>,
      %parallel_loop3A_362 = arith.addf %parallel_loop3A_355, %parallel_loop3A_361 : vector<16xf32>
      %parallel_loop3A_363 = arith.constant 16 : i32
      %parallel_loop3A_364 = arith.muli %parallel_loop3A_316, %parallel_loop3A_363 : i32
      %parallel_loop3A_365 = arith.constant 14336 : i32
      %parallel_loop3A_366 = arith.addi %parallel_loop3A_365, %parallel_loop3A_364 : i32
      %parallel_loop3A_367 = arith.index_cast %parallel_loop3A_366 : i32 to index
      %parallel_loop3A_368 = tpu.vector_load %arg8[%parallel_loop3A_367] {strides = array<i32>} : memref<32768xf32, #tpu.memory_space<vmem>>, vector<16xf32>,
      %parallel_loop3A_369 = arith.addf %parallel_loop3A_362, %parallel_loop3A_368 : vector<16xf32>
      %parallel_loop3A_370 = arith.constant 16 : i32
      %parallel_loop3A_371 = arith.muli %parallel_loop3A_316, %parallel_loop3A_370 : i32
      %parallel_loop3A_372 = arith.constant 16384 : i32
      %parallel_loop3A_373 = arith.addi %parallel_loop3A_372, %parallel_loop3A_371 : i32
      %parallel_loop3A_374 = arith.index_cast %parallel_loop3A_373 : i32 to index
      %parallel_loop3A_375 = tpu.vector_load %arg8[%parallel_loop3A_374] {strides = array<i32>} : memref<32768xf32, #tpu.memory_space<vmem>>, vector<16xf32>,
      %parallel_loop3A_376 = arith.addf %parallel_loop3A_369, %parallel_loop3A_375 : vector<16xf32>
      %parallel_loop3A_377 = arith.constant 16 : i32
      %parallel_loop3A_378 = arith.muli %parallel_loop3A_316, %parallel_loop3A_377 : i32
      %parallel_loop3A_379 = arith.constant 18432 : i32
      %parallel_loop3A_380 = arith.addi %parallel_loop3A_379, %parallel_loop3A_378 : i32
      %parallel_loop3A_381 = arith.index_cast %parallel_loop3A_380 : i32 to index
      %parallel_loop3A_382 = tpu.vector_load %arg8[%parallel_loop3A_381] {strides = array<i32>} : memref<32768xf32, #tpu.memory_space<vmem>>, vector<16xf32>,
      %parallel_loop3A_383 = arith.addf %parallel_loop3A_376, %parallel_loop3A_382 : vector<16xf32>
      %parallel_loop3A_384 = arith.constant 16 : i32
      %parallel_loop3A_385 = arith.muli %parallel_loop3A_316, %parallel_loop3A_384 : i32
      %parallel_loop3A_386 = arith.constant 20480 : i32
      %parallel_loop3A_387 = arith.addi %parallel_loop3A_386, %parallel_loop3A_385 : i32
      %parallel_loop3A_388 = arith.index_cast %parallel_loop3A_387 : i32 to index
      %parallel_loop3A_389 = tpu.vector_load %arg8[%parallel_loop3A_388] {strides = array<i32>} : memref<32768xf32, #tpu.memory_space<vmem>>, vector<16xf32>,
      %parallel_loop3A_390 = arith.addf %parallel_loop3A_383, %parallel_loop3A_389 : vector<16xf32>
      %parallel_loop3A_391 = arith.constant 16 : i32
      %parallel_loop3A_392 = arith.muli %parallel_loop3A_316, %parallel_loop3A_391 : i32
      %parallel_loop3A_393 = arith.constant 22528 : i32
      %parallel_loop3A_394 = arith.addi %parallel_loop3A_393, %parallel_loop3A_392 : i32
      %parallel_loop3A_395 = arith.index_cast %parallel_loop3A_394 : i32 to index
      %parallel_loop3A_396 = tpu.vector_load %arg8[%parallel_loop3A_395] {strides = array<i32>} : memref<32768xf32, #tpu.memory_space<vmem>>, vector<16xf32>,
      %parallel_loop3A_397 = arith.addf %parallel_loop3A_390, %parallel_loop3A_396 : vector<16xf32>
      %parallel_loop3A_398 = arith.constant 16 : i32
      %parallel_loop3A_399 = arith.muli %parallel_loop3A_316, %parallel_loop3A_398 : i32
      %parallel_loop3A_400 = arith.constant 24576 : i32
      %parallel_loop3A_401 = arith.addi %parallel_loop3A_400, %parallel_loop3A_399 : i32
      %parallel_loop3A_402 = arith.index_cast %parallel_loop3A_401 : i32 to index
      %parallel_loop3A_403 = tpu.vector_load %arg8[%parallel_loop3A_402] {strides = array<i32>} : memref<32768xf32, #tpu.memory_space<vmem>>, vector<16xf32>,
      %parallel_loop3A_404 = arith.addf %parallel_loop3A_397, %parallel_loop3A_403 : vector<16xf32>
      %parallel_loop3A_405 = arith.constant 16 : i32
      %parallel_loop3A_406 = arith.muli %parallel_loop3A_316, %parallel_loop3A_405 : i32
      %parallel_loop3A_407 = arith.constant 26624 : i32
      %parallel_loop3A_408 = arith.addi %parallel_loop3A_407, %parallel_loop3A_406 : i32
      %parallel_loop3A_409 = arith.index_cast %parallel_loop3A_408 : i32 to index
      %parallel_loop3A_410 = tpu.vector_load %arg8[%parallel_loop3A_409] {strides = array<i32>} : memref<32768xf32, #tpu.memory_space<vmem>>, vector<16xf32>,
      %parallel_loop3A_411 = arith.addf %parallel_loop3A_404, %parallel_loop3A_410 : vector<16xf32>
      %parallel_loop3A_412 = arith.constant 16 : i32
      %parallel_loop3A_413 = arith.muli %parallel_loop3A_316, %parallel_loop3A_412 : i32
      %parallel_loop3A_414 = arith.constant 28672 : i32
      %parallel_loop3A_415 = arith.addi %parallel_loop3A_414, %parallel_loop3A_413 : i32
      %parallel_loop3A_416 = arith.index_cast %parallel_loop3A_415 : i32 to index
      %parallel_loop3A_417 = tpu.vector_load %arg8[%parallel_loop3A_416] {strides = array<i32>} : memref<32768xf32, #tpu.memory_space<vmem>>, vector<16xf32>,
      %parallel_loop3A_418 = arith.addf %parallel_loop3A_411, %parallel_loop3A_417 : vector<16xf32>
      %parallel_loop3A_419 = arith.constant 16 : i32
      %parallel_loop3A_420 = arith.muli %parallel_loop3A_316, %parallel_loop3A_419 : i32
      %parallel_loop3A_421 = arith.constant 30720 : i32
      %parallel_loop3A_422 = arith.addi %parallel_loop3A_421, %parallel_loop3A_420 : i32
      %parallel_loop3A_423 = arith.index_cast %parallel_loop3A_422 : i32 to index
      %parallel_loop3A_424 = tpu.vector_load %arg8[%parallel_loop3A_423] {strides = array<i32>} : memref<32768xf32, #tpu.memory_space<vmem>>, vector<16xf32>,
      %parallel_loop3A_425 = arith.addf %parallel_loop3A_418, %parallel_loop3A_424 : vector<16xf32>
      %parallel_loop3A_426 = arith.constant 3 : i32
      %parallel_loop3A_427 = arith.shrsi %parallel_loop3A_316, %parallel_loop3A_426 : i32
      %parallel_loop3A_428 = arith.constant 7 : i32
      %parallel_loop3A_429 = arith.andi %parallel_loop3A_316, %parallel_loop3A_428 : i32
      %parallel_loop3A_430 = arith.constant 16 : i32
      %parallel_loop3A_431 = arith.muli %parallel_loop3A_429, %parallel_loop3A_430 : i32
      %parallel_loop3A_432 = arith.index_cast %parallel_loop3A_427 : i32 to index
      %parallel_loop3A_433 = arith.index_cast %parallel_loop3A_431 : i32 to index
      %parallel_loop3A_434 = tpu.vector_load %arg9[%parallel_loop3A_432, %parallel_loop3A_433] {strides = array<i32>} : memref<16x128xf32, #tpu.memory_space<vmem>>, vector<16xf32>,
      tpu.vector_store %arg9[%parallel_loop3A_432, %parallel_loop3A_433], %parallel_loop3A_425 {strides = array<i32>} : memref<16x128xf32, #tpu.memory_space<vmem>>, vector<16xf32>,
    } {sc.loop_unroll_factor = 2 : i64, sc.parallel_access}
    %swap3A = arith.constant 0 : index
    %swap3A_313 = tpu.vector_load %arg10[%swap3A] {strides = array<i32>} : memref<16xf32, #tpu.memory_space<vmem>>, vector<16xf32>,
    tpu.vector_store %arg10[%swap3A], %add3A_309 {strides = array<i32>} : memref<16xf32, #tpu.memory_space<vmem>>, vector<16xf32>,
    %mul3A_314 = arith.constant 16 : i32
    %mul3A_315 = arith.muli %add3A, %mul3A_314 : i32
    "tpu.region"() ({
      %run_scoped3A = tpu.sem_alloc : memref<!tpu.dma_semaphore, #tpu.memory_space<semaphore_mem>>
      %dma_start3A_316 = arith.constant 0 : i32
      %dma_start3A_317 = tpu.memref_slice %arg4[%mul3A_315, %dma_start3A_316] : memref<512x128xf32, #tpu.memory_space<hbm>> -> memref<16x128xf32, #tpu.memory_space<hbm>>
      %dma_start3A_318 = arith.constant 0 : i32
      %dma_start3A_319 = tpu.memref_slice %arg4[%mul3A_315, %dma_start3A_318] : memref<512x128xf32, #tpu.memory_space<hbm>> -> memref<16x128xf32, #tpu.memory_space<hbm>>
      tpu.enqueue_dma source(%arg9 : memref<16x128xf32, #tpu.memory_space<vmem>>) target(%dma_start3A_319 : memref<16x128xf32, #tpu.memory_space<hbm>>) target_semaphore(%run_scoped3A : memref<!tpu.dma_semaphore, #tpu.memory_space<semaphore_mem>>)
      %dma_wait3A_320 = arith.constant 0 : i32
      %dma_wait3A_321 = tpu.memref_slice %arg4[%mul3A_315, %dma_wait3A_320] : memref<512x128xf32, #tpu.memory_space<hbm>> -> memref<16x128xf32, #tpu.memory_space<hbm>>
      %dma_wait3A_322 = arith.constant 0 : i32
      %dma_wait3A_323 = tpu.memref_slice %arg4[%mul3A_315, %dma_wait3A_322] : memref<512x128xf32, #tpu.memory_space<hbm>> -> memref<16x128xf32, #tpu.memory_space<hbm>>
      tpu.wait_dma2 semaphore(%run_scoped3A : memref<!tpu.dma_semaphore, #tpu.memory_space<semaphore_mem>>) src(%arg9 : memref<16x128xf32, #tpu.memory_space<vmem>>) dst(%dma_wait3A_323 : memref<16x128xf32, #tpu.memory_space<hbm>>)
      tpu.yield
    }) : () -> ()
    "tpu.region"() ({
      %run_scoped3A = tpu.sem_alloc : memref<!tpu.dma_semaphore, #tpu.memory_space<semaphore_mem>>
      %dma_start3A_316 = arith.constant 0 : i32
      %dma_start3A_317 = tpu.memref_slice %arg5[%add3A, %dma_start3A_316] : memref<32x16xf32, #tpu.memory_space<hbm>> -> memref<1x16xf32, #tpu.memory_space<hbm>>
      %dma_start3A_318 = tpu.memref_squeeze %dma_start3A_317 : memref<1x16xf32, #tpu.memory_space<hbm>> -> memref<16xf32, #tpu.memory_space<hbm>>
      %dma_start3A_319 = arith.constant 0 : i32
      %dma_start3A_320 = tpu.memref_slice %arg5[%add3A, %dma_start3A_319] : memref<32x16xf32, #tpu.memory_space<hbm>> -> memref<1x16xf32, #tpu.memory_space<hbm>>
      %dma_start3A_321 = tpu.memref_squeeze %dma_start3A_320 : memref<1x16xf32, #tpu.memory_space<hbm>> -> memref<16xf32, #tpu.memory_space<hbm>>
      tpu.enqueue_dma source(%arg10 : memref<16xf32, #tpu.memory_space<vmem>>) target(%dma_start3A_321 : memref<16xf32, #tpu.memory_space<hbm>>) target_semaphore(%run_scoped3A : memref<!tpu.dma_semaphore, #tpu.memory_space<semaphore_mem>>)
      %dma_wait3A_322 = arith.constant 0 : i32
      %dma_wait3A_323 = tpu.memref_slice %arg5[%add3A, %dma_wait3A_322] : memref<32x16xf32, #tpu.memory_space<hbm>> -> memref<1x16xf32, #tpu.memory_space<hbm>>
      %dma_wait3A_324 = tpu.memref_squeeze %dma_wait3A_323 : memref<1x16xf32, #tpu.memory_space<hbm>> -> memref<16xf32, #tpu.memory_space<hbm>>
      %dma_wait3A_325 = arith.constant 0 : i32
      %dma_wait3A_326 = tpu.memref_slice %arg5[%add3A, %dma_wait3A_325] : memref<32x16xf32, #tpu.memory_space<hbm>> -> memref<1x16xf32, #tpu.memory_space<hbm>>
      %dma_wait3A_327 = tpu.memref_squeeze %dma_wait3A_326 : memref<1x16xf32, #tpu.memory_space<hbm>> -> memref<16xf32, #tpu.memory_space<hbm>>
      tpu.wait_dma2 semaphore(%run_scoped3A : memref<!tpu.dma_semaphore, #tpu.memory_space<semaphore_mem>>) src(%arg10 : memref<16xf32, #tpu.memory_space<vmem>>) dst(%dma_wait3A_327 : memref<16xf32, #tpu.memory_space<hbm>>)
      tpu.yield
    }) : () -> ()
    return
  }
}

module attributes {stable_mosaic.version = 14 : i64} {
  func.func @_tc_finish_body(%arg0: memref<512x128xf32, #tpu.memory_space<vmem>>, %arg1: memref<32x16xf32, #tpu.memory_space<vmem>>, %arg2: memref<1x1xf32, #tpu.memory_space<vmem>>) attributes {dimension_semantics = [], scalar_prefetch = 0 : i64, scratch_operands = 0 : i64, tpu.core_type = #tpu.core_type<tc>} {
    %get3A = arith.constant 0 : index
    %get3A_0 = arith.constant 0 : index
    %get3A_1 = vector.load %arg0[%get3A, %get3A_0] : memref<512x128xf32, #tpu.memory_space<vmem>>, vector<512x128xf32>
    %reshape3A = vector.shape_cast %get3A_1 : vector<512x128xf32> to vector<32x16x128xf32>
    %reduce_sum3A = arith.constant dense<0.000000e+00> : vector<16x128xf32>
    %reduce_sum3A_2 = vector.multi_reduction <add>, %reshape3A, %reduce_sum3A [0] : vector<32x16x128xf32> to vector<16x128xf32>
    %get3A_3 = arith.constant 0 : index
    %get3A_4 = arith.constant 0 : index
    %get3A_5 = vector.load %arg1[%get3A_3, %get3A_4] : memref<32x16xf32, #tpu.memory_space<vmem>>, vector<32x16xf32>
    %reduce_sum3A_6 = vector.shape_cast %get3A_5 : vector<32x16xf32> to vector<1x32x16xf32>
    %reduce_sum3A_7 = arith.constant dense<0.000000e+00> : vector<1xf32>
    %reduce_sum3A_8 = vector.multi_reduction <add>, %reduce_sum3A_6, %reduce_sum3A_7 [1, 2] : vector<1x32x16xf32> to vector<1xf32>
    %reduce_sum3A_9 = vector.shape_cast %reduce_sum3A_8 : vector<1xf32> to vector<1x1x1xf32>
    %reduce_sum3A_10 = vector.extract %reduce_sum3A_9[0, 0, 0] : f32 from vector<1x1x1xf32>
    %iota3A = tpu.iota {dimensions = array<i32: 0>} : vector<16x128xi32>
    %convert_element_type3A = arith.sitofp %iota3A : vector<16x128xi32> to vector<16x128xf32>
    %iota3A_11 = tpu.iota {dimensions = array<i32: 1>} : vector<16x128xi32>
    %convert_element_type3A_12 = arith.sitofp %iota3A_11 : vector<16x128xi32> to vector<16x128xf32>
    %mul3A = arith.constant 1.280000e+02 : f32
    %mul3A_13 = vector.broadcast %mul3A : f32 to vector<16x128xf32>
    %mul3A_14 = arith.mulf %convert_element_type3A, %mul3A_13 : vector<16x128xf32>
    %add3A = arith.addf %mul3A_14, %convert_element_type3A_12 : vector<16x128xf32>
    %add3A_15 = arith.constant 5.000000e-01 : f32
    %add3A_16 = vector.broadcast %add3A_15 : f32 to vector<16x128xf32>
    %add3A_17 = arith.addf %add3A, %add3A_16 : vector<16x128xf32>
    %div3A = arith.constant 2.048000e+03 : f32
    %div3A_18 = vector.broadcast %div3A : f32 to vector<16x128xf32>
    %div3A_19 = arith.divf %add3A_17, %div3A_18 : vector<16x128xf32>
    %add3A_20 = arith.constant 1.000000e+00 : f32
    %add3A_21 = vector.broadcast %add3A_20 : f32 to vector<16x128xf32>
    %add3A_22 = arith.addf %add3A_21, %div3A_19 : vector<16x128xf32>
    %iota3A_23 = tpu.iota {dimensions = array<i32: 0>} : vector<128x128xi32>
    %iota3A_24 = tpu.iota {dimensions = array<i32: 1>} : vector<128x128xi32>
    %le3A = arith.cmpi sle, %iota3A_23, %iota3A_24 : vector<128x128xi32>
    %convert_element_type3A_25 = arith.extui %le3A : vector<128x128xi1> to vector<128x128xi32>
    %convert_element_type3A_26 = arith.sitofp %convert_element_type3A_25 : vector<128x128xi32> to vector<128x128xf32>
    %dot_general3A = arith.constant dense<0.000000e+00> : vector<16x128xf32>
    %dot_general3A_27 = tpu.matmul %reduce_sum3A_2, %convert_element_type3A_26, %dot_general3A {dimension_numbers = #tpu.dot_dimension_numbers<[1], [0], [0], [1], [0, 0, 1, 1], [], []>, precision = #tpu.contract_precision<fp32>, transpose_lhs_hint = false} : vector<16x128xf32>, vector<128x128xf32>, vector<16x128xf32> -> vector<16x128xf32>
    %reduce_sum3A_28 = arith.constant dense<0.000000e+00> : vector<16xf32>
    %reduce_sum3A_29 = vector.multi_reduction <add>, %reduce_sum3A_2, %reduce_sum3A_28 [1] : vector<16x128xf32> to vector<16xf32>
    %broadcast_in_dim3A = vector.shape_cast %reduce_sum3A_29 : vector<16xf32> to vector<16x1xf32>
    %iota3A_30 = tpu.iota {dimensions = array<i32: 1>} : vector<16x16xi32>
    %iota3A_31 = tpu.iota {dimensions = array<i32: 0>} : vector<16x16xi32>
    %lt3A = arith.cmpi slt, %iota3A_30, %iota3A_31 : vector<16x16xi32>
    %convert_element_type3A_32 = arith.extui %lt3A : vector<16x16xi1> to vector<16x16xi32>
    %convert_element_type3A_33 = arith.sitofp %convert_element_type3A_32 : vector<16x16xi32> to vector<16x16xf32>
    %dot_general3A_34 = arith.constant dense<0.000000e+00> : vector<16x1xf32>
    %dot_general3A_35 = tpu.matmul %convert_element_type3A_33, %broadcast_in_dim3A, %dot_general3A_34 {dimension_numbers = #tpu.dot_dimension_numbers<[1], [0], [0], [1], [0, 0, 1, 1], [], []>, precision = #tpu.contract_precision<fp32>, transpose_lhs_hint = false} : vector<16x16xf32>, vector<16x1xf32>, vector<16x1xf32> -> vector<16x1xf32>
    %add3A_36 = vector.broadcast %dot_general3A_35 : vector<16x1xf32> to vector<16x128xf32>
    %add3A_37 = arith.addf %dot_general3A_27, %add3A_36 : vector<16x128xf32>
    %reduce_sum3A_38 = vector.shape_cast %broadcast_in_dim3A : vector<16x1xf32> to vector<1x16x1xf32>
    %reduce_sum3A_39 = arith.constant dense<0.000000e+00> : vector<1xf32>
    %reduce_sum3A_40 = vector.multi_reduction <add>, %reduce_sum3A_38, %reduce_sum3A_39 [1, 2] : vector<1x16x1xf32> to vector<1xf32>
    %reduce_sum3A_41 = vector.shape_cast %reduce_sum3A_40 : vector<1xf32> to vector<1x1x1xf32>
    %reduce_sum3A_42 = vector.extract %reduce_sum3A_41[0, 0, 0] : f32 from vector<1x1x1xf32>
    %sub3A = arith.constant 0x4A000000 : f32
    %sub3A_43 = arith.subf %sub3A, %reduce_sum3A_42 : f32
    %sub3A_44 = arith.subf %sub3A_43, %reduce_sum3A_10 : f32
    %gt3A = arith.constant 0.000000e+00 : f32
    %gt3A_45 = vector.broadcast %gt3A : f32 to vector<16x128xf32>
    %gt3A_46 = arith.cmpf ogt, %reduce_sum3A_2, %gt3A_45 : vector<16x128xf32>
    %jit3A = arith.constant 0.000000e+00 : f32
    %broadcast_in_dim3A_47 = vector.broadcast %jit3A : f32 to vector<16x128xf32>
    %select_n3A = arith.select %gt3A_46, %add3A_22, %broadcast_in_dim3A_47 : vector<16x128xi1>, vector<16x128xf32>
    %reduce_max3A = vector.shape_cast %select_n3A : vector<16x128xf32> to vector<1x16x128xf32>
    %reduce_max3A_48 = arith.constant dense<0xFF800000> : vector<1xf32>
    %reduce_max3A_49 = vector.multi_reduction <maximumf>, %reduce_max3A, %reduce_max3A_48 [1, 2] : vector<1x16x128xf32> to vector<1xf32>
    %reduce_max3A_50 = vector.shape_cast %reduce_max3A_49 : vector<1xf32> to vector<1x1x1xf32>
    %reduce_max3A_51 = vector.extract %reduce_max3A_50[0, 0, 0] : f32 from vector<1x1x1xf32>
    %sub3A_52 = arith.constant 0x4A000000 : f32
    %sub3A_53 = vector.broadcast %sub3A_52 : f32 to vector<16x128xf32>
    %sub3A_54 = arith.subf %sub3A_53, %add3A_37 : vector<16x128xf32>
    %add3A_55 = arith.addf %sub3A_54, %reduce_sum3A_2 : vector<16x128xf32>
    %mul3A_56 = arith.mulf %sub3A_54, %add3A_55 : vector<16x128xf32>
    %max3A = arith.constant 1.000000e+00 : f32
    %max3A_57 = vector.broadcast %max3A : f32 to vector<16x128xf32>
    %max3A_58 = arith.maximumf %mul3A_56, %max3A_57 : vector<16x128xf32>
    %mul3A_59 = vector.broadcast %sub3A_43 : f32 to vector<16x128xf32>
    %mul3A_60 = arith.mulf %mul3A_59, %add3A_22 : vector<16x128xf32>
    %mul3A_61 = arith.mulf %mul3A_60, %reduce_sum3A_2 : vector<16x128xf32>
    %div3A_62 = arith.divf %mul3A_61, %max3A_58 : vector<16x128xf32>
    %reduce_sum3A_63 = vector.shape_cast %div3A_62 : vector<16x128xf32> to vector<1x16x128xf32>
    %reduce_sum3A_64 = arith.constant dense<0.000000e+00> : vector<1xf32>
    %reduce_sum3A_65 = vector.multi_reduction <add>, %reduce_sum3A_63, %reduce_sum3A_64 [1, 2] : vector<1x16x128xf32> to vector<1xf32>
    %reduce_sum3A_66 = vector.shape_cast %reduce_sum3A_65 : vector<1xf32> to vector<1x1x1xf32>
    %reduce_sum3A_67 = vector.extract %reduce_sum3A_66[0, 0, 0] : f32 from vector<1x1x1xf32>
    %div3A_68 = arith.constant 0x4A000000 : f32
    %div3A_69 = arith.divf %sub3A_44, %div3A_68 : f32
    %add3A_70 = arith.addf %reduce_sum3A_67, %div3A_69 : f32
    %eq3A = arith.constant 0.000000e+00 : f32
    %eq3A_71 = arith.cmpf oeq, %sub3A_43, %eq3A : f32
    %jit3A_72 = arith.constant 0.000000e+00 : f32
    %select_n3A_73 = arith.select %eq3A_71, %reduce_max3A_51, %jit3A_72 : f32
    %add3A_74 = arith.addf %add3A_70, %select_n3A_73 : f32
    %reshape3A_75 = vector.broadcast %add3A_74 : f32 to vector<1x1xf32>
    %swap3A = arith.constant 0 : index
    %swap3A_76 = arith.constant 0 : index
    %swap3A_77 = vector.load %arg2[%swap3A, %swap3A_76] : memref<1x1xf32, #tpu.memory_space<vmem>>, vector<1x1xf32>
    tpu.vector_store %arg2[%swap3A, %swap3A_76], %reshape3A_75 {strides = array<i32>} : memref<1x1xf32, #tpu.memory_space<vmem>>, vector<1x1xf32>,
    return
  }
}

</mosaic_0001>

<sc_bundles>
// kernel: kernel.4.cloned.1.call-start
scs
__scs_entry_jumppad:
0x0: {  	(pc) =	sbr.rel $0x88, $3  }
0x1: {  	(tag) =	ssettag $0x0;
	lr =	simm.s32 $0x1  }
0x2: {  	[smem:$0x3F9F] =	sst lr;
	_ =	strace $0xD0000000  }
0x3: {  	_ = 	snop  }
0x4: {  	_ = 	snop  }
0x5: {  	_ = 	snop  }
0x6: {  	_ = 	snop  }
0x7: {  	_ = 	snop  }
__scs_overlays_trampoline_lowered:
0x8: {  	[smem:$0x3FAE] =	sst s0  }
0x9: {  	[smem:$0x3FAF] =	sst s1  }
0xa: {  	[smem:$0x3FB0] =	sst s2  }
0xb: {  	[smem:$0x3FB1] =	sst s3  }
0xc: {  	[smem:$0x3FB2] =	sst s4  }
0xd: {  	[smem:$0x3FB3] =	sst s5  }
0xe: {  	[smem:$0x3FB4] =	sst s6  }
0xf: {  	[smem:$0x3FB5] =	sst s7  }
0x10: {  	[smem:$0x3FB6] =	sst s8  }
0x11: {  	[smem:$0x3FB7] =	sst s9;
	s0 =	simm.s32 @!p0 $0x0  }
0x12: {  	s1 =	sld [smem:$0x3F9D];
	s0 =	simm.s32 @p0 $0x1  }
0x13: {  	[smem:$0x3FB8] =	sst s0;
	s0 =	simm.s32 @!p1 $0x0  }
0x14: {  	s2 =	sld [smem:$0x3F9C];
	s0 =	simm.s32 @p1 $0x1  }
0x15: {  	[smem:$0x3FB9] =	sst s0;
	s0 =	simm.s32 @!p2 $0x0  }
0x16: {  	s3 =	sld [smem:$0x3FDB];
	s0 =	simm.s32 @p2 $0x1  }
0x17: {  	s4 =	simm.s32 $0x1BF5;
	[smem:$0x3FBB] =	sst s0  }
0x18: {  	s0 =	sld [smem:$0x3F9E];
	_ =	swait.ge [sflag:s4], $0x0  }
0x19: {  	s7 =	sld [smem:$0x3F9F]  }
0x1a: {  	s8 =	sadd.s32 $0xFFFFE003, lr  }
0x1b: {  	s9 =	sadd.s32 $0xFFFFFEF7, lr;
	s5 =	simm.s32 $0xFFFFFFFF;
	p2 =	slt.u32 s8, $0xFFFFF086  }
0x1c: {  	p1 =	slt.u32 s9, $0xF7A;
	s5 =	simm.s32 @!p2 $0x0  }
0x1d: {  	s5 =	simm.s32 @p1 $0x1;
	p0 =	seq.s32 s7, s2  }
0x1e: {  	s7 =	smul.u32 @!p0 $0xF7A, s2;
	p2 =	seq.s32 @!p0 s5, $0x0  }
0x1f: {  	s9 =	smul.u32 $0xF7A, s1;
	s8 =	simm.s32 @!p0 $0x1BF5;
	p2 =	por !p2, p0  }
0x20: {  	[sflag:s8] =	ssyncset.s32 @!p0 $0xFFFFF086;
	s6 =	sadd.s32 @!p0 s3, s7;
	s7 =	simm.s32 @!p0 $0x108  }
0x21: {  	s3 =	sadd.s32 s3, s9;
	s6 =	sadd.s32 @!p0 $0x88, s6;
	s7 =	simm.s32 @p2 $0x1082  }
0x22: {  	[simem:s7], [sflag:s8] =	dma.local @!p0 [hbm:s6], $0xF7A  }
0x23: {  	s9 =	sor.u32 $0xD0000000, s2;
	s6 =	simm.s32 $0x108;
	_ =	swait.ge @!p0 [sflag:s8], $0x0  }
0x24: {  	s3 =	sadd.s32 $0x88, s3;
	s6 =	simm.s32 @!p1 $0x1082;
	[sflag:s4] =	ssyncset.s32 $0xFFFFF086  }
0x25: {  	[simem:s6], [sflag:s4] =	dma.local [hbm:s3], $0xF7A  }
0x26: {  	[smem:$0x3F9F] =	sst s1;
	(tag) =	ssettag s2;
	_ =	strace s9  }
0x27: {  	s1 =	sld [smem:$0x3FAF]  }
0x28: {  	s2 =	sld [smem:$0x3FB0]  }
0x29: {  	s4 =	sld [smem:$0x3FB2]  }
0x2a: {  	p0 =	seq.s32 s5, $0x0;
	s5 =	sld [smem:$0x3FB3]  }
0x2b: {  	s6 =	sld [smem:$0x3FB4]  }
0x2c: {  	s7 =	sld [smem:$0x3FB5]  }
0x2d: {  	s3 =	simm.s32 $0x108;
	s8 =	sld [smem:$0x3FB6]  }
0x2e: {  	s3 =	simm.s32 @!p0 $0x1082;
	s9 =	sld [smem:$0x3FB7]  }
0x2f: {  	lr =	sadd.s32 s0, s3;
	s0 =	sld [smem:$0x3FAE]  }
0x30: {  	s3 =	sld [smem:$0x3FB1]  }
0x31: {  	[smem:$0x3FBA] =	sst s10  }
0x32: {  	s10 =	sld [smem:$0x3FB8];
	_ =	sdelay $0x3  }
0x33: {  	p0 =	seq.s32 s10, $0x1;
	s10 =	sld [smem:$0x3FBA];
	_ =	sdelay $0x3  }
0x34: {  	[smem:$0x3FBA] =	sst s10  }
0x35: {  	s10 =	sld [smem:$0x3FB9];
	_ =	sdelay $0x3  }
0x36: {  	p1 =	seq.s32 s10, $0x1;
	s10 =	sld [smem:$0x3FBA];
	_ =	sdelay $0x3  }
0x37: {  	[smem:$0x3FBA] =	sst s10  }
0x38: {  	s10 =	sld [smem:$0x3FBB]  }
0x39: {  	_ = 	snop;
	(pc) =	sbr.ind lr, $3  }
0x3a: {  	_ = 	snop  }
0x3b: {  	_ = 	snop  }
0x3c: {  	p2 =	seq.s32 s10, $0x1;
	s10 =	sld [smem:$0x3FBA]  }
0x3d: {  	_ =	shalt  }
0x3e: {  	_ =	shalt  }
0x3f: {  	_ =	shalt  }
0x40: {  	_ =	shalt  }
0x41: {  	_ =	shalt  }
0x42: {  	_ =	shalt  }
0x43: {  	_ =	shalt  }
0x44: {  	_ =	shalt  }
0x45: {  	_ =	shalt  }
0x46: {  	_ =	shalt  }
0x47: {  	_ =	shalt  }
0x48: {  	_ =	shalt  }
0x49: {  	_ =	shalt  }
0x4a: {  	_ =	shalt  }
0x4b: {  	_ =	shalt  }
0x4c: {  	_ =	shalt  }
0x4d: {  	_ =	shalt  }
0x4e: {  	_ =	shalt  }
0x4f: {  	_ =	shalt  }
0x50: {  	_ =	shalt  }
0x51: {  	_ =	shalt  }
0x52: {  	_ =	shalt  }
0x53: {  	_ =	shalt  }
0x54: {  	_ =	shalt  }
0x55: {  	_ =	shalt  }
0x56: {  	_ =	shalt  }
0x57: {  	_ =	shalt  }
0x58: {  	_ =	shalt  }
0x59: {  	_ =	shalt  }
0x5a: {  	_ =	shalt  }
0x5b: {  	_ =	shalt  }
0x5c: {  	_ =	shalt  }
0x5d: {  	_ =	shalt  }
0x5e: {  	_ =	shalt  }
0x5f: {  	_ =	shalt  }
0x60: {  	_ =	shalt  }
0x61: {  	_ =	shalt  }
0x62: {  	_ =	shalt  }
0x63: {  	_ =	shalt  }
0x64: {  	_ =	shalt  }
0x65: {  	_ =	shalt  }
0x66: {  	_ =	shalt  }
0x67: {  	_ =	shalt  }
0x68: {  	_ =	shalt  }
0x69: {  	_ =	shalt  }
0x6a: {  	_ =	shalt  }
0x6b: {  	_ =	shalt  }
0x6c: {  	_ =	shalt  }
0x6d: {  	_ =	shalt  }
0x6e: {  	_ =	shalt  }
0x6f: {  	_ =	shalt  }
0x70: {  	_ =	shalt  }
0x71: {  	_ =	shalt  }
0x72: {  	_ =	shalt  }
0x73: {  	_ =	shalt  }
0x74: {  	_ =	shalt  }
0x75: {  	_ =	shalt  }
0x76: {  	_ =	shalt  }
0x77: {  	_ =	shalt  }
0x78: {  	_ =	shalt  }
0x79: {  	_ =	shalt  }
0x7a: {  	_ =	shalt  }
0x7b: {  	_ =	shalt  }
0x7c: {  	_ =	shalt  }
0x7d: {  	_ =	shalt  }
0x7e: {  	_ =	shalt  }
0x7f: {  	_ =	shalt  }
0x80: {  	_ =	shalt  }
0x81: {  	_ =	shalt  }
0x82: {  	_ =	shalt  }
0x83: {  	_ =	shalt  }
0x84: {  	_ =	shalt  }
0x85: {  	_ =	shalt  }
0x86: {  	_ =	shalt  }
0x87: {  	_ =	shalt  }
.Lfunc_end0:
.L_simem_size_0:
called_computation_lowered:
.L_overlay_start_0:
0x88: {  	s2 =	sld [smem:$0x3FD9]  }
0x89: {  	s3 =	sld [smem:$0x3FFE];
	_ =	sdelay $0x1  }
0x8a: {  	s1 =	srdreg.scid  }
0x8b: {  	s0 =	sand.u32 $0x1, s1  }
0x8c: {  	s17 =	sshll.u32 s0, $0xA;
	s2 =	sadd.s32 s3, s2  }
0x8d: {  	s2 =	sadd.s32 s2, s17  }
0x8e: {  	[smem:$0x3FC6] =	sst s2  }
0x8f: {  	_ = 	snop  }
0x90: {  	s2 =	sld [smem:$0x3FC9]  }
0x91: {  	s18 =	sld [smem:$0x3FC8];
	(tm) =	ssettm $0x1  }
0x92: {  	s4 =	sld [smem:$0x3FFB];
	_ =	sdelay $0x3  }
0x93: {  	_ =	strace s4  }
0x94: {  	s4 =	sld [smem:$0x3FFC];
	_ =	sdelay $0x3  }
0x95: {  	_ =	strace s4  }
0x96: {  	s4 =	sld [smem:$0x3FFD];
	_ =	sdelay $0x3  }
0x97: {  	_ =	strace s4  }
0x98: {  	_ =	strace $0x8FFFFFFF  }
0x99: {  	s19 =	sld [smem:$0x3FDB];
	_ =	sdelay $0x1  }
0x9a: {  	s5 =	simm.s32 $_scs_section_size  }
0x9b: {  	s6 =	simm.s32 $_size__tile_overlayer_lowered;
	s7 =	simm.s32 $_tile_overlayer_lowered  }
0x9c: {  	s22 =	simm.s32 $0x1BFF;
	s21 =	sshll.u32 s7, $0x1;
	s4 =	sadd.s32 s5, s19  }
0x9d: {  	s8 =	simm.s32 $0x0;
	s20 =	sshll.u32 s6, $0x1;
	s6 =	sadd.s32 s21, s4  }
0x9e: {  	[timem:s8], [sflag:s22] =	dma.local [hbm:s6], s20  }
0x9f: {  	_ =	swait.ge [sflag:s22], s20  }
0xa0: {  	s5 =	ssub.s32 $0x0, s20;
	[sflag:s22] =	ssyncset.done $0x0  }
0xa1: {  	[sflag:s22] =	ssyncadd.s32 s5;
	_ =	sdelay $0x1  }
0xa2: {  	s23 =	simm.s32 $0x1B8B  }
0xa3: {  	_ =	swait.ge [sflag:s23], $0x1  }
0xa4: {  	[sflag:s23] =	ssyncset.done $0x0  }
0xa5: {  	s25 =	simm.s32 $0x1B8E;
	s24 =	sld [smem:$0x3FFE];
	[sflag:s23] =	ssyncadd.s32 $0xFFFFFFFF  }
0xa6: {  	s26 =	simm.s32 $execute0_lowered;
	[smem:$0x3FD2] =	sst s25  }
0xa7: {  	s6 =	sshll.u32 s26, $0x1;
	_ =	strace $0x80000046;
	[dreg:$0x1] =	wrdreg $0xFFFFFFFF  }
0xa8: {  	s28 =	simm.s32 $_size_execute0_lowered;
	s4 =	sadd.s32 s4, s6;
	[dreg:$0x0] =	wrdreg $0x0  }
0xa9: {  	s6 =	sshll.u32 s28, $0x1;
	[dreg:$0x2] =	wrdreg s4  }
0xaa: {  	[dreg:$0x3] =	wrdreg s6  }
0xab: {  	[dreg:$0x4] =	wrdreg $0xC0  }
0xac: {  	_ =	task [dreg:s8], $0x5FFFF  }
0xad: {  	[dreg:$0x1] =	wrdreg $0xFFFFFFFF  }
0xae: {  	[dreg:$0x0] =	wrdreg $0x60  }
0xaf: {  	[dreg:$0x2] =	wrdreg s2  }
0xb0: {  	[dreg:$0x3] =	wrdreg s18  }
0xb1: {  	[dreg:$0x4] =	wrdreg s24  }
0xb2: {  	[dreg:$0x5] =	wrdreg $0x9  }
0xb3: {  	_ =	task.clear_ibuf [dreg:s8], $0x6FFFF;
	_ =	strace $0x90000046  }
0xb4: {  	s29 =	simm.s32 $0x9;
	_ =	strace $0x80000048  }
0xb5: {  	_ =	swait.ge [sflag:s29], $0x1  }
0xb6: {  	[sflag:s29] =	ssyncadd.s32 $0xFFFFFFFF  }
0xb7: {  	_ =	strace $0x90000048  }
0xb8: {  	_ =	sfence  }
0xb9: {  	s30 =	sld [smem:$0x0];
	_ =	sdelay $0x2  }
0xba: {  	s31 =	sshll.u32 s1, $0xD;
	s1 =	sshrl.u32 s1, $0x2  }
0xbb: {  	s3 =	sand.u32 $0x4000, s31;
	s1 =	sadd.s32 s1, s30  }
0xbc: {  	s0 =	sor.u32 s3, s0;
	s1 =	sshll.u32 s1, $0x11  }
0xbd: {  	s0 =	sor.u32 s1, s0  }
0xbe: {  	s0 =	sadd.s32 $0x8F2B, s0  }
0xbf: {  	[sflag:s0] =	ssyncadd.remote.s32 $0x1  }
0xc0: {  	_ =	sfence.sel $0xFFFF  }
0xc1: {  	[dreg:$0x0] =	wrdreg $0xFFFFFFFF;
	(pc) =	sbr.abs _section_cstart, $3  }
0xc2: {  	[dreg:$0x1] =	wrdreg $0xFFFFFFFF  }
0xc3: {  	_ =	task.clear_ibuf [dreg:s8], $0x2FFFF;
	_ =	strace $0x9FFFFFFF  }
0xc4: {  	(tm) =	ssettm $0x7FFFFFFF  }
0xc5: {  	_ =	shalt  }
tec
execute0_lowered:
.L_overlay_start_1:
0x0: {  	(tag) =	ssettag $0x1  }
0x1: {  	s0 =	rddreg [dreg:$0x0]  }
0x2: {  	s1 =	rddreg [dreg:$0x1];
	s2 =	srdreg.scid  }
0x3: {  	s7 =	stileid.u32;
	s3 =	rddreg [dreg:$0x2]  }
0x4: {  	s28 =	simm.s32 $0x0;
	s15 =	simm.s32 $0x1;
	s16 =	simm.s32 $0x3  }
0x5: {  	s17 =	simm.s32 $0x4000;
	s18 =	simm.s32 $0xC000;
	s19 =	simm.s32 $0x10000  }
0x6: {  	s20 =	simm.s32 $0x2;
	s21 =	simm.s32 $0x4;
	s23 =	simm.s32 $0x5  }
0x7: {  	s25 =	simm.s32 $0x0;
	s4 =	sand.u32 $0x1, s2;
	s5 =	sshll.u32 s7, $0x1  }
0x8: {  	[smem:$0x7FF] =	sst s28;
	s7 =	sshll.u32 s7, $0xE;
	s2 =	simm.s32 $0x8000  }
0x9: {  	s5 =	sor.u32 s4, s5;
	_ =	strace $0x80000047;
	s4 =	ssub.s32 $0x2, s4  }
0xa: {  	s7 =	sand.u32 $0x38000, s7;
	s6 =	sshll.u32 s5, $0x8;
	s29 =	sshll.u32 s5, $0x4  }
0xb: {  	s5 =	sshll.u32 s5, $0xD;
	s30 =	sshrl.u32 s4, $0x1;
	s11 =	sadd.s32 s6, s3  }
0xc: {  	s5 =	sand.u32 $0x6000, s5;
	s12 =	sadd.s32 s29, s3;
	s13 =	ssub.s32 s4, s30  }
0xd: {  	s8 =	sor.u32 s7, s5;
	s11 =	sadd.s32 $0xC00, s11;
	s12 =	sadd.s32 $0x2C00, s12  }
0xe: {  	s13 =	smax.u32 s13, $0x1;
	s3 =	sadd.s32 s0, s8;
	s31 =	sor.u32 $0x800, s8  }
0xf: {  	v1 =	vlaneseq.u32;
	s4 =	sadd.s32 s1, s8;
	s9 =	sor.u32 $0x1000, s8;
	s10 =	sor.u32 $0x1800, s8  }
0x10: {  	v1 =	vmul.u32 $0x800, v1;
	s5 =	sadd.s32 s0, s31;
	s6 =	sadd.s32 s1, s31;
	s7 =	sadd.s32 s0, s9  }
0x11: {  	v0 =	vimm.f32 $0.0e+00;
	v2 =	vimm.f32 $1.000000000e+00;
	s8 =	sadd.s32 s1, s9;
	s9 =	sadd.s32 s0, s10;
	s10 =	sadd.s32 s1, s10  }
.LBB2_1:
0x12: {  	s0 =	simm.s32 $0x10040  }
0x13: {  	[tilespmem:s0+$0xFFFFFFC0] =	vst v0  }
0x14: {  	[tilespmem:s0+$0x30] =	vst v0  }
0x15: {  	[tilespmem:s0+$0x20] =	vst v0  }
0x16: {  	[tilespmem:s0+$0x10] =	vst v0  }
0x17: {  	[tilespmem:s0+$0x0] =	vst v0  }
0x18: {  	[tilespmem:s0+$0xFFFFFFF0] =	vst v0  }
0x19: {  	s1 =	simm.s32 $0x0;
	[tilespmem:s0+$0xFFFFFFE0] =	vst v0  }
.LBB2_2:
0x1a: {  	s1 =	sadd.s32 $0x8, s1;
	[tilespmem:s0+$0xFFFFFFD0] =	vst v0;
	s0 =	sadd.s32 $0x80, s0  }
0x1b: {  	[tilespmem:s0+$0xFFFFFFC0] =	vst v0;
	p0 =	slt.u32 s1, $0x7F8  }
0x1c: {  	[tilespmem:s0+$0x30] =	vst v0  }
.Ltmp0:
0x1d: {  	[tilespmem:s0+$0x20] =	vst v0;
	(pc) =	sbr.rel @p0 .LBB2_2-.Ltmp0, $4  }
0x1e: {  	[tilespmem:s0+$0x10] =	vst v0  }
0x1f: {  	[tilespmem:s0+$0x0] =	vst v0  }
0x20: {  	[tilespmem:s0+$0xFFFFFFF0] =	vst v0  }
0x21: {  	[tilespmem:s0+$0xFFFFFFE0] =	vst v0  }
0x22: {  	[tilespmem:s0+$0xFFFFFFD0] =	vst v0;
	s26 =	simm.s32 $0x0  }
0x23: {  	[tilespmem:s26], [sflag:$0x1] =	stream.linear.gather [hbm4b:s3+s26], $0x4000, $0x38;
	[tilespmem:$0x18880] =	vst v63  }
0x24: {  	_ = 	snop  }
0x25: {  	[tilespmem:s2], [sflag:$0x3] =	stream.linear.gather [hbm4b:s4+s26], $0x4000, $0x38;
	[tilespmem:$0x18880] =	vst v63  }
0x26: {  	_ =	swait.ge [sflag:s15], $0x4000  }
0x27: {  	[sflag:s15] =	ssyncset.done $0x0  }
0x28: {  	[sflag:s15] =	ssyncadd.s32 $0xFFFFC000  }
0x29: {  	s1 =	simm.s32 $0x0;
	s22 =	simm.s32 $0x0;
	_ =	swait.ge [sflag:s16], $0x4000  }
0x2a: {  	s0 =	sand.u32 $0xC00, s26;
	s1 =	sand.u32 $0x3000, s1;
	[sflag:s16] =	ssyncset.done $0x0  }
0x2b: {  	s30 =	sand.u32 $0x380, s22;
	s0 =	sor.u32 s0, s1;
	[sflag:s16] =	ssyncadd.s32 $0xFFFFC000  }
0x2c: {  	[tilespmem:s17], [sflag:$0x2] =	stream.linear.gather [hbm4b:s5+s26], $0x4000, $0x38;
	[tilespmem:$0x18880] =	vst v63  }
0x2d: {  	s30 =	sor.u32 s30, s0  }
0x2e: {  	[tilespmem:s18], [sflag:$0x4] =	stream.linear.gather [hbm4b:s6+s26], $0x4000, $0x38;
	[tilespmem:$0x18880] =	vst v63  }
0x2f: {  	v6 =	vld [tilespmem:s30+$0x0];
	_ =	sdelay $0x4  }
0x30: {  	v7 =	vld [tilespmem:s30+$0x8000];
	v3 =	vmul.f32 $2.048000000e+03, v6;
	_ =	sdelay $0x1  }
0x31: {  	v3 =	vmin.f32 v3, $2.047000000e+03  }
0x32: {  	v3 =	vtrunc.f32 v3  }
0x33: {  	v3 =	vcvt.f32.s32 v3  }
0x34: {  	vm0 =	veq.s32 v7, $0x0  }
0x35: {  	v3 =	vadd.s32 v1, v3;
	_ =	sdelay $0x4  }
0x36: {  	[tilespmem:v3+s19+$0x0] =	vst.idx.add.f32.msk vm0, v2  }
0x37: {  	v8 =	vld [tilespmem:s30+$0x10];
	_ =	sdelay $0x1  }
0x38: {  	s14 =	simm.s32 $0x80;
	s22 =	simm.s32 $0x400  }
0x39: {  	s24 =	simm.s32 $0x20;
	s1 =	sand.u32 $0xC00, s22;
	s0 =	sand.u32 $0x3000, s14  }
0x3a: {  	s0 =	sor.u32 s1, s0;
	s26 =	sand.u32 $0x380, s24  }
0x3b: {  	s26 =	sor.u32 s26, s0;
	v9 =	vld [tilespmem:s30+$0x8010];
	v3 =	vmul.f32 $2.048000000e+03, v8  }
0x3c: {  	v12 =	vld [tilespmem:s26+$0x0]  }
0x3d: {  	v3 =	vmin.f32 v3, $2.047000000e+03  }
0x3e: {  	v3 =	vtrunc.f32 v3  }
0x3f: {  	v3 =	vcvt.f32.s32 v3  }
0x40: {  	vm0 =	veq.s32 v9, $0x0  }
0x41: {  	v13 =	vld [tilespmem:s26+$0x8000];
	v4 =	vmul.f32 $2.048000000e+03, v12;
	v3 =	vadd.s32 v1, v3;
	_ =	sdelay $0x1  }
0x42: {  	v4 =	vmin.f32 v4, $2.047000000e+03  }
0x43: {  	v4 =	vtrunc.f32 v4  }
0x44: {  	v4 =	vcvt.f32.s32 v4  }
0x45: {  	vm1 =	veq.s32 v13, $0x0;
	[tilespmem:v3+s19+$0x0] =	vst.idx.add.f32.msk vm0, v2  }
0x46: {  	v3 =	vadd.s32 v1, v4;
	v11 =	vld [tilespmem:s30+$0x20];
	_ =	sdelay $0x3  }
0x47: {  	v10 =	vld [tilespmem:s30+$0x8020]  }
0x48: {  	[tilespmem:v3+s19+$0x0] =	vst.idx.add.f32.msk vm1, v2;
	v3 =	vmul.f32 $2.048000000e+03, v11  }
0x49: {  	v14 =	vld [tilespmem:s26+$0x10]  }
0x4a: {  	v3 =	vmin.f32 v3, $2.047000000e+03  }
0x4b: {  	v3 =	vtrunc.f32 v3  }
0x4c: {  	s22 =	simm.s32 $0x800;
	s14 =	simm.s32 $0x100;
	v3 =	vcvt.f32.s32 v3  }
0x4d: {  	s1 =	sand.u32 $0xC00, s22;
	s24 =	simm.s32 $0x40;
	s0 =	sand.u32 $0x3000, s14;
	vm0 =	veq.s32 v10, $0x0  }
0x4e: {  	s14 =	sand.u32 $0x380, s24;
	s0 =	sor.u32 s1, s0;
	v15 =	vld [tilespmem:s26+$0x8010];
	v4 =	vmul.f32 $2.048000000e+03, v14;
	v3 =	vadd.s32 v1, v3  }
0x4f: {  	s28 =	sor.u32 s14, s0  }
0x50: {  	v16 =	vld [tilespmem:s28+$0x0];
	v4 =	vmin.f32 v4, $2.047000000e+03  }
0x51: {  	v4 =	vtrunc.f32 v4  }
0x52: {  	v4 =	vcvt.f32.s32 v4  }
0x53: {  	vm1 =	veq.s32 v15, $0x0;
	[tilespmem:v3+s19+$0x0] =	vst.idx.add.f32.msk vm0, v2  }
0x54: {  	v3 =	vadd.s32 v1, v4;
	v17 =	vld [tilespmem:s30+$0x30]  }
0x55: {  	v18 =	vld [tilespmem:s28+$0x8000];
	v4 =	vmul.f32 $2.048000000e+03, v16;
	_ =	sdelay $0x1  }
0x56: {  	v4 =	vmin.f32 v4, $2.047000000e+03  }
0x57: {  	v19 =	vld [tilespmem:s30+$0x8030];
	v4 =	vtrunc.f32 v4  }
0x58: {  	v4 =	vcvt.f32.s32 v4;
	[tilespmem:v3+s19+$0x0] =	vst.idx.add.f32.msk vm1, v2;
	v5 =	vmul.f32 $2.048000000e+03, v17  }
0x59: {  	vm0 =	veq.s32 v18, $0x0;
	v3 =	vld [tilespmem:s26+$0x20]  }
0x5a: {  	v20 =	vadd.s32 v1, v4;
	v4 =	vmin.f32 v5, $2.047000000e+03  }
0x5b: {  	v4 =	vtrunc.f32 v4  }
0x5c: {  	v5 =	vcvt.f32.s32 v4  }
0x5d: {  	vm1 =	veq.s32 v19, $0x0  }
0x5e: {  	s22 =	simm.s32 $0x180;
	s24 =	simm.s32 $0xC00;
	v4 =	vld [tilespmem:s26+$0x8020];
	v21 =	vmul.f32 $2.048000000e+03, v3;
	v5 =	vadd.s32 v1, v5  }
0x5f: {  	s1 =	sand.u32 $0xC00, s24;
	s14 =	simm.s32 $0x60;
	s0 =	sand.u32 $0x3000, s22;
	[tilespmem:v20+s19+$0x0] =	vst.idx.add.f32.msk vm0, v2  }
0x60: {  	s0 =	sor.u32 s1, s0;
	s24 =	sand.u32 $0x380, s14;
	v20 =	vld [tilespmem:s28+$0x10];
	v21 =	vmin.f32 v21, $2.047000000e+03  }
0x61: {  	s29 =	sor.u32 s24, s0;
	v21 =	vtrunc.f32 v21  }
0x62: {  	v24 =	vld [tilespmem:s29+$0x0];
	v21 =	vcvt.f32.s32 v21  }
0x63: {  	vm0 =	veq.s32 v4, $0x0;
	[tilespmem:v5+s19+$0x0] =	vst.idx.add.f32.msk vm1, v2  }
0x64: {  	v5 =	vadd.s32 v1, v21;
	v22 =	vld [tilespmem:s30+$0x40]  }
0x65: {  	v21 =	vld [tilespmem:s28+$0x8010];
	v23 =	vmul.f32 $2.048000000e+03, v20;
	_ =	sdelay $0x1  }
0x66: {  	v13 =	vcvt.s32.f32 v13;
	v28 =	vmul.f32 $2.048000000e+03, v24;
	v23 =	vmin.f32 v23, $2.047000000e+03  }
0x67: {  	v9 =	vcvt.s32.f32 v9;
	v25 =	vld [tilespmem:s30+$0x8040];
	v23 =	vtrunc.f32 v23  }
0x68: {  	v28 =	vmin.f32 v28, $2.047000000e+03;
	v23 =	vcvt.f32.s32 v23;
	[tilespmem:v5+s19+$0x0] =	vst.idx.add.f32.msk vm0, v2;
	v26 =	vmul.f32 $2.048000000e+03, v22  }
0x69: {  	v12 =	vmul.f32 v13, v12;
	v28 =	vtrunc.f32 v28;
	vm0 =	veq.s32 v21, $0x0;
	v27 =	vld [tilespmem:s26+$0x30]  }
0x6a: {  	v9 =	vmul.f32 v9, v8;
	v5 =	vadd.s32 v1, v23;
	v23 =	vmin.f32 v26, $2.047000000e+03  }
0x6b: {  	v8 =	vimm.f32 $0.0e+00;
	v15 =	vcvt.s32.f32 v15;
	v26 =	vld [tilespmem:s29+$0x8000];
	v23 =	vtrunc.f32 v23  }
0x6c: {  	v28 =	vcvt.f32.s32 v28;
	v9 =	vadd.f32 v9, v8;
	v23 =	vcvt.f32.s32 v23  }
0x6d: {  	v13 =	vmul.f32 v15, v14;
	v14 =	vcvt.s32.f32 v19;
	vm1 =	veq.s32 v25, $0x0  }
0x6e: {  	s22 =	simm.s32 $0x1000;
	s14 =	simm.s32 $0x200;
	v21 =	vcvt.s32.f32 v21;
	v29 =	vld [tilespmem:s26+$0x8030];
	v30 =	vmul.f32 $2.048000000e+03, v27;
	v23 =	vadd.s32 v1, v23  }
0x6f: {  	s1 =	sand.u32 $0xC00, s22;
	s24 =	simm.s32 $0x80;
	s0 =	sand.u32 $0x3000, s14;
	v9 =	vadd.f32 v13, v9;
	v14 =	vmul.f32 v14, v17;
	v17 =	vcvt.s32.f32 v18;
	[tilespmem:v5+s19+$0x0] =	vst.idx.add.f32.msk vm0, v2  }
0x70: {  	s0 =	sor.u32 s1, s0;
	s14 =	sand.u32 $0x380, s24;
	v20 =	vmul.f32 v21, v20;
	v5 =	vld [tilespmem:s28+$0x20];
	vm0 =	veq.s32 v26, $0x0;
	v30 =	vmin.f32 v30, $2.047000000e+03  }
0x71: {  	s1 =	sor.u32 s14, s0;
	v28 =	vadd.s32 v1, v28;
	v30 =	vtrunc.f32 v30  }
0x72: {  	v16 =	vmul.f32 v17, v16;
	v17 =	vadd.f32 v20, v9;
	v20 =	vld [tilespmem:s1+$0x8000];
	v30 =	vcvt.f32.s32 v30  }
0x73: {  	v7 =	vcvt.s32.f32 v7;
	[tilespmem:v23+s19+$0x0] =	vst.idx.add.f32.msk vm1, v2;
	vm1 =	veq.s32 v29, $0x0  }
0x74: {  	v30 =	vadd.s32 v1, v30;
	v23 =	vld [tilespmem:s30+$0x50]  }
0x75: {  	v7 =	vmul.f32 v7, v6;
	v6 =	vld [tilespmem:s28+$0x8020];
	v31 =	vmul.f32 $2.048000000e+03, v5  }
0x76: {  	[tilespmem:v28+s19+$0x0] =	vst.idx.add.f32.msk vm0, v2  }
0x77: {  	v19 =	vmin.f32 v31, $2.047000000e+03;
	v15 =	vld [tilespmem:s29+$0x10]  }
0x78: {  	v28 =	vld [tilespmem:s30+$0x8050];
	v19 =	vtrunc.f32 v19  }
0x79: {  	v7 =	vadd.f32 v7, v8;
	v19 =	vcvt.f32.s32 v19;
	v13 =	vmul.f32 $2.048000000e+03, v23;
	[tilespmem:v30+s19+$0x0] =	vst.idx.add.f32.msk vm1, v2  }
0x7a: {  	vm0 =	veq.s32 v6, $0x0;
	v18 =	vld [tilespmem:s26+$0x40]  }
0x7b: {  	v7 =	vadd.f32 v12, v7;
	v21 =	vld [tilespmem:s29+$0x8010];
	v19 =	vadd.s32 v1, v19;
	v13 =	vmin.f32 v13, $2.047000000e+03  }
0x7c: {  	v30 =	vld [tilespmem:s1+$0x0];
	v12 =	vmul.f32 $2.048000000e+03, v15;
	v13 =	vtrunc.f32 v13  }
0x7d: {  	v14 =	vadd.f32 v14, v8;
	v16 =	vadd.f32 v16, v7;
	v13 =	vcvt.f32.s32 v13  }
0x7e: {  	v25 =	vcvt.s32.f32 v25;
	vm1 =	veq.s32 v28, $0x0;
	v12 =	vmin.f32 v12, $2.047000000e+03  }
0x7f: {  	v9 =	vld [tilespmem:s26+$0x8040];
	v12 =	vtrunc.f32 v12;
	v13 =	vadd.s32 v1, v13;
	v31 =	vmul.f32 $2.048000000e+03, v18  }
0x80: {  	v22 =	vmul.f32 v25, v22;
	vm2 =	veq.s32 v20, $0x0;
	[tilespmem:v19+s19+$0x0] =	vst.idx.add.f32.msk vm0, v2;
	v7 =	vcvt.f32.s32 v12  }
0x81: {  	vm0 =	veq.s32 v21, $0x0;
	v12 =	vmul.f32 $2.048000000e+03, v30;
	v19 =	vld [tilespmem:s28+$0x30];
	v31 =	vmin.f32 v31, $2.047000000e+03  }
0x82: {  	v29 =	vcvt.s32.f32 v29;
	v7 =	vadd.s32 v1, v7;
	v31 =	vtrunc.f32 v31  }
0x83: {  	v20 =	vcvt.s32.f32 v20;
	v12 =	vmin.f32 v12, $2.047000000e+03;
	v31 =	vcvt.f32.s32 v31  }
0x84: {  	v27 =	vmul.f32 v29, v27;
	v12 =	vtrunc.f32 v12;
	[tilespmem:v13+s19+$0x0] =	vst.idx.add.f32.msk vm1, v2;
	vm1 =	veq.s32 v9, $0x0  }
0x85: {  	v21 =	vcvt.s32.f32 v21;
	v25 =	vld [tilespmem:s28+$0x8030];
	v12 =	vcvt.f32.s32 v12;
	v29 =	vadd.s32 v1, v31  }
0x86: {  	v22 =	vadd.f32 v22, v8;
	v13 =	vcvt.s32.f32 v26;
	v26 =	vld [tilespmem:s30+$0x60];
	v31 =	vmul.f32 $2.048000000e+03, v19  }
0x87: {  	v15 =	vmul.f32 v21, v15;
	v21 =	vcvt.s32.f32 v28;
	v12 =	vadd.s32 v1, v12;
	[tilespmem:v7+s19+$0x0] =	vst.idx.add.f32.msk vm0, v2  }
0x88: {  	v28 =	vcvt.s32.f32 v9;
	v13 =	vmul.f32 v13, v24;
	v7 =	vld [tilespmem:s29+$0x20];
	v24 =	vmin.f32 v31, $2.047000000e+03  }
0x89: {  	v14 =	vadd.f32 v27, v14;
	v30 =	vmul.f32 v20, v30;
	v32 =	vld [tilespmem:s30+$0x8060];
	v24 =	vtrunc.f32 v24  }
0x8a: {  	v15 =	vadd.f32 v15, v17;
	v18 =	vmul.f32 v28, v18;
	v24 =	vcvt.f32.s32 v24;
	[tilespmem:v29+s19+$0x0] =	vst.idx.add.f32.msk vm1, v2  }
0x8b: {  	v17 =	vmul.f32 v21, v23;
	vm0 =	veq.s32 v25, $0x0;
	v27 =	vmul.f32 $2.048000000e+03, v26;
	v21 =	vld [tilespmem:s26+$0x50]  }
0x8c: {  	v22 =	vadd.f32 v18, v22;
	v18 =	vcvt.s32.f32 v25;
	[tilespmem:v12+s19+$0x0] =	vst.idx.add.f32.msk vm2, v2;
	v12 =	vadd.s32 v1, v24  }
0x8d: {  	v17 =	vadd.f32 v17, v8;
	v9 =	vld [tilespmem:s29+$0x8020];
	v23 =	vmin.f32 v27, $2.047000000e+03;
	v24 =	vmul.f32 $2.048000000e+03, v7  }
0x8e: {  	v18 =	vmul.f32 v18, v19;
	v13 =	vadd.f32 v13, v16;
	v25 =	vld [tilespmem:s1+$0x8010];
	v16 =	vtrunc.f32 v23  }
0x8f: {  	v27 =	vcvt.s32.f32 v32;
	v23 =	vld [tilespmem:s1+$0x10];
	v16 =	vcvt.f32.s32 v16;
	v24 =	vmin.f32 v24, $2.047000000e+03  }
0x90: {  	s31 =	simm.s32 $0x1400;
	s22 =	simm.s32 $0x280;
	vm1 =	veq.s32 v32, $0x0;
	v28 =	vld [tilespmem:s26+$0x8050];
	v24 =	vtrunc.f32 v24;
	v29 =	vmul.f32 $2.048000000e+03, v21  }
0x91: {  	s24 =	sand.u32 $0xC00, s31;
	s14 =	simm.s32 $0xA0;
	s0 =	sand.u32 $0x3000, s22;
	v14 =	vadd.f32 v18, v14;
	v16 =	vadd.s32 v1, v16;
	v19 =	vcvt.f32.s32 v24;
	[tilespmem:v12+s19+$0x0] =	vst.idx.add.f32.msk vm0, v2  }
0x92: {  	s0 =	sor.u32 s24, s0;
	s22 =	sand.u32 $0x380, s14;
	v34 =	vmul.f32 v27, v26;
	vm0 =	veq.s32 v9, $0x0;
	v31 =	vld [tilespmem:s28+$0x40];
	v12 =	vmin.f32 v29, $2.047000000e+03  }
0x93: {  	s0 =	sor.u32 s22, s0;
	v33 =	vcvt.s32.f32 v25;
	v19 =	vadd.s32 v1, v19;
	v29 =	vld [tilespmem:s28+$0x8040];
	v62 =	vtrunc.f32 v12  }
0x94: {  	v13 =	vadd.f32 v30, v13;
	v24 =	vmul.f32 $2.048000000e+03, v23;
	v12 =	vld [tilespmem:s0+$0x0];
	v32 =	vcvt.f32.s32 v62  }
0x95: {  	v20 =	vld [tilespmem:s0+$0x8000];
	v26 =	vcvt.s32.f32 v10;
	vm2 =	veq.s32 v28, $0x0;
	v18 =	vcvt.s32.f32 v28  }
0x96: {  	v24 =	vmin.f32 v24, $2.047000000e+03;
	[tilespmem:v16+s19+$0x0] =	vst.idx.add.f32.msk vm1, v2;
	v16 =	vmul.f32 v33, v23;
	v32 =	vadd.s32 v1, v32  }
0x97: {  	v24 =	vtrunc.f32 v24;
	vm1 =	veq.s32 v25, $0x0;
	v28 =	vmul.f32 $2.048000000e+03, v31;
	v23 =	vld [tilespmem:s30+$0x70]  }
0x98: {  	v24 =	vcvt.f32.s32 v24;
	v15 =	vadd.f32 v16, v15;
	[tilespmem:v19+s19+$0x0] =	vst.idx.add.f32.msk vm0, v2;
	v16 =	vcvt.s32.f32 v29  }
0x99: {  	v19 =	vmul.f32 v18, v21;
	v18 =	vmul.f32 $2.048000000e+03, v12;
	v25 =	vld [tilespmem:s29+$0x30];
	v21 =	vmin.f32 v28, $2.047000000e+03  }
0x9a: {  	vm0 =	veq.s32 v29, $0x0;
	v24 =	vadd.s32 v1, v24;
	v27 =	vld [tilespmem:s29+$0x8030];
	v21 =	vtrunc.f32 v21  }
0x9b: {  	v16 =	vmul.f32 v16, v31;
	v18 =	vmin.f32 v18, $2.047000000e+03;
	v21 =	vcvt.f32.s32 v21;
	[tilespmem:v32+s19+$0x0] =	vst.idx.add.f32.msk vm2, v2  }
0x9c: {  	v17 =	vadd.f32 v19, v17;
	v10 =	vtrunc.f32 v18;
	v28 =	vmul.f32 $2.048000000e+03, v23;
	v18 =	vld [tilespmem:s26+$0x60]  }
0x9d: {  	v29 =	vld [tilespmem:s30+$0x8070];
	vm2 =	veq.s32 v20, $0x0;
	v10 =	vcvt.f32.s32 v10;
	v21 =	vadd.s32 v1, v21  }
0x9e: {  	v16 =	vadd.f32 v16, v22;
	v45 =	vld [tilespmem:s26+$0x8060];
	v31 =	vmul.f32 $2.048000000e+03, v25;
	v28 =	vmin.f32 v28, $2.047000000e+03  }
0x9f: {  	[tilespmem:v24+s19+$0x0] =	vst.idx.add.f32.msk vm1, v2;
	v30 =	vcvt.s32.f32 v27;
	v63 =	vadd.s32 v1, v10;
	v24 =	vtrunc.f32 v28  }
0xa0: {  	v10 =	vld [tilespmem:s1+$0x20];
	v28 =	vmin.f32 v31, $2.047000000e+03;
	v31 =	vmul.f32 v26, v11;
	v22 =	vcvt.f32.s32 v24  }
0xa1: {  	vm1 =	veq.s32 v27, $0x0;
	v11 =	vld [tilespmem:s1+$0x8020];
	v24 =	vtrunc.f32 v28;
	v19 =	vmul.f32 $2.048000000e+03, v18  }
0xa2: {  	v24 =	vcvt.f32.s32 v24;
	[tilespmem:v21+s19+$0x0] =	vst.idx.add.f32.msk vm0, v2;
	v26 =	vadd.s32 v1, v22;
	vm0 =	veq.s32 v29, $0x0  }
0xa3: {  	v29 =	vcvt.s32.f32 v29;
	v27 =	vcvt.s32.f32 v45;
	v28 =	vld [tilespmem:s28+$0x50];
	v19 =	vmin.f32 v19, $2.047000000e+03  }
0xa4: {  	v21 =	vimm.f32 $0.0e+00;
	[tilespmem:v63+s19+$0x0] =	vst.idx.add.f32.msk vm2, v2;
	v24 =	vadd.s32 v1, v24;
	v19 =	vtrunc.f32 v19  }
0xa5: {  	s22 =	simm.s32 $0x28;
	v33 =	vmul.f32 $2.048000000e+03, v10;
	v32 =	vld [tilespmem:s0+$0x10];
	v22 =	vcvt.f32.s32 v19;
	v19 =	vadd.f32 v34, v8  }
.LBB2_4:
0xa6: {  	s22 =	sadd.s32 $0x8, s22;
	v34 =	vld [tilespmem:s0+$0x8010];
	v25 =	vmul.f32 v30, v25;
	v8 =	vadd.f32 v31, v8;
	v23 =	vmul.f32 v29, v23  }
0xa7: {  	s31 =	sadd.s32 $0x400, s31;
	vm2 =	veq.s32 v45, $0x0;
	s24 =	sshll.u32 s22, $0x4;
	s30 =	sshll.u32 s22, $0x2;
	v29 =	vmin.f32 v33, $2.047000000e+03;
	v30 =	vld [tilespmem:s28+$0x8050];
	v22 =	vadd.s32 v1, v22  }
0xa8: {  	s14 =	sand.u32 $0xC00, s31;
	p0 =	slt.u32 s22, $0x3F8;
	s24 =	sand.u32 $0x3000, s24;
	v29 =	vtrunc.f32 v29;
	v31 =	vmul.f32 $2.048000000e+03, v28;
	v21 =	vadd.f32 v23, v21;
	[tilespmem:v26+s19+$0x0] =	vst.idx.add.f32.msk vm0, v2  }
0xa9: {  	v20 =	vcvt.s32.f32 v20;
	v14 =	vadd.f32 v25, v14;
	s14 =	sor.u32 s14, s24;
	s24 =	sand.u32 $0x380, s30;
	v23 =	vcvt.f32.s32 v29;
	[tilespmem:v24+s19+$0x0] =	vst.idx.add.f32.msk vm1, v2  }
0xaa: {  	vm1 =	veq.s32 v11, $0x0;
	s24 =	sor.u32 s24, s14;
	v24 =	vmul.f32 $2.048000000e+03, v32;
	v26 =	vld [tilespmem:s29+$0x40];
	v25 =	vmin.f32 v31, $2.047000000e+03  }
0xab: {  	v29 =	vcvt.s32.f32 v34;
	v31 =	vadd.s32 v1, v23;
	v33 =	vld [tilespmem:s29+$0x8040];
	v23 =	vtrunc.f32 v25  }
0xac: {  	v35 =	vmul.f32 v20, v12;
	v12 =	vld [tilespmem:s24+$0x0];
	v20 =	vmin.f32 v24, $2.047000000e+03;
	v23 =	vcvt.f32.s32 v23  }
0xad: {  	vm3 =	veq.s32 v30, $0x0;
	v24 =	vmul.f32 v29, v32;
	v25 =	vtrunc.f32 v20;
	[tilespmem:v22+s19+$0x0] =	vst.idx.add.f32.msk vm2, v2  }
0xae: {  	v20 =	vld [tilespmem:s24+$0x8000];
	v22 =	vcvt.f32.s32 v25;
	v25 =	vcvt.s32.f32 v30;
	v29 =	vadd.s32 v1, v23  }
0xaf: {  	vm0 =	veq.s32 v34, $0x0;
	v15 =	vadd.f32 v24, v15;
	v24 =	vmul.f32 $2.048000000e+03, v26;
	v23 =	vld [tilespmem:s26+$0x70]  }
0xb0: {  	v22 =	vadd.s32 v1, v22;
	[tilespmem:v31+s19+$0x0] =	vst.idx.add.f32.msk vm1, v2;
	v30 =	vcvt.s32.f32 v33;
	v28 =	vmul.f32 v25, v28  }
0xb1: {  	v34 =	vmul.f32 v27, v18;
	v31 =	vmul.f32 $2.048000000e+03, v12;
	v25 =	vld [tilespmem:s1+$0x30];
	v24 =	vmin.f32 v24, $2.047000000e+03  }
0xb2: {  	v13 =	vadd.f32 v35, v13;
	v27 =	vld [tilespmem:s1+$0x8030];
	v26 =	vmul.f32 v30, v26;
	v18 =	vtrunc.f32 v24  }
0xb3: {  	v24 =	vmin.f32 v31, $2.047000000e+03;
	v30 =	vcvt.f32.s32 v18;
	[tilespmem:v29+s19+$0x0] =	vst.idx.add.f32.msk vm3, v2;
	v29 =	vcvt.s32.f32 v4;
	v4 =	vmovc v6;
	v6 =	vmovc v9  }
0xb4: {  	vm1 =	veq.s32 v33, $0x0;
	v9 =	vmovc v11;
	v24 =	vtrunc.f32 v24;
	v18 =	vld [tilespmem:s28+$0x60];
	v31 =	vmul.f32 $2.048000000e+03, v23  }
0xb5: {  	vm2 =	veq.s32 v20, $0x0;
	v11 =	vcvt.f32.s32 v24;
	v24 =	vadd.s32 v1, v30;
	v32 =	vld [tilespmem:s26+$0x8070];
	s26 =	smov.u32 s28;
	s28 =	smov.u32 s29;
	s29 =	smov.u32 s1  }
0xb6: {  	v16 =	vadd.f32 v26, v16;
	s1 =	smov.u32 s0;
	s0 =	smov.u32 s24;
	v33 =	vmul.f32 $2.048000000e+03, v25;
	v45 =	vld [tilespmem:s26+$0x8060];
	v26 =	vmin.f32 v31, $2.047000000e+03  }
0xb7: {  	v35 =	vadd.s32 v1, v11;
	[tilespmem:v22+s19+$0x0] =	vst.idx.add.f32.msk vm0, v2;
	v30 =	vcvt.s32.f32 v27;
	v11 =	vtrunc.f32 v26  }
0xb8: {  	v31 =	vmul.f32 v29, v3;
	v3 =	vmovc v5;
	v5 =	vmovc v7;
	v36 =	vld [tilespmem:s1+$0x20];
	v22 =	vmin.f32 v33, $2.047000000e+03;
	v26 =	vcvt.f32.s32 v11  }
.Ltmp1:
0xb9: {  	v17 =	vadd.f32 v28, v17;
	v7 =	vmovc v10;
	v11 =	vld [tilespmem:s1+$0x8020];
	v22 =	vtrunc.f32 v22;
	v29 =	vmul.f32 $2.048000000e+03, v18;
	(pc) =	sbr.rel @p0 .LBB2_4-.Ltmp1, $4  }
0xba: {  	v37 =	vcvt.f32.s32 v22;
	[tilespmem:v24+s19+$0x0] =	vst.idx.add.f32.msk vm1, v2;
	v26 =	vadd.s32 v1, v26;
	vm0 =	veq.s32 v32, $0x0  }
0xbb: {  	vm1 =	veq.s32 v27, $0x0;
	v28 =	vld [tilespmem:s28+$0x50];
	v22 =	vmin.f32 v29, $2.047000000e+03;
	v29 =	vcvt.s32.f32 v32  }
0xbc: {  	v27 =	vcvt.s32.f32 v45;
	[tilespmem:v35+s19+$0x0] =	vst.idx.add.f32.msk vm2, v2;
	v24 =	vadd.s32 v1, v37;
	v35 =	vtrunc.f32 v22  }
0xbd: {  	v19 =	vadd.f32 v34, v19;
	v32 =	vld [tilespmem:s0+$0x10];
	v33 =	vmul.f32 $2.048000000e+03, v36;
	v22 =	vcvt.f32.s32 v35;
	v10 =	vmovc v36  }
0xbe: {  	_ =	sdelay $0x3  }
0xbf: {  	v49 =	vld [tilespmem:s0+$0x8010];
	v34 =	vmul.f32 $2.048000000e+03, v32;
	_ =	sdelay $0x1  }
0xc0: {  	v34 =	vmin.f32 v34, $2.047000000e+03  }
0xc1: {  	v34 =	vtrunc.f32 v34  }
0xc2: {  	v34 =	vcvt.f32.s32 v34  }
0xc3: {  	vm2 =	veq.s32 v49, $0x0  }
0xc4: {  	v34 =	vadd.s32 v1, v34;
	_ =	sdelay $0x4  }
0xc5: {  	[tilespmem:v34+s19+$0x0] =	vst.idx.add.f32.msk vm2, v2  }
0xc6: {  	v34 =	vld [tilespmem:s0+$0x20];
	_ =	sdelay $0x2  }
0xc7: {  	v33 =	vmin.f32 v33, $2.047000000e+03  }
0xc8: {  	v33 =	vtrunc.f32 v33  }
0xc9: {  	v33 =	vcvt.f32.s32 v33;
	[tilespmem:$0x1FFE0] =	vst v34  }
0xca: {  	vm2 =	veq.s32 v11, $0x0;
	v35 =	vld [tilespmem:s0+$0x8020]  }
0xcb: {  	v33 =	vadd.s32 v1, v33  }
0xcc: {  	v34 =	vmul.f32 $2.048000000e+03, v34;
	_ =	sdelay $0x1  }
0xcd: {  	v34 =	vmin.f32 v34, $2.047000000e+03  }
0xce: {  	v34 =	vtrunc.f32 v34;
	[tilespmem:$0x1FFD0] =	vst v35  }
0xcf: {  	v34 =	vcvt.f32.s32 v34;
	[tilespmem:v33+s19+$0x0] =	vst.idx.add.f32.msk vm2, v2  }
0xd0: {  	vm3 =	veq.s32 v35, $0x0;
	v33 =	vld [tilespmem:s1+$0x30]  }
0xd1: {  	v34 =	vadd.s32 v1, v34;
	_ =	sdelay $0x3  }
0xd2: {  	[tilespmem:$0x1FF20] =	vst v33  }
0xd3: {  	[tilespmem:v34+s19+$0x0] =	vst.idx.add.f32.msk vm3, v2  }
0xd4: {  	v34 =	vld [tilespmem:s0+$0x30];
	_ =	sdelay $0x4  }
0xd5: {  	[tilespmem:$0x1FF50] =	vst v34  }
0xd6: {  	v33 =	vmul.f32 $2.048000000e+03, v33;
	v44 =	vld [tilespmem:s1+$0x8030];
	_ =	sdelay $0x1  }
0xd7: {  	v33 =	vmin.f32 v33, $2.047000000e+03  }
0xd8: {  	v33 =	vtrunc.f32 v33  }
0xd9: {  	v33 =	vcvt.f32.s32 v33  }
0xda: {  	v58 =	vld [tilespmem:s0+$0x8030];
	vm2 =	veq.s32 v44, $0x0  }
0xdb: {  	v33 =	vadd.s32 v1, v33  }
0xdc: {  	v34 =	vmul.f32 $2.048000000e+03, v34;
	_ =	sdelay $0x1  }
0xdd: {  	v34 =	vmin.f32 v34, $2.047000000e+03  }
0xde: {  	v34 =	vtrunc.f32 v34;
	[tilespmem:$0x1FF40] =	vst v58  }
0xdf: {  	v34 =	vcvt.f32.s32 v34;
	[tilespmem:v33+s19+$0x0] =	vst.idx.add.f32.msk vm2, v2  }
0xe0: {  	vm3 =	veq.s32 v58, $0x0;
	v33 =	vld [tilespmem:s1+$0x40]  }
0xe1: {  	v34 =	vadd.s32 v1, v34;
	_ =	sdelay $0x2  }
0xe2: {  	[tilespmem:v24+s19+$0x0] =	vst.idx.add.f32.msk vm1, v2  }
0xe3: {  	v51 =	vld [tilespmem:s29+$0x40];
	[tilespmem:$0x1FF30] =	vst v33  }
0xe4: {  	[tilespmem:v34+s19+$0x0] =	vst.idx.add.f32.msk vm3, v2  }
0xe5: {  	v34 =	vld [tilespmem:s0+$0x40];
	_ =	sdelay $0x4  }
0xe6: {  	[tilespmem:$0x1FF80] =	vst v34  }
0xe7: {  	v33 =	vmul.f32 $2.048000000e+03, v33;
	v47 =	vld [tilespmem:s1+$0x8040];
	_ =	sdelay $0x1  }
0xe8: {  	v33 =	vmin.f32 v33, $2.047000000e+03  }
0xe9: {  	v33 =	vtrunc.f32 v33  }
0xea: {  	v33 =	vcvt.f32.s32 v33;
	v57 =	vld [tilespmem:s29+$0x8040]  }
0xeb: {  	v24 =	vmul.f32 $2.048000000e+03, v51;
	v59 =	vld [tilespmem:s0+$0x8040];
	vm2 =	veq.s32 v47, $0x0  }
0xec: {  	v33 =	vadd.s32 v1, v33  }
0xed: {  	v24 =	vmin.f32 v24, $2.047000000e+03;
	v34 =	vmul.f32 $2.048000000e+03, v34  }
0xee: {  	v24 =	vtrunc.f32 v24  }
0xef: {  	v24 =	vcvt.f32.s32 v24;
	v34 =	vmin.f32 v34, $2.047000000e+03  }
0xf0: {  	v34 =	vtrunc.f32 v34;
	[tilespmem:$0x1FF60] =	vst v59;
	vm1 =	veq.s32 v57, $0x0  }
0xf1: {  	v24 =	vadd.s32 v1, v24;
	v34 =	vcvt.f32.s32 v34;
	[tilespmem:v33+s19+$0x0] =	vst.idx.add.f32.msk vm2, v2  }
0xf2: {  	vm3 =	veq.s32 v59, $0x0;
	v36 =	vld [tilespmem:s1+$0x50]  }
0xf3: {  	v34 =	vadd.s32 v1, v34;
	_ =	sdelay $0x1  }
0xf4: {  	v42 =	vld [tilespmem:s28+$0x8050]  }
0xf5: {  	[tilespmem:v24+s19+$0x0] =	vst.idx.add.f32.msk vm1, v2  }
0xf6: {  	v53 =	vld [tilespmem:s29+$0x50];
	[tilespmem:$0x1FF70] =	vst v36  }
0xf7: {  	[tilespmem:v34+s19+$0x0] =	vst.idx.add.f32.msk vm3, v2  }
0xf8: {  	v60 =	vld [tilespmem:s0+$0x50];
	_ =	sdelay $0x1  }
0xf9: {  	v24 =	vmul.f32 $2.048000000e+03, v28;
	_ =	sdelay $0x1  }
0xfa: {  	v24 =	vmin.f32 v24, $2.047000000e+03  }
0xfb: {  	v24 =	vtrunc.f32 v24;
	[tilespmem:$0x1FFA0] =	vst v60  }
0xfc: {  	v24 =	vcvt.f32.s32 v24;
	v48 =	vld [tilespmem:s1+$0x8050]  }
0xfd: {  	vm1 =	veq.s32 v42, $0x0;
	v62 =	vmul.f32 $2.048000000e+03, v36;
	v63 =	vld [tilespmem:s0+$0x8050]  }
0xfe: {  	v24 =	vadd.s32 v1, v24  }
0xff: {  	v34 =	vmin.f32 v62, $2.047000000e+03  }
0x100: {  	v34 =	vtrunc.f32 v34  }
0x101: {  	v34 =	vcvt.f32.s32 v34  }
0x102: {  	v61 =	vmul.f32 $2.048000000e+03, v53;
	v56 =	vld [tilespmem:s29+$0x8050];
	[tilespmem:$0x1FF90] =	vst v63;
	vm3 =	veq.s32 v48, $0x0  }
0x103: {  	[tilespmem:v24+s19+$0x0] =	vst.idx.add.f32.msk vm1, v2;
	v24 =	vadd.s32 v1, v34  }
0x104: {  	v33 =	vmin.f32 v61, $2.047000000e+03;
	v35 =	vmul.f32 $2.048000000e+03, v60  }
0x105: {  	v33 =	vtrunc.f32 v33  }
0x106: {  	v33 =	vcvt.f32.s32 v33;
	v35 =	vmin.f32 v35, $2.047000000e+03  }
0x107: {  	v35 =	vtrunc.f32 v35;
	vm2 =	veq.s32 v56, $0x0  }
0x108: {  	v33 =	vadd.s32 v1, v33;
	v46 =	vcvt.f32.s32 v35;
	[tilespmem:v24+s19+$0x0] =	vst.idx.add.f32.msk vm3, v2  }
0x109: {  	vm1 =	veq.s32 v63, $0x0;
	v50 =	vld [tilespmem:s1+$0x60]  }
0x10a: {  	v34 =	vadd.s32 v1, v46  }
0x10b: {  	v43 =	vld [tilespmem:s28+$0x60]  }
0x10c: {  	v41 =	vld [tilespmem:s28+$0x8060]  }
0x10d: {  	[tilespmem:v33+s19+$0x0] =	vst.idx.add.f32.msk vm2, v2  }
0x10e: {  	v52 =	vld [tilespmem:s29+$0x60];
	[tilespmem:$0x1FFB0] =	vst v50  }
0x10f: {  	[tilespmem:v34+s19+$0x0] =	vst.idx.add.f32.msk vm1, v2  }
0x110: {  	v60 =	vld [tilespmem:s0+$0x60];
	_ =	sdelay $0x1  }
0x111: {  	v24 =	vmul.f32 $2.048000000e+03, v43;
	_ =	sdelay $0x1  }
0x112: {  	v24 =	vmin.f32 v24, $2.047000000e+03;
	vm1 =	veq.s32 v45, $0x0  }
0x113: {  	v22 =	vadd.s32 v1, v22;
	v24 =	vtrunc.f32 v24;
	[tilespmem:$0x1FFC0] =	vst v60  }
0x114: {  	v24 =	vcvt.f32.s32 v24;
	v61 =	vmul.f32 $2.048000000e+03, v52;
	v59 =	vld [tilespmem:s29+$0x8060]  }
0x115: {  	vm2 =	veq.s32 v41, $0x0;
	v62 =	vmul.f32 $2.048000000e+03, v50;
	v54 =	vld [tilespmem:s1+$0x8060]  }
0x116: {  	v63 =	vadd.s32 v1, v24;
	v33 =	vmin.f32 v61, $2.047000000e+03;
	v50 =	vmul.f32 $2.048000000e+03, v60;
	v46 =	vld [tilespmem:s0+$0x8060]  }
0x117: {  	v40 =	vmin.f32 v62, $2.047000000e+03;
	v24 =	vtrunc.f32 v33  }
0x118: {  	v33 =	vtrunc.f32 v40;
	v24 =	vcvt.f32.s32 v24;
	[tilespmem:v22+s19+$0x0] =	vst.idx.add.f32.msk vm1, v2;
	v22 =	vmin.f32 v50, $2.047000000e+03  }
0x119: {  	v33 =	vcvt.f32.s32 v33;
	v34 =	vtrunc.f32 v22;
	vm3 =	veq.s32 v59, $0x0  }
0x11a: {  	v38 =	vadd.s32 v1, v24;
	v40 =	vcvt.f32.s32 v34;
	vm1 =	veq.s32 v54, $0x0  }
0x11b: {  	v33 =	vadd.s32 v1, v33;
	[tilespmem:v63+s19+$0x0] =	vst.idx.add.f32.msk vm2, v2;
	vm2 =	veq.s32 v46, $0x0  }
0x11c: {  	v37 =	vld [tilespmem:s26+$0x70];
	v55 =	vadd.s32 v1, v40  }
0x11d: {  	v36 =	vld [tilespmem:s26+$0x8070]  }
0x11e: {  	v34 =	vld [tilespmem:s28+$0x70]  }
0x11f: {  	[tilespmem:v38+s19+$0x0] =	vst.idx.add.f32.msk vm3, v2  }
0x120: {  	[tilespmem:v33+s19+$0x0] =	vst.idx.add.f32.msk vm1, v2  }
0x121: {  	[tilespmem:v55+s19+$0x0] =	vst.idx.add.f32.msk vm2, v2  }
0x122: {  	v58 =	vmul.f32 $2.048000000e+03, v37;
	v60 =	vld [tilespmem:s29+$0x70]  }
0x123: {  	v61 =	vmul.f32 $2.048000000e+03, v34;
	v50 =	vld [tilespmem:s1+$0x70]  }
0x124: {  	v33 =	vmin.f32 v58, $2.047000000e+03;
	v45 =	vld [tilespmem:s0+$0x70]  }
0x125: {  	v38 =	vmin.f32 v61, $2.047000000e+03;
	v62 =	vtrunc.f32 v33;
	v33 =	vld [tilespmem:s28+$0x8070]  }
0x126: {  	v39 =	vtrunc.f32 v38;
	v63 =	vcvt.f32.s32 v62  }
0x127: {  	v35 =	vld [tilespmem:s29+$0x8070];
	v38 =	vcvt.f32.s32 v39;
	v55 =	vmul.f32 $2.048000000e+03, v60  }
0x128: {  	vm1 =	veq.s32 v36, $0x0;
	v40 =	vadd.s32 v1, v63;
	v63 =	vld [tilespmem:s1+$0x8070];
	v58 =	vmul.f32 $2.048000000e+03, v50  }
0x129: {  	v38 =	vadd.s32 v1, v38;
	v62 =	vmul.f32 $2.048000000e+03, v45;
	v61 =	vmin.f32 v55, $2.047000000e+03;
	v55 =	vld [tilespmem:s0+$0x8070]  }
0x12a: {  	vm2 =	veq.s32 v33, $0x0;
	v58 =	vmin.f32 v58, $2.047000000e+03;
	v61 =	vtrunc.f32 v61  }
0x12b: {  	v62 =	vmin.f32 v62, $2.047000000e+03;
	v58 =	vtrunc.f32 v58;
	v61 =	vcvt.f32.s32 v61  }
0x12c: {  	vm3 =	veq.s32 v35, $0x0;
	v62 =	vtrunc.f32 v62;
	v58 =	vcvt.f32.s32 v58  }
0x12d: {  	vm4 =	veq.s32 v63, $0x0;
	v62 =	vcvt.f32.s32 v62;
	v61 =	vadd.s32 v1, v61  }
0x12e: {  	v58 =	vadd.s32 v1, v58;
	vm5 =	veq.s32 v55, $0x0  }
0x12f: {  	[tilespmem:v26+s19+$0x0] =	vst.idx.add.f32.msk vm0, v2;
	v26 =	vadd.s32 v1, v62  }
0x130: {  	[tilespmem:v40+s19+$0x0] =	vst.idx.add.f32.msk vm1, v2  }
0x131: {  	[tilespmem:v38+s19+$0x0] =	vst.idx.add.f32.msk vm2, v2  }
0x132: {  	[tilespmem:v61+s19+$0x0] =	vst.idx.add.f32.msk vm3, v2  }
0x133: {  	[tilespmem:v58+s19+$0x0] =	vst.idx.add.f32.msk vm4, v2  }
0x134: {  	[tilespmem:v26+s19+$0x0] =	vst.idx.add.f32.msk vm5, v2  }
0x135: {  	_ =	swait.ge [sflag:s20], $0x4000  }
0x136: {  	[sflag:s20] =	ssyncset.done $0x0  }
0x137: {  	s22 =	simm.s32 $0x0;
	[sflag:s20] =	ssyncadd.s32 $0xFFFFC000  }
0x138: {  	s24 =	simm.s32 $0x0;
	s14 =	simm.s32 $0x0;
	_ =	swait.ge [sflag:s21], $0x4000  }
0x139: {  	s1 =	sand.u32 $0x3000, s24;
	s0 =	sand.u32 $0xC00, s22;
	[sflag:s21] =	ssyncset.done $0x0  }
0x13a: {  	s26 =	sand.u32 $0x380, s14;
	s0 =	sor.u32 s0, s1;
	[sflag:s21] =	ssyncadd.s32 $0xFFFFC000  }
0x13b: {  	[tilespmem:s22], [sflag:$0x1] =	stream.linear.gather [hbm4b:s7+s22], $0x4000, $0x38;
	[tilespmem:$0x18880] =	vst v63  }
0x13c: {  	s0 =	sor.u32 s26, s0  }
0x13d: {  	[tilespmem:s2], [sflag:$0x3] =	stream.linear.gather [hbm4b:s8+s22], $0x4000, $0x38;
	[tilespmem:$0x18880] =	vst v63  }
0x13e: {  	v58 =	vld [tilespmem:s0+$0x4000];
	_ =	sdelay $0x4  }
0x13f: {  	v61 =	vld [tilespmem:s0+$0xC000];
	v26 =	vmul.f32 $2.048000000e+03, v58;
	_ =	sdelay $0x1  }
0x140: {  	v26 =	vmin.f32 v26, $2.047000000e+03  }
0x141: {  	v26 =	vtrunc.f32 v26  }
0x142: {  	v26 =	vcvt.f32.s32 v26  }
0x143: {  	vm0 =	veq.s32 v61, $0x0  }
0x144: {  	v26 =	vadd.s32 v1, v26;
	_ =	sdelay $0x4  }
0x145: {  	[tilespmem:v26+s19+$0x0] =	vst.idx.add.f32.msk vm0, v2  }
0x146: {  	v40 =	vld [tilespmem:s0+$0x4010];
	_ =	sdelay $0x1  }
0x147: {  	s24 =	simm.s32 $0x400;
	s2 =	simm.s32 $0x80  }
0x148: {  	s14 =	sand.u32 $0xC00, s24;
	s22 =	simm.s32 $0x20;
	s1 =	sand.u32 $0x3000, s2  }
0x149: {  	s26 =	sand.u32 $0x380, s22;
	s1 =	sor.u32 s14, s1  }
0x14a: {  	s26 =	sor.u32 s26, s1;
	v39 =	vld [tilespmem:s0+$0xC010];
	v38 =	vmul.f32 $2.048000000e+03, v40  }
0x14b: {  	v62 =	vld [tilespmem:s26+$0x4000]  }
0x14c: {  	v38 =	vmin.f32 v38, $2.047000000e+03  }
0x14d: {  	v38 =	vtrunc.f32 v38  }
0x14e: {  	v24 =	vcvt.f32.s32 v38  }
0x14f: {  	vm0 =	veq.s32 v39, $0x0  }
0x150: {  	v22 =	vmul.f32 $2.048000000e+03, v62;
	v26 =	vadd.s32 v1, v24  }
0x151: {  	v38 =	vld [tilespmem:s26+$0xC000]  }
0x152: {  	v22 =	vmin.f32 v22, $2.047000000e+03  }
0x153: {  	v22 =	vtrunc.f32 v22  }
0x154: {  	v22 =	vcvt.f32.s32 v22  }
0x155: {  	[tilespmem:v26+s19+$0x0] =	vst.idx.add.f32.msk vm0, v2  }
0x156: {  	v24 =	vadd.s32 v1, v22;
	vm1 =	veq.s32 v38, $0x0;
	v22 =	vld [tilespmem:s0+$0x4020];
	_ =	sdelay $0x4  }
0x157: {  	[tilespmem:$0x1FFF0] =	vst v22  }
0x158: {  	[tilespmem:v24+s19+$0x0] =	vst.idx.add.f32.msk vm1, v2  }
0x159: {  	v20 =	vcvt.s32.f32 v20;
	v26 =	vmul.f32 v29, v23;
	v23 =	vld [tilespmem:s26+$0x4010]  }
0x15a: {  	v29 =	vld [tilespmem:s0+$0xC020];
	v24 =	vcvt.s32.f32 v49;
	v49 =	vmul.f32 $2.048000000e+03, v22  }
0x15b: {  	v25 =	vmul.f32 v30, v25  }
0x15c: {  	v12 =	vmul.f32 v20, v12;
	v22 =	vmul.f32 v24, v32;
	v24 =	vmin.f32 v49, $2.047000000e+03  }
0x15d: {  	v25 =	vadd.f32 v25, v14;
	v20 =	vtrunc.f32 v24;
	v24 =	vcvt.s32.f32 v57  }
0x15e: {  	v14 =	vadd.f32 v22, v15;
	v22 =	vcvt.s32.f32 v42;
	v15 =	vld [tilespmem:s26+$0xC010];
	v30 =	vmul.f32 $2.048000000e+03, v23  }
0x15f: {  	v4 =	vcvt.s32.f32 v4;
	v20 =	vcvt.f32.s32 v20;
	vm0 =	veq.s32 v29, $0x0  }
0x160: {  	s2 =	simm.s32 $0x100;
	s22 =	simm.s32 $0x800;
	v24 =	vmul.f32 v24, v51;
	v22 =	vmul.f32 v22, v28;
	v28 =	vmin.f32 v30, $2.047000000e+03  }
0x161: {  	v3 =	vmul.f32 v4, v3;
	s24 =	simm.s32 $0x40;
	s14 =	sand.u32 $0xC00, s22;
	s1 =	sand.u32 $0x3000, s2;
	v20 =	vadd.s32 v1, v20;
	v4 =	vtrunc.f32 v28  }
0x162: {  	v27 =	vmul.f32 v27, v18;
	s2 =	sand.u32 $0x380, s24;
	s1 =	sor.u32 s14, s1;
	v24 =	vadd.f32 v24, v16;
	v4 =	vcvt.f32.s32 v4  }
0x163: {  	s28 =	sor.u32 s2, s1;
	v16 =	vcvt.s32.f32 v36;
	v17 =	vadd.f32 v22, v17;
	v22 =	vld [tilespmem:$0x1FF20];
	vm1 =	veq.s32 v15, $0x0  }
0x164: {  	v18 =	vadd.f32 v12, v13;
	v12 =	vld [tilespmem:s28+$0x4000];
	v4 =	vadd.s32 v1, v4  }
0x165: {  	v19 =	vadd.f32 v27, v19;
	v27 =	vmul.f32 v16, v37;
	v16 =	vld [tilespmem:s28+$0xC000]  }
0x166: {  	v13 =	vcvt.s32.f32 v44;
	[tilespmem:v20+s19+$0x0] =	vst.idx.add.f32.msk vm0, v2  }
0x167: {  	v6 =	vcvt.s32.f32 v6;
	v21 =	vadd.f32 v26, v21;
	v26 =	vld [tilespmem:$0x1FF30]  }
0x168: {  	v28 =	vcvt.s32.f32 v56;
	v22 =	vmul.f32 v13, v22;
	v13 =	vld [tilespmem:s0+$0x4030]  }
0x169: {  	v30 =	vmul.f32 $2.048000000e+03, v12;
	v20 =	vcvt.s32.f32 v41;
	[tilespmem:v4+s19+$0x0] =	vst.idx.add.f32.msk vm1, v2  }
0x16a: {  	v21 =	vadd.f32 v27, v21;
	v27 =	vmul.f32 v28, v53;
	v4 =	vld [tilespmem:$0x1FF40]  }
0x16b: {  	v5 =	vmul.f32 v6, v5;
	v28 =	vmin.f32 v30, $2.047000000e+03;
	v20 =	vmul.f32 v20, v43  }
0x16c: {  	v6 =	vadd.f32 v27, v17;
	v22 =	vadd.f32 v22, v25;
	v25 =	vtrunc.f32 v28;
	v17 =	vld [tilespmem:$0x1FF50]  }
0x16d: {  	v8 =	vadd.f32 v31, v8;
	v25 =	vcvt.f32.s32 v25  }
0x16e: {  	vm0 =	veq.s32 v16, $0x0;
	v19 =	vadd.f32 v20, v19;
	v20 =	vcvt.s32.f32 v33  }
0x16f: {  	v30 =	vmul.f32 $2.048000000e+03, v13;
	v25 =	vadd.s32 v1, v25;
	v4 =	vcvt.s32.f32 v4  }
0x170: {  	v20 =	vmul.f32 v20, v34  }
0x171: {  	v8 =	vadd.f32 v3, v8;
	v28 =	vld [tilespmem:s0+$0xC030];
	v17 =	vmul.f32 v4, v17;
	v4 =	vmin.f32 v30, $2.047000000e+03  }
0x172: {  	v20 =	vadd.f32 v20, v21;
	v21 =	vld [tilespmem:$0x1FF70];
	v4 =	vtrunc.f32 v4  }
0x173: {  	v5 =	vadd.f32 v5, v8;
	v3 =	vcvt.s32.f32 v47;
	v8 =	vcvt.f32.s32 v4;
	v4 =	vld [tilespmem:$0x1FF60]  }
0x174: {  	[tilespmem:v25+s19+$0x0] =	vst.idx.add.f32.msk vm0, v2  }
0x175: {  	v3 =	vmul.f32 v3, v26;
	v26 =	vld [tilespmem:$0x1FF80];
	_ =	sdelay $0x1  }
0x176: {  	vm1 =	veq.s32 v28, $0x0  }
0x177: {  	v27 =	vcvt.s32.f32 v59;
	v8 =	vadd.s32 v1, v8;
	v31 =	vcvt.s32.f32 v4  }
0x178: {  	v9 =	vcvt.s32.f32 v9;
	v24 =	vadd.f32 v3, v24;
	v3 =	vld [tilespmem:s26+$0x4020]  }
0x179: {  	v25 =	vmul.f32 v27, v52;
	v27 =	vmul.f32 v31, v26;
	_ =	sdelay $0x1  }
0x17a: {  	v7 =	vmul.f32 v9, v7;
	v4 =	vld [tilespmem:s26+$0xC020];
	v9 =	vadd.f32 v27, v24;
	v24 =	vcvt.s32.f32 v35  }
0x17b: {  	[tilespmem:v8+s19+$0x0] =	vst.idx.add.f32.msk vm1, v2  }
0x17c: {  	v42 =	vmul.f32 $2.048000000e+03, v3;
	v8 =	vmul.f32 v24, v60;
	v24 =	vld [tilespmem:$0x1FF90];
	_ =	sdelay $0x1  }
0x17d: {  	v5 =	vadd.f32 v7, v5;
	v31 =	vmin.f32 v42, $2.047000000e+03;
	v7 =	vld [tilespmem:$0x1FFA0]  }
0x17e: {  	v30 =	vcvt.s32.f32 v48;
	v17 =	vadd.f32 v17, v22;
	v22 =	vtrunc.f32 v31  }
0x17f: {  	v22 =	vcvt.f32.s32 v22  }
0x180: {  	v21 =	vmul.f32 v30, v21;
	v30 =	vld [tilespmem:s28+$0x4010];
	vm0 =	veq.s32 v4, $0x0;
	v24 =	vcvt.s32.f32 v24  }
0x181: {  	v22 =	vadd.s32 v1, v22  }
0x182: {  	v7 =	vmul.f32 v24, v7;
	v24 =	vld [tilespmem:$0x1FFB0]  }
0x183: {  	v11 =	vcvt.s32.f32 v11;
	s22 =	simm.s32 $0x180;
	s24 =	simm.s32 $0xC00;
	v27 =	vld [tilespmem:s0+$0x4040]  }
0x184: {  	v47 =	vcvt.s32.f32 v55;
	s14 =	sand.u32 $0xC00, s24;
	s2 =	simm.s32 $0x60;
	s1 =	sand.u32 $0x3000, s22;
	v15 =	vcvt.s32.f32 v15;
	v6 =	vadd.f32 v21, v6  }
0x185: {  	s1 =	sor.u32 s14, s1;
	s24 =	sand.u32 $0x380, s2;
	v21 =	vcvt.s32.f32 v54;
	v19 =	vadd.f32 v25, v19;
	v25 =	vld [tilespmem:s28+$0xC010];
	v31 =	vmul.f32 $2.048000000e+03, v30  }
0x186: {  	s29 =	sor.u32 s24, s1;
	v15 =	vmul.f32 v15, v23;
	v43 =	vcvt.s32.f32 v63;
	v8 =	vadd.f32 v8, v20;
	[tilespmem:v22+s19+$0x0] =	vst.idx.add.f32.msk vm0, v2  }
0x187: {  	v21 =	vmul.f32 v21, v24;
	v24 =	vmul.f32 v11, v10;
	v10 =	vld [tilespmem:s29+$0x4000];
	v11 =	vmin.f32 v31, $2.047000000e+03  }
0x188: {  	v26 =	vld [tilespmem:$0x1FFC0];
	v44 =	vtrunc.f32 v11;
	v11 =	vadd.f32 v7, v6;
	v7 =	vmul.f32 $2.048000000e+03, v27  }
0x189: {  	v31 =	vld [tilespmem:s0+$0xC040];
	v6 =	vcvt.f32.s32 v44;
	v19 =	vadd.f32 v21, v19;
	v21 =	vmul.f32 v43, v50  }
0x18a: {  	v16 =	vcvt.s32.f32 v16;
	v20 =	vcvt.s32.f32 v46;
	vm0 =	veq.s32 v25, $0x0;
	v22 =	vld [tilespmem:s26+$0x4030]  }
0x18b: {  	v7 =	vmin.f32 v7, $2.047000000e+03;
	v6 =	vadd.s32 v1, v6;
	v8 =	vadd.f32 v21, v8;
	v21 =	vld [tilespmem:$0x1FFD0]  }
0x18c: {  	v46 =	vld [tilespmem:s29+$0xC000];
	v24 =	vadd.f32 v24, v5;
	v7 =	vtrunc.f32 v7;
	v5 =	vmul.f32 $2.048000000e+03, v10  }
0x18d: {  	v20 =	vmul.f32 v20, v26;
	v50 =	vld [tilespmem:$0x1FFE0];
	v7 =	vcvt.f32.s32 v7  }
0x18e: {  	v26 =	vcvt.s32.f32 v39;
	vm1 =	veq.s32 v31, $0x0;
	v5 =	vmin.f32 v5, $2.047000000e+03  }
0x18f: {  	v48 =	vld [tilespmem:s26+$0xC030];
	v49 =	vadd.s32 v1, v7;
	v7 =	vmul.f32 $2.048000000e+03, v22;
	v5 =	vtrunc.f32 v5  }
0x190: {  	v20 =	vadd.f32 v20, v19;
	v21 =	vcvt.s32.f32 v21;
	[tilespmem:v6+s19+$0x0] =	vst.idx.add.f32.msk vm0, v2;
	v6 =	vcvt.f32.s32 v5  }
0x191: {  	v19 =	vmul.f32 v47, v45;
	vm0 =	veq.s32 v46, $0x0;
	v7 =	vmin.f32 v7, $2.047000000e+03;
	v5 =	vld [tilespmem:s28+$0x4020]  }
0x192: {  	v21 =	vmul.f32 v21, v50;
	v51 =	vadd.s32 v1, v6;
	v6 =	vtrunc.f32 v7  }
0x193: {  	v8 =	vadd.f32 v19, v8;
	v19 =	vmul.f32 v26, v40;
	v6 =	vcvt.f32.s32 v6  }
0x194: {  	[tilespmem:v49+s19+$0x0] =	vst.idx.add.f32.msk vm1, v2;
	vm1 =	veq.s32 v48, $0x0;
	v7 =	vadd.f32 v21, v24;
	v21 =	vcvt.s32.f32 v61  }
0x195: {  	v14 =	vadd.f32 v19, v14;
	v19 =	vcvt.s32.f32 v38;
	v24 =	vld [tilespmem:s0+$0x4050];
	v26 =	vadd.s32 v1, v6  }
0x196: {  	v6 =	vld [tilespmem:s28+$0xC020];
	v21 =	vmul.f32 v21, v58;
	v52 =	vmul.f32 $2.048000000e+03, v5  }
0x197: {  	v12 =	vmul.f32 v16, v12;
	v19 =	vmul.f32 v19, v62;
	[tilespmem:v51+s19+$0x0] =	vst.idx.add.f32.msk vm0, v2  }
0x198: {  	s22 =	simm.s32 $0x1000;
	s2 =	simm.s32 $0x200;
	v18 =	vadd.f32 v21, v18;
	v21 =	vcvt.s32.f32 v28;
	v23 =	vld [tilespmem:s29+$0x4010];
	v28 =	vmin.f32 v52, $2.047000000e+03  }
0x199: {  	s14 =	sand.u32 $0xC00, s22;
	s24 =	simm.s32 $0x80;
	s1 =	sand.u32 $0x3000, s2;
	v14 =	vadd.f32 v15, v14;
	v15 =	vcvt.s32.f32 v25;
	v25 =	vld [tilespmem:s0+$0xC050];
	v28 =	vtrunc.f32 v28  }
0x19a: {  	s1 =	sor.u32 s14, s1;
	s2 =	sand.u32 $0x380, s24;
	v18 =	vadd.f32 v19, v18;
	v19 =	vmul.f32 $2.048000000e+03, v24;
	v28 =	vcvt.f32.s32 v28;
	[tilespmem:v26+s19+$0x0] =	vst.idx.add.f32.msk vm1, v2  }
0x19b: {  	s1 =	sor.u32 s2, s1;
	v16 =	vcvt.s32.f32 v31;
	v13 =	vmul.f32 v21, v13;
	vm0 =	veq.s32 v6, $0x0;
	v21 =	vld [tilespmem:s26+$0x4040]  }
0x19c: {  	v15 =	vmul.f32 v15, v30;
	v30 =	vld [tilespmem:s1+$0x4000];
	v19 =	vmin.f32 v19, $2.047000000e+03;
	v28 =	vadd.s32 v1, v28  }
0x19d: {  	v26 =	vld [tilespmem:s29+$0xC010];
	v13 =	vadd.f32 v13, v17;
	v17 =	vmul.f32 $2.048000000e+03, v23;
	v19 =	vtrunc.f32 v19  }
0x19e: {  	v54 =	vcvt.s32.f32 v48;
	v14 =	vadd.f32 v15, v14;
	v15 =	vcvt.f32.s32 v19  }
0x19f: {  	v31 =	vld [tilespmem:s1+$0xC000];
	v16 =	vmul.f32 v16, v27;
	vm1 =	veq.s32 v25, $0x0;
	v17 =	vmin.f32 v17, $2.047000000e+03  }
0x1a0: {  	v19 =	vld [tilespmem:s26+$0xC040];
	v17 =	vtrunc.f32 v17;
	v15 =	vadd.s32 v1, v15;
	v53 =	vmul.f32 $2.048000000e+03, v21  }
0x1a1: {  	v12 =	vadd.f32 v12, v18;
	v18 =	vmul.f32 $2.048000000e+03, v30;
	v17 =	vcvt.f32.s32 v17;
	[tilespmem:v28+s19+$0x0] =	vst.idx.add.f32.msk vm0, v2  }
0x1a2: {  	v16 =	vadd.f32 v16, v9;
	vm0 =	veq.s32 v26, $0x0;
	v27 =	vld [tilespmem:s28+$0x4030];
	v28 =	vmin.f32 v53, $2.047000000e+03  }
0x1a3: {  	v9 =	vmin.f32 v18, $2.047000000e+03;
	v17 =	vadd.s32 v1, v17;
	v28 =	vtrunc.f32 v28  }
0x1a4: {  	v9 =	vtrunc.f32 v9;
	v55 =	vld [tilespmem:s28+$0xC030];
	v18 =	vcvt.f32.s32 v28  }
0x1a5: {  	v22 =	vmul.f32 v54, v22;
	v9 =	vcvt.f32.s32 v9;
	[tilespmem:v15+s19+$0x0] =	vst.idx.add.f32.msk vm1, v2;
	vm1 =	veq.s32 v19, $0x0  }
0x1a6: {  	v26 =	vcvt.s32.f32 v26;
	v15 =	vcvt.s32.f32 v46;
	v28 =	vld [tilespmem:s0+$0x4060];
	v18 =	vadd.s32 v1, v18  }
0x1a7: {  	vm2 =	veq.s32 v31, $0x0;
	v19 =	vcvt.s32.f32 v19;
	v57 =	vld [tilespmem:s0+$0xC060];
	v56 =	vmul.f32 $2.048000000e+03, v27  }
0x1a8: {  	v15 =	vmul.f32 v15, v10;
	v10 =	vcvt.s32.f32 v25;
	v25 =	vadd.s32 v1, v9;
	[tilespmem:v17+s19+$0x0] =	vst.idx.add.f32.msk vm0, v2  }
0x1a9: {  	v13 =	vadd.f32 v22, v13;
	v17 =	vmul.f32 v26, v23;
	v9 =	vld [tilespmem:s29+$0x4020];
	v23 =	vmin.f32 v56, $2.047000000e+03  }
0x1aa: {  	v22 =	vmul.f32 v10, v24;
	v10 =	vld [tilespmem:s29+$0xC020];
	v12 =	vadd.f32 v15, v12;
	v15 =	vmul.f32 v19, v21  }
0x1ab: {  	v23 =	vtrunc.f32 v23;
	v17 =	vadd.f32 v17, v14;
	v14 =	vmul.f32 $2.048000000e+03, v28;
	[tilespmem:v18+s19+$0x0] =	vst.idx.add.f32.msk vm1, v2  }
0x1ac: {  	v23 =	vcvt.f32.s32 v23;
	v18 =	vld [tilespmem:s26+$0x4050]  }
0x1ad: {  	vm0 =	veq.s32 v55, $0x0;
	v24 =	vadd.f32 v15, v16;
	[tilespmem:v25+s19+$0x0] =	vst.idx.add.f32.msk vm2, v2;
	v14 =	vmin.f32 v14, $2.047000000e+03  }
0x1ae: {  	v21 =	vadd.s32 v1, v23;
	v15 =	vld [tilespmem:s1+$0x4010];
	v14 =	vtrunc.f32 v14;
	v16 =	vmul.f32 $2.048000000e+03, v9  }
0x1af: {  	v19 =	vcvt.s32.f32 v55;
	v23 =	vld [tilespmem:s1+$0xC010];
	v14 =	vcvt.f32.s32 v14  }
0x1b0: {  	v16 =	vmin.f32 v16, $2.047000000e+03  }
0x1b1: {  	v19 =	vmul.f32 v19, v27;
	v26 =	vadd.s32 v1, v14;
	v14 =	vtrunc.f32 v16  }
0x1b2: {  	vm1 =	veq.s32 v57, $0x0;
	v27 =	vcvt.s32.f32 v31;
	v25 =	vld [tilespmem:s26+$0xC050];
	v14 =	vcvt.f32.s32 v14  }
0x1b3: {  	s31 =	simm.s32 $0x1400;
	s22 =	simm.s32 $0x280;
	v13 =	vadd.f32 v19, v13;
	v16 =	vmul.f32 $2.048000000e+03, v18;
	[tilespmem:v21+s19+$0x0] =	vst.idx.add.f32.msk vm0, v2;
	vm0 =	veq.s32 v10, $0x0  }
0x1b4: {  	s24 =	sand.u32 $0xC00, s31;
	s14 =	sand.u32 $0x3000, s22;
	s2 =	simm.s32 $0xA0;
	v19 =	vmul.f32 $2.048000000e+03, v15;
	v21 =	vcvt.s32.f32 v23;
	v31 =	vld [tilespmem:s28+$0x4040];
	v58 =	vadd.s32 v1, v14  }
0x1b5: {  	s14 =	sor.u32 s24, s14;
	s22 =	sand.u32 $0x380, s2;
	v16 =	vmin.f32 v16, $2.047000000e+03  }
0x1b6: {  	s30 =	sor.u32 s22, s14;
	v59 =	vld [tilespmem:s28+$0xC040];
	v16 =	vtrunc.f32 v16;
	v19 =	vmin.f32 v19, $2.047000000e+03;
	v15 =	vmul.f32 v21, v15  }
0x1b7: {  	v22 =	vadd.f32 v22, v11;
	v14 =	vld [tilespmem:s30+$0x4000];
	v16 =	vcvt.f32.s32 v16;
	v19 =	vtrunc.f32 v19  }
0x1b8: {  	vm2 =	veq.s32 v25, $0x0;
	v25 =	vcvt.s32.f32 v25;
	[tilespmem:v26+s19+$0x0] =	vst.idx.add.f32.msk vm1, v2;
	v19 =	vcvt.f32.s32 v19  }
0x1b9: {  	v26 =	vadd.s32 v1, v16;
	v16 =	vadd.f32 v15, v17;
	v15 =	vmul.f32 $2.048000000e+03, v31;
	[tilespmem:v58+s19+$0x0] =	vst.idx.add.f32.msk vm0, v2  }
0x1ba: {  	v27 =	vmul.f32 v27, v30;
	v18 =	vmul.f32 v25, v18;
	vm1 =	veq.s32 v23, $0x0;
	v25 =	vld [tilespmem:s29+$0x4030]  }
0x1bb: {  	v11 =	vcvt.s32.f32 v57;
	v21 =	vld [tilespmem:s30+$0xC000];
	v30 =	vadd.s32 v1, v19;
	v60 =	vmin.f32 v15, $2.047000000e+03  }
0x1bc: {  	v23 =	vld [tilespmem:s0+$0x4070];
	v17 =	vcvt.s32.f32 v59;
	v15 =	vadd.f32 v27, v12;
	v12 =	vtrunc.f32 v60  }
0x1bd: {  	v19 =	vmul.f32 $2.048000000e+03, v14;
	v27 =	vld [tilespmem:s29+$0xC030];
	v12 =	vcvt.f32.s32 v12  }
0x1be: {  	v61 =	vmul.f32 v11, v28;
	v11 =	vmul.f32 v17, v31;
	[tilespmem:v26+s19+$0x0] =	vst.idx.add.f32.msk vm2, v2  }
0x1bf: {  	v17 =	vmin.f32 v19, $2.047000000e+03;
	v19 =	vld [tilespmem:s26+$0x4060];
	v31 =	vadd.s32 v1, v12;
	v12 =	vmul.f32 $2.048000000e+03, v25  }
0x1c0: {  	vm0 =	veq.s32 v59, $0x0;
	[tilespmem:v30+s19+$0x0] =	vst.idx.add.f32.msk vm1, v2  }
0x1c1: {  	v26 =	vcvt.s32.f32 v29;
	v17 =	vtrunc.f32 v17;
	v63 =	vmin.f32 v12, $2.047000000e+03;
	v12 =	vld [tilespmem:$0x1FFF0]  }
0x1c2: {  	v28 =	vmul.f32 $2.048000000e+03, v23;
	v29 =	vcvt.f32.s32 v17  }
0x1c3: {  	v62 =	vld [tilespmem:s0+$0xC070];
	vm2 =	veq.s32 v21, $0x0  }
0x1c4: {  	v17 =	vadd.f32 v11, v24;
	v11 =	vmin.f32 v28, $2.047000000e+03;
	v24 =	vadd.s32 v1, v29  }
0x1c5: {  	v29 =	vcvt.s32.f32 v27;
	v28 =	vtrunc.f32 v11;
	v11 =	vld [tilespmem:s1+$0x4020]  }
0x1c6: {  	v18 =	vadd.f32 v18, v22;
	v45 =	vld [tilespmem:s26+$0xC060];
	v22 =	vmul.f32 $2.048000000e+03, v19;
	v30 =	vmul.f32 v26, v12  }
0x1c7: {  	[tilespmem:v31+s19+$0x0] =	vst.idx.add.f32.msk vm0, v2;
	v26 =	vcvt.f32.s32 v28;
	v28 =	vtrunc.f32 v63  }
0x1c8: {  	vm1 =	veq.s32 v27, $0x0;
	vm0 =	veq.s32 v62, $0x0;
	v27 =	vld [tilespmem:s28+$0x4050];
	v28 =	vcvt.f32.s32 v28  }
0x1c9: {  	v38 =	vcvt.s32.f32 v62;
	v22 =	vmin.f32 v22, $2.047000000e+03;
	[tilespmem:v24+s19+$0x0] =	vst.idx.add.f32.msk vm2, v2;
	v26 =	vadd.s32 v1, v26  }
0x1ca: {  	v32 =	vmul.f32 $2.048000000e+03, v11;
	v22 =	vtrunc.f32 v22;
	v31 =	vld [tilespmem:s30+$0x4010];
	v24 =	vadd.s32 v1, v28  }
0x1cb: {  	v20 =	vadd.f32 v61, v20;
	s0 =	simm.s32 $0x28;
	v12 =	vld [tilespmem:s1+$0xC020];
	v22 =	vcvt.f32.s32 v22;
	v28 =	vcvt.s32.f32 v45  }
.LBB2_6:
0x1cc: {  	s0 =	sadd.s32 $0x8, s0;
	v33 =	vld [tilespmem:s30+$0xC010];
	v25 =	vmul.f32 v29, v25;
	v7 =	vadd.f32 v30, v7;
	v23 =	vmul.f32 v38, v23  }
0x1cd: {  	s31 =	sadd.s32 $0x400, s31;
	vm2 =	veq.s32 v45, $0x0;
	s14 =	sshll.u32 s0, $0x4;
	s22 =	sshll.u32 s0, $0x2;
	v29 =	vmin.f32 v32, $2.047000000e+03;
	v30 =	vld [tilespmem:s28+$0xC050];
	v22 =	vadd.s32 v1, v22  }
0x1ce: {  	s24 =	sand.u32 $0xC00, s31;
	p0 =	slt.u32 s0, $0x3F8;
	s14 =	sand.u32 $0x3000, s14;
	v29 =	vtrunc.f32 v29;
	v32 =	vmul.f32 $2.048000000e+03, v27;
	v8 =	vadd.f32 v23, v8;
	[tilespmem:v26+s19+$0x0] =	vst.idx.add.f32.msk vm0, v2  }
0x1cf: {  	v21 =	vcvt.s32.f32 v21;
	s22 =	sand.u32 $0x380, s22;
	v13 =	vadd.f32 v25, v13;
	s14 =	sor.u32 s24, s14;
	v23 =	vcvt.f32.s32 v29;
	[tilespmem:v24+s19+$0x0] =	vst.idx.add.f32.msk vm1, v2  }
0x1d0: {  	vm1 =	veq.s32 v12, $0x0;
	s22 =	sor.u32 s22, s14;
	v24 =	vmul.f32 $2.048000000e+03, v31;
	v26 =	vld [tilespmem:s29+$0x4040];
	v25 =	vmin.f32 v32, $2.047000000e+03  }
0x1d1: {  	v29 =	vcvt.s32.f32 v33;
	v32 =	vadd.s32 v1, v23;
	v34 =	vld [tilespmem:s29+$0xC040];
	v23 =	vtrunc.f32 v25  }
0x1d2: {  	v35 =	vmul.f32 v21, v14;
	v14 =	vld [tilespmem:s22+$0x4000];
	v21 =	vmin.f32 v24, $2.047000000e+03;
	v23 =	vcvt.f32.s32 v23  }
0x1d3: {  	vm3 =	veq.s32 v30, $0x0;
	v24 =	vmul.f32 v29, v31;
	v25 =	vtrunc.f32 v21;
	[tilespmem:v22+s19+$0x0] =	vst.idx.add.f32.msk vm2, v2  }
0x1d4: {  	v21 =	vld [tilespmem:s22+$0xC000];
	v22 =	vcvt.f32.s32 v25;
	v25 =	vcvt.s32.f32 v30;
	v29 =	vadd.s32 v1, v23  }
0x1d5: {  	vm0 =	veq.s32 v33, $0x0;
	v16 =	vadd.f32 v24, v16;
	v24 =	vmul.f32 $2.048000000e+03, v26;
	v23 =	vld [tilespmem:s26+$0x4070]  }
0x1d6: {  	v22 =	vadd.s32 v1, v22;
	[tilespmem:v32+s19+$0x0] =	vst.idx.add.f32.msk vm1, v2;
	v30 =	vcvt.s32.f32 v34;
	v27 =	vmul.f32 v25, v27  }
0x1d7: {  	v33 =	vmul.f32 v28, v19;
	v31 =	vmul.f32 $2.048000000e+03, v14;
	v25 =	vld [tilespmem:s1+$0x4030];
	v24 =	vmin.f32 v24, $2.047000000e+03  }
0x1d8: {  	v15 =	vadd.f32 v35, v15;
	v28 =	vld [tilespmem:s1+$0xC030];
	v26 =	vmul.f32 v30, v26;
	v19 =	vtrunc.f32 v24  }
0x1d9: {  	v24 =	vmin.f32 v31, $2.047000000e+03;
	v30 =	vcvt.f32.s32 v19;
	[tilespmem:v29+s19+$0x0] =	vst.idx.add.f32.msk vm3, v2;
	v31 =	vcvt.s32.f32 v4;
	v4 =	vmovc v6;
	v6 =	vmovc v10  }
0x1da: {  	vm1 =	veq.s32 v34, $0x0;
	v10 =	vmovc v12;
	v24 =	vtrunc.f32 v24;
	v19 =	vld [tilespmem:s28+$0x4060];
	v29 =	vmul.f32 $2.048000000e+03, v23  }
0x1db: {  	vm2 =	veq.s32 v21, $0x0;
	v12 =	vcvt.f32.s32 v24;
	v24 =	vadd.s32 v1, v30;
	v32 =	vld [tilespmem:s26+$0xC070];
	s26 =	smov.u32 s28;
	s28 =	smov.u32 s29;
	s29 =	smov.u32 s1  }
0x1dc: {  	v17 =	vadd.f32 v26, v17;
	s1 =	smov.u32 s30;
	s30 =	smov.u32 s22;
	v30 =	vmul.f32 $2.048000000e+03, v25;
	v45 =	vld [tilespmem:s26+$0xC060];
	v26 =	vmin.f32 v29, $2.047000000e+03  }
0x1dd: {  	v34 =	vadd.s32 v1, v12;
	[tilespmem:v22+s19+$0x0] =	vst.idx.add.f32.msk vm0, v2;
	v29 =	vcvt.s32.f32 v28;
	v12 =	vtrunc.f32 v26  }
0x1de: {  	v35 =	vld [tilespmem:s1+$0x4020];
	v22 =	vmin.f32 v30, $2.047000000e+03;
	v30 =	vmul.f32 v31, v3;
	v26 =	vcvt.f32.s32 v12;
	v3 =	vmovc v5;
	v5 =	vmovc v9  }
.Ltmp2:
0x1df: {  	v18 =	vadd.f32 v27, v18;
	v9 =	vmovc v11;
	v12 =	vld [tilespmem:s1+$0xC020];
	v22 =	vtrunc.f32 v22;
	v31 =	vmul.f32 $2.048000000e+03, v19;
	(pc) =	sbr.rel @p0 .LBB2_6-.Ltmp2, $4  }
0x1e0: {  	v36 =	vcvt.f32.s32 v22;
	[tilespmem:v24+s19+$0x0] =	vst.idx.add.f32.msk vm1, v2;
	v26 =	vadd.s32 v1, v26;
	vm0 =	veq.s32 v32, $0x0  }
0x1e1: {  	vm1 =	veq.s32 v28, $0x0;
	v38 =	vcvt.s32.f32 v32;
	v27 =	vld [tilespmem:s28+$0x4050];
	v22 =	vmin.f32 v31, $2.047000000e+03  }
0x1e2: {  	v28 =	vcvt.s32.f32 v45;
	[tilespmem:v34+s19+$0x0] =	vst.idx.add.f32.msk vm2, v2;
	v24 =	vadd.s32 v1, v36;
	v34 =	vtrunc.f32 v22  }
0x1e3: {  	v20 =	vadd.f32 v33, v20;
	v31 =	vld [tilespmem:s30+$0x4010];
	v32 =	vmul.f32 $2.048000000e+03, v35;
	v22 =	vcvt.f32.s32 v34;
	v11 =	vmovc v35  }
0x1e4: {  	_ =	sdelay $0x3  }
0x1e5: {  	v49 =	vld [tilespmem:s30+$0xC010];
	v33 =	vmul.f32 $2.048000000e+03, v31;
	_ =	sdelay $0x1  }
0x1e6: {  	v33 =	vmin.f32 v33, $2.047000000e+03  }
0x1e7: {  	v33 =	vtrunc.f32 v33  }
0x1e8: {  	v33 =	vcvt.f32.s32 v33  }
0x1e9: {  	vm2 =	veq.s32 v49, $0x0  }
0x1ea: {  	v33 =	vadd.s32 v1, v33;
	_ =	sdelay $0x4  }
0x1eb: {  	[tilespmem:v33+s19+$0x0] =	vst.idx.add.f32.msk vm2, v2  }
0x1ec: {  	v33 =	vld [tilespmem:s30+$0x4020];
	_ =	sdelay $0x2  }
0x1ed: {  	v32 =	vmin.f32 v32, $2.047000000e+03  }
0x1ee: {  	v32 =	vtrunc.f32 v32  }
0x1ef: {  	v32 =	vcvt.f32.s32 v32;
	[tilespmem:$0x1FF00] =	vst v33  }
0x1f0: {  	vm2 =	veq.s32 v12, $0x0;
	v34 =	vld [tilespmem:s30+$0xC020]  }
0x1f1: {  	v32 =	vadd.s32 v1, v32  }
0x1f2: {  	v33 =	vmul.f32 $2.048000000e+03, v33;
	_ =	sdelay $0x1  }
0x1f3: {  	v33 =	vmin.f32 v33, $2.047000000e+03  }
0x1f4: {  	v33 =	vtrunc.f32 v33;
	[tilespmem:$0x1FEF0] =	vst v34  }
0x1f5: {  	v33 =	vcvt.f32.s32 v33;
	[tilespmem:v32+s19+$0x0] =	vst.idx.add.f32.msk vm2, v2  }
0x1f6: {  	vm3 =	veq.s32 v34, $0x0;
	v32 =	vld [tilespmem:s1+$0x4030]  }
0x1f7: {  	v33 =	vadd.s32 v1, v33;
	_ =	sdelay $0x3  }
0x1f8: {  	[tilespmem:$0x1FE40] =	vst v32  }
0x1f9: {  	[tilespmem:v33+s19+$0x0] =	vst.idx.add.f32.msk vm3, v2  }
0x1fa: {  	v33 =	vld [tilespmem:s30+$0x4030];
	_ =	sdelay $0x4  }
0x1fb: {  	[tilespmem:$0x1FE70] =	vst v33  }
0x1fc: {  	v32 =	vmul.f32 $2.048000000e+03, v32;
	v44 =	vld [tilespmem:s1+$0xC030];
	_ =	sdelay $0x1  }
0x1fd: {  	v32 =	vmin.f32 v32, $2.047000000e+03  }
0x1fe: {  	v32 =	vtrunc.f32 v32  }
0x1ff: {  	v32 =	vcvt.f32.s32 v32  }
0x200: {  	v61 =	vld [tilespmem:s30+$0xC030];
	vm2 =	veq.s32 v44, $0x0  }
0x201: {  	v32 =	vadd.s32 v1, v32  }
0x202: {  	v33 =	vmul.f32 $2.048000000e+03, v33;
	_ =	sdelay $0x1  }
0x203: {  	v33 =	vmin.f32 v33, $2.047000000e+03  }
0x204: {  	v33 =	vtrunc.f32 v33;
	[tilespmem:$0x1FE60] =	vst v61  }
0x205: {  	v33 =	vcvt.f32.s32 v33;
	[tilespmem:v32+s19+$0x0] =	vst.idx.add.f32.msk vm2, v2  }
0x206: {  	vm3 =	veq.s32 v61, $0x0;
	v32 =	vld [tilespmem:s1+$0x4040]  }
0x207: {  	v33 =	vadd.s32 v1, v33;
	_ =	sdelay $0x2  }
0x208: {  	[tilespmem:v24+s19+$0x0] =	vst.idx.add.f32.msk vm1, v2  }
0x209: {  	v51 =	vld [tilespmem:s29+$0x4040];
	[tilespmem:$0x1FE50] =	vst v32  }
0x20a: {  	[tilespmem:v33+s19+$0x0] =	vst.idx.add.f32.msk vm3, v2  }
0x20b: {  	v33 =	vld [tilespmem:s30+$0x4040];
	_ =	sdelay $0x4  }
0x20c: {  	[tilespmem:$0x1FEA0] =	vst v33  }
0x20d: {  	v32 =	vmul.f32 $2.048000000e+03, v32;
	v47 =	vld [tilespmem:s1+$0xC040];
	_ =	sdelay $0x1  }
0x20e: {  	v32 =	vmin.f32 v32, $2.047000000e+03  }
0x20f: {  	v32 =	vtrunc.f32 v32  }
0x210: {  	v32 =	vcvt.f32.s32 v32;
	v57 =	vld [tilespmem:s29+$0xC040]  }
0x211: {  	v24 =	vmul.f32 $2.048000000e+03, v51;
	v62 =	vld [tilespmem:s30+$0xC040];
	vm2 =	veq.s32 v47, $0x0  }
0x212: {  	v32 =	vadd.s32 v1, v32  }
0x213: {  	v24 =	vmin.f32 v24, $2.047000000e+03;
	v33 =	vmul.f32 $2.048000000e+03, v33  }
0x214: {  	v24 =	vtrunc.f32 v24  }
0x215: {  	v24 =	vcvt.f32.s32 v24;
	v33 =	vmin.f32 v33, $2.047000000e+03  }
0x216: {  	v33 =	vtrunc.f32 v33;
	[tilespmem:$0x1FE80] =	vst v62;
	vm1 =	veq.s32 v57, $0x0  }
0x217: {  	v24 =	vadd.s32 v1, v24;
	v33 =	vcvt.f32.s32 v33;
	[tilespmem:v32+s19+$0x0] =	vst.idx.add.f32.msk vm2, v2  }
0x218: {  	vm3 =	veq.s32 v62, $0x0;
	v35 =	vld [tilespmem:s1+$0x4050]  }
0x219: {  	v33 =	vadd.s32 v1, v33;
	_ =	sdelay $0x1  }
0x21a: {  	v42 =	vld [tilespmem:s28+$0xC050]  }
0x21b: {  	[tilespmem:v24+s19+$0x0] =	vst.idx.add.f32.msk vm1, v2  }
0x21c: {  	v53 =	vld [tilespmem:s29+$0x4050];
	[tilespmem:$0x1FE90] =	vst v35  }
0x21d: {  	[tilespmem:v33+s19+$0x0] =	vst.idx.add.f32.msk vm3, v2  }
0x21e: {  	v63 =	vld [tilespmem:s30+$0x4050];
	_ =	sdelay $0x1  }
0x21f: {  	v24 =	vmul.f32 $2.048000000e+03, v27;
	_ =	sdelay $0x1  }
0x220: {  	v24 =	vmin.f32 v24, $2.047000000e+03  }
0x221: {  	v24 =	vtrunc.f32 v24;
	[tilespmem:$0x1FEC0] =	vst v63  }
0x222: {  	v24 =	vcvt.f32.s32 v24;
	v48 =	vld [tilespmem:s1+$0xC050]  }
0x223: {  	vm1 =	veq.s32 v42, $0x0;
	v37 =	vmul.f32 $2.048000000e+03, v35;
	v39 =	vld [tilespmem:s30+$0xC050]  }
0x224: {  	v24 =	vadd.s32 v1, v24  }
0x225: {  	v33 =	vmin.f32 v37, $2.047000000e+03  }
0x226: {  	v33 =	vtrunc.f32 v33  }
0x227: {  	v33 =	vcvt.f32.s32 v33  }
0x228: {  	v36 =	vmul.f32 $2.048000000e+03, v53;
	v56 =	vld [tilespmem:s29+$0xC050];
	[tilespmem:$0x1FEB0] =	vst v39;
	vm3 =	veq.s32 v48, $0x0  }
0x229: {  	[tilespmem:v24+s19+$0x0] =	vst.idx.add.f32.msk vm1, v2;
	v24 =	vadd.s32 v1, v33  }
0x22a: {  	v32 =	vmin.f32 v36, $2.047000000e+03;
	v34 =	vmul.f32 $2.048000000e+03, v63  }
0x22b: {  	v32 =	vtrunc.f32 v32  }
0x22c: {  	v32 =	vcvt.f32.s32 v32;
	v34 =	vmin.f32 v34, $2.047000000e+03  }
0x22d: {  	v34 =	vtrunc.f32 v34;
	vm2 =	veq.s32 v56, $0x0  }
0x22e: {  	v32 =	vadd.s32 v1, v32;
	v46 =	vcvt.f32.s32 v34;
	[tilespmem:v24+s19+$0x0] =	vst.idx.add.f32.msk vm3, v2  }
0x22f: {  	vm1 =	veq.s32 v39, $0x0;
	v50 =	vld [tilespmem:s1+$0x4060]  }
0x230: {  	v33 =	vadd.s32 v1, v46  }
0x231: {  	v43 =	vld [tilespmem:s28+$0x4060]  }
0x232: {  	v41 =	vld [tilespmem:s28+$0xC060]  }
0x233: {  	[tilespmem:v32+s19+$0x0] =	vst.idx.add.f32.msk vm2, v2  }
0x234: {  	v52 =	vld [tilespmem:s29+$0x4060];
	[tilespmem:$0x1FED0] =	vst v50  }
0x235: {  	[tilespmem:v33+s19+$0x0] =	vst.idx.add.f32.msk vm1, v2  }
0x236: {  	v60 =	vld [tilespmem:s30+$0x4060];
	_ =	sdelay $0x1  }
0x237: {  	v24 =	vmul.f32 $2.048000000e+03, v43;
	_ =	sdelay $0x1  }
0x238: {  	v24 =	vmin.f32 v24, $2.047000000e+03;
	vm1 =	veq.s32 v45, $0x0  }
0x239: {  	v22 =	vadd.s32 v1, v22;
	v24 =	vtrunc.f32 v24;
	[tilespmem:$0x1FEE0] =	vst v60  }
0x23a: {  	v24 =	vcvt.f32.s32 v24;
	v61 =	vmul.f32 $2.048000000e+03, v52;
	v59 =	vld [tilespmem:s29+$0xC060]  }
0x23b: {  	vm2 =	veq.s32 v41, $0x0;
	v62 =	vmul.f32 $2.048000000e+03, v50;
	v54 =	vld [tilespmem:s1+$0xC060]  }
0x23c: {  	v63 =	vadd.s32 v1, v24;
	v32 =	vmin.f32 v61, $2.047000000e+03;
	v50 =	vmul.f32 $2.048000000e+03, v60;
	v46 =	vld [tilespmem:s30+$0xC060]  }
0x23d: {  	v40 =	vmin.f32 v62, $2.047000000e+03;
	v24 =	vtrunc.f32 v32  }
0x23e: {  	v32 =	vtrunc.f32 v40;
	v24 =	vcvt.f32.s32 v24;
	[tilespmem:v22+s19+$0x0] =	vst.idx.add.f32.msk vm1, v2;
	v22 =	vmin.f32 v50, $2.047000000e+03  }
0x23f: {  	v32 =	vcvt.f32.s32 v32;
	v33 =	vtrunc.f32 v22;
	vm3 =	veq.s32 v59, $0x0  }
0x240: {  	v37 =	vadd.s32 v1, v24;
	v40 =	vcvt.f32.s32 v33;
	vm1 =	veq.s32 v54, $0x0  }
0x241: {  	v32 =	vadd.s32 v1, v32;
	[tilespmem:v63+s19+$0x0] =	vst.idx.add.f32.msk vm2, v2;
	vm2 =	veq.s32 v46, $0x0  }
0x242: {  	v36 =	vld [tilespmem:s26+$0x4070];
	v55 =	vadd.s32 v1, v40  }
0x243: {  	v35 =	vld [tilespmem:s26+$0xC070]  }
0x244: {  	v33 =	vld [tilespmem:s28+$0x4070]  }
0x245: {  	[tilespmem:v37+s19+$0x0] =	vst.idx.add.f32.msk vm3, v2  }
0x246: {  	[tilespmem:v32+s19+$0x0] =	vst.idx.add.f32.msk vm1, v2  }
0x247: {  	[tilespmem:v55+s19+$0x0] =	vst.idx.add.f32.msk vm2, v2  }
0x248: {  	v58 =	vmul.f32 $2.048000000e+03, v36;
	v60 =	vld [tilespmem:s29+$0x4070]  }
0x249: {  	v61 =	vmul.f32 $2.048000000e+03, v33;
	v50 =	vld [tilespmem:s1+$0x4070]  }
0x24a: {  	v32 =	vmin.f32 v58, $2.047000000e+03;
	v45 =	vld [tilespmem:s30+$0x4070]  }
0x24b: {  	v37 =	vmin.f32 v61, $2.047000000e+03;
	v62 =	vtrunc.f32 v32;
	v32 =	vld [tilespmem:s28+$0xC070]  }
0x24c: {  	v39 =	vtrunc.f32 v37;
	v63 =	vcvt.f32.s32 v62  }
0x24d: {  	v34 =	vld [tilespmem:s29+$0xC070];
	v37 =	vcvt.f32.s32 v39;
	v55 =	vmul.f32 $2.048000000e+03, v60  }
0x24e: {  	vm1 =	veq.s32 v35, $0x0;
	v40 =	vadd.s32 v1, v63;
	v63 =	vld [tilespmem:s1+$0xC070];
	v58 =	vmul.f32 $2.048000000e+03, v50  }
0x24f: {  	v37 =	vadd.s32 v1, v37;
	v62 =	vmul.f32 $2.048000000e+03, v45;
	v61 =	vmin.f32 v55, $2.047000000e+03;
	v55 =	vld [tilespmem:s30+$0xC070]  }
0x250: {  	vm2 =	veq.s32 v32, $0x0;
	v58 =	vmin.f32 v58, $2.047000000e+03;
	v61 =	vtrunc.f32 v61  }
0x251: {  	v62 =	vmin.f32 v62, $2.047000000e+03;
	v58 =	vtrunc.f32 v58;
	v61 =	vcvt.f32.s32 v61  }
0x252: {  	vm3 =	veq.s32 v34, $0x0;
	v62 =	vtrunc.f32 v62;
	v58 =	vcvt.f32.s32 v58  }
0x253: {  	vm4 =	veq.s32 v63, $0x0;
	v62 =	vcvt.f32.s32 v62;
	v61 =	vadd.s32 v1, v61  }
0x254: {  	v58 =	vadd.s32 v1, v58;
	vm5 =	veq.s32 v55, $0x0  }
0x255: {  	[tilespmem:v26+s19+$0x0] =	vst.idx.add.f32.msk vm0, v2;
	v26 =	vadd.s32 v1, v62  }
0x256: {  	[tilespmem:v40+s19+$0x0] =	vst.idx.add.f32.msk vm1, v2  }
0x257: {  	[tilespmem:v37+s19+$0x0] =	vst.idx.add.f32.msk vm2, v2  }
0x258: {  	[tilespmem:v61+s19+$0x0] =	vst.idx.add.f32.msk vm3, v2  }
0x259: {  	[tilespmem:v58+s19+$0x0] =	vst.idx.add.f32.msk vm4, v2  }
0x25a: {  	[tilespmem:v26+s19+$0x0] =	vst.idx.add.f32.msk vm5, v2  }
0x25b: {  	_ =	swait.ge [sflag:s15], $0x4000  }
0x25c: {  	[sflag:s15] =	ssyncset.done $0x0  }
0x25d: {  	[sflag:s15] =	ssyncadd.s32 $0xFFFFC000  }
0x25e: {  	_ =	swait.ge [sflag:s16], $0x4000  }
0x25f: {  	[sflag:s16] =	ssyncset.done $0x0  }
0x260: {  	s0 =	simm.s32 $0x0;
	[sflag:s16] =	ssyncadd.s32 $0xFFFFC000  }
0x261: {  	[tilespmem:s17], [sflag:$0x2] =	stream.linear.gather [hbm4b:s9+s0], $0x4000, $0x38;
	[tilespmem:$0x18880] =	vst v63  }
0x262: {  	s2 =	simm.s32 $0x0  }
0x263: {  	[tilespmem:s18], [sflag:$0x4] =	stream.linear.gather [hbm4b:s10+s0], $0x4000, $0x38;
	[tilespmem:$0x18880] =	vst v63  }
0x264: {  	s14 =	simm.s32 $0x0;
	s1 =	sand.u32 $0x3000, s2;
	s0 =	sand.u32 $0xC00, s0  }
0x265: {  	s14 =	sand.u32 $0x380, s14;
	s0 =	sor.u32 s0, s1  }
0x266: {  	s0 =	sor.u32 s14, s0  }
0x267: {  	v58 =	vld [tilespmem:s0+$0x0];
	_ =	sdelay $0x4  }
0x268: {  	v61 =	vld [tilespmem:s0+$0x8000];
	v26 =	vmul.f32 $2.048000000e+03, v58;
	_ =	sdelay $0x1  }
0x269: {  	v26 =	vmin.f32 v26, $2.047000000e+03  }
0x26a: {  	v26 =	vtrunc.f32 v26  }
0x26b: {  	v26 =	vcvt.f32.s32 v26  }
0x26c: {  	vm0 =	veq.s32 v61, $0x0  }
0x26d: {  	v26 =	vadd.s32 v1, v26;
	_ =	sdelay $0x4  }
0x26e: {  	[tilespmem:v26+s19+$0x0] =	vst.idx.add.f32.msk vm0, v2  }
0x26f: {  	v40 =	vld [tilespmem:s0+$0x10];
	_ =	sdelay $0x1  }
0x270: {  	s17 =	simm.s32 $0x80;
	s18 =	simm.s32 $0x400  }
0x271: {  	s22 =	simm.s32 $0x20;
	s1 =	sand.u32 $0x3000, s17;
	s14 =	sand.u32 $0xC00, s18  }
0x272: {  	s22 =	sand.u32 $0x380, s22;
	s1 =	sor.u32 s14, s1  }
0x273: {  	s26 =	sor.u32 s22, s1;
	v39 =	vld [tilespmem:s0+$0x8010];
	v37 =	vmul.f32 $2.048000000e+03, v40  }
0x274: {  	v62 =	vld [tilespmem:s26+$0x0]  }
0x275: {  	v37 =	vmin.f32 v37, $2.047000000e+03  }
0x276: {  	v37 =	vtrunc.f32 v37  }
0x277: {  	v24 =	vcvt.f32.s32 v37  }
0x278: {  	vm0 =	veq.s32 v39, $0x0  }
0x279: {  	v22 =	vmul.f32 $2.048000000e+03, v62;
	v26 =	vadd.s32 v1, v24  }
0x27a: {  	v37 =	vld [tilespmem:s26+$0x8000]  }
0x27b: {  	v22 =	vmin.f32 v22, $2.047000000e+03  }
0x27c: {  	v22 =	vtrunc.f32 v22  }
0x27d: {  	v22 =	vcvt.f32.s32 v22  }
0x27e: {  	[tilespmem:v26+s19+$0x0] =	vst.idx.add.f32.msk vm0, v2  }
0x27f: {  	v24 =	vadd.s32 v1, v22;
	vm1 =	veq.s32 v37, $0x0;
	v22 =	vld [tilespmem:s0+$0x20];
	_ =	sdelay $0x4  }
0x280: {  	[tilespmem:$0x1FF10] =	vst v22  }
0x281: {  	v25 =	vmul.f32 v29, v25;
	[tilespmem:v24+s19+$0x0] =	vst.idx.add.f32.msk vm1, v2  }
0x282: {  	v21 =	vcvt.s32.f32 v21;
	v26 =	vmul.f32 v38, v23;
	v38 =	vld [tilespmem:s26+$0x10]  }
0x283: {  	v24 =	vcvt.s32.f32 v49;
	v49 =	vmul.f32 $2.048000000e+03, v22  }
0x284: {  	v4 =	vcvt.s32.f32 v4;
	v19 =	vmul.f32 v28, v19;
	v25 =	vadd.f32 v25, v13;
	v23 =	vld [tilespmem:s0+$0x8020]  }
0x285: {  	v13 =	vmul.f32 v21, v14;
	v22 =	vmul.f32 v24, v31;
	v24 =	vmin.f32 v49, $2.047000000e+03  }
0x286: {  	v3 =	vmul.f32 v4, v3;
	v21 =	vtrunc.f32 v24  }
0x287: {  	s24 =	simm.s32 $0x100;
	s2 =	simm.s32 $0x800;
	v24 =	vcvt.s32.f32 v57;
	v14 =	vadd.f32 v22, v16;
	v16 =	vld [tilespmem:s26+$0x8010];
	v29 =	vmul.f32 $2.048000000e+03, v38  }
0x288: {  	s17 =	simm.s32 $0x40;
	s14 =	sand.u32 $0xC00, s2;
	s1 =	sand.u32 $0x3000, s24;
	v22 =	vcvt.s32.f32 v42;
	v21 =	vcvt.f32.s32 v21  }
0x289: {  	s18 =	sand.u32 $0x380, s17;
	s1 =	sor.u32 s14, s1;
	vm0 =	veq.s32 v23, $0x0;
	v24 =	vmul.f32 v24, v51;
	v28 =	vmin.f32 v29, $2.047000000e+03  }
0x28a: {  	s28 =	sor.u32 s18, s1;
	v22 =	vmul.f32 v22, v27;
	v27 =	vadd.s32 v1, v21;
	v4 =	vtrunc.f32 v28  }
0x28b: {  	v21 =	vadd.f32 v13, v15;
	v13 =	vld [tilespmem:s28+$0x0];
	v24 =	vadd.f32 v24, v17;
	v4 =	vcvt.f32.s32 v4  }
0x28c: {  	v17 =	vcvt.s32.f32 v35;
	v18 =	vadd.f32 v22, v18;
	v22 =	vld [tilespmem:$0x1FE40];
	vm1 =	veq.s32 v16, $0x0  }
0x28d: {  	v4 =	vadd.s32 v1, v4  }
0x28e: {  	v19 =	vadd.f32 v19, v20;
	v20 =	vmul.f32 v17, v36;
	v17 =	vld [tilespmem:s28+$0x8000]  }
0x28f: {  	v15 =	vcvt.s32.f32 v44;
	[tilespmem:v27+s19+$0x0] =	vst.idx.add.f32.msk vm0, v2  }
0x290: {  	v8 =	vadd.f32 v26, v8;
	v28 =	vcvt.s32.f32 v56;
	v26 =	vld [tilespmem:$0x1FE50]  }
0x291: {  	v29 =	vmul.f32 $2.048000000e+03, v13;
	v22 =	vmul.f32 v15, v22;
	v15 =	vld [tilespmem:s0+$0x30]  }
0x292: {  	v6 =	vcvt.s32.f32 v6;
	[tilespmem:v4+s19+$0x0] =	vst.idx.add.f32.msk vm1, v2  }
0x293: {  	v8 =	vadd.f32 v20, v8;
	v20 =	vmul.f32 v28, v53;
	v28 =	vmin.f32 v29, $2.047000000e+03;
	v4 =	vld [tilespmem:$0x1FE60]  }
0x294: {  	v22 =	vadd.f32 v22, v25;
	v25 =	vtrunc.f32 v28  }
0x295: {  	v5 =	vmul.f32 v6, v5;
	v6 =	vadd.f32 v20, v18;
	v25 =	vcvt.f32.s32 v25;
	v18 =	vld [tilespmem:$0x1FE70];
	_ =	sdelay $0x1  }
0x296: {  	vm0 =	veq.s32 v17, $0x0;
	v20 =	vadd.s32 v1, v25;
	v25 =	vcvt.s32.f32 v32  }
0x297: {  	v7 =	vadd.f32 v30, v7;
	v29 =	vmul.f32 $2.048000000e+03, v15;
	v4 =	vcvt.s32.f32 v4  }
0x298: {  	v25 =	vmul.f32 v25, v33  }
0x299: {  	v7 =	vadd.f32 v3, v7;
	v28 =	vld [tilespmem:s0+$0x8030];
	v18 =	vmul.f32 v4, v18;
	v4 =	vmin.f32 v29, $2.047000000e+03  }
0x29a: {  	v3 =	vcvt.s32.f32 v47;
	v8 =	vadd.f32 v25, v8;
	v25 =	vld [tilespmem:$0x1FE90];
	v4 =	vtrunc.f32 v4  }
0x29b: {  	v5 =	vadd.f32 v5, v7;
	v27 =	vcvt.s32.f32 v41;
	v7 =	vcvt.f32.s32 v4;
	v4 =	vld [tilespmem:$0x1FE80]  }
0x29c: {  	[tilespmem:v20+s19+$0x0] =	vst.idx.add.f32.msk vm0, v2  }
0x29d: {  	v27 =	vmul.f32 v27, v43;
	v3 =	vmul.f32 v3, v26;
	v26 =	vld [tilespmem:$0x1FEA0];
	_ =	sdelay $0x1  }
0x29e: {  	v19 =	vadd.f32 v27, v19;
	vm1 =	veq.s32 v28, $0x0  }
0x29f: {  	v27 =	vcvt.s32.f32 v59;
	v7 =	vadd.s32 v1, v7;
	v30 =	vcvt.s32.f32 v4  }
0x2a0: {  	v10 =	vcvt.s32.f32 v10;
	v24 =	vadd.f32 v3, v24;
	v3 =	vld [tilespmem:s26+$0x20]  }
0x2a1: {  	v20 =	vmul.f32 v27, v52;
	v27 =	vmul.f32 v30, v26;
	_ =	sdelay $0x1  }
0x2a2: {  	v10 =	vmul.f32 v10, v9;
	v4 =	vld [tilespmem:s26+$0x8020];
	v9 =	vadd.f32 v27, v24;
	v24 =	vcvt.s32.f32 v34  }
0x2a3: {  	[tilespmem:v7+s19+$0x0] =	vst.idx.add.f32.msk vm1, v2  }
0x2a4: {  	v31 =	vmul.f32 $2.048000000e+03, v3;
	v7 =	vmul.f32 v24, v60;
	v24 =	vld [tilespmem:$0x1FEB0]  }
0x2a5: {  	v29 =	vcvt.s32.f32 v48  }
0x2a6: {  	v5 =	vadd.f32 v10, v5;
	v30 =	vmin.f32 v31, $2.047000000e+03;
	v10 =	vld [tilespmem:$0x1FEC0]  }
0x2a7: {  	v25 =	vmul.f32 v29, v25;
	v18 =	vadd.f32 v18, v22;
	v29 =	vld [tilespmem:s28+$0x10];
	v22 =	vtrunc.f32 v30  }
0x2a8: {  	v22 =	vcvt.f32.s32 v22  }
0x2a9: {  	vm0 =	veq.s32 v4, $0x0;
	v24 =	vcvt.s32.f32 v24  }
0x2aa: {  	v22 =	vadd.s32 v1, v22  }
0x2ab: {  	v12 =	vcvt.s32.f32 v12;
	v24 =	vmul.f32 v24, v10;
	v10 =	vld [tilespmem:$0x1FED0]  }
0x2ac: {  	s22 =	simm.s32 $0x180;
	s24 =	simm.s32 $0xC00;
	v19 =	vadd.f32 v20, v19;
	v20 =	vld [tilespmem:s28+$0x8010];
	v30 =	vmul.f32 $2.048000000e+03, v29  }
0x2ad: {  	v12 =	vmul.f32 v12, v11;
	s2 =	simm.s32 $0x60;
	s14 =	sand.u32 $0xC00, s24;
	s1 =	sand.u32 $0x3000, s22;
	v6 =	vadd.f32 v25, v6;
	v27 =	vld [tilespmem:s0+$0x40]  }
0x2ae: {  	s17 =	sand.u32 $0x380, s2;
	s1 =	sor.u32 s14, s1;
	v25 =	vcvt.s32.f32 v54;
	v31 =	vcvt.s32.f32 v63;
	v11 =	vmin.f32 v30, $2.047000000e+03;
	v30 =	vld [tilespmem:s0+$0x8040]  }
0x2af: {  	s29 =	sor.u32 s17, s1;
	v44 =	vtrunc.f32 v11;
	v7 =	vadd.f32 v7, v8;
	[tilespmem:v22+s19+$0x0] =	vst.idx.add.f32.msk vm0, v2  }
0x2b0: {  	v11 =	vadd.f32 v24, v6;
	v24 =	vmul.f32 v31, v50;
	v25 =	vmul.f32 v25, v10;
	v10 =	vld [tilespmem:s29+$0x0]  }
0x2b1: {  	v16 =	vcvt.s32.f32 v16;
	v26 =	vld [tilespmem:$0x1FEE0]  }
0x2b2: {  	v22 =	vmul.f32 $2.048000000e+03, v27;
	v6 =	vcvt.f32.s32 v44;
	v7 =	vadd.f32 v24, v7;
	v24 =	vld [tilespmem:$0x1FEF0]  }
0x2b3: {  	v16 =	vmul.f32 v16, v38;
	vm0 =	veq.s32 v20, $0x0;
	v19 =	vadd.f32 v25, v19;
	v25 =	vld [tilespmem:s26+$0x30]  }
0x2b4: {  	v8 =	vcvt.s32.f32 v46;
	v49 =	vld [tilespmem:$0x1FF00];
	v22 =	vmin.f32 v22, $2.047000000e+03;
	v6 =	vadd.s32 v1, v6  }
0x2b5: {  	v12 =	vadd.f32 v12, v5;
	v31 =	vld [tilespmem:s29+$0x8000];
	v22 =	vtrunc.f32 v22;
	v5 =	vmul.f32 $2.048000000e+03, v10  }
0x2b6: {  	v17 =	vcvt.s32.f32 v17;
	vm1 =	veq.s32 v30, $0x0;
	v22 =	vcvt.f32.s32 v22  }
0x2b7: {  	v8 =	vmul.f32 v8, v26;
	v24 =	vcvt.s32.f32 v24;
	v5 =	vmin.f32 v5, $2.047000000e+03  }
0x2b8: {  	v47 =	vld [tilespmem:s26+$0x8030];
	v22 =	vadd.s32 v1, v22;
	v48 =	vmul.f32 $2.048000000e+03, v25;
	v5 =	vtrunc.f32 v5  }
0x2b9: {  	v46 =	vcvt.s32.f32 v55;
	v19 =	vadd.f32 v8, v19;
	[tilespmem:v6+s19+$0x0] =	vst.idx.add.f32.msk vm0, v2;
	v6 =	vcvt.f32.s32 v5  }
0x2ba: {  	vm0 =	veq.s32 v31, $0x0;
	v24 =	vmul.f32 v24, v49;
	v5 =	vld [tilespmem:s28+$0x20];
	v8 =	vmin.f32 v48, $2.047000000e+03  }
0x2bb: {  	v26 =	vcvt.s32.f32 v39;
	v50 =	vadd.s32 v1, v6;
	v6 =	vtrunc.f32 v8  }
0x2bc: {  	v8 =	vadd.f32 v24, v12;
	v12 =	vcvt.s32.f32 v61;
	v6 =	vcvt.f32.s32 v6  }
0x2bd: {  	v13 =	vmul.f32 v17, v13;
	[tilespmem:v22+s19+$0x0] =	vst.idx.add.f32.msk vm1, v2;
	vm1 =	veq.s32 v47, $0x0;
	v24 =	vmul.f32 v26, v40  }
0x2be: {  	v32 =	vmul.f32 v46, v45;
	v22 =	vld [tilespmem:s0+$0x50];
	v12 =	vmul.f32 v12, v58;
	v26 =	vadd.s32 v1, v6  }
0x2bf: {  	v14 =	vadd.f32 v24, v14;
	v24 =	vcvt.s32.f32 v37;
	v6 =	vld [tilespmem:s28+$0x8020];
	v51 =	vmul.f32 $2.048000000e+03, v5  }
0x2c0: {  	v7 =	vadd.f32 v32, v7;
	v12 =	vadd.f32 v12, v21;
	[tilespmem:v50+s19+$0x0] =	vst.idx.add.f32.msk vm0, v2  }
0x2c1: {  	s18 =	simm.s32 $0x200;
	s22 =	simm.s32 $0x1000;
	v21 =	vmul.f32 v24, v62;
	v24 =	vcvt.s32.f32 v28;
	v32 =	vmin.f32 v51, $2.047000000e+03;
	v28 =	vld [tilespmem:s29+$0x10]  }
0x2c2: {  	s24 =	simm.s32 $0x80;
	s14 =	sand.u32 $0xC00, s22;
	s1 =	sand.u32 $0x3000, s18;
	v14 =	vadd.f32 v16, v14;
	v16 =	vcvt.s32.f32 v20;
	v20 =	vld [tilespmem:s0+$0x8050];
	v32 =	vtrunc.f32 v32  }
0x2c3: {  	s2 =	sand.u32 $0x380, s24;
	s1 =	sor.u32 s14, s1;
	v12 =	vadd.f32 v21, v12;
	v21 =	vmul.f32 $2.048000000e+03, v22;
	v15 =	vmul.f32 v24, v15;
	[tilespmem:v26+s19+$0x0] =	vst.idx.add.f32.msk vm1, v2  }
0x2c4: {  	s1 =	sor.u32 s2, s1;
	v16 =	vmul.f32 v16, v29;
	v32 =	vcvt.f32.s32 v32;
	v24 =	vld [tilespmem:s26+$0x40]  }
0x2c5: {  	v52 =	vld [tilespmem:s1+$0x0];
	vm0 =	veq.s32 v6, $0x0;
	v21 =	vmin.f32 v21, $2.047000000e+03;
	v15 =	vadd.f32 v15, v18  }
0x2c6: {  	v26 =	vld [tilespmem:s29+$0x8010];
	v29 =	vadd.s32 v1, v32;
	v21 =	vtrunc.f32 v21;
	v18 =	vmul.f32 $2.048000000e+03, v28  }
0x2c7: {  	v17 =	vcvt.s32.f32 v30;
	v14 =	vadd.f32 v16, v14;
	v16 =	vcvt.f32.s32 v21  }
0x2c8: {  	v33 =	vcvt.s32.f32 v47;
	vm1 =	veq.s32 v20, $0x0;
	v18 =	vmin.f32 v18, $2.047000000e+03  }
0x2c9: {  	v21 =	vld [tilespmem:s26+$0x8040];
	v16 =	vadd.s32 v1, v16;
	v18 =	vtrunc.f32 v18;
	v53 =	vmul.f32 $2.048000000e+03, v24  }
0x2ca: {  	v30 =	vld [tilespmem:s1+$0x8000];
	v12 =	vadd.f32 v13, v12;
	v13 =	vmul.f32 v17, v27;
	v17 =	vcvt.f32.s32 v18  }
0x2cb: {  	[tilespmem:v29+s19+$0x0] =	vst.idx.add.f32.msk vm0, v2;
	vm0 =	veq.s32 v26, $0x0;
	v18 =	vmul.f32 $2.048000000e+03, v52;
	v29 =	vmin.f32 v53, $2.047000000e+03  }
0x2cc: {  	v25 =	vmul.f32 v33, v25;
	v27 =	vld [tilespmem:s28+$0x30];
	v17 =	vadd.s32 v1, v17;
	v29 =	vtrunc.f32 v29  }
0x2cd: {  	v13 =	vadd.f32 v13, v9;
	v54 =	vld [tilespmem:s28+$0x8030];
	v9 =	vmin.f32 v18, $2.047000000e+03;
	v18 =	vcvt.f32.s32 v29  }
0x2ce: {  	[tilespmem:v16+s19+$0x0] =	vst.idx.add.f32.msk vm1, v2;
	vm1 =	veq.s32 v21, $0x0;
	v16 =	vcvt.s32.f32 v31;
	v9 =	vtrunc.f32 v9  }
0x2cf: {  	v26 =	vcvt.s32.f32 v26;
	v29 =	vld [tilespmem:s0+$0x60];
	v9 =	vcvt.f32.s32 v9;
	v18 =	vadd.s32 v1, v18  }
0x2d0: {  	vm2 =	veq.s32 v30, $0x0;
	v55 =	vld [tilespmem:s0+$0x8060];
	v16 =	vmul.f32 v16, v10;
	v10 =	vcvt.s32.f32 v20  }
0x2d1: {  	v21 =	vcvt.s32.f32 v21;
	v31 =	vmul.f32 $2.048000000e+03, v27;
	v20 =	vadd.s32 v1, v9;
	[tilespmem:v17+s19+$0x0] =	vst.idx.add.f32.msk vm0, v2  }
0x2d2: {  	v15 =	vadd.f32 v25, v15;
	v22 =	vmul.f32 v10, v22;
	v17 =	vmul.f32 v26, v28;
	v9 =	vld [tilespmem:s29+$0x20]  }
0x2d3: {  	v12 =	vadd.f32 v16, v12;
	v16 =	vmul.f32 v21, v24;
	v26 =	vmin.f32 v31, $2.047000000e+03;
	v10 =	vld [tilespmem:s29+$0x8020]  }
0x2d4: {  	v25 =	vtrunc.f32 v26;
	v14 =	vadd.f32 v17, v14;
	v17 =	vmul.f32 $2.048000000e+03, v29;
	[tilespmem:v18+s19+$0x0] =	vst.idx.add.f32.msk vm1, v2  }
0x2d5: {  	v25 =	vcvt.f32.s32 v25;
	v18 =	vld [tilespmem:s26+$0x50]  }
0x2d6: {  	vm0 =	veq.s32 v54, $0x0;
	v24 =	vadd.f32 v16, v13;
	v17 =	vmin.f32 v17, $2.047000000e+03;
	[tilespmem:v20+s19+$0x0] =	vst.idx.add.f32.msk vm2, v2  }
0x2d7: {  	v20 =	vadd.s32 v1, v25;
	v13 =	vtrunc.f32 v17;
	v17 =	vld [tilespmem:s1+$0x10];
	v16 =	vmul.f32 $2.048000000e+03, v9  }
0x2d8: {  	v21 =	vcvt.s32.f32 v54;
	v26 =	vadd.f32 v22, v11;
	v22 =	vld [tilespmem:s1+$0x8010];
	v13 =	vcvt.f32.s32 v13  }
0x2d9: {  	v16 =	vmin.f32 v16, $2.047000000e+03  }
0x2da: {  	v21 =	vmul.f32 v21, v27;
	v27 =	vadd.s32 v1, v13;
	v13 =	vtrunc.f32 v16  }
0x2db: {  	v28 =	vcvt.s32.f32 v30;
	vm1 =	veq.s32 v55, $0x0;
	v25 =	vld [tilespmem:s26+$0x8050];
	v30 =	vcvt.f32.s32 v13  }
0x2dc: {  	s31 =	simm.s32 $0x1400;
	s17 =	simm.s32 $0x280;
	v16 =	vmul.f32 $2.048000000e+03, v18;
	[tilespmem:v20+s19+$0x0] =	vst.idx.add.f32.msk vm0, v2;
	vm0 =	veq.s32 v10, $0x0;
	v13 =	vadd.f32 v21, v15  }
0x2dd: {  	s24 =	sand.u32 $0xC00, s31;
	s18 =	simm.s32 $0xA0;
	s14 =	sand.u32 $0x3000, s17;
	v15 =	vmul.f32 $2.048000000e+03, v17;
	v21 =	vld [tilespmem:s28+$0x40];
	v20 =	vcvt.s32.f32 v22;
	v30 =	vadd.s32 v1, v30  }
0x2de: {  	s22 =	sand.u32 $0x380, s18;
	s14 =	sor.u32 s24, s14;
	v16 =	vmin.f32 v16, $2.047000000e+03  }
0x2df: {  	s30 =	sor.u32 s22, s14;
	v31 =	vld [tilespmem:s28+$0x8040];
	v56 =	vtrunc.f32 v16;
	v15 =	vmin.f32 v15, $2.047000000e+03;
	v17 =	vmul.f32 v20, v17  }
0x2e0: {  	v16 =	vld [tilespmem:s30+$0x0];
	v57 =	vcvt.f32.s32 v56;
	v15 =	vtrunc.f32 v15  }
0x2e1: {  	vm2 =	veq.s32 v25, $0x0;
	v25 =	vcvt.s32.f32 v25;
	[tilespmem:v27+s19+$0x0] =	vst.idx.add.f32.msk vm1, v2;
	v15 =	vcvt.f32.s32 v15  }
0x2e2: {  	v14 =	vadd.f32 v17, v14;
	v27 =	vadd.s32 v1, v57;
	v17 =	vmul.f32 $2.048000000e+03, v21;
	[tilespmem:v30+s19+$0x0] =	vst.idx.add.f32.msk vm0, v2  }
0x2e3: {  	v28 =	vmul.f32 v28, v52;
	v18 =	vmul.f32 v25, v18;
	vm1 =	veq.s32 v22, $0x0;
	v25 =	vld [tilespmem:s29+$0x30]  }
0x2e4: {  	v20 =	vld [tilespmem:s30+$0x8000];
	v58 =	vadd.s32 v1, v15;
	v17 =	vmin.f32 v17, $2.047000000e+03  }
0x2e5: {  	v11 =	vcvt.s32.f32 v55;
	v22 =	vld [tilespmem:s0+$0x70];
	v15 =	vadd.f32 v28, v12;
	v12 =	vtrunc.f32 v17  }
0x2e6: {  	v61 =	vld [tilespmem:s0+$0x8070];
	v30 =	vcvt.s32.f32 v31;
	v12 =	vcvt.f32.s32 v12  }
0x2e7: {  	v60 =	vmul.f32 v11, v29;
	v59 =	vmul.f32 $2.048000000e+03, v16;
	vm0 =	veq.s32 v31, $0x0;
	[tilespmem:v27+s19+$0x0] =	vst.idx.add.f32.msk vm2, v2  }
0x2e8: {  	v11 =	vmul.f32 v30, v21;
	v21 =	vld [tilespmem:s26+$0x60];
	v31 =	vadd.s32 v1, v12;
	v12 =	vmul.f32 $2.048000000e+03, v25  }
0x2e9: {  	v17 =	vmin.f32 v59, $2.047000000e+03;
	[tilespmem:v58+s19+$0x0] =	vst.idx.add.f32.msk vm1, v2  }
0x2ea: {  	v17 =	vtrunc.f32 v17;
	v62 =	vmin.f32 v12, $2.047000000e+03;
	v12 =	vld [tilespmem:$0x1FF10]  }
0x2eb: {  	v27 =	vmul.f32 $2.048000000e+03, v22;
	v29 =	vcvt.f32.s32 v17  }
0x2ec: {  	v23 =	vcvt.s32.f32 v23;
	v28 =	vld [tilespmem:s29+$0x8030];
	vm2 =	veq.s32 v20, $0x0  }
0x2ed: {  	v17 =	vadd.f32 v11, v24;
	v11 =	vmin.f32 v27, $2.047000000e+03;
	v24 =	vadd.s32 v1, v29  }
0x2ee: {  	v36 =	vcvt.s32.f32 v61;
	v27 =	vtrunc.f32 v11;
	v11 =	vld [tilespmem:s1+$0x20]  }
0x2ef: {  	v41 =	vld [tilespmem:s26+$0x8060];
	v63 =	vmul.f32 $2.048000000e+03, v21;
	v30 =	vmul.f32 v23, v12  }
0x2f0: {  	v18 =	vadd.f32 v18, v26;
	[tilespmem:v31+s19+$0x0] =	vst.idx.add.f32.msk vm0, v2;
	v23 =	vcvt.f32.s32 v27;
	v27 =	vtrunc.f32 v62  }
0x2f1: {  	v29 =	vcvt.s32.f32 v28;
	vm0 =	veq.s32 v61, $0x0;
	v26 =	vld [tilespmem:s28+$0x50];
	v27 =	vcvt.f32.s32 v27  }
0x2f2: {  	vm1 =	veq.s32 v28, $0x0;
	[tilespmem:v24+s19+$0x0] =	vst.idx.add.f32.msk vm2, v2;
	v42 =	vadd.s32 v1, v23;
	v23 =	vmin.f32 v63, $2.047000000e+03  }
0x2f3: {  	v31 =	vmul.f32 $2.048000000e+03, v11;
	v28 =	vld [tilespmem:s30+$0x10];
	v24 =	vadd.s32 v1, v27;
	v23 =	vtrunc.f32 v23  }
0x2f4: {  	v19 =	vadd.f32 v60, v19;
	s0 =	simm.s32 $0x28;
	v12 =	vld [tilespmem:s1+$0x8020];
	v27 =	vcvt.s32.f32 v41;
	v23 =	vcvt.f32.s32 v23  }
.LBB2_8:
0x2f5: {  	s0 =	sadd.s32 $0x8, s0;
	v32 =	vld [tilespmem:s30+$0x8010];
	v25 =	vmul.f32 v29, v25;
	v8 =	vadd.f32 v30, v8;
	v22 =	vmul.f32 v36, v22  }
0x2f6: {  	s31 =	sadd.s32 $0x400, s31;
	vm2 =	veq.s32 v41, $0x0;
	s14 =	sshll.u32 s0, $0x4;
	s22 =	sshll.u32 s0, $0x2;
	v29 =	vmin.f32 v31, $2.047000000e+03;
	v30 =	vld [tilespmem:s28+$0x8050];
	v23 =	vadd.s32 v1, v23  }
0x2f7: {  	s24 =	sand.u32 $0xC00, s31;
	p0 =	slt.u32 s0, $0x3F8;
	s14 =	sand.u32 $0x3000, s14;
	v29 =	vtrunc.f32 v29;
	v31 =	vmul.f32 $2.048000000e+03, v26;
	v7 =	vadd.f32 v22, v7;
	[tilespmem:v42+s19+$0x0] =	vst.idx.add.f32.msk vm0, v2  }
0x2f8: {  	v20 =	vcvt.s32.f32 v20;
	s22 =	sand.u32 $0x380, s22;
	v13 =	vadd.f32 v25, v13;
	s14 =	sor.u32 s24, s14;
	v22 =	vcvt.f32.s32 v29;
	[tilespmem:v24+s19+$0x0] =	vst.idx.add.f32.msk vm1, v2  }
0x2f9: {  	vm1 =	veq.s32 v12, $0x0;
	s22 =	sor.u32 s22, s14;
	v24 =	vmul.f32 $2.048000000e+03, v28;
	v29 =	vld [tilespmem:s29+$0x40];
	v25 =	vmin.f32 v31, $2.047000000e+03  }
0x2fa: {  	v31 =	vcvt.s32.f32 v32;
	v33 =	vadd.s32 v1, v22;
	v34 =	vld [tilespmem:s29+$0x8040];
	v22 =	vtrunc.f32 v25  }
0x2fb: {  	v35 =	vmul.f32 v20, v16;
	v16 =	vld [tilespmem:s22+$0x0];
	v20 =	vmin.f32 v24, $2.047000000e+03;
	v22 =	vcvt.f32.s32 v22  }
0x2fc: {  	vm3 =	veq.s32 v30, $0x0;
	v24 =	vmul.f32 v31, v28;
	v25 =	vtrunc.f32 v20;
	[tilespmem:v23+s19+$0x0] =	vst.idx.add.f32.msk vm2, v2  }
0x2fd: {  	v20 =	vld [tilespmem:s22+$0x8000];
	v23 =	vcvt.f32.s32 v25;
	v25 =	vcvt.s32.f32 v30;
	v28 =	vadd.s32 v1, v22  }
0x2fe: {  	vm0 =	veq.s32 v32, $0x0;
	v14 =	vadd.f32 v24, v14;
	v24 =	vmul.f32 $2.048000000e+03, v29;
	v22 =	vld [tilespmem:s26+$0x70]  }
0x2ff: {  	v23 =	vadd.s32 v1, v23;
	[tilespmem:v33+s19+$0x0] =	vst.idx.add.f32.msk vm1, v2;
	v30 =	vcvt.s32.f32 v34;
	v26 =	vmul.f32 v25, v26  }
0x300: {  	v32 =	vmul.f32 v27, v21;
	v31 =	vmul.f32 $2.048000000e+03, v16;
	v25 =	vld [tilespmem:s1+$0x30];
	v24 =	vmin.f32 v24, $2.047000000e+03  }
0x301: {  	v15 =	vadd.f32 v35, v15;
	v27 =	vld [tilespmem:s1+$0x8030];
	v29 =	vmul.f32 v30, v29;
	v21 =	vtrunc.f32 v24  }
0x302: {  	v24 =	vmin.f32 v31, $2.047000000e+03;
	v30 =	vcvt.f32.s32 v21;
	[tilespmem:v28+s19+$0x0] =	vst.idx.add.f32.msk vm3, v2;
	v28 =	vcvt.s32.f32 v4;
	v4 =	vmovc v6;
	v6 =	vmovc v10  }
0x303: {  	vm1 =	veq.s32 v34, $0x0;
	v10 =	vmovc v12;
	v24 =	vtrunc.f32 v24;
	v21 =	vld [tilespmem:s28+$0x60];
	v31 =	vmul.f32 $2.048000000e+03, v22  }
0x304: {  	vm2 =	veq.s32 v20, $0x0;
	v12 =	vcvt.f32.s32 v24;
	v24 =	vadd.s32 v1, v30;
	v33 =	vld [tilespmem:s26+$0x8070];
	s26 =	smov.u32 s28;
	s28 =	smov.u32 s29;
	s29 =	smov.u32 s1  }
0x305: {  	v17 =	vadd.f32 v29, v17;
	s1 =	smov.u32 s30;
	s30 =	smov.u32 s22;
	v30 =	vmul.f32 $2.048000000e+03, v25;
	v41 =	vld [tilespmem:s26+$0x8060];
	v31 =	vmin.f32 v31, $2.047000000e+03  }
0x306: {  	v34 =	vadd.s32 v1, v12;
	[tilespmem:v23+s19+$0x0] =	vst.idx.add.f32.msk vm0, v2;
	v29 =	vcvt.s32.f32 v27;
	v12 =	vtrunc.f32 v31  }
0x307: {  	v35 =	vld [tilespmem:s1+$0x20];
	v23 =	vmin.f32 v30, $2.047000000e+03;
	v30 =	vmul.f32 v28, v3;
	v28 =	vcvt.f32.s32 v12;
	v3 =	vmovc v5;
	v5 =	vmovc v9  }
.Ltmp3:
0x308: {  	v18 =	vadd.f32 v26, v18;
	v9 =	vmovc v11;
	v12 =	vld [tilespmem:s1+$0x8020];
	v23 =	vtrunc.f32 v23;
	v31 =	vmul.f32 $2.048000000e+03, v21;
	(pc) =	sbr.rel @p0 .LBB2_8-.Ltmp3, $4  }
0x309: {  	v37 =	vcvt.f32.s32 v23;
	[tilespmem:v24+s19+$0x0] =	vst.idx.add.f32.msk vm1, v2;
	v42 =	vadd.s32 v1, v28;
	vm0 =	veq.s32 v33, $0x0  }
0x30a: {  	vm1 =	veq.s32 v27, $0x0;
	v36 =	vcvt.s32.f32 v33;
	v26 =	vld [tilespmem:s28+$0x50];
	v23 =	vmin.f32 v31, $2.047000000e+03  }
0x30b: {  	v27 =	vcvt.s32.f32 v41;
	[tilespmem:v34+s19+$0x0] =	vst.idx.add.f32.msk vm2, v2;
	v24 =	vadd.s32 v1, v37;
	v33 =	vtrunc.f32 v23  }
0x30c: {  	v19 =	vadd.f32 v32, v19;
	v28 =	vld [tilespmem:s30+$0x10];
	v31 =	vmul.f32 $2.048000000e+03, v35;
	v23 =	vcvt.f32.s32 v33;
	v11 =	vmovc v35  }
0x30d: {  	_ =	sdelay $0x3  }
0x30e: {  	v48 =	vld [tilespmem:s30+$0x8010];
	v32 =	vmul.f32 $2.048000000e+03, v28;
	_ =	sdelay $0x1  }
0x30f: {  	v32 =	vmin.f32 v32, $2.047000000e+03  }
0x310: {  	v32 =	vtrunc.f32 v32  }
0x311: {  	v32 =	vcvt.f32.s32 v32  }
0x312: {  	vm2 =	veq.s32 v48, $0x0  }
0x313: {  	v32 =	vadd.s32 v1, v32;
	_ =	sdelay $0x4  }
0x314: {  	[tilespmem:v32+s19+$0x0] =	vst.idx.add.f32.msk vm2, v2  }
0x315: {  	v32 =	vld [tilespmem:s30+$0x20];
	_ =	sdelay $0x4  }
0x316: {  	[tilespmem:$0x1FE30] =	vst v32  }
0x317: {  	v32 =	vmul.f32 $2.048000000e+03, v32;
	v33 =	vld [tilespmem:s30+$0x8020]  }
0x318: {  	v31 =	vmin.f32 v31, $2.047000000e+03  }
0x319: {  	v31 =	vtrunc.f32 v31;
	v32 =	vmin.f32 v32, $2.047000000e+03  }
0x31a: {  	v31 =	vcvt.f32.s32 v31;
	v32 =	vtrunc.f32 v32  }
0x31b: {  	vm2 =	veq.s32 v12, $0x0;
	v32 =	vcvt.f32.s32 v32  }
0x31c: {  	v31 =	vadd.s32 v1, v31;
	vm3 =	veq.s32 v33, $0x0  }
0x31d: {  	v32 =	vadd.s32 v1, v32;
	_ =	sdelay $0x2  }
0x31e: {  	[tilespmem:$0x1FE10] =	vst v33  }
0x31f: {  	[tilespmem:v31+s19+$0x0] =	vst.idx.add.f32.msk vm2, v2  }
0x320: {  	[tilespmem:v32+s19+$0x0] =	vst.idx.add.f32.msk vm3, v2  }
0x321: {  	v32 =	vld [tilespmem:s30+$0x30]  }
0x322: {  	v40 =	vld [tilespmem:s1+$0x30];
	_ =	sdelay $0x3  }
0x323: {  	[tilespmem:$0x1FDB0] =	vst v32  }
0x324: {  	v60 =	vmul.f32 $2.048000000e+03, v40;
	v46 =	vld [tilespmem:s1+$0x8030]  }
0x325: {  	v32 =	vmul.f32 $2.048000000e+03, v32;
	v61 =	vld [tilespmem:s30+$0x8030]  }
0x326: {  	v31 =	vmin.f32 v60, $2.047000000e+03  }
0x327: {  	v31 =	vtrunc.f32 v31;
	v32 =	vmin.f32 v32, $2.047000000e+03  }
0x328: {  	v31 =	vcvt.f32.s32 v31;
	v32 =	vtrunc.f32 v32  }
0x329: {  	v32 =	vcvt.f32.s32 v32;
	vm2 =	veq.s32 v46, $0x0  }
0x32a: {  	v31 =	vadd.s32 v1, v31;
	vm3 =	veq.s32 v61, $0x0  }
0x32b: {  	v32 =	vadd.s32 v1, v32;
	_ =	sdelay $0x2  }
0x32c: {  	[tilespmem:$0x1FDA0] =	vst v61  }
0x32d: {  	[tilespmem:v31+s19+$0x0] =	vst.idx.add.f32.msk vm2, v2  }
0x32e: {  	[tilespmem:v32+s19+$0x0] =	vst.idx.add.f32.msk vm3, v2  }
0x32f: {  	v32 =	vld [tilespmem:s30+$0x40]  }
0x330: {  	v44 =	vld [tilespmem:s1+$0x40];
	_ =	sdelay $0x2  }
0x331: {  	[tilespmem:v24+s19+$0x0] =	vst.idx.add.f32.msk vm1, v2  }
0x332: {  	v55 =	vld [tilespmem:s29+$0x40];
	[tilespmem:$0x1FDD0] =	vst v32  }
0x333: {  	v62 =	vmul.f32 $2.048000000e+03, v44;
	v49 =	vld [tilespmem:s1+$0x8040];
	_ =	sdelay $0x1  }
0x334: {  	v31 =	vmin.f32 v62, $2.047000000e+03  }
0x335: {  	v31 =	vtrunc.f32 v31  }
0x336: {  	v61 =	vld [tilespmem:s29+$0x8040];
	v31 =	vcvt.f32.s32 v31  }
0x337: {  	v24 =	vmul.f32 $2.048000000e+03, v55;
	v34 =	vld [tilespmem:s30+$0x8040];
	vm2 =	veq.s32 v49, $0x0  }
0x338: {  	v31 =	vadd.s32 v1, v31  }
0x339: {  	v24 =	vmin.f32 v24, $2.047000000e+03;
	v32 =	vmul.f32 $2.048000000e+03, v32  }
0x33a: {  	v24 =	vtrunc.f32 v24  }
0x33b: {  	v24 =	vcvt.f32.s32 v24;
	v32 =	vmin.f32 v32, $2.047000000e+03  }
0x33c: {  	v32 =	vtrunc.f32 v32;
	[tilespmem:$0x1FDC0] =	vst v34;
	vm1 =	veq.s32 v61, $0x0  }
0x33d: {  	v24 =	vadd.s32 v1, v24;
	v63 =	vcvt.f32.s32 v32;
	[tilespmem:v31+s19+$0x0] =	vst.idx.add.f32.msk vm2, v2  }
0x33e: {  	vm3 =	veq.s32 v34, $0x0;
	v39 =	vld [tilespmem:s1+$0x50]  }
0x33f: {  	v33 =	vadd.s32 v1, v63;
	_ =	sdelay $0x1  }
0x340: {  	v38 =	vld [tilespmem:s28+$0x8050]  }
0x341: {  	[tilespmem:v24+s19+$0x0] =	vst.idx.add.f32.msk vm1, v2  }
0x342: {  	v54 =	vld [tilespmem:s29+$0x50];
	[tilespmem:$0x1FDE0] =	vst v39  }
0x343: {  	[tilespmem:v33+s19+$0x0] =	vst.idx.add.f32.msk vm3, v2  }
0x344: {  	v43 =	vld [tilespmem:s30+$0x50];
	_ =	sdelay $0x2  }
0x345: {  	v24 =	vmul.f32 $2.048000000e+03, v26;
	_ =	sdelay $0x1  }
0x346: {  	v24 =	vmin.f32 v24, $2.047000000e+03;
	v47 =	vmul.f32 $2.048000000e+03, v54;
	[tilespmem:$0x1FE00] =	vst v43  }
0x347: {  	v24 =	vtrunc.f32 v24;
	v58 =	vld [tilespmem:s29+$0x8050]  }
0x348: {  	v24 =	vcvt.f32.s32 v24;
	v31 =	vmin.f32 v47, $2.047000000e+03;
	v47 =	vld [tilespmem:s1+$0x8050]  }
0x349: {  	vm1 =	veq.s32 v38, $0x0;
	v50 =	vmul.f32 $2.048000000e+03, v39;
	v35 =	vld [tilespmem:s30+$0x8050]  }
0x34a: {  	v24 =	vadd.s32 v1, v24;
	v51 =	vmul.f32 $2.048000000e+03, v43  }
0x34b: {  	v33 =	vmin.f32 v50, $2.047000000e+03;
	v31 =	vtrunc.f32 v31  }
0x34c: {  	v33 =	vtrunc.f32 v33;
	v31 =	vcvt.f32.s32 v31;
	v34 =	vmin.f32 v51, $2.047000000e+03  }
0x34d: {  	v33 =	vcvt.f32.s32 v33;
	v34 =	vtrunc.f32 v34;
	vm2 =	veq.s32 v58, $0x0  }
0x34e: {  	v31 =	vadd.s32 v1, v31;
	v52 =	vcvt.f32.s32 v34;
	[tilespmem:$0x1FDF0] =	vst v35;
	vm3 =	veq.s32 v47, $0x0  }
0x34f: {  	[tilespmem:v24+s19+$0x0] =	vst.idx.add.f32.msk vm1, v2;
	v24 =	vadd.s32 v1, v33;
	vm1 =	veq.s32 v35, $0x0  }
0x350: {  	v33 =	vadd.s32 v1, v52  }
0x351: {  	v63 =	vld [tilespmem:s28+$0x60]  }
0x352: {  	v39 =	vld [tilespmem:s28+$0x8060]  }
0x353: {  	[tilespmem:v31+s19+$0x0] =	vst.idx.add.f32.msk vm2, v2  }
0x354: {  	[tilespmem:v24+s19+$0x0] =	vst.idx.add.f32.msk vm3, v2  }
0x355: {  	[tilespmem:v33+s19+$0x0] =	vst.idx.add.f32.msk vm1, v2  }
0x356: {  	v53 =	vld [tilespmem:s30+$0x60]  }
0x357: {  	v52 =	vld [tilespmem:s29+$0x60]  }
0x358: {  	v24 =	vmul.f32 $2.048000000e+03, v63;
	v43 =	vld [tilespmem:s1+$0x60];
	_ =	sdelay $0x1  }
0x359: {  	v24 =	vmin.f32 v24, $2.047000000e+03  }
0x35a: {  	vm1 =	veq.s32 v41, $0x0;
	v24 =	vtrunc.f32 v24;
	[tilespmem:$0x1FE20] =	vst v53  }
0x35b: {  	v23 =	vadd.s32 v1, v23;
	v24 =	vcvt.f32.s32 v24;
	v60 =	vmul.f32 $2.048000000e+03, v52;
	v59 =	vld [tilespmem:s29+$0x8060]  }
0x35c: {  	vm2 =	veq.s32 v39, $0x0;
	v62 =	vmul.f32 $2.048000000e+03, v43;
	v50 =	vld [tilespmem:s1+$0x8060]  }
0x35d: {  	v37 =	vadd.s32 v1, v24;
	v57 =	vmul.f32 $2.048000000e+03, v53;
	v31 =	vmin.f32 v60, $2.047000000e+03;
	v45 =	vld [tilespmem:s30+$0x8060]  }
0x35e: {  	v56 =	vmin.f32 v62, $2.047000000e+03;
	v24 =	vtrunc.f32 v31  }
0x35f: {  	v31 =	vtrunc.f32 v56;
	v33 =	vmin.f32 v57, $2.047000000e+03;
	v24 =	vcvt.f32.s32 v24  }
0x360: {  	[tilespmem:v23+s19+$0x0] =	vst.idx.add.f32.msk vm1, v2;
	v31 =	vcvt.f32.s32 v31;
	v33 =	vtrunc.f32 v33;
	vm3 =	veq.s32 v59, $0x0  }
0x361: {  	v35 =	vld [tilespmem:s26+$0x70];
	v33 =	vcvt.f32.s32 v33;
	v23 =	vadd.s32 v1, v24;
	vm1 =	veq.s32 v50, $0x0  }
0x362: {  	v51 =	vadd.s32 v1, v31;
	[tilespmem:v37+s19+$0x0] =	vst.idx.add.f32.msk vm2, v2;
	vm2 =	veq.s32 v45, $0x0  }
0x363: {  	v32 =	vld [tilespmem:s26+$0x8070];
	v33 =	vadd.s32 v1, v33  }
0x364: {  	v37 =	vld [tilespmem:s28+$0x70]  }
0x365: {  	v34 =	vld [tilespmem:s28+$0x8070]  }
0x366: {  	[tilespmem:v23+s19+$0x0] =	vst.idx.add.f32.msk vm3, v2  }
0x367: {  	[tilespmem:v51+s19+$0x0] =	vst.idx.add.f32.msk vm1, v2  }
0x368: {  	[tilespmem:v33+s19+$0x0] =	vst.idx.add.f32.msk vm2, v2  }
0x369: {  	v60 =	vmul.f32 $2.048000000e+03, v37;
	v56 =	vld [tilespmem:s29+$0x70]  }
0x36a: {  	v23 =	vmul.f32 $2.048000000e+03, v35;
	v53 =	vld [tilespmem:s1+$0x70]  }
0x36b: {  	v41 =	vld [tilespmem:s30+$0x70];
	v51 =	vmin.f32 v60, $2.047000000e+03  }
0x36c: {  	v23 =	vmin.f32 v23, $2.047000000e+03;
	v31 =	vtrunc.f32 v51  }
0x36d: {  	v62 =	vtrunc.f32 v23;
	v51 =	vcvt.f32.s32 v31  }
0x36e: {  	v33 =	vld [tilespmem:s29+$0x8070];
	v57 =	vcvt.f32.s32 v62;
	v62 =	vmul.f32 $2.048000000e+03, v56  }
0x36f: {  	vm1 =	veq.s32 v32, $0x0;
	vm2 =	veq.s32 v34, $0x0;
	v60 =	vld [tilespmem:s1+$0x8070];
	v24 =	vmul.f32 $2.048000000e+03, v53  }
0x370: {  	v31 =	vadd.s32 v1, v51;
	v51 =	vld [tilespmem:s30+$0x8070];
	v23 =	vmul.f32 $2.048000000e+03, v41;
	v62 =	vmin.f32 v62, $2.047000000e+03  }
0x371: {  	v57 =	vadd.s32 v1, v57;
	v24 =	vmin.f32 v24, $2.047000000e+03;
	v62 =	vtrunc.f32 v62  }
0x372: {  	v23 =	vmin.f32 v23, $2.047000000e+03;
	v24 =	vtrunc.f32 v24;
	v62 =	vcvt.f32.s32 v62  }
0x373: {  	vm3 =	veq.s32 v33, $0x0;
	v23 =	vtrunc.f32 v23;
	v24 =	vcvt.f32.s32 v24  }
0x374: {  	vm4 =	veq.s32 v60, $0x0;
	v23 =	vcvt.f32.s32 v23;
	v62 =	vadd.s32 v1, v62  }
0x375: {  	vm5 =	veq.s32 v51, $0x0;
	v24 =	vadd.s32 v1, v24  }
0x376: {  	[tilespmem:v42+s19+$0x0] =	vst.idx.add.f32.msk vm0, v2;
	v23 =	vadd.s32 v1, v23  }
0x377: {  	[tilespmem:v31+s19+$0x0] =	vst.idx.add.f32.msk vm2, v2  }
0x378: {  	[tilespmem:v57+s19+$0x0] =	vst.idx.add.f32.msk vm1, v2  }
0x379: {  	[tilespmem:v62+s19+$0x0] =	vst.idx.add.f32.msk vm3, v2  }
0x37a: {  	[tilespmem:v24+s19+$0x0] =	vst.idx.add.f32.msk vm4, v2  }
0x37b: {  	[tilespmem:v23+s19+$0x0] =	vst.idx.add.f32.msk vm5, v2  }
0x37c: {  	_ =	swait.ge [sflag:s20], $0x4000  }
0x37d: {  	s0 =	simm.s32 $0x0;
	[sflag:s20] =	ssyncset.done $0x0  }
0x37e: {  	s24 =	simm.s32 $0x0;
	s14 =	simm.s32 $0x0;
	[sflag:s20] =	ssyncadd.s32 $0xFFFFC000  }
0x37f: {  	s0 =	sand.u32 $0xC00, s0;
	s1 =	sand.u32 $0x3000, s24;
	_ =	swait.ge [sflag:s21], $0x4000  }
0x380: {  	s26 =	sand.u32 $0x380, s14;
	s0 =	sor.u32 s0, s1;
	[sflag:s21] =	ssyncset.done $0x0  }
0x381: {  	s28 =	sor.u32 s26, s0;
	[sflag:s21] =	ssyncadd.s32 $0xFFFFC000  }
0x382: {  	v42 =	vld [tilespmem:s28+$0x4000];
	_ =	sdelay $0x4  }
0x383: {  	v62 =	vld [tilespmem:s28+$0xC000];
	v23 =	vmul.f32 $2.048000000e+03, v42;
	_ =	sdelay $0x1  }
0x384: {  	v23 =	vmin.f32 v23, $2.047000000e+03  }
0x385: {  	v23 =	vtrunc.f32 v23  }
0x386: {  	v23 =	vcvt.f32.s32 v23  }
0x387: {  	s2 =	simm.s32 $0x80;
	s14 =	simm.s32 $0x400;
	vm0 =	veq.s32 v62, $0x0  }
0x388: {  	s17 =	simm.s32 $0x20;
	s1 =	sand.u32 $0xC00, s14;
	s0 =	sand.u32 $0x3000, s2;
	v23 =	vadd.s32 v1, v23  }
0x389: {  	s18 =	sand.u32 $0x380, s17;
	s0 =	sor.u32 s1, s0  }
0x38a: {  	s26 =	sor.u32 s18, s0  }
0x38b: {  	v57 =	vld [tilespmem:s26+$0x4000]  }
0x38c: {  	v20 =	vcvt.s32.f32 v20  }
0x38d: {  	v22 =	vmul.f32 v36, v22;
	[tilespmem:v23+s19+$0x0] =	vst.idx.add.f32.msk vm0, v2  }
0x38e: {  	v24 =	vmul.f32 v29, v25;
	v25 =	vmul.f32 v20, v16;
	v16 =	vld [tilespmem:s28+$0x4010]  }
0x38f: {  	v30 =	vadd.f32 v30, v8;
	v8 =	vcvt.s32.f32 v61;
	v23 =	vcvt.s32.f32 v48  }
0x390: {  	v22 =	vadd.f32 v22, v7;
	v38 =	vcvt.s32.f32 v38;
	v20 =	vld [tilespmem:s26+$0xC000];
	v48 =	vmul.f32 $2.048000000e+03, v57  }
0x391: {  	v24 =	vadd.f32 v24, v13;
	v13 =	vcvt.s32.f32 v4;
	v7 =	vmul.f32 v23, v28  }
0x392: {  	v23 =	vmul.f32 v38, v26;
	v26 =	vmul.f32 v8, v55;
	v8 =	vmin.f32 v48, $2.047000000e+03  }
0x393: {  	v4 =	vld [tilespmem:s28+$0xC010];
	v8 =	vtrunc.f32 v8;
	v7 =	vadd.f32 v7, v14;
	v14 =	vmul.f32 $2.048000000e+03, v16  }
0x394: {  	v21 =	vmul.f32 v27, v21;
	v27 =	vcvt.f32.s32 v8  }
0x395: {  	v3 =	vmul.f32 v13, v3;
	vm0 =	veq.s32 v20, $0x0;
	v13 =	vmin.f32 v14, $2.047000000e+03  }
0x396: {  	v14 =	vadd.s32 v1, v27;
	v13 =	vtrunc.f32 v13  }
0x397: {  	v19 =	vadd.f32 v21, v19;
	v21 =	vcvt.f32.s32 v13  }
0x398: {  	s22 =	simm.s32 $0x100;
	s24 =	simm.s32 $0x800;
	vm1 =	veq.s32 v4, $0x0  }
0x399: {  	s2 =	simm.s32 $0x40;
	s1 =	sand.u32 $0xC00, s24;
	s0 =	sand.u32 $0x3000, s22;
	v21 =	vadd.s32 v1, v21  }
0x39a: {  	v6 =	vcvt.s32.f32 v6;
	s14 =	sand.u32 $0x380, s2;
	s0 =	sor.u32 s1, s0  }
0x39b: {  	s29 =	sor.u32 s14, s0;
	[tilespmem:v14+s19+$0x0] =	vst.idx.add.f32.msk vm0, v2;
	v14 =	vcvt.s32.f32 v39  }
0x39c: {  	v5 =	vmul.f32 v6, v5;
	v8 =	vadd.f32 v25, v15;
	v15 =	vcvt.s32.f32 v46;
	v13 =	vld [tilespmem:s29+$0x4000]  }
0x39d: {  	v25 =	vadd.f32 v26, v17;
	v17 =	vcvt.s32.f32 v32;
	v6 =	vld [tilespmem:$0x1FDA0];
	v14 =	vmul.f32 v14, v63  }
0x39e: {  	v18 =	vadd.f32 v23, v18;
	[tilespmem:v21+s19+$0x0] =	vst.idx.add.f32.msk vm1, v2  }
0x39f: {  	v23 =	vmul.f32 v15, v40;
	v17 =	vmul.f32 v17, v35;
	v19 =	vadd.f32 v14, v19;
	v14 =	vld [tilespmem:$0x1FDB0]  }
0x3a0: {  	v26 =	vcvt.s32.f32 v49;
	v15 =	vcvt.s32.f32 v58  }
0x3a1: {  	v22 =	vadd.f32 v17, v22;
	v23 =	vadd.f32 v23, v24;
	v17 =	vld [tilespmem:s29+$0xC000];
	v24 =	vmul.f32 $2.048000000e+03, v13  }
0x3a2: {  	v27 =	vmul.f32 v15, v54;
	v15 =	vld [tilespmem:s26+$0x4010];
	v6 =	vcvt.s32.f32 v6  }
0x3a3: {  	v26 =	vmul.f32 v26, v44;
	v24 =	vmin.f32 v24, $2.047000000e+03  }
0x3a4: {  	v3 =	vadd.f32 v3, v30;
	v6 =	vmul.f32 v6, v14;
	v14 =	vtrunc.f32 v24  }
0x3a5: {  	v54 =	vld [tilespmem:$0x1FDC0];
	v14 =	vcvt.f32.s32 v14  }
0x3a6: {  	v3 =	vadd.f32 v5, v3;
	v25 =	vadd.f32 v26, v25;
	vm0 =	veq.s32 v17, $0x0;
	v26 =	vld [tilespmem:s28+$0x4020]  }
0x3a7: {  	v5 =	vmul.f32 $2.048000000e+03, v15;
	v55 =	vadd.s32 v1, v14;
	v14 =	vadd.f32 v6, v23;
	v6 =	vld [tilespmem:$0x1FDD0]  }
0x3a8: {  	v10 =	vcvt.s32.f32 v10;
	v18 =	vadd.f32 v27, v18  }
0x3a9: {  	v27 =	vcvt.s32.f32 v59;
	v21 =	vcvt.s32.f32 v34;
	v5 =	vmin.f32 v5, $2.047000000e+03  }
0x3aa: {  	v59 =	vld [tilespmem:$0x1FDE0];
	v5 =	vtrunc.f32 v5;
	v28 =	vcvt.s32.f32 v54  }
0x3ab: {  	v21 =	vmul.f32 v21, v37;
	v5 =	vcvt.f32.s32 v5  }
0x3ac: {  	v24 =	vld [tilespmem:s26+$0xC010];
	v23 =	vmul.f32 $2.048000000e+03, v26;
	v6 =	vmul.f32 v28, v6  }
0x3ad: {  	v21 =	vadd.f32 v21, v22;
	v22 =	vcvt.s32.f32 v47;
	v61 =	vadd.s32 v1, v5;
	[tilespmem:v55+s19+$0x0] =	vst.idx.add.f32.msk vm0, v2  }
0x3ae: {  	v5 =	vadd.f32 v6, v25;
	v6 =	vmul.f32 v10, v9;
	v9 =	vmin.f32 v23, $2.047000000e+03;
	v23 =	vld [tilespmem:$0x1FDF0]  }
0x3af: {  	s17 =	simm.s32 $0x180;
	s18 =	simm.s32 $0xC00;
	v27 =	vmul.f32 v27, v52;
	v58 =	vld [tilespmem:s28+$0xC020];
	v22 =	vmul.f32 v22, v59  }
0x3b0: {  	s22 =	simm.s32 $0x60;
	s1 =	sand.u32 $0xC00, s18;
	s0 =	sand.u32 $0x3000, s17;
	v29 =	vld [tilespmem:$0x1FE00]  }
0x3b1: {  	s24 =	sand.u32 $0x380, s22;
	s0 =	sor.u32 s1, s0;
	v19 =	vadd.f32 v27, v19;
	v27 =	vcvt.s32.f32 v50;
	v18 =	vadd.f32 v22, v18;
	v10 =	vld [tilespmem:s29+$0x4010]  }
0x3b2: {  	s30 =	sor.u32 s24, s0;
	v22 =	vcvt.s32.f32 v33;
	vm1 =	veq.s32 v24, $0x0;
	v9 =	vtrunc.f32 v9  }
0x3b3: {  	v25 =	vcvt.f32.s32 v9;
	v9 =	vld [tilespmem:s30+$0x4000];
	v23 =	vcvt.s32.f32 v23  }
0x3b4: {  	v27 =	vmul.f32 v27, v43;
	v22 =	vmul.f32 v22, v56;
	vm0 =	veq.s32 v58, $0x0  }
0x3b5: {  	v6 =	vadd.f32 v6, v3;
	v3 =	vcvt.s32.f32 v12;
	v23 =	vmul.f32 v23, v29  }
0x3b6: {  	v21 =	vadd.f32 v22, v21;
	v25 =	vadd.s32 v1, v25;
	v35 =	vmul.f32 $2.048000000e+03, v10  }
0x3b7: {  	v22 =	vcvt.s32.f32 v60;
	v63 =	vld [tilespmem:s29+$0xC010];
	v11 =	vmul.f32 v3, v11;
	v3 =	vadd.f32 v23, v18  }
0x3b8: {  	[tilespmem:v61+s19+$0x0] =	vst.idx.add.f32.msk vm1, v2;
	v18 =	vadd.f32 v27, v19;
	v23 =	vmin.f32 v35, $2.047000000e+03;
	v27 =	vmul.f32 $2.048000000e+03, v9  }
0x3b9: {  	v12 =	vld [tilespmem:s26+$0x4020];
	v11 =	vadd.f32 v11, v6;
	v6 =	vtrunc.f32 v23  }
0x3ba: {  	v19 =	vmul.f32 v22, v53;
	v22 =	vld [tilespmem:s30+$0xC000];
	v6 =	vcvt.f32.s32 v6;
	v23 =	vmin.f32 v27, $2.047000000e+03  }
0x3bb: {  	v46 =	vcvt.s32.f32 v4;
	[tilespmem:v25+s19+$0x0] =	vst.idx.add.f32.msk vm0, v2;
	v23 =	vtrunc.f32 v23  }
0x3bc: {  	v38 =	vadd.s32 v1, v6;
	v6 =	vcvt.f32.s32 v23;
	v23 =	vld [tilespmem:$0x1FE20]  }
0x3bd: {  	v36 =	vcvt.s32.f32 v45;
	v16 =	vmul.f32 v46, v16;
	v37 =	vld [tilespmem:$0x1FE10]  }
0x3be: {  	s2 =	simm.s32 $0x200;
	s14 =	simm.s32 $0x1000;
	v43 =	vcvt.s32.f32 v51;
	vm0 =	veq.s32 v63, $0x0;
	v19 =	vadd.f32 v19, v21;
	v21 =	vld [tilespmem:s28+$0x4030]  }
0x3bf: {  	s17 =	simm.s32 $0x80;
	s1 =	sand.u32 $0xC00, s14;
	s0 =	sand.u32 $0x3000, s2;
	v20 =	vcvt.s32.f32 v20;
	v25 =	vmul.f32 $2.048000000e+03, v12;
	v27 =	vld [tilespmem:s26+$0xC020]  }
0x3c0: {  	s18 =	sand.u32 $0x380, s17;
	s0 =	sor.u32 s1, s0;
	v7 =	vadd.f32 v16, v7;
	v33 =	vmul.f32 v43, v41;
	vm1 =	veq.s32 v22, $0x0  }
0x3c1: {  	s31 =	sor.u32 s18, s0;
	v39 =	vld [tilespmem:$0x1FE30];
	v25 =	vmin.f32 v25, $2.047000000e+03;
	v40 =	vadd.s32 v1, v6;
	v23 =	vmul.f32 v36, v23  }
0x3c2: {  	v45 =	vld [tilespmem:s31+$0x4000];
	v16 =	vcvt.s32.f32 v17;
	v25 =	vtrunc.f32 v25;
	v4 =	vadd.f32 v33, v19  }
0x3c3: {  	v44 =	vld [tilespmem:s28+$0xC030];
	v6 =	vadd.f32 v23, v18;
	v18 =	vcvt.f32.s32 v25;
	v25 =	vmul.f32 $2.048000000e+03, v21  }
0x3c4: {  	v19 =	vcvt.s32.f32 v58;
	v31 =	vcvt.s32.f32 v37;
	vm2 =	veq.s32 v27, $0x0;
	[tilespmem:v38+s19+$0x0] =	vst.idx.add.f32.msk vm0, v2  }
0x3c5: {  	v48 =	vld [tilespmem:s29+$0x4020];
	v23 =	vcvt.s32.f32 v62;
	v18 =	vadd.s32 v1, v18;
	v25 =	vmin.f32 v25, $2.047000000e+03  }
0x3c6: {  	v30 =	vmul.f32 v31, v39;
	[tilespmem:v40+s19+$0x0] =	vst.idx.add.f32.msk vm1, v2;
	v25 =	vtrunc.f32 v25  }
0x3c7: {  	v47 =	vld [tilespmem:s30+$0x4010];
	v23 =	vmul.f32 v23, v42;
	v25 =	vcvt.f32.s32 v25  }
0x3c8: {  	v13 =	vmul.f32 v16, v13;
	v19 =	vmul.f32 v19, v26;
	vm0 =	veq.s32 v44, $0x0;
	v16 =	vld [tilespmem:s29+$0xC020]  }
0x3c9: {  	v11 =	vadd.f32 v30, v11;
	v8 =	vadd.f32 v23, v8;
	v23 =	vld [tilespmem:s31+$0xC000];
	v25 =	vadd.s32 v1, v25  }
0x3ca: {  	[tilespmem:v18+s19+$0x0] =	vst.idx.add.f32.msk vm2, v2;
	v18 =	vcvt.s32.f32 v24;
	v24 =	vmul.f32 $2.048000000e+03, v45  }
0x3cb: {  	v20 =	vmul.f32 v20, v57;
	v11 =	vadd.f32 v19, v11  }
0x3cc: {  	v19 =	vmul.f32 $2.048000000e+03, v47;
	v15 =	vmul.f32 v18, v15;
	v18 =	vld [tilespmem:s30+$0xC010];
	v24 =	vmin.f32 v24, $2.047000000e+03  }
0x3cd: {  	v8 =	vadd.f32 v20, v8;
	v20 =	vtrunc.f32 v24  }
0x3ce: {  	vm2 =	veq.s32 v16, $0x0;
	v19 =	vmin.f32 v19, $2.047000000e+03;
	[tilespmem:v25+s19+$0x0] =	vst.idx.add.f32.msk vm0, v2;
	v20 =	vcvt.f32.s32 v20  }
0x3cf: {  	v19 =	vtrunc.f32 v19;
	v24 =	vmul.f32 $2.048000000e+03, v48;
	vm0 =	veq.s32 v23, $0x0;
	v26 =	vld [tilespmem:s28+$0x4040]  }
0x3d0: {  	v17 =	vld [tilespmem:s26+$0x4030];
	v19 =	vcvt.f32.s32 v19;
	v25 =	vcvt.s32.f32 v27;
	v20 =	vadd.s32 v1, v20  }
0x3d1: {  	v7 =	vadd.f32 v15, v7;
	v24 =	vmin.f32 v24, $2.047000000e+03;
	vm1 =	veq.s32 v18, $0x0  }
0x3d2: {  	v19 =	vadd.s32 v1, v19;
	v15 =	vtrunc.f32 v24;
	v12 =	vmul.f32 v25, v12  }
0x3d3: {  	v8 =	vadd.f32 v13, v8;
	v27 =	vld [tilespmem:s26+$0xC030];
	v24 =	vcvt.s32.f32 v44;
	v15 =	vcvt.f32.s32 v15  }
0x3d4: {  	v50 =	vld [tilespmem:s28+$0xC040];
	v25 =	vcvt.s32.f32 v63;
	v11 =	vadd.f32 v12, v11;
	v51 =	vmul.f32 $2.048000000e+03, v26  }
0x3d5: {  	s22 =	simm.s32 $0x280;
	s24 =	simm.s32 $0x1400;
	v49 =	vmul.f32 $2.048000000e+03, v17;
	v12 =	vmul.f32 v24, v21;
	v15 =	vadd.s32 v1, v15;
	[tilespmem:v20+s19+$0x0] =	vst.idx.add.f32.msk vm0, v2  }
0x3d6: {  	s2 =	simm.s32 $0xA0;
	s1 =	sand.u32 $0xC00, s24;
	s0 =	sand.u32 $0x3000, s22;
	v21 =	vcvt.s32.f32 v22;
	v10 =	vmul.f32 v25, v10;
	v22 =	vmin.f32 v51, $2.047000000e+03;
	v24 =	vld [tilespmem:s31+$0x4010]  }
0x3d7: {  	s14 =	sand.u32 $0x380, s2;
	s0 =	sor.u32 s1, s0;
	v12 =	vadd.f32 v12, v14;
	v14 =	vcvt.s32.f32 v16;
	[tilespmem:v19+s19+$0x0] =	vst.idx.add.f32.msk vm1, v2;
	v19 =	vtrunc.f32 v22  }
0x3d8: {  	s1 =	sor.u32 s14, s0;
	v9 =	vmul.f32 v21, v9;
	v20 =	vmin.f32 v49, $2.047000000e+03;
	v16 =	vld [tilespmem:s30+$0x4020];
	v19 =	vcvt.f32.s32 v19  }
0x3d9: {  	v7 =	vadd.f32 v10, v7;
	v21 =	vld [tilespmem:s1+$0x4000];
	vm0 =	veq.s32 v50, $0x0;
	v13 =	vtrunc.f32 v20  }
0x3da: {  	v13 =	vcvt.f32.s32 v13;
	[tilespmem:v15+s19+$0x0] =	vst.idx.add.f32.msk vm2, v2;
	v15 =	vcvt.s32.f32 v27;
	v19 =	vadd.s32 v1, v19  }
0x3db: {  	v14 =	vmul.f32 v14, v48;
	v20 =	vld [tilespmem:s31+$0xC010];
	v8 =	vadd.f32 v9, v8;
	v22 =	vcvt.s32.f32 v23  }
0x3dc: {  	v23 =	vld [tilespmem:s1+$0xC000];
	v10 =	vadd.s32 v1, v13;
	v9 =	vmul.f32 v15, v17;
	v13 =	vmul.f32 $2.048000000e+03, v24  }
0x3dd: {  	vm1 =	veq.s32 v27, $0x0;
	v15 =	vcvt.s32.f32 v18;
	v18 =	vld [tilespmem:s30+$0xC020];
	v17 =	vmul.f32 $2.048000000e+03, v16  }
0x3de: {  	v14 =	vadd.f32 v14, v11;
	v11 =	vld [tilespmem:s29+$0x4030];
	v25 =	vmul.f32 $2.048000000e+03, v21;
	v13 =	vmin.f32 v13, $2.047000000e+03  }
0x3df: {  	v53 =	vcvt.s32.f32 v50;
	v13 =	vtrunc.f32 v13;
	v17 =	vmin.f32 v17, $2.047000000e+03;
	[tilespmem:v19+s19+$0x0] =	vst.idx.add.f32.msk vm0, v2  }
0x3e0: {  	v25 =	vmin.f32 v25, $2.047000000e+03;
	v13 =	vcvt.f32.s32 v13;
	v17 =	vtrunc.f32 v17;
	v19 =	vld [tilespmem:s28+$0x4050]  }
0x3e1: {  	v9 =	vadd.f32 v9, v12;
	vm0 =	veq.s32 v20, $0x0;
	v12 =	vcvt.f32.s32 v17  }
0x3e2: {  	v52 =	vld [tilespmem:s29+$0xC030];
	v25 =	vtrunc.f32 v25;
	vm2 =	veq.s32 v18, $0x0;
	v13 =	vadd.s32 v1, v13  }
0x3e3: {  	v15 =	vmul.f32 v15, v47;
	[tilespmem:v10+s19+$0x0] =	vst.idx.add.f32.msk vm1, v2;
	v10 =	vcvt.f32.s32 v25;
	v12 =	vadd.s32 v1, v12  }
0x3e4: {  	vm1 =	veq.s32 v23, $0x0;
	v18 =	vcvt.s32.f32 v18;
	v27 =	vld [tilespmem:s28+$0xC050];
	v17 =	vmul.f32 $2.048000000e+03, v11  }
0x3e5: {  	v22 =	vmul.f32 v22, v45;
	v25 =	vld [tilespmem:s26+$0x4040];
	v10 =	vadd.s32 v1, v10;
	v54 =	vmul.f32 $2.048000000e+03, v19  }
0x3e6: {  	v7 =	vadd.f32 v15, v7;
	v57 =	vld [tilespmem:s26+$0xC040];
	v16 =	vmul.f32 v18, v16;
	v17 =	vmin.f32 v17, $2.047000000e+03  }
0x3e7: {  	v17 =	vtrunc.f32 v17;
	[tilespmem:v13+s19+$0x0] =	vst.idx.add.f32.msk vm0, v2;
	v13 =	vmul.f32 v53, v26;
	v15 =	vmin.f32 v54, $2.047000000e+03  }
0x3e8: {  	v17 =	vcvt.f32.s32 v17;
	[tilespmem:v12+s19+$0x0] =	vst.idx.add.f32.msk vm2, v2;
	v12 =	vtrunc.f32 v15  }
0x3e9: {  	v26 =	vld [tilespmem:s31+$0x4020];
	v18 =	vadd.f32 v13, v5;
	v5 =	vcvt.s32.f32 v27;
	v12 =	vcvt.f32.s32 v12  }
0x3ea: {  	[tilespmem:v10+s19+$0x0] =	vst.idx.add.f32.msk vm1, v2;
	vm0 =	veq.s32 v27, $0x0;
	v13 =	vcvt.s32.f32 v52;
	v15 =	vmul.f32 $2.048000000e+03, v25  }
0x3eb: {  	s17 =	simm.s32 $0x300;
	s22 =	simm.s32 $0x1800;
	v55 =	vadd.s32 v1, v17;
	v56 =	vld [tilespmem:s30+$0x4030];
	v5 =	vmul.f32 v5, v19;
	v12 =	vadd.s32 v1, v12  }
0x3ec: {  	s18 =	simm.s32 $0xC0;
	s24 =	sand.u32 $0xC00, s22;
	s0 =	sand.u32 $0x3000, s17;
	v10 =	vmul.f32 v13, v11;
	v13 =	vcvt.s32.f32 v23;
	v15 =	vmin.f32 v15, $2.047000000e+03;
	v11 =	vld [tilespmem:s1+$0x4010]  }
0x3ed: {  	s14 =	sand.u32 $0x380, s18;
	s0 =	sor.u32 s24, s0;
	v19 =	vadd.f32 v16, v14;
	v14 =	vcvt.s32.f32 v20;
	v15 =	vtrunc.f32 v15  }
0x3ee: {  	s0 =	sor.u32 s14, s0;
	v17 =	vld [tilespmem:s1+$0xC010];
	v27 =	vadd.f32 v22, v8;
	v8 =	vmul.f32 $2.048000000e+03, v26;
	v16 =	vcvt.f32.s32 v15  }
0x3ef: {  	vm1 =	veq.s32 v57, $0x0;
	v15 =	vld [tilespmem:s0+$0xC000];
	v14 =	vmul.f32 v14, v24;
	v24 =	vmul.f32 v13, v21  }
0x3f0: {  	v8 =	vmin.f32 v8, $2.047000000e+03;
	v20 =	vmul.f32 $2.048000000e+03, v56;
	v21 =	vadd.s32 v1, v16;
	[tilespmem:v12+s19+$0x0] =	vst.idx.add.f32.msk vm0, v2  }
0x3f1: {  	v13 =	vadd.f32 v10, v9;
	v8 =	vtrunc.f32 v8;
	v10 =	vmul.f32 $2.048000000e+03, v11;
	v23 =	vld [tilespmem:s28+$0x4060]  }
0x3f2: {  	v9 =	vadd.f32 v14, v7;
	v14 =	vld [tilespmem:s31+$0xC020];
	v7 =	vcvt.f32.s32 v8;
	v8 =	vmin.f32 v20, $2.047000000e+03  }
0x3f3: {  	v16 =	vld [tilespmem:s0+$0x4000];
	v12 =	vcvt.s32.f32 v57;
	v8 =	vtrunc.f32 v8;
	v10 =	vmin.f32 v10, $2.047000000e+03  }
0x3f4: {  	vm0 =	veq.s32 v52, $0x0;
	v58 =	vld [tilespmem:s28+$0xC060];
	v8 =	vcvt.f32.s32 v8;
	v10 =	vtrunc.f32 v10  }
0x3f5: {  	vm2 =	veq.s32 v17, $0x0;
	v12 =	vmul.f32 v12, v25;
	v10 =	vcvt.f32.s32 v10;
	[tilespmem:v21+s19+$0x0] =	vst.idx.add.f32.msk vm1, v2  }
0x3f6: {  	v7 =	vadd.s32 v1, v7;
	v20 =	vadd.s32 v1, v8;
	v25 =	vld [tilespmem:s26+$0x4050];
	v8 =	vmul.f32 $2.048000000e+03, v23  }
0x3f7: {  	vm3 =	veq.s32 v14, $0x0;
	v21 =	vld [tilespmem:s30+$0xC030];
	v12 =	vadd.f32 v12, v18;
	v10 =	vadd.s32 v1, v10  }
0x3f8: {  	v18 =	vcvt.s32.f32 v14;
	v22 =	vld [tilespmem:s26+$0xC050];
	v14 =	vmul.f32 $2.048000000e+03, v16;
	v8 =	vmin.f32 v8, $2.047000000e+03  }
0x3f9: {  	vm1 =	veq.s32 v15, $0x0;
	v59 =	vcvt.s32.f32 v58;
	v8 =	vtrunc.f32 v8  }
0x3fa: {  	[tilespmem:v55+s19+$0x0] =	vst.idx.add.f32.msk vm0, v2;
	v14 =	vmin.f32 v14, $2.047000000e+03;
	v26 =	vmul.f32 v18, v26;
	v8 =	vcvt.f32.s32 v8  }
0x3fb: {  	vm0 =	veq.s32 v58, $0x0;
	v18 =	vld [tilespmem:s29+$0x4040];
	v14 =	vtrunc.f32 v14;
	v60 =	vmul.f32 $2.048000000e+03, v25  }
0x3fc: {  	v61 =	vcvt.f32.s32 v14;
	[tilespmem:v10+s19+$0x0] =	vst.idx.add.f32.msk vm2, v2;
	v10 =	vmul.f32 v59, v23;
	v41 =	vadd.s32 v1, v8  }
0x3fd: {  	v62 =	vcvt.s32.f32 v21;
	v63 =	vcvt.s32.f32 v22;
	v14 =	vld [tilespmem:s1+$0x4020];
	v8 =	vmin.f32 v60, $2.047000000e+03  }
0x3fe: {  	[tilespmem:v7+s19+$0x0] =	vst.idx.add.f32.msk vm3, v2;
	v23 =	vadd.s32 v1, v61;
	v7 =	vtrunc.f32 v8;
	v8 =	vadd.f32 v10, v6  }
0x3ff: {  	v6 =	vadd.f32 v26, v19;
	v19 =	vld [tilespmem:s31+$0x4030];
	v10 =	vmul.f32 v63, v25;
	v25 =	vcvt.f32.s32 v7  }
0x400: {  	s24 =	simm.s32 $0x30;
	v40 =	vld [tilespmem:s29+$0xC040];
	v51 =	vmul.f32 v62, v56;
	v7 =	vadd.f32 v24, v27;
	v24 =	vmul.f32 $2.048000000e+03, v18  }
.LBB2_10:
0x401: {  	s24 =	sadd.s32 $0x8, s24;
	v15 =	vcvt.s32.f32 v15;
	v17 =	vcvt.s32.f32 v17;
	v25 =	vadd.s32 v1, v25;
	[tilespmem:v41+s19+$0x0] =	vst.idx.add.f32.msk vm0, v2  }
0x402: {  	s22 =	sadd.s32 $0x400, s22;
	vm0 =	veq.s32 v22, $0x0;
	s14 =	sshll.u32 s24, $0x4;
	s17 =	sshll.u32 s24, $0x2;
	v27 =	vmul.f32 $2.048000000e+03, v14;
	v24 =	vmin.f32 v24, $2.047000000e+03;
	v22 =	vld [tilespmem:s28+$0x4070]  }
0x403: {  	s18 =	sand.u32 $0xC00, s22;
	p0 =	slt.u32 s24, $0x3F8;
	v13 =	vadd.f32 v51, v13;
	s14 =	sand.u32 $0x3000, s14;
	[tilespmem:v23+s19+$0x0] =	vst.idx.add.f32.msk vm1, v2;
	v17 =	vmul.f32 v17, v11;
	v23 =	vtrunc.f32 v24  }
0x404: {  	s17 =	sand.u32 $0x380, s17;
	v24 =	vmul.f32 v15, v16;
	s14 =	sor.u32 s18, s14;
	v11 =	vld [tilespmem:s0+$0x4010];
	v15 =	vmin.f32 v27, $2.047000000e+03;
	v16 =	vmul.f32 $2.048000000e+03, v19;
	v26 =	vmovc v19  }
0x405: {  	v19 =	vcvt.f32.s32 v23;
	s14 =	sor.u32 s17, s14;
	v9 =	vadd.f32 v17, v9;
	v17 =	vtrunc.f32 v15;
	v23 =	vld [tilespmem:s28+$0xC070];
	s28 =	smov.u32 s26;
	s26 =	smov.u32 s29  }
0x406: {  	v28 =	vcvt.s32.f32 v40;
	s29 =	smov.u32 s30;
	s30 =	smov.u32 s31;
	s31 =	smov.u32 s1;
	v15 =	vld [tilespmem:s14+$0xC000];
	v27 =	vcvt.f32.s32 v17;
	v16 =	vmin.f32 v16, $2.047000000e+03  }
0x407: {  	vm1 =	veq.s32 v40, $0x0;
	s1 =	smov.u32 s0;
	v19 =	vadd.s32 v1, v19;
	v17 =	vld [tilespmem:s0+$0xC010];
	v16 =	vtrunc.f32 v16;
	s0 =	smov.u32 s14  }
0x408: {  	v27 =	vadd.s32 v1, v27;
	v16 =	vcvt.f32.s32 v16;
	[tilespmem:v25+s19+$0x0] =	vst.idx.add.f32.msk vm0, v2;
	v25 =	vmul.f32 $2.048000000e+03, v22  }
0x409: {  	v18 =	vmul.f32 v28, v18;
	vm0 =	veq.s32 v21, $0x0;
	v29 =	vmul.f32 $2.048000000e+03, v11;
	v28 =	vld [tilespmem:s28+$0x4060]  }
0x40a: {  	v21 =	vld [tilespmem:s31+$0xC020];
	v30 =	vadd.s32 v1, v16;
	v31 =	vcvt.s32.f32 v23;
	v25 =	vmin.f32 v25, $2.047000000e+03  }
0x40b: {  	v12 =	vadd.f32 v18, v12;
	v16 =	vld [tilespmem:s0+$0x4000];
	v29 =	vmin.f32 v29, $2.047000000e+03;
	v18 =	vtrunc.f32 v25  }
0x40c: {  	vm2 =	veq.s32 v23, $0x0;
	v25 =	vtrunc.f32 v29;
	v29 =	vld [tilespmem:s28+$0xC060];
	v18 =	vcvt.f32.s32 v18  }
0x40d: {  	v3 =	vadd.f32 v5, v3;
	v23 =	vcvt.f32.s32 v25;
	[tilespmem:v19+s19+$0x0] =	vst.idx.add.f32.msk vm1, v2;
	v19 =	vmul.f32 v31, v22  }
0x40e: {  	v5 =	vmovc v10;
	vm4 =	veq.s32 v17, $0x0;
	v25 =	vld [tilespmem:s26+$0x4050];
	v31 =	vmul.f32 $2.048000000e+03, v28;
	v32 =	vadd.s32 v1, v18  }
0x40f: {  	v10 =	vadd.s32 v1, v23;
	v18 =	vcvt.s32.f32 v21;
	vm3 =	veq.s32 v21, $0x0;
	v22 =	vld [tilespmem:s26+$0xC050]  }
0x410: {  	vm1 =	veq.s32 v15, $0x0;
	v23 =	vmul.f32 $2.048000000e+03, v16;
	v21 =	vld [tilespmem:s30+$0xC030];
	v31 =	vmin.f32 v31, $2.047000000e+03  }
0x411: {  	v4 =	vadd.f32 v19, v4;
	[tilespmem:v20+s19+$0x0] =	vst.idx.add.f32.msk vm0, v2;
	v33 =	vcvt.s32.f32 v29;
	v31 =	vtrunc.f32 v31;
	v20 =	vmovc v30  }
0x412: {  	v30 =	vmul.f32 v18, v14;
	v19 =	vmin.f32 v23, $2.047000000e+03;
	v18 =	vld [tilespmem:s29+$0x4040];
	v14 =	vcvt.f32.s32 v31  }
0x413: {  	vm0 =	veq.s32 v29, $0x0;
	v19 =	vtrunc.f32 v19;
	v23 =	vmul.f32 $2.048000000e+03, v25;
	[tilespmem:v32+s19+$0x0] =	vst.idx.add.f32.msk vm2, v2  }
.Ltmp4:
0x414: {  	v19 =	vcvt.f32.s32 v19;
	[tilespmem:v10+s19+$0x0] =	vst.idx.add.f32.msk vm4, v2;
	v10 =	vmul.f32 v33, v28;
	v41 =	vadd.s32 v1, v14;
	(pc) =	sbr.rel @p0 .LBB2_10-.Ltmp4, $4  }
0x415: {  	v29 =	vcvt.s32.f32 v22;
	v14 =	vld [tilespmem:s1+$0x4020];
	v28 =	vcvt.s32.f32 v21;
	v31 =	vmin.f32 v23, $2.047000000e+03  }
0x416: {  	v23 =	vadd.s32 v1, v19;
	[tilespmem:v27+s19+$0x0] =	vst.idx.add.f32.msk vm3, v2;
	v27 =	vtrunc.f32 v31;
	v8 =	vadd.f32 v10, v8  }
0x417: {  	v6 =	vadd.f32 v30, v6;
	v10 =	vmul.f32 v29, v25;
	v19 =	vld [tilespmem:s31+$0x4030];
	v25 =	vcvt.f32.s32 v27  }
0x418: {  	v7 =	vadd.f32 v24, v7;
	v51 =	vmul.f32 v28, v26;
	v24 =	vmul.f32 $2.048000000e+03, v18;
	v40 =	vld [tilespmem:s29+$0xC040]  }
0x419: {  	_ =	sdelay $0x4  }
0x41a: {  	[tilespmem:v23+s19+$0x0] =	vst.idx.add.f32.msk vm1, v2  }
0x41b: {  	v23 =	vld [tilespmem:s0+$0x4010];
	_ =	sdelay $0x4  }
0x41c: {  	[tilespmem:$0x1FD20] =	vst v23  }
0x41d: {  	v23 =	vmul.f32 $2.048000000e+03, v23;
	v32 =	vld [tilespmem:s0+$0xC010];
	_ =	sdelay $0x1  }
0x41e: {  	v23 =	vmin.f32 v23, $2.047000000e+03  }
0x41f: {  	v23 =	vtrunc.f32 v23  }
0x420: {  	v23 =	vcvt.f32.s32 v23  }
0x421: {  	vm9 =	veq.s32 v32, $0x0  }
0x422: {  	v23 =	vadd.s32 v1, v23;
	_ =	sdelay $0x4  }
0x423: {  	[tilespmem:v23+s19+$0x0] =	vst.idx.add.f32.msk vm9, v2  }
0x424: {  	v23 =	vld [tilespmem:s0+$0x4020];
	_ =	sdelay $0x4  }
0x425: {  	[tilespmem:$0x1FD30] =	vst v23  }
0x426: {  	v28 =	vmul.f32 $2.048000000e+03, v23;
	v31 =	vld [tilespmem:s0+$0xC020];
	_ =	sdelay $0x1  }
0x427: {  	v28 =	vmin.f32 v28, $2.047000000e+03  }
0x428: {  	v28 =	vtrunc.f32 v28  }
0x429: {  	v28 =	vcvt.f32.s32 v28  }
0x42a: {  	v26 =	vmul.f32 $2.048000000e+03, v14;
	v52 =	vld [tilespmem:s1+$0xC020];
	vm2 =	veq.s32 v31, $0x0  }
0x42b: {  	v29 =	vadd.s32 v1, v28  }
0x42c: {  	v26 =	vmin.f32 v26, $2.047000000e+03  }
0x42d: {  	v26 =	vtrunc.f32 v26  }
0x42e: {  	v26 =	vcvt.f32.s32 v26  }
0x42f: {  	vm10 =	veq.s32 v52, $0x0  }
0x430: {  	v26 =	vadd.s32 v1, v26;
	[tilespmem:v29+s19+$0x0] =	vst.idx.add.f32.msk vm2, v2  }
0x431: {  	v55 =	vld [tilespmem:s0+$0x4030]  }
0x432: {  	v53 =	vmul.f32 $2.048000000e+03, v19;
	v44 =	vld [tilespmem:s31+$0xC030];
	_ =	sdelay $0x1  }
0x433: {  	vm3 =	veq.s32 v21, $0x0;
	v21 =	vmin.f32 v53, $2.047000000e+03  }
0x434: {  	v21 =	vtrunc.f32 v21;
	[tilespmem:v26+s19+$0x0] =	vst.idx.add.f32.msk vm10, v2  }
0x435: {  	v54 =	vcvt.f32.s32 v21;
	v28 =	vld [tilespmem:s1+$0x4030];
	[tilespmem:$0x1FD50] =	vst v55  }
0x436: {  	vm11 =	veq.s32 v44, $0x0;
	v58 =	vld [tilespmem:s0+$0xC030]  }
0x437: {  	v26 =	vadd.s32 v1, v54;
	_ =	sdelay $0x1  }
0x438: {  	v30 =	vmul.f32 $2.048000000e+03, v55;
	[tilespmem:v20+s19+$0x0] =	vst.idx.add.f32.msk vm3, v2  }
0x439: {  	v20 =	vmin.f32 v24, $2.047000000e+03;
	v37 =	vld [tilespmem:s1+$0xC030]  }
0x43a: {  	v42 =	vld [tilespmem:s30+$0x4040];
	v20 =	vtrunc.f32 v20;
	v59 =	vmin.f32 v30, $2.047000000e+03;
	[tilespmem:$0x1FD40] =	vst v58  }
0x43b: {  	v20 =	vcvt.f32.s32 v20;
	[tilespmem:v26+s19+$0x0] =	vst.idx.add.f32.msk vm11, v2;
	v26 =	vtrunc.f32 v59  }
0x43c: {  	vm12 =	veq.s32 v40, $0x0;
	v56 =	vmul.f32 $2.048000000e+03, v28;
	v26 =	vcvt.f32.s32 v26  }
0x43d: {  	v20 =	vadd.s32 v1, v20;
	vm14 =	veq.s32 v58, $0x0  }
0x43e: {  	v57 =	vmin.f32 v56, $2.047000000e+03;
	v26 =	vadd.s32 v1, v26  }
0x43f: {  	v29 =	vtrunc.f32 v57;
	v47 =	vld [tilespmem:s30+$0xC040]  }
0x440: {  	v29 =	vcvt.f32.s32 v29;
	v60 =	vmul.f32 $2.048000000e+03, v42;
	v34 =	vld [tilespmem:s31+$0x4040]  }
0x441: {  	vm13 =	veq.s32 v37, $0x0  }
0x442: {  	v29 =	vadd.s32 v1, v29;
	v30 =	vmin.f32 v60, $2.047000000e+03;
	[tilespmem:v20+s19+$0x0] =	vst.idx.add.f32.msk vm12, v2  }
0x443: {  	v20 =	vtrunc.f32 v30;
	[tilespmem:v26+s19+$0x0] =	vst.idx.add.f32.msk vm14, v2  }
0x444: {  	v20 =	vcvt.f32.s32 v20;
	v35 =	vld [tilespmem:s0+$0x4040]  }
0x445: {  	v45 =	vld [tilespmem:s31+$0xC040];
	vm15 =	veq.s32 v47, $0x0;
	v61 =	vmul.f32 $2.048000000e+03, v34  }
0x446: {  	v20 =	vadd.s32 v1, v20  }
0x447: {  	[tilespmem:v29+s19+$0x0] =	vst.idx.add.f32.msk vm13, v2;
	v62 =	vmin.f32 v61, $2.047000000e+03  }
0x448: {  	v33 =	vld [tilespmem:s1+$0x4040];
	v29 =	vtrunc.f32 v62  }
0x449: {  	v38 =	vld [tilespmem:s29+$0x4050];
	v63 =	vcvt.f32.s32 v29;
	[tilespmem:$0x1FD70] =	vst v35  }
0x44a: {  	vm7 =	veq.s32 v45, $0x0;
	v54 =	vld [tilespmem:s0+$0xC040]  }
0x44b: {  	[tilespmem:v20+s19+$0x0] =	vst.idx.add.f32.msk vm15, v2;
	v20 =	vadd.s32 v1, v63;
	_ =	sdelay $0x1  }
0x44c: {  	v49 =	vmul.f32 $2.048000000e+03, v33;
	v43 =	vld [tilespmem:s1+$0xC040]  }
0x44d: {  	v35 =	vmul.f32 $2.048000000e+03, v35;
	v50 =	vld [tilespmem:s29+$0xC050]  }
0x44e: {  	v26 =	vmin.f32 v49, $2.047000000e+03;
	v36 =	vld [tilespmem:s30+$0x4050];
	[tilespmem:$0x1FD60] =	vst v54  }
0x44f: {  	vm6 =	veq.s32 v22, $0x0;
	v26 =	vtrunc.f32 v26;
	v59 =	vmin.f32 v35, $2.047000000e+03;
	[tilespmem:v20+s19+$0x0] =	vst.idx.add.f32.msk vm7, v2  }
0x450: {  	v46 =	vadd.s32 v1, v25;
	v20 =	vcvt.f32.s32 v26;
	v26 =	vtrunc.f32 v59;
	v30 =	vld [tilespmem:s31+$0x4050]  }
0x451: {  	vm9 =	veq.s32 v43, $0x0;
	v26 =	vcvt.f32.s32 v26  }
0x452: {  	v48 =	vmul.f32 $2.048000000e+03, v38;
	vm10 =	veq.s32 v54, $0x0;
	v20 =	vadd.s32 v1, v20  }
0x453: {  	v26 =	vadd.s32 v1, v26  }
0x454: {  	v25 =	vmin.f32 v48, $2.047000000e+03  }
0x455: {  	v25 =	vtrunc.f32 v25;
	[tilespmem:v46+s19+$0x0] =	vst.idx.add.f32.msk vm6, v2;
	v62 =	vmul.f32 $2.048000000e+03, v30  }
0x456: {  	v53 =	vcvt.f32.s32 v25;
	v49 =	vld [tilespmem:s30+$0xC050]  }
0x457: {  	vm8 =	veq.s32 v50, $0x0;
	[tilespmem:v20+s19+$0x0] =	vst.idx.add.f32.msk vm9, v2;
	v20 =	vmin.f32 v62, $2.047000000e+03  }
0x458: {  	v55 =	vadd.s32 v1, v53;
	v60 =	vmul.f32 $2.048000000e+03, v36;
	[tilespmem:v26+s19+$0x0] =	vst.idx.add.f32.msk vm10, v2;
	v20 =	vtrunc.f32 v20  }
0x459: {  	v63 =	vcvt.f32.s32 v20;
	v20 =	vld [tilespmem:s0+$0x4050]  }
0x45a: {  	v39 =	vld [tilespmem:s31+$0xC050];
	v61 =	vmin.f32 v60, $2.047000000e+03  }
0x45b: {  	v58 =	vld [tilespmem:s26+$0x4060];
	v29 =	vtrunc.f32 v61  }
0x45c: {  	v46 =	vcvt.f32.s32 v29;
	v29 =	vld [tilespmem:s1+$0x4050]  }
0x45d: {  	[tilespmem:v55+s19+$0x0] =	vst.idx.add.f32.msk vm8, v2;
	vm11 =	veq.s32 v49, $0x0  }
0x45e: {  	v59 =	vld [tilespmem:s26+$0xC060];
	v46 =	vadd.s32 v1, v46;
	[tilespmem:$0x1FD90] =	vst v20  }
0x45f: {  	vm12 =	veq.s32 v39, $0x0;
	v27 =	vld [tilespmem:s0+$0xC050]  }
0x460: {  	v48 =	vadd.s32 v1, v63  }
0x461: {  	v23 =	vmul.f32 $2.048000000e+03, v29;
	v35 =	vld [tilespmem:s1+$0xC050]  }
0x462: {  	v55 =	vld [tilespmem:s29+$0x4060]  }
0x463: {  	v26 =	vmin.f32 v23, $2.047000000e+03;
	v53 =	vmul.f32 $2.048000000e+03, v20;
	[tilespmem:v46+s19+$0x0] =	vst.idx.add.f32.msk vm11, v2  }
0x464: {  	v57 =	vld [tilespmem:s29+$0xC060];
	v46 =	vtrunc.f32 v26;
	[tilespmem:$0x1FD80] =	vst v27  }
0x465: {  	v46 =	vcvt.f32.s32 v46;
	v53 =	vmin.f32 v53, $2.047000000e+03;
	[tilespmem:v48+s19+$0x0] =	vst.idx.add.f32.msk vm12, v2  }
0x466: {  	v56 =	vmul.f32 $2.048000000e+03, v58;
	v53 =	vtrunc.f32 v53;
	vm13 =	veq.s32 v35, $0x0;
	v48 =	vld [tilespmem:s31+$0x4060]  }
0x467: {  	v46 =	vadd.s32 v1, v46;
	v53 =	vcvt.f32.s32 v53;
	v60 =	vmul.f32 $2.048000000e+03, v55  }
0x468: {  	v23 =	vmin.f32 v56, $2.047000000e+03;
	vm14 =	veq.s32 v27, $0x0;
	v54 =	vld [tilespmem:s30+$0x4060]  }
0x469: {  	v62 =	vadd.s32 v1, v53;
	[tilespmem:v41+s19+$0x0] =	vst.idx.add.f32.msk vm0, v2;
	v41 =	vtrunc.f32 v23;
	v24 =	vmin.f32 v60, $2.047000000e+03  }
0x46a: {  	v41 =	vcvt.f32.s32 v41;
	v53 =	vld [tilespmem:s31+$0xC060];
	v56 =	vtrunc.f32 v24  }
0x46b: {  	v63 =	vcvt.f32.s32 v56;
	v56 =	vld [tilespmem:s30+$0xC060];
	v26 =	vmul.f32 $2.048000000e+03, v48  }
0x46c: {  	vm6 =	veq.s32 v57, $0x0;
	[tilespmem:v46+s19+$0x0] =	vst.idx.add.f32.msk vm13, v2  }
0x46d: {  	v25 =	vadd.s32 v1, v41;
	v20 =	vmul.f32 $2.048000000e+03, v54;
	v46 =	vld [tilespmem:s1+$0x4060];
	v41 =	vmin.f32 v26, $2.047000000e+03  }
0x46e: {  	v63 =	vadd.s32 v1, v63;
	[tilespmem:v62+s19+$0x0] =	vst.idx.add.f32.msk vm14, v2;
	v41 =	vtrunc.f32 v41  }
0x46f: {  	vm15 =	veq.s32 v59, $0x0;
	v20 =	vmin.f32 v20, $2.047000000e+03;
	v27 =	vcvt.f32.s32 v41;
	v41 =	vld [tilespmem:s0+$0x4060]  }
0x470: {  	v61 =	vld [tilespmem:s28+$0x4070];
	v20 =	vtrunc.f32 v20  }
0x471: {  	v51 =	vadd.f32 v51, v13;
	v23 =	vcvt.s32.f32 v17;
	v60 =	vld [tilespmem:s28+$0xC070];
	v20 =	vcvt.f32.s32 v20  }
0x472: {  	vm7 =	veq.s32 v56, $0x0;
	v26 =	vld [tilespmem:s1+$0xC060];
	v21 =	vadd.s32 v1, v27;
	v27 =	vmul.f32 $2.048000000e+03, v46  }
0x473: {  	v13 =	vcvt.s32.f32 v15;
	v62 =	vmul.f32 v23, v11;
	[tilespmem:v63+s19+$0x0] =	vst.idx.add.f32.msk vm6, v2;
	v20 =	vadd.s32 v1, v20  }
0x474: {  	vm8 =	veq.s32 v53, $0x0;
	v63 =	vmin.f32 v27, $2.047000000e+03;
	v27 =	vld [tilespmem:s0+$0xC060];
	v11 =	vmul.f32 $2.048000000e+03, v41  }
0x475: {  	v22 =	vmul.f32 v13, v16;
	[tilespmem:v25+s19+$0x0] =	vst.idx.add.f32.msk vm15, v2  }
0x476: {  	v44 =	vcvt.s32.f32 v44;
	v17 =	vld [tilespmem:s26+$0x4070];
	v15 =	vtrunc.f32 v63;
	v11 =	vmin.f32 v11, $2.047000000e+03  }
0x477: {  	v16 =	vld [tilespmem:s29+$0x4070];
	v15 =	vcvt.f32.s32 v15;
	v11 =	vtrunc.f32 v11  }
0x478: {  	vm9 =	veq.s32 v26, $0x0;
	[tilespmem:v20+s19+$0x0] =	vst.idx.add.f32.msk vm7, v2;
	v20 =	vcvt.s32.f32 v40;
	v11 =	vcvt.f32.s32 v11  }
0x479: {  	v63 =	vld [tilespmem:s26+$0xC070];
	v40 =	vmul.f32 $2.048000000e+03, v61;
	v15 =	vadd.s32 v1, v15;
	vm10 =	veq.s32 v27, $0x0  }
0x47a: {  	vm11 =	veq.s32 v60, $0x0;
	[tilespmem:v21+s19+$0x0] =	vst.idx.add.f32.msk vm8, v2;
	v13 =	vadd.s32 v1, v11;
	v11 =	vcvt.s32.f32 v60  }
0x47b: {  	v62 =	vadd.f32 v62, v9;
	v24 =	vld [tilespmem:s30+$0x4070];
	v18 =	vmul.f32 v20, v18;
	v20 =	vmin.f32 v40, $2.047000000e+03  }
0x47c: {  	v40 =	vtrunc.f32 v20;
	v20 =	vadd.f32 v5, v3;
	v60 =	vld [tilespmem:s31+$0x4070];
	v11 =	vmul.f32 v11, v61  }
0x47d: {  	v21 =	vld [tilespmem:s29+$0xC070];
	v3 =	vcvt.s32.f32 v52;
	v23 =	vadd.f32 v18, v12;
	v12 =	vmul.f32 $2.048000000e+03, v17  }
0x47e: {  	v18 =	vcvt.f32.s32 v40;
	v61 =	vcvt.s32.f32 v59;
	[tilespmem:v15+s19+$0x0] =	vst.idx.add.f32.msk vm9, v2;
	v15 =	vadd.f32 v11, v4  }
0x47f: {  	v4 =	vmin.f32 v12, $2.047000000e+03;
	v11 =	vmul.f32 $2.048000000e+03, v16;
	v12 =	vmul.f32 v3, v14;
	[tilespmem:v13+s19+$0x0] =	vst.idx.add.f32.msk vm10, v2  }
0x480: {  	vm12 =	veq.s32 v63, $0x0;
	v14 =	vmul.f32 $2.048000000e+03, v24;
	v52 =	vmul.f32 v61, v58;
	v13 =	vld [tilespmem:s0+$0x4070]  }
0x481: {  	v25 =	vld [tilespmem:s1+$0x4070];
	v4 =	vtrunc.f32 v4;
	v58 =	vmul.f32 $2.048000000e+03, v60;
	v11 =	vmin.f32 v11, $2.047000000e+03  }
0x482: {  	v40 =	vld [tilespmem:s30+$0xC070];
	vm13 =	veq.s32 v21, $0x0;
	v4 =	vcvt.f32.s32 v4;
	v11 =	vtrunc.f32 v11  }
0x483: {  	v59 =	vadd.s32 v1, v18;
	v18 =	vld [tilespmem:s31+$0xC070];
	v14 =	vmin.f32 v14, $2.047000000e+03;
	v11 =	vcvt.f32.s32 v11  }
0x484: {  	v14 =	vtrunc.f32 v14;
	v3 =	vmin.f32 v58, $2.047000000e+03;
	v9 =	vadd.s32 v1, v4  }
0x485: {  	v61 =	vadd.s32 v1, v11;
	v11 =	vcvt.f32.s32 v14;
	v14 =	vld [tilespmem:s1+$0xC070];
	v4 =	vmul.f32 $2.048000000e+03, v13  }
0x486: {  	v5 =	vmul.f32 $2.048000000e+03, v25;
	v3 =	vtrunc.f32 v3  }
0x487: {  	vm14 =	veq.s32 v40, $0x0;
	v3 =	vcvt.f32.s32 v3;
	v4 =	vmin.f32 v4, $2.047000000e+03  }
0x488: {  	vm4 =	veq.s32 v18, $0x0;
	[tilespmem:v59+s19+$0x0] =	vst.idx.add.f32.msk vm11, v2;
	v5 =	vmin.f32 v5, $2.047000000e+03;
	v4 =	vtrunc.f32 v4  }
0x489: {  	v5 =	vtrunc.f32 v5;
	v3 =	vadd.s32 v1, v3;
	[tilespmem:v9+s19+$0x0] =	vst.idx.add.f32.msk vm12, v2;
	v4 =	vcvt.f32.s32 v4  }
0x48a: {  	v11 =	vadd.s32 v1, v11;
	v5 =	vcvt.f32.s32 v5;
	vm5 =	veq.s32 v14, $0x0;
	[tilespmem:v61+s19+$0x0] =	vst.idx.add.f32.msk vm13, v2  }
0x48b: {  	v59 =	vadd.s32 v1, v4;
	v4 =	vmul.f32 v44, v19;
	v19 =	vadd.f32 v22, v7;
	v7 =	vld [tilespmem:$0x1FD20]  }
0x48c: {  	v5 =	vadd.s32 v1, v5  }
0x48d: {  	v6 =	vadd.f32 v12, v6;
	v12 =	vcvt.s32.f32 v47  }
0x48e: {  	v58 =	vld [tilespmem:s0+$0xC070];
	v9 =	vcvt.s32.f32 v32  }
0x48f: {  	v12 =	vmul.f32 v12, v42;
	[tilespmem:v11+s19+$0x0] =	vst.idx.add.f32.msk vm14, v2  }
0x490: {  	[tilespmem:v3+s19+$0x0] =	vst.idx.add.f32.msk vm4, v2;
	v7 =	vmul.f32 v9, v7;
	v9 =	vcvt.s32.f32 v63  }
0x491: {  	v11 =	vadd.f32 v4, v51;
	[tilespmem:v5+s19+$0x0] =	vst.idx.add.f32.msk vm5, v2  }
0x492: {  	v4 =	vadd.f32 v7, v62;
	v7 =	vmul.f32 v9, v17;
	v9 =	vadd.f32 v12, v23;
	v12 =	vld [tilespmem:$0x1FD30]  }
0x493: {  	vm15 =	veq.s32 v58, $0x0;
	_ =	sdelay $0x1  }
0x494: {  	v3 =	vcvt.s32.f32 v31  }
0x495: {  	v5 =	vcvt.s32.f32 v57;
	v7 =	vadd.f32 v7, v15;
	v15 =	vcvt.s32.f32 v50  }
0x496: {  	v10 =	vadd.f32 v10, v20;
	v3 =	vmul.f32 v3, v12;
	v12 =	vcvt.s32.f32 v37  }
0x497: {  	s14 =	simm.s32 $0x0;
	v8 =	vadd.f32 v52, v8;
	v5 =	vmul.f32 v5, v55;
	v15 =	vmul.f32 v15, v38  }
0x498: {  	s28 =	simm.s32 $0x10010;
	s26 =	simm.s32 $0x10;
	v21 =	vcvt.s32.f32 v21;
	s0 =	sand.u32 $0x780, s14;
	[tilespmem:v59+s19+$0x0] =	vst.idx.add.f32.msk vm15, v2;
	v12 =	vmul.f32 v12, v28  }
0x499: {  	s17 =	sor.u32 $0x10800, s0;
	s1 =	sand.u32 $0x70, s26;
	v20 =	vld [tilespmem:s28+$0x0];
	v8 =	vadd.f32 v5, v8;
	v10 =	vadd.f32 v15, v10  }
0x49a: {  	s2 =	sor.u32 s1, s17;
	v15 =	vld [tilespmem:$0x1FD40];
	v5 =	vadd.f32 v3, v6;
	v3 =	vadd.f32 v12, v11;
	v11 =	vmul.f32 v21, v16  }
0x49b: {  	v17 =	vcvt.s32.f32 v45;
	v45 =	vld [tilespmem:s2+$0x0]  }
0x49c: {  	s18 =	sor.u32 $0x11000, s0;
	v7 =	vadd.f32 v11, v7;
	v11 =	vld [tilespmem:$0x1FD50]  }
0x49d: {  	s22 =	sor.u32 s1, s18  }
0x49e: {  	s26 =	sand.u32 $0x60, s14;
	v6 =	vld [tilespmem:s22+$0x0];
	v12 =	vcvt.s32.f32 v56  }
0x49f: {  	s17 =	sor.u32 s26, s17;
	v15 =	vcvt.s32.f32 v15  }
0x4a0: {  	s18 =	sor.u32 s26, s18;
	v47 =	vld [tilespmem:s17+$0x0];
	s17 =	sor.u32 $0x11800, s0;
	v12 =	vmul.f32 v12, v54  }
0x4a1: {  	v52 =	vld [tilespmem:s18+$0x0];
	s24 =	sor.u32 s1, s17;
	v20 =	vadd.f32 v45, v20;
	v11 =	vmul.f32 v15, v11  }
0x4a2: {  	v17 =	vmul.f32 v17, v34;
	v50 =	vld [tilespmem:s24+$0x0];
	v8 =	vadd.f32 v12, v8  }
0x4a3: {  	v16 =	vld [tilespmem:s28+$0xFFFFFFF0];
	v12 =	vadd.f32 v6, v20;
	v6 =	vadd.f32 v11, v3;
	v3 =	vcvt.s32.f32 v40  }
0x4a4: {  	s17 =	sor.u32 s26, s17;
	v9 =	vadd.f32 v17, v9;
	v17 =	vcvt.s32.f32 v43;
	s22 =	sor.u32 $0x12000, s0;
	v56 =	vld [tilespmem:$0x1FD60]  }
0x4a5: {  	v53 =	vcvt.s32.f32 v53;
	s18 =	sor.u32 $0x12800, s0;
	s2 =	sor.u32 s1, s22;
	v20 =	vld [tilespmem:s17+$0x0];
	v3 =	vmul.f32 v3, v24  }
0x4a6: {  	s24 =	sor.u32 s1, s18;
	v15 =	vmul.f32 v17, v33;
	v17 =	vld [tilespmem:s2+$0x0]  }
0x4a7: {  	s2 =	sor.u32 s26, s22;
	v11 =	vld [tilespmem:s24+$0x0];
	v3 =	vadd.f32 v3, v7;
	v7 =	vmul.f32 v53, v48  }
0x4a8: {  	s22 =	sor.u32 $0x13000, s0;
	v9 =	vadd.f32 v15, v9;
	v15 =	vadd.f32 v47, v16;
	v16 =	vld [tilespmem:s2+$0x0]  }
0x4a9: {  	v12 =	vadd.f32 v50, v12;
	s24 =	sor.u32 s1, s22;
	v8 =	vadd.f32 v7, v8;
	v7 =	vld [tilespmem:$0x1FD70]  }
0x4aa: {  	s2 =	sor.u32 s26, s18;
	s18 =	sor.u32 $0x13800, s0;
	v54 =	vld [tilespmem:s24+$0x0];
	v15 =	vadd.f32 v52, v15  }
0x4ab: {  	s24 =	sor.u32 s1, s18;
	v12 =	vadd.f32 v17, v12;
	v17 =	vld [tilespmem:s2+$0x0]  }
0x4ac: {  	v21 =	vcvt.s32.f32 v56;
	v57 =	vld [tilespmem:s24+$0x0];
	s2 =	sor.u32 s26, s22;
	s22 =	sor.u32 $0x14000, s0;
	v15 =	vadd.f32 v20, v15  }
0x4ad: {  	s24 =	sor.u32 s1, s22;
	v11 =	vadd.f32 v11, v12;
	v12 =	vld [tilespmem:s2+$0x0]  }
0x4ae: {  	v18 =	vcvt.s32.f32 v18;
	s2 =	sor.u32 s26, s18;
	s18 =	sor.u32 $0x14800, s0;
	v20 =	vld [tilespmem:s24+$0x0];
	v15 =	vadd.f32 v16, v15;
	v7 =	vmul.f32 v21, v7  }
0x4af: {  	v51 =	vcvt.s32.f32 v49;
	v55 =	vcvt.s32.f32 v39;
	v59 =	vld [tilespmem:s2+$0x0];
	s24 =	sor.u32 s1, s18;
	v11 =	vadd.f32 v54, v11  }
0x4b0: {  	s2 =	sor.u32 s26, s22;
	v15 =	vadd.f32 v17, v15;
	v7 =	vadd.f32 v7, v9;
	v9 =	vmul.f32 v18, v60;
	v60 =	vld [tilespmem:s24+$0x0]  }
0x4b1: {  	v28 =	vmul.f32 v51, v36;
	v17 =	vld [tilespmem:s2+$0x0];
	s2 =	sor.u32 s26, s18;
	v11 =	vadd.f32 v57, v11  }
0x4b2: {  	v22 =	vmul.f32 v55, v30;
	s22 =	sor.u32 $0x15000, s0;
	v12 =	vadd.f32 v12, v15;
	v15 =	vld [tilespmem:s2+$0x0];
	v18 =	vcvt.s32.f32 v26  }
0x4b3: {  	v10 =	vadd.f32 v28, v10;
	v16 =	vcvt.s32.f32 v35;
	v11 =	vadd.f32 v20, v11;
	v20 =	vld [tilespmem:$0x1FD80];
	s24 =	sor.u32 s1, s22  }
0x4b4: {  	v14 =	vcvt.s32.f32 v14;
	s18 =	sor.u32 $0x15800, s0;
	v3 =	vadd.f32 v9, v3;
	v9 =	vmul.f32 v18, v46;
	v18 =	vld [tilespmem:s24+$0x0]  }
0x4b5: {  	v10 =	vadd.f32 v22, v10;
	v16 =	vmul.f32 v16, v29;
	s24 =	sor.u32 s1, s18;
	v23 =	vadd.f32 v60, v11;
	v11 =	vld [tilespmem:$0x1FD90]  }
0x4b6: {  	s2 =	sor.u32 s26, s22;
	v12 =	vadd.f32 v59, v12;
	s22 =	sor.u32 $0x16000, s0;
	v61 =	vld [tilespmem:s24+$0x0]  }
0x4b7: {  	v14 =	vmul.f32 v14, v25;
	v10 =	vadd.f32 v16, v10;
	v16 =	vcvt.s32.f32 v58;
	v62 =	vld [tilespmem:s2+$0x0];
	s24 =	sor.u32 s1, s22  }
0x4b8: {  	v17 =	vadd.f32 v17, v12;
	v20 =	vcvt.s32.f32 v20;
	v8 =	vadd.f32 v9, v8;
	v63 =	vld [tilespmem:s24+$0x0]  }
0x4b9: {  	p0 =	por $0x1, $0x1;
	s2 =	sor.u32 s26, s18;
	s18 =	sor.u32 $0x16800, s0;
	v9 =	vcvt.s32.f32 v27;
	v3 =	vadd.f32 v14, v3;
	v18 =	vadd.f32 v18, v23  }
.Ltmp5:
0x4ba: {  	s17 =	sor.u32 s1, s18;
	v14 =	vmul.f32 v16, v13;
	v16 =	vadd.f32 v15, v17;
	v20 =	vmul.f32 v20, v11;
	v11 =	vld [tilespmem:s2+$0x0];
	(pc) =	sbr.rel @!p0 .LBB2_13-.Ltmp5, $4  }
0x4bb: {  	s24 =	sor.u32 $0x17000, s0;
	v12 =	vld [tilespmem:s17+$0x0];
	v9 =	vmul.f32 v9, v41;
	v18 =	vadd.f32 v61, v18;
	s2 =	sor.u32 s26, s22  }
0x4bc: {  	s29 =	simm.s32 $0x30;
	s17 =	sor.u32 s1, s24;
	v17 =	vadd.f32 v62, v16;
	v13 =	vld [tilespmem:s2+$0x0]  }
0x4bd: {  	s18 =	sor.u32 s26, s18;
	s24 =	sor.u32 s26, s24;
	v15 =	vld [tilespmem:s17+$0x0];
	v8 =	vadd.f32 v9, v8;
	s2 =	sor.u32 $0x17800, s0;
	v16 =	vadd.f32 v63, v18  }
0x4be: {  	s22 =	simm.s32 $0x0;
	v9 =	vadd.f32 v20, v10;
	v10 =	vadd.f32 v14, v3;
	v14 =	vld [tilespmem:s18+$0x0];
	s30 =	sor.u32 s26, s2;
	s31 =	sor.u32 s1, s2  }
.LBB2_12:
0x4bf: {  	s14 =	sadd.s32 $0xFFFFFFF0, s29;
	s22 =	sadd.s32 $0x2, s22;
	v3 =	vadd.f32 v11, v17;
	v11 =	vld [tilespmem:s31+$0x0]  }
0x4c0: {  	s17 =	sand.u32 $0x780, s14;
	s14 =	sand.u32 $0x60, s14;
	p0 =	slt.u32 s22, $0x7E;
	v17 =	vld [tilespmem:s24+$0x0];
	v12 =	vadd.f32 v12, v16  }
0x4c1: {  	s28 =	sadd.s32 $0x20, s28;
	s24 =	sand.u32 $0x70, s29;
	s18 =	sor.u32 $0x10800, s17;
	v3 =	vadd.f32 v13, v3;
	v13 =	vld [tilespmem:s30+$0x0]  }
0x4c2: {  	s30 =	sor.u32 s14, s18;
	v16 =	vld [tilespmem:s28+$0x0];
	s18 =	sor.u32 s24, s18;
	v12 =	vadd.f32 v15, v12  }
0x4c3: {  	s31 =	sor.u32 $0x11000, s17;
	v15 =	vld [tilespmem:s18+$0x0];
	v3 =	vadd.f32 v14, v3  }
0x4c4: {  	s0 =	sor.u32 $0x18000, s0;
	s18 =	sor.u32 s14, s31;
	v14 =	vld [tilespmem:s30+$0x0];
	s30 =	sor.u32 s24, s31;
	v11 =	vadd.f32 v11, v12  }
0x4c5: {  	s31 =	sor.u32 $0x11800, s17;
	v12 =	vld [tilespmem:s30+$0x0];
	v3 =	vadd.f32 v17, v3;
	s30 =	sor.u32 s26, s0;
	s0 =	sor.u32 s1, s0  }
0x4c6: {  	s2 =	sor.u32 s14, s31;
	s1 =	sor.u32 s24, s31;
	v17 =	vld [tilespmem:s28+$0xFFFFFFF0];
	[tilespmem:s0+$0x0] =	vst v11;
	s0 =	smov.u32 s17  }
0x4c7: {  	s26 =	smov.u32 s14;
	s17 =	sor.u32 $0x12000, s0;
	v11 =	vld [tilespmem:s1+$0x0];
	v3 =	vadd.f32 v13, v3;
	s1 =	smov.u32 s24  }
0x4c8: {  	v13 =	vld [tilespmem:s18+$0x0];
	s14 =	sor.u32 s26, s17;
	v15 =	vadd.f32 v15, v16;
	s17 =	sor.u32 s1, s17  }
0x4c9: {  	s18 =	sor.u32 $0x12800, s0;
	v16 =	vld [tilespmem:s17+$0x0];
	[tilespmem:s30+$0x0] =	vst v3  }
0x4ca: {  	s17 =	sor.u32 s1, s18;
	v3 =	vld [tilespmem:s2+$0x0];
	s2 =	sor.u32 s26, s18;
	v12 =	vadd.f32 v12, v15  }
0x4cb: {  	s18 =	sor.u32 $0x13000, s0;
	v14 =	vadd.f32 v14, v17;
	v15 =	vld [tilespmem:s17+$0x0]  }
0x4cc: {  	s17 =	sor.u32 s1, s18;
	v17 =	vld [tilespmem:s14+$0x0];
	s14 =	sor.u32 s26, s18;
	v11 =	vadd.f32 v11, v12  }
0x4cd: {  	s18 =	sor.u32 $0x13800, s0;
	v12 =	vadd.f32 v13, v14;
	v13 =	vld [tilespmem:s17+$0x0]  }
0x4ce: {  	s17 =	sor.u32 s1, s18;
	v14 =	vld [tilespmem:s2+$0x0];
	s2 =	sor.u32 s26, s18;
	v11 =	vadd.f32 v16, v11  }
0x4cf: {  	s18 =	sor.u32 $0x14000, s0;
	v3 =	vadd.f32 v3, v12;
	v12 =	vld [tilespmem:s17+$0x0]  }
0x4d0: {  	s17 =	sor.u32 s1, s18;
	v16 =	vld [tilespmem:s14+$0x0];
	s14 =	sor.u32 s26, s18;
	v11 =	vadd.f32 v15, v11  }
0x4d1: {  	s18 =	sor.u32 $0x14800, s0;
	v3 =	vadd.f32 v17, v3;
	v15 =	vld [tilespmem:s17+$0x0]  }
0x4d2: {  	s17 =	sor.u32 s1, s18;
	v17 =	vld [tilespmem:s2+$0x0];
	s2 =	sor.u32 s26, s18;
	v11 =	vadd.f32 v13, v11  }
0x4d3: {  	s18 =	sor.u32 $0x15000, s0;
	v3 =	vadd.f32 v14, v3;
	v13 =	vld [tilespmem:s17+$0x0]  }
0x4d4: {  	s17 =	sor.u32 s1, s18;
	v14 =	vld [tilespmem:s14+$0x0];
	s14 =	sor.u32 s26, s18;
	v11 =	vadd.f32 v12, v11  }
0x4d5: {  	s18 =	sor.u32 $0x15800, s0;
	v3 =	vadd.f32 v16, v3;
	v12 =	vld [tilespmem:s17+$0x0]  }
0x4d6: {  	s17 =	sor.u32 s1, s18;
	v16 =	vld [tilespmem:s2+$0x0];
	s2 =	sor.u32 s26, s18;
	v11 =	vadd.f32 v15, v11  }
0x4d7: {  	s18 =	sor.u32 $0x16000, s0;
	v3 =	vadd.f32 v17, v3;
	v15 =	vld [tilespmem:s17+$0x0]  }
0x4d8: {  	s17 =	sor.u32 s1, s18;
	v17 =	vld [tilespmem:s14+$0x0];
	s14 =	sor.u32 s26, s18;
	v13 =	vadd.f32 v13, v11  }
0x4d9: {  	s18 =	sor.u32 $0x16800, s0;
	v3 =	vadd.f32 v14, v3;
	v18 =	vld [tilespmem:s17+$0x0]  }
.Ltmp6:
0x4da: {  	s17 =	sor.u32 s1, s18;
	v11 =	vld [tilespmem:s2+$0x0];
	s2 =	sor.u32 s26, s18;
	v14 =	vadd.f32 v12, v13;
	(pc) =	sbr.rel @p0 .LBB2_12-.Ltmp6, $4  }
0x4db: {  	s18 =	sor.u32 $0x17000, s0;
	v3 =	vadd.f32 v16, v3;
	v12 =	vld [tilespmem:s17+$0x0]  }
0x4dc: {  	s24 =	sor.u32 s26, s18;
	v13 =	vld [tilespmem:s14+$0x0];
	v16 =	vadd.f32 v15, v14;
	s14 =	sor.u32 s1, s18  }
0x4dd: {  	s17 =	sor.u32 $0x17800, s0;
	v17 =	vadd.f32 v17, v3;
	v15 =	vld [tilespmem:s14+$0x0]  }
0x4de: {  	s29 =	sadd.s32 $0x20, s29;
	s30 =	sor.u32 s26, s17;
	s31 =	sor.u32 s1, s17;
	v14 =	vld [tilespmem:s2+$0x0];
	v16 =	vadd.f32 v18, v16  }
.LBB2_13:
0x4df: {  	v3 =	vadd.f32 v11, v17  }
0x4e0: {  	v58 =	vld [tilespmem:s24+$0x0]  }
0x4e1: {  	v57 =	vld [tilespmem:s31+$0x0];
	v4 =	vadd.f32 v4, v19;
	v3 =	vadd.f32 v13, v3  }
0x4e2: {  	v59 =	vld [tilespmem:s30+$0x0];
	v5 =	vadd.f32 v6, v5;
	v12 =	vadd.f32 v12, v16  }
0x4e3: {  	v60 =	vadd.f32 v9, v7;
	v3 =	vadd.f32 v14, v3  }
0x4e4: {  	v61 =	vadd.f32 v10, v8;
	v12 =	vadd.f32 v15, v12  }
0x4e5: {  	v4 =	vadd.f32 v5, v4;
	v3 =	vadd.f32 v58, v3  }
0x4e6: {  	s0 =	sor.u32 $0x18000, s0;
	v63 =	vadd.f32 v61, v60;
	v62 =	vadd.f32 v57, v12  }
0x4e7: {  	s1 =	sor.u32 s1, s0;
	v3 =	vadd.f32 v59, v3  }
0x4e8: {  	s0 =	sor.u32 s26, s0;
	v4 =	vadd.f32 v63, v4;
	[tilespmem:s1+$0x0] =	vst v62  }
0x4e9: {  	[tilespmem:s0+$0x0] =	vst v3  }
0x4ea: {  	s29 =	simm.s32 $0x0;
	s30 =	simm.s32 $0x18000;
	[tilespmem:$0x18800] =	vst v4  }
0x4eb: {  	[hbm4b:s11+s29] =	stream.linear.scatter [tilespmem:s30], [sflag:$0x5], $0x800, $0x38;
	[tilespmem:$0x18880] =	vst v63  }
0x4ec: {  	s25 =	sadd.s32 $0x1, s25;
	_ =	swait.ge [sflag:s23], $0x800  }
0x4ed: {  	p0 =	sne.s32 s25, s13;
	[sflag:s23] =	ssyncset.done $0x0  }
.Ltmp7:
0x4ee: {  	s31 =	simm.s32 $0x18800;
	[sflag:s23] =	ssyncadd.s32 $0xFFFFF800;
	(pc) =	sbr.rel @p0 .LBB2_1-.Ltmp7, $4  }
0x4ef: {  	[hbm4b:s12+s29] =	stream.linear.scatter [tilespmem:s31], [sflag:$0x5], $0x80, $0x38;
	[tilespmem:$0x18880] =	vst v63  }
0x4f0: {  	_ =	swait.ge [sflag:s23], $0x80  }
0x4f1: {  	s2 =	simm.s32 $0x8000;
	[sflag:s23] =	ssyncset.done $0x0  }
0x4f2: {  	s17 =	simm.s32 $0x4000;
	s18 =	simm.s32 $0xC000;
	[sflag:s23] =	ssyncadd.s32 $0xFFFFFF80  }
0x4f3: {  	_ =	sfence.sel $0x180000  }
0x4f4: {  	[bflag:$0x0] =	sbarrier.arrive $0xFFFF  }
0x4f5: {  	_ =	strace $0x90000047  }
0x4f6: {  	s0 =	stileid.u32;
	[bflag:$0x2] =	sbarrier.arrive $0xFFFF  }
0x4f7: {  	p0 =	sne.s32 s0, $0x0;
	s0 =	rddreg [dreg:$0x3]  }
0x4f8: {  	s0 =	sadd.s32 @!p0 $0x100000, s0  }
0x4f9: {  	[sflag:s0] =	ssyncadd.tile.s32 @!p0 $0x1;
	_ =	shalt  }
.Lfunc_end2:
_tile_overlayer_lowered:
.L_overlay_start_2:
0x4fa: {  	(tag) =	ssettag $0x2  }
0x4fb: {  	s0 =	rddreg [dreg:$0x0];
	s2 =	stileid.u32  }
0x4fc: {  	s1 =	rddreg [dreg:$0x1];
	p0 =	sne.s32 s2, $0x0  }
0x4fd: {  	s3 =	rddreg [dreg:$0x2];
	[bflag:$0x3] =	sbarrier.arrive $0xFFFF;
	s2 =	simm.s32 @!p0 $0x1C05  }
0x4fe: {  	[timem:s3], [sflag:s2] =	dma.local @!p0 [hbm:s0], s1  }
0x4ff: {  	s0 =	simm.s32 @!p0 $0x5  }
0x500: {  	_ =	swait.ge @!p0 [sflag:s0], s1  }
0x501: {  	s1 =	ssub.s32 @!p0 $0x0, s1;
	[sflag:s0] =	ssyncset.done @!p0 $0x0  }
0x502: {  	[sflag:s0] =	ssyncadd.s32 @!p0 s1  }
0x503: {  	[bflag:$0x3] =	sbarrier.arrive $0xFFFF  }
0x504: {  	_ =	shalt  }

</sc_bundles>
